<compile_context>
chip_gen: v7x
topology: tpu7x:2x2x1
jax: 0.10.2.dev20260603
libtpu: 0.0.44.dev20260713+nightly
codegen_flags: <defaults>
</compile_context>

<pallas_src>
import functools

import jax
import jax.numpy as jnp
from jax import lax
from jax.experimental import pallas as pl
from jax.experimental.pallas import tpu as pltpu
from jax.experimental.pallas import tpu_sc as plsc

N = 10000
E = 320000
D = 128
DOUT = 40

NPAD = 10112
EPAD = 327680
EROWS = 2560
ROWS_PER_TILE = 80
ACC_ROWS_PER_TILE = NPAD // 16
NBLK = 80

DEG_ROWS = 80

_f32 = jnp.float32
_i32 = jnp.int32


def _mesh():
    return plsc.VectorSubcoreMesh(core_axis_name="c", subcore_axis_name="s")


def _make_deg():
    @functools.partial(
        pl.kernel,
        mesh=_mesh(),
        compiler_params=pltpu.CompilerParams(needs_layout_passes=False),
        out_type=jax.ShapeDtypeStruct((2, DEG_ROWS, 128), _f32),
        scratch_types=[
            pltpu.VMEM((ROWS_PER_TILE, 128), _i32),
            pltpu.VMEM((DEG_ROWS, 128), _f32),
            pltpu.VMEM((DEG_ROWS,), _i32),
            pltpu.VMEM_SHARED((DEG_ROWS, 128), _f32),
        ],
    )
    def deg_kernel(dst_hbm, out_hbm, dstv, hist, rowidx, sdeg):
        cid = lax.axis_index("c")
        sid = lax.axis_index("s")

        zeros16 = jnp.zeros((16,), _f32)

        def _zero(i, c):
            for k in range(8):
                hist[i, pl.ds(k * 16, 16)] = zeros16
            return c
        lax.fori_loop(0, DEG_ROWS, _zero, 0)

        for k in range(DEG_ROWS // 16):
            rowidx[pl.ds(k * 16, 16)] = k * 16 + lax.iota(_i32, 16)

        @pl.when(sid == 0)
        def _():
            pltpu.sync_copy(hist, sdeg)

        base = cid * (EROWS // 2) + sid * ROWS_PER_TILE
        pltpu.sync_copy(dst_hbm.at[pl.ds(base, ROWS_PER_TILE)], dstv)
        plsc.subcore_barrier()

        ones = jnp.ones((16,), _f32)

        def _hist(i, c):
            for k in range(8):
                idx = dstv[i, pl.ds(k * 16, 16)]
                hi = lax.shift_right_logical(idx, 7)
                lo = lax.bitwise_and(idx, 127)
                plsc.addupdate_scatter(hist, [hi, lo], ones)
            return c
        lax.fori_loop(0, ROWS_PER_TILE, _hist, 0)

        plsc.subcore_barrier()
        pltpu.sync_copy(hist, sdeg.at[rowidx], add=True)
        plsc.subcore_barrier()

        @pl.when(sid == 0)
        def _():
            pltpu.sync_copy(sdeg, out_hbm.at[cid])

    return deg_kernel


CH = 8
NPAIR = NBLK // (2 * CH)


def _make_scatter(width):
    @functools.partial(
        pl.kernel,
        mesh=_mesh(),
        compiler_params=pltpu.CompilerParams(needs_layout_passes=False),
        out_type=jax.ShapeDtypeStruct((2, NPAD, width), _f32),
        scratch_types=[
            pltpu.VMEM((NBLK, 128), _i32),
            pltpu.VMEM((CH, 128), _i32),
            pltpu.VMEM((CH, 128), _i32),
            pltpu.VMEM((128, width), _f32),
            pltpu.VMEM((128, width), _f32),
            pltpu.SemaphoreType.DMA,
            pltpu.SemaphoreType.DMA,
            pltpu.SemaphoreType.DMA,
            pltpu.SemaphoreType.DMA,
            pltpu.SemaphoreType.DMA,
            pltpu.SemaphoreType.DMA,
            pltpu.VMEM_SHARED((NPAD, width), _f32),
        ],
    )
    def scat_kernel(ht_hbm, src_hbm, dst_hbm, out_hbm,
                    dst_idx, src_c0, src_c1, rows0, rows1,
                    gsem0, gsem1, ssem0, ssem1, isem0, isem1, acc):
        rows = (rows0, rows1)
        gsems = (gsem0, gsem1)
        ssems = (ssem0, ssem1)
        srcs = (src_c0, src_c1)
        isems = (isem0, isem1)
        cid = lax.axis_index("c")
        sid = lax.axis_index("s")

        pltpu.sync_copy(ht_hbm.at[pl.ds(sid * ACC_ROWS_PER_TILE,
                                        ACC_ROWS_PER_TILE)],
                        acc.at[pl.ds(sid * ACC_ROWS_PER_TILE,
                                     ACC_ROWS_PER_TILE)])

        base = cid * (EROWS // 2) + sid * NBLK

        def i_start(p, m):
            pltpu.async_copy(src_hbm.at[pl.ds(base + CH * m, CH)],
                             srcs[p], isems[p])

        def i_wait(p):
            pltpu.make_async_copy(src_hbm.at[pl.ds(base, CH)], srcs[p],
                                  isems[p]).wait()

        def g_start(slot, p, r):
            pltpu.async_copy(ht_hbm.at[srcs[p].at[r]], rows[slot],
                             gsems[slot])

        def g_wait(slot):
            pltpu.make_async_copy(ht_hbm.at[srcs[0].at[0]], rows[slot],
                                  gsems[slot]).wait()

        def s_start(slot, b):
            pltpu.async_copy(rows[slot], acc.at[dst_idx.at[b]],
                             ssems[slot], add=True)

        def s_wait(slot):
            pltpu.make_async_copy(rows[slot], acc.at[dst_idx.at[0]],
                                  ssems[slot]).wait()

        pltpu.sync_copy(dst_hbm.at[pl.ds(base, NBLK)], dst_idx)
        i_start(0, 0)
        i_wait(0)
        i_start(1, 1)
        plsc.subcore_barrier()
        g_start(0, 0, 0)
        g_start(1, 0, 1)

        def _pair(j, c):
            @pl.when(j > 0)
            def _():
                i_start(1, 2 * j + 1)
            for b in range(CH):
                slot = b % 2
                g_wait(slot)
                s_start(slot, 16 * j + b)
                s_wait(slot)
                if b == CH - 2:
                    i_wait(1)
                if b < CH - 2:
                    g_start(slot, 0, b + 2)
                else:
                    g_start(slot, 1, b - (CH - 2))
            @pl.when(j < NPAIR - 1)
            def _():
                i_start(0, 2 * j + 2)
            for b in range(CH):
                slot = b % 2
                g_wait(slot)
                s_start(slot, 16 * j + CH + b)
                s_wait(slot)
                if b < CH - 2:
                    g_start(slot, 1, b + 2)
                elif b == CH - 2:
                    @pl.when(j < NPAIR - 1)
                    def _(slot=slot):
                        i_wait(0)
                        g_start(slot, 0, 0)
                else:
                    @pl.when(j < NPAIR - 1)
                    def _(slot=slot):
                        g_start(slot, 0, 1)
            return c
        lax.fori_loop(0, NPAIR, _pair, 0)

        plsc.subcore_barrier()
        pltpu.sync_copy(acc.at[pl.ds(sid * ACC_ROWS_PER_TILE,
                                     ACC_ROWS_PER_TILE)],
                        out_hbm.at[cid, pl.ds(sid * ACC_ROWS_PER_TILE,
                                              ACC_ROWS_PER_TILE)])

    return scat_kernel


def _dinv(degc):
    return lax.rsqrt(degc[0] + degc[1] + 1.0)


def _tc0_body(x_ref, w_ref, degc_ref, out_ref):
    dinv = _dinv(degc_ref[...])
    h = jnp.dot(x_ref[...], w_ref[...], preferred_element_type=_f32)
    out_ref[:N, :] = h * dinv
    out_ref[N:, :] = jnp.zeros((NPAD - N, D), _f32)


def _tc0(x, W1, degc):
    return pl.pallas_call(
        _tc0_body,
        out_shape=jax.ShapeDtypeStruct((NPAD, D), _f32),
    )(x, W1, degc)


def _tcmid_body(wout, parts_ref, ht_ref, degc_ref, w_ref, b_ref, g_ref,
                be_ref, out_ref):
    dinv = _dinv(degc_ref[...])
    s = (parts_ref[0] + parts_ref[1] - ht_ref[...])[:N, :]
    o = s * dinv + b_ref[...]
    mean = jnp.mean(o, axis=0, keepdims=True)
    var = jnp.mean((o - mean) ** 2, axis=0, keepdims=True)
    xn = (o - mean) * lax.rsqrt(var + 1e-5) * g_ref[...] + be_ref[...]
    r = jnp.maximum(xn, 0.0)
    h = jnp.dot(r, w_ref[...], preferred_element_type=_f32)
    out_ref[:N, :] = h * dinv
    out_ref[N:, :] = jnp.zeros((NPAD - N, wout), _f32)


def _tcmid(parts, ht, degc, W, b, g, be, wout):
    return pl.pallas_call(
        functools.partial(_tcmid_body, wout),
        out_shape=jax.ShapeDtypeStruct((NPAD, wout), _f32),
    )(parts, ht, degc, W, b, g, be)


def _tcfin_body(parts_ref, ht_ref, degc_ref, b_ref, out_ref):
    dinv = _dinv(degc_ref[...])
    s = (parts_ref[0, :, :DOUT] + parts_ref[1, :, :DOUT]
         - ht_ref[:, :DOUT])[:N, :]
    o = s * dinv + b_ref[...]
    m = jnp.max(o, axis=1, keepdims=True)
    y = o - m
    out_ref[...] = y - jnp.log(jnp.sum(jnp.exp(y), axis=1, keepdims=True))


def _tcfin(parts, ht, degc, b3):
    return pl.pallas_call(
        _tcfin_body,
        out_shape=jax.ShapeDtypeStruct((N, DOUT), _f32),
    )(parts, ht, degc, b3)


def kernel(x, edge_index, W1, b1, g1, be1, W2, b2, g2, be2, W3, b3):
    src = edge_index[0].astype(_i32)
    dst = edge_index[1].astype(_i32)
    pad_ids = N + (jnp.arange(EPAD - E, dtype=_i32) % 112)
    srcp = jnp.concatenate([src, pad_ids]).reshape(EROWS, 128)
    dstp = jnp.concatenate([dst, pad_ids]).reshape(EROWS, 128)
    degp = _make_deg()(dstp)
    degc = degp.reshape(2, DEG_ROWS * 128)[:, :N].reshape(2, N, 1)

    b1r, g1r, be1r = b1.reshape(1, D), g1.reshape(1, D), be1.reshape(1, D)
    b2r, g2r, be2r = b2.reshape(1, D), g2.reshape(1, D), be2.reshape(1, D)
    W3p = jnp.pad(W3, ((0, 0), (0, D - DOUT)))
    b3r = b3.reshape(1, DOUT)

    scat = _make_scatter(D)

    ht1 = _tc0(x, W1, degc)
    p1 = scat(ht1, srcp, dstp)
    ht2 = _tcmid(p1, ht1, degc, W2, b1r, g1r, be1r, D)
    p2 = scat(ht2, srcp, dstp)
    ht3 = _tcmid(p2, ht2, degc, W3p, b2r, g2r, be2r, D)
    p3 = scat(ht3, srcp, dstp)
    return _tcfin(p3, ht3, degc, b3r)

# --- scband reference (transcript-rebuilt; emitter-appended) ---
"""Pipeline reference for scband-gcn-23948737643064 (READ-ONLY COPY).

The authoritative reference and input builder live on the scoring server;
editing this copy changes nothing except your own understanding.
"""

import jax, jax.numpy as jnp
import numpy as np

N = 10000
E = 320000
D_IN = 128
D_H = 128
D_OUT = 40


def _glorot(key, shape):
    s = 1.0 / np.sqrt(shape[0])
    return jax.random.uniform(key, shape, minval=-s, maxval=s, dtype=jnp.float32)


def setup_inputs(seed: int = 0) -> dict:
    key = jax.random.key(seed)
    ks = jax.random.split(key, 12)
    inp = {}
    inp["x"] = jax.random.normal(ks[0], (N, D_IN), dtype=jnp.float32)
    inp["edge_index"] = jax.random.randint(ks[1], (2, E), 0, N, dtype=jnp.int32)
    inp["W1"] = _glorot(ks[2], (D_IN, D_H))
    inp["b1"] = jnp.zeros((D_H,), dtype=jnp.float32)
    inp["g1"] = jnp.ones((D_H,), dtype=jnp.float32)
    inp["be1"] = jnp.zeros((D_H,), dtype=jnp.float32)
    inp["W2"] = _glorot(ks[3], (D_H, D_H))
    inp["b2"] = jnp.zeros((D_H,), dtype=jnp.float32)
    inp["g2"] = jnp.ones((D_H,), dtype=jnp.float32)
    inp["be2"] = jnp.zeros((D_H,), dtype=jnp.float32)
    inp["W3"] = _glorot(ks[4], (D_H, D_OUT))
    inp["b3"] = jnp.zeros((D_OUT,), dtype=jnp.float32)
    return inp


def _gcn_conv(x, edge_index, W, b):
    n = x.shape[0]
    loop = jnp.arange(n, dtype=edge_index.dtype)
    src = jnp.concatenate([edge_index[0], loop])
    dst = jnp.concatenate([edge_index[1], loop])
    deg = jnp.zeros((n,), dtype=x.dtype).at[dst].add(1.0)
    dinv = jnp.where(deg > 0, 1.0 / jnp.sqrt(deg), 0.0)
    norm = dinv[src] * dinv[dst]
    h = x @ W
    msg = h[src] * norm[:, None]
    out = jnp.zeros((n, W.shape[1]), dtype=x.dtype).at[dst].add(msg)
    return out + b


def _batch_norm(x, gamma, beta, eps=1e-5):
    mean = jnp.mean(x, axis=0)
    var = jnp.var(x, axis=0)
    return (x - mean) / jnp.sqrt(var + eps) * gamma + beta


def reference(x, edge_index, W1, b1, g1, be1, W2, b2, g2, be2, W3, b3):
    h = _gcn_conv(x, edge_index, W1, b1)
    h = _batch_norm(h, g1, be1)
    h = jax.nn.relu(h)
    h = _gcn_conv(h, edge_index, W2, b2)
    h = _batch_norm(h, g2, be2)
    h = jax.nn.relu(h)
    h = _gcn_conv(h, edge_index, W3, b3)
    return jax.nn.log_softmax(h, axis=1)

if __name__ == "__main__":
    import jax
    _d = setup_inputs()
    print(jax.jit(kernel)(*tuple(_d.values())))

</pallas_src>

<mosaic_0001>
#map = affine_map<(d0, d1) -> (0, 0)>
#map1 = affine_map<(d0, d1) -> (0, 0, 0)>
module attributes {stable_mosaic.version = 14 : i64} {
  func.func @deg_kernel(%arg0: i32, %arg1: i32, %arg2: memref<2560x128xi32, #tpu.memory_space<hbm>>, %arg3: memref<2x80x128xf32, #tpu.memory_space<hbm>>, %arg4: memref<80x128xi32, #tpu.memory_space<vmem>>, %arg5: memref<80x128xf32, #tpu.memory_space<vmem>>, %arg6: memref<80xi32, #tpu.memory_space<vmem>>, %arg7: memref<80x128xf32, #tpu.memory_space<vmem_shared>>) attributes {dimension_semantics = [#tpu.dimension_semantics<core_parallel>, #tpu.dimension_semantics<subcore_parallel>], iteration_bounds = array<i64: 2, 16>, scalar_prefetch = 0 : i64, scratch_operands = 4 : i64, tpu.core_type = #tpu.core_type<sc_vector_subcore>, window_params = [{transform_indices = #map}, {transform_indices = #map1}]} {
    %broadcast_in_dim3A = arith.constant 0.000000e+00 : f32
    %broadcast_in_dim3A_0 = vector.broadcast %broadcast_in_dim3A : f32 to vector<16xf32>
    %scan3A = arith.constant 0 : i32
    %scan3A_1 = arith.constant 0 : i32
    %scan3A_2 = arith.constant 80 : i32
    %scan3A_3 = arith.addi %scan3A_1, %scan3A_2 : i32
    %scan3A_4 = arith.constant 1 : i32
    scf.for %scan3A_54 = %scan3A_1 to %scan3A_3 step %scan3A_4  : i32 {
      %swap3A_55 = arith.index_cast %scan3A_54 : i32 to index
      %swap3A_56 = arith.constant 0 : index
      %swap3A_57 = tpu.vector_load %arg5[%swap3A_55, %swap3A_56] {strides = array<i32>} : memref<80x128xf32, #tpu.memory_space<vmem>>, vector<16xf32>,
      tpu.vector_store %arg5[%swap3A_55, %swap3A_56], %broadcast_in_dim3A_0 {strides = array<i32>} : memref<80x128xf32, #tpu.memory_space<vmem>>, vector<16xf32>,
      %swap3A_58 = arith.index_cast %scan3A_54 : i32 to index
      %swap3A_59 = arith.constant 16 : index
      %swap3A_60 = tpu.vector_load %arg5[%swap3A_58, %swap3A_59] {strides = array<i32>} : memref<80x128xf32, #tpu.memory_space<vmem>>, vector<16xf32>,
      tpu.vector_store %arg5[%swap3A_58, %swap3A_59], %broadcast_in_dim3A_0 {strides = array<i32>} : memref<80x128xf32, #tpu.memory_space<vmem>>, vector<16xf32>,
      %swap3A_61 = arith.index_cast %scan3A_54 : i32 to index
      %swap3A_62 = arith.constant 32 : index
      %swap3A_63 = tpu.vector_load %arg5[%swap3A_61, %swap3A_62] {strides = array<i32>} : memref<80x128xf32, #tpu.memory_space<vmem>>, vector<16xf32>,
      tpu.vector_store %arg5[%swap3A_61, %swap3A_62], %broadcast_in_dim3A_0 {strides = array<i32>} : memref<80x128xf32, #tpu.memory_space<vmem>>, vector<16xf32>,
      %swap3A_64 = arith.index_cast %scan3A_54 : i32 to index
      %swap3A_65 = arith.constant 48 : index
      %swap3A_66 = tpu.vector_load %arg5[%swap3A_64, %swap3A_65] {strides = array<i32>} : memref<80x128xf32, #tpu.memory_space<vmem>>, vector<16xf32>,
      tpu.vector_store %arg5[%swap3A_64, %swap3A_65], %broadcast_in_dim3A_0 {strides = array<i32>} : memref<80x128xf32, #tpu.memory_space<vmem>>, vector<16xf32>,
      %swap3A_67 = arith.index_cast %scan3A_54 : i32 to index
      %swap3A_68 = arith.constant 64 : index
      %swap3A_69 = tpu.vector_load %arg5[%swap3A_67, %swap3A_68] {strides = array<i32>} : memref<80x128xf32, #tpu.memory_space<vmem>>, vector<16xf32>,
      tpu.vector_store %arg5[%swap3A_67, %swap3A_68], %broadcast_in_dim3A_0 {strides = array<i32>} : memref<80x128xf32, #tpu.memory_space<vmem>>, vector<16xf32>,
      %swap3A_70 = arith.index_cast %scan3A_54 : i32 to index
      %swap3A_71 = arith.constant 80 : index
      %swap3A_72 = tpu.vector_load %arg5[%swap3A_70, %swap3A_71] {strides = array<i32>} : memref<80x128xf32, #tpu.memory_space<vmem>>, vector<16xf32>,
      tpu.vector_store %arg5[%swap3A_70, %swap3A_71], %broadcast_in_dim3A_0 {strides = array<i32>} : memref<80x128xf32, #tpu.memory_space<vmem>>, vector<16xf32>,
      %swap3A_73 = arith.index_cast %scan3A_54 : i32 to index
      %swap3A_74 = arith.constant 96 : index
      %swap3A_75 = tpu.vector_load %arg5[%swap3A_73, %swap3A_74] {strides = array<i32>} : memref<80x128xf32, #tpu.memory_space<vmem>>, vector<16xf32>,
      tpu.vector_store %arg5[%swap3A_73, %swap3A_74], %broadcast_in_dim3A_0 {strides = array<i32>} : memref<80x128xf32, #tpu.memory_space<vmem>>, vector<16xf32>,
      %swap3A_76 = arith.index_cast %scan3A_54 : i32 to index
      %swap3A_77 = arith.constant 112 : index
      %swap3A_78 = tpu.vector_load %arg5[%swap3A_76, %swap3A_77] {strides = array<i32>} : memref<80x128xf32, #tpu.memory_space<vmem>>, vector<16xf32>,
      tpu.vector_store %arg5[%swap3A_76, %swap3A_77], %broadcast_in_dim3A_0 {strides = array<i32>} : memref<80x128xf32, #tpu.memory_space<vmem>>, vector<16xf32>,
    }
    %scan3A_5 = arith.constant 80 : i32
    %iota3A = tpu.iota {dimensions = array<i32: 0>} : vector<16xi32>
    %add3A = arith.constant 0 : i32
    %add3A_6 = vector.broadcast %add3A : i32 to vector<16xi32>
    %add3A_7 = arith.addi %add3A_6, %iota3A : vector<16xi32>
    %swap3A = arith.constant 0 : index
    %swap3A_8 = tpu.vector_load %arg6[%swap3A] {strides = array<i32>} : memref<80xi32, #tpu.memory_space<vmem>>, vector<16xi32>,
    tpu.vector_store %arg6[%swap3A], %add3A_7 {strides = array<i32>} : memref<80xi32, #tpu.memory_space<vmem>>, vector<16xi32>,
    %iota3A_9 = tpu.iota {dimensions = array<i32: 0>} : vector<16xi32>
    %add3A_10 = arith.constant 16 : i32
    %add3A_11 = vector.broadcast %add3A_10 : i32 to vector<16xi32>
    %add3A_12 = arith.addi %add3A_11, %iota3A_9 : vector<16xi32>
    %swap3A_13 = arith.constant 16 : index
    %swap3A_14 = tpu.vector_load %arg6[%swap3A_13] {strides = array<i32>} : memref<80xi32, #tpu.memory_space<vmem>>, vector<16xi32>,
    tpu.vector_store %arg6[%swap3A_13], %add3A_12 {strides = array<i32>} : memref<80xi32, #tpu.memory_space<vmem>>, vector<16xi32>,
    %iota3A_15 = tpu.iota {dimensions = array<i32: 0>} : vector<16xi32>
    %add3A_16 = arith.constant 32 : i32
    %add3A_17 = vector.broadcast %add3A_16 : i32 to vector<16xi32>
    %add3A_18 = arith.addi %add3A_17, %iota3A_15 : vector<16xi32>
    %swap3A_19 = arith.constant 32 : index
    %swap3A_20 = tpu.vector_load %arg6[%swap3A_19] {strides = array<i32>} : memref<80xi32, #tpu.memory_space<vmem>>, vector<16xi32>,
    tpu.vector_store %arg6[%swap3A_19], %add3A_18 {strides = array<i32>} : memref<80xi32, #tpu.memory_space<vmem>>, vector<16xi32>,
    %iota3A_21 = tpu.iota {dimensions = array<i32: 0>} : vector<16xi32>
    %add3A_22 = arith.constant 48 : i32
    %add3A_23 = vector.broadcast %add3A_22 : i32 to vector<16xi32>
    %add3A_24 = arith.addi %add3A_23, %iota3A_21 : vector<16xi32>
    %swap3A_25 = arith.constant 48 : index
    %swap3A_26 = tpu.vector_load %arg6[%swap3A_25] {strides = array<i32>} : memref<80xi32, #tpu.memory_space<vmem>>, vector<16xi32>,
    tpu.vector_store %arg6[%swap3A_25], %add3A_24 {strides = array<i32>} : memref<80xi32, #tpu.memory_space<vmem>>, vector<16xi32>,
    %iota3A_27 = tpu.iota {dimensions = array<i32: 0>} : vector<16xi32>
    %add3A_28 = arith.constant 64 : i32
    %add3A_29 = vector.broadcast %add3A_28 : i32 to vector<16xi32>
    %add3A_30 = arith.addi %add3A_29, %iota3A_27 : vector<16xi32>
    %swap3A_31 = arith.constant 64 : index
    %swap3A_32 = tpu.vector_load %arg6[%swap3A_31] {strides = array<i32>} : memref<80xi32, #tpu.memory_space<vmem>>, vector<16xi32>,
    tpu.vector_store %arg6[%swap3A_31], %add3A_30 {strides = array<i32>} : memref<80xi32, #tpu.memory_space<vmem>>, vector<16xi32>,
    %eq3A = arith.constant 0 : i32
    %eq3A_33 = arith.cmpi eq, %arg1, %eq3A : i32
    %convert_element_type3A = arith.extui %eq3A_33 : i1 to i32
    %cond3A = arith.constant 0 : i32
    %cond3A_34 = arith.cmpi ne, %convert_element_type3A, %cond3A : i32
    scf.if %cond3A_34 {
      "tpu.region"() ({
        %run_scoped3A = tpu.sem_alloc : memref<!tpu.dma_semaphore, #tpu.memory_space<semaphore_mem>>
        tpu.enqueue_dma source(%arg5 : memref<80x128xf32, #tpu.memory_space<vmem>>) target(%arg7 : memref<80x128xf32, #tpu.memory_space<vmem_shared>>) target_semaphore(%run_scoped3A : memref<!tpu.dma_semaphore, #tpu.memory_space<semaphore_mem>>)
        tpu.wait_dma2 semaphore(%run_scoped3A : memref<!tpu.dma_semaphore, #tpu.memory_space<semaphore_mem>>) src(%arg5 : memref<80x128xf32, #tpu.memory_space<vmem>>) dst(%arg7 : memref<80x128xf32, #tpu.memory_space<vmem_shared>>)
        tpu.yield
      }) : () -> ()
    } else {
    }
    %mul3A = arith.constant 1280 : i32
    %mul3A_35 = arith.muli %arg0, %mul3A : i32
    %mul3A_36 = arith.constant 80 : i32
    %mul3A_37 = arith.muli %arg1, %mul3A_36 : i32
    %add3A_38 = arith.addi %mul3A_35, %mul3A_37 : i32
    "tpu.region"() ({
      %run_scoped3A = tpu.sem_alloc : memref<!tpu.dma_semaphore, #tpu.memory_space<semaphore_mem>>
      %dma_start3A = arith.constant 0 : i32
      %dma_start3A_54 = tpu.memref_slice %arg2[%add3A_38, %dma_start3A] : memref<2560x128xi32, #tpu.memory_space<hbm>> -> memref<80x128xi32, #tpu.memory_space<hbm>>
      %dma_start3A_55 = arith.constant 0 : i32
      %dma_start3A_56 = tpu.memref_slice %arg2[%add3A_38, %dma_start3A_55] : memref<2560x128xi32, #tpu.memory_space<hbm>> -> memref<80x128xi32, #tpu.memory_space<hbm>>
      tpu.enqueue_dma source(%dma_start3A_56 : memref<80x128xi32, #tpu.memory_space<hbm>>) target(%arg4 : memref<80x128xi32, #tpu.memory_space<vmem>>) target_semaphore(%run_scoped3A : memref<!tpu.dma_semaphore, #tpu.memory_space<semaphore_mem>>)
      %dma_wait3A = arith.constant 0 : i32
      %dma_wait3A_57 = tpu.memref_slice %arg2[%add3A_38, %dma_wait3A] : memref<2560x128xi32, #tpu.memory_space<hbm>> -> memref<80x128xi32, #tpu.memory_space<hbm>>
      %dma_wait3A_58 = arith.constant 0 : i32
      %dma_wait3A_59 = tpu.memref_slice %arg2[%add3A_38, %dma_wait3A_58] : memref<2560x128xi32, #tpu.memory_space<hbm>> -> memref<80x128xi32, #tpu.memory_space<hbm>>
      tpu.wait_dma2 semaphore(%run_scoped3A : memref<!tpu.dma_semaphore, #tpu.memory_space<semaphore_mem>>) src(%dma_wait3A_59 : memref<80x128xi32, #tpu.memory_space<hbm>>) dst(%arg4 : memref<80x128xi32, #tpu.memory_space<vmem>>)
      tpu.yield
    }) : () -> ()
    %barrier3A = arith.constant 0 : index
    tpu.barrier barrier_id(%barrier3A)
    %broadcast_in_dim3A_39 = arith.constant 1.000000e+00 : f32
    %broadcast_in_dim3A_40 = vector.broadcast %broadcast_in_dim3A_39 : f32 to vector<16xf32>
    %scan3A_41 = arith.constant 0 : i32
    %scan3A_42 = arith.constant 0 : i32
    %scan3A_43 = arith.constant 80 : i32
    %scan3A_44 = arith.addi %scan3A_42, %scan3A_43 : i32
    %scan3A_45 = arith.constant 1 : i32
    scf.for %scan3A_54 = %scan3A_42 to %scan3A_44 step %scan3A_45  : i32 {
      %get3A = arith.index_cast %scan3A_54 : i32 to index
      %get3A_55 = arith.constant 0 : index
      %get3A_56 = tpu.vector_load %arg4[%get3A, %get3A_55] {strides = array<i32>} : memref<80x128xi32, #tpu.memory_space<vmem>>, vector<16xi32>,
      %shift_right_logical3A = arith.constant 7 : i32
      %shift_right_logical3A_57 = vector.broadcast %shift_right_logical3A : i32 to vector<16xi32>
      %shift_right_logical3A_58 = arith.shrui %get3A_56, %shift_right_logical3A_57 : vector<16xi32>
      %and3A = arith.constant 127 : i32
      %and3A_59 = vector.broadcast %and3A : i32 to vector<16xi32>
      %and3A_60 = arith.andi %get3A_56, %and3A_59 : vector<16xi32>
      tpu.vector_store_idx %arg5[%shift_right_logical3A_58, %and3A_60], %broadcast_in_dim3A_40 {add = true} : memref<80x128xf32, #tpu.memory_space<vmem>>[vector<16xi32>, vector<16xi32>], vector<16xf32>,
      %get3A_61 = arith.index_cast %scan3A_54 : i32 to index
      %get3A_62 = arith.constant 16 : index
      %get3A_63 = tpu.vector_load %arg4[%get3A_61, %get3A_62] {strides = array<i32>} : memref<80x128xi32, #tpu.memory_space<vmem>>, vector<16xi32>,
      %shift_right_logical3A_64 = arith.constant 7 : i32
      %shift_right_logical3A_65 = vector.broadcast %shift_right_logical3A_64 : i32 to vector<16xi32>
      %shift_right_logical3A_66 = arith.shrui %get3A_63, %shift_right_logical3A_65 : vector<16xi32>
      %and3A_67 = arith.constant 127 : i32
      %and3A_68 = vector.broadcast %and3A_67 : i32 to vector<16xi32>
      %and3A_69 = arith.andi %get3A_63, %and3A_68 : vector<16xi32>
      tpu.vector_store_idx %arg5[%shift_right_logical3A_66, %and3A_69], %broadcast_in_dim3A_40 {add = true} : memref<80x128xf32, #tpu.memory_space<vmem>>[vector<16xi32>, vector<16xi32>], vector<16xf32>,
      %get3A_70 = arith.index_cast %scan3A_54 : i32 to index
      %get3A_71 = arith.constant 32 : index
      %get3A_72 = tpu.vector_load %arg4[%get3A_70, %get3A_71] {strides = array<i32>} : memref<80x128xi32, #tpu.memory_space<vmem>>, vector<16xi32>,
      %shift_right_logical3A_73 = arith.constant 7 : i32
      %shift_right_logical3A_74 = vector.broadcast %shift_right_logical3A_73 : i32 to vector<16xi32>
      %shift_right_logical3A_75 = arith.shrui %get3A_72, %shift_right_logical3A_74 : vector<16xi32>
      %and3A_76 = arith.constant 127 : i32
      %and3A_77 = vector.broadcast %and3A_76 : i32 to vector<16xi32>
      %and3A_78 = arith.andi %get3A_72, %and3A_77 : vector<16xi32>
      tpu.vector_store_idx %arg5[%shift_right_logical3A_75, %and3A_78], %broadcast_in_dim3A_40 {add = true} : memref<80x128xf32, #tpu.memory_space<vmem>>[vector<16xi32>, vector<16xi32>], vector<16xf32>,
      %get3A_79 = arith.index_cast %scan3A_54 : i32 to index
      %get3A_80 = arith.constant 48 : index
      %get3A_81 = tpu.vector_load %arg4[%get3A_79, %get3A_80] {strides = array<i32>} : memref<80x128xi32, #tpu.memory_space<vmem>>, vector<16xi32>,
      %shift_right_logical3A_82 = arith.constant 7 : i32
      %shift_right_logical3A_83 = vector.broadcast %shift_right_logical3A_82 : i32 to vector<16xi32>
      %shift_right_logical3A_84 = arith.shrui %get3A_81, %shift_right_logical3A_83 : vector<16xi32>
      %and3A_85 = arith.constant 127 : i32
      %and3A_86 = vector.broadcast %and3A_85 : i32 to vector<16xi32>
      %and3A_87 = arith.andi %get3A_81, %and3A_86 : vector<16xi32>
      tpu.vector_store_idx %arg5[%shift_right_logical3A_84, %and3A_87], %broadcast_in_dim3A_40 {add = true} : memref<80x128xf32, #tpu.memory_space<vmem>>[vector<16xi32>, vector<16xi32>], vector<16xf32>,
      %get3A_88 = arith.index_cast %scan3A_54 : i32 to index
      %get3A_89 = arith.constant 64 : index
      %get3A_90 = tpu.vector_load %arg4[%get3A_88, %get3A_89] {strides = array<i32>} : memref<80x128xi32, #tpu.memory_space<vmem>>, vector<16xi32>,
      %shift_right_logical3A_91 = arith.constant 7 : i32
      %shift_right_logical3A_92 = vector.broadcast %shift_right_logical3A_91 : i32 to vector<16xi32>
      %shift_right_logical3A_93 = arith.shrui %get3A_90, %shift_right_logical3A_92 : vector<16xi32>
      %and3A_94 = arith.constant 127 : i32
      %and3A_95 = vector.broadcast %and3A_94 : i32 to vector<16xi32>
      %and3A_96 = arith.andi %get3A_90, %and3A_95 : vector<16xi32>
      tpu.vector_store_idx %arg5[%shift_right_logical3A_93, %and3A_96], %broadcast_in_dim3A_40 {add = true} : memref<80x128xf32, #tpu.memory_space<vmem>>[vector<16xi32>, vector<16xi32>], vector<16xf32>,
      %get3A_97 = arith.index_cast %scan3A_54 : i32 to index
      %get3A_98 = arith.constant 80 : index
      %get3A_99 = tpu.vector_load %arg4[%get3A_97, %get3A_98] {strides = array<i32>} : memref<80x128xi32, #tpu.memory_space<vmem>>, vector<16xi32>,
      %shift_right_logical3A_100 = arith.constant 7 : i32
      %shift_right_logical3A_101 = vector.broadcast %shift_right_logical3A_100 : i32 to vector<16xi32>
      %shift_right_logical3A_102 = arith.shrui %get3A_99, %shift_right_logical3A_101 : vector<16xi32>
      %and3A_103 = arith.constant 127 : i32
      %and3A_104 = vector.broadcast %and3A_103 : i32 to vector<16xi32>
      %and3A_105 = arith.andi %get3A_99, %and3A_104 : vector<16xi32>
      tpu.vector_store_idx %arg5[%shift_right_logical3A_102, %and3A_105], %broadcast_in_dim3A_40 {add = true} : memref<80x128xf32, #tpu.memory_space<vmem>>[vector<16xi32>, vector<16xi32>], vector<16xf32>,
      %get3A_106 = arith.index_cast %scan3A_54 : i32 to index
      %get3A_107 = arith.constant 96 : index
      %get3A_108 = tpu.vector_load %arg4[%get3A_106, %get3A_107] {strides = array<i32>} : memref<80x128xi32, #tpu.memory_space<vmem>>, vector<16xi32>,
      %shift_right_logical3A_109 = arith.constant 7 : i32
      %shift_right_logical3A_110 = vector.broadcast %shift_right_logical3A_109 : i32 to vector<16xi32>
      %shift_right_logical3A_111 = arith.shrui %get3A_108, %shift_right_logical3A_110 : vector<16xi32>
      %and3A_112 = arith.constant 127 : i32
      %and3A_113 = vector.broadcast %and3A_112 : i32 to vector<16xi32>
      %and3A_114 = arith.andi %get3A_108, %and3A_113 : vector<16xi32>
      tpu.vector_store_idx %arg5[%shift_right_logical3A_111, %and3A_114], %broadcast_in_dim3A_40 {add = true} : memref<80x128xf32, #tpu.memory_space<vmem>>[vector<16xi32>, vector<16xi32>], vector<16xf32>,
      %get3A_115 = arith.index_cast %scan3A_54 : i32 to index
      %get3A_116 = arith.constant 112 : index
      %get3A_117 = tpu.vector_load %arg4[%get3A_115, %get3A_116] {strides = array<i32>} : memref<80x128xi32, #tpu.memory_space<vmem>>, vector<16xi32>,
      %shift_right_logical3A_118 = arith.constant 7 : i32
      %shift_right_logical3A_119 = vector.broadcast %shift_right_logical3A_118 : i32 to vector<16xi32>
      %shift_right_logical3A_120 = arith.shrui %get3A_117, %shift_right_logical3A_119 : vector<16xi32>
      %and3A_121 = arith.constant 127 : i32
      %and3A_122 = vector.broadcast %and3A_121 : i32 to vector<16xi32>
      %and3A_123 = arith.andi %get3A_117, %and3A_122 : vector<16xi32>
      tpu.vector_store_idx %arg5[%shift_right_logical3A_120, %and3A_123], %broadcast_in_dim3A_40 {add = true} : memref<80x128xf32, #tpu.memory_space<vmem>>[vector<16xi32>, vector<16xi32>], vector<16xf32>,
    }
    %scan3A_46 = arith.constant 80 : i32
    %barrier3A_47 = arith.constant 0 : index
    tpu.barrier barrier_id(%barrier3A_47)
    "tpu.region"() ({
      %run_scoped3A = tpu.sem_alloc : memref<!tpu.dma_semaphore, #tpu.memory_space<semaphore_mem>>
      %dma_start3A = arith.constant 0 : i32
      %dma_start3A_54 = arith.constant 0 : i32
      %dma_start3A_55 = tpu.memref_slice %arg7[%dma_start3A, %dma_start3A_54] : memref<80x128xf32, #tpu.memory_space<vmem_shared>> -> memref<80x128xf32, #tpu.memory_space<vmem_shared>>
      tpu.enqueue_indirect_dma source(%arg5 : memref<80x128xf32, #tpu.memory_space<vmem>>) target(%dma_start3A_55 : memref<80x128xf32, #tpu.memory_space<vmem_shared>>) offsets(%arg6 : memref<80xi32, #tpu.memory_space<vmem>>) semaphore(%run_scoped3A : memref<!tpu.dma_semaphore, #tpu.memory_space<semaphore_mem>>) {add = true}
      %dma_wait3A = arith.constant 0 : i32
      %dma_wait3A_56 = arith.constant 0 : i32
      %dma_wait3A_57 = tpu.memref_slice %arg7[%dma_wait3A, %dma_wait3A_56] : memref<80x128xf32, #tpu.memory_space<vmem_shared>> -> memref<80x128xf32, #tpu.memory_space<vmem_shared>>
      tpu.wait_indirect_dma semaphore(%run_scoped3A : memref<!tpu.dma_semaphore, #tpu.memory_space<semaphore_mem>>) src(%arg5 : memref<80x128xf32, #tpu.memory_space<vmem>>) dst(%dma_wait3A_57 : memref<80x128xf32, #tpu.memory_space<vmem_shared>>)
      tpu.yield
    }) : () -> ()
    %barrier3A_48 = arith.constant 0 : index
    tpu.barrier barrier_id(%barrier3A_48)
    %eq3A_49 = arith.constant 0 : i32
    %eq3A_50 = arith.cmpi eq, %arg1, %eq3A_49 : i32
    %convert_element_type3A_51 = arith.extui %eq3A_50 : i1 to i32
    %cond3A_52 = arith.constant 0 : i32
    %cond3A_53 = arith.cmpi ne, %convert_element_type3A_51, %cond3A_52 : i32
    scf.if %cond3A_53 {
      "tpu.region"() ({
        %run_scoped3A = tpu.sem_alloc : memref<!tpu.dma_semaphore, #tpu.memory_space<semaphore_mem>>
        %dma_start3A = arith.constant 0 : i32
        %dma_start3A_54 = arith.constant 0 : i32
        %dma_start3A_55 = tpu.memref_slice %arg3[%arg0, %dma_start3A, %dma_start3A_54] : memref<2x80x128xf32, #tpu.memory_space<hbm>> -> memref<1x80x128xf32, #tpu.memory_space<hbm>>
        %dma_start3A_56 = tpu.memref_squeeze %dma_start3A_55 : memref<1x80x128xf32, #tpu.memory_space<hbm>> -> memref<80x128xf32, #tpu.memory_space<hbm>>
        tpu.enqueue_dma source(%arg7 : memref<80x128xf32, #tpu.memory_space<vmem_shared>>) target(%dma_start3A_56 : memref<80x128xf32, #tpu.memory_space<hbm>>) target_semaphore(%run_scoped3A : memref<!tpu.dma_semaphore, #tpu.memory_space<semaphore_mem>>)
        %dma_wait3A = arith.constant 0 : i32
        %dma_wait3A_57 = arith.constant 0 : i32
        %dma_wait3A_58 = tpu.memref_slice %arg3[%arg0, %dma_wait3A, %dma_wait3A_57] : memref<2x80x128xf32, #tpu.memory_space<hbm>> -> memref<1x80x128xf32, #tpu.memory_space<hbm>>
        %dma_wait3A_59 = tpu.memref_squeeze %dma_wait3A_58 : memref<1x80x128xf32, #tpu.memory_space<hbm>> -> memref<80x128xf32, #tpu.memory_space<hbm>>
        tpu.wait_dma2 semaphore(%run_scoped3A : memref<!tpu.dma_semaphore, #tpu.memory_space<semaphore_mem>>) src(%arg7 : memref<80x128xf32, #tpu.memory_space<vmem_shared>>) dst(%dma_wait3A_59 : memref<80x128xf32, #tpu.memory_space<hbm>>)
        tpu.yield
      }) : () -> ()
    } else {
    }
    return
  }
}

#map = affine_map<(d0, d1) -> (0, 0)>
#map1 = affine_map<(d0, d1) -> (0, 0, 0)>
module attributes {stable_mosaic.version = 14 : i64} {
  func.func @scat_kernel(%arg0: i32, %arg1: i32, %arg2: memref<10112x128xf32, #tpu.memory_space<hbm>>, %arg3: memref<2560x128xi32, #tpu.memory_space<hbm>>, %arg4: memref<2560x128xi32, #tpu.memory_space<hbm>>, %arg5: memref<2x10112x128xf32, #tpu.memory_space<hbm>>, %arg6: memref<80x128xi32, #tpu.memory_space<vmem>>, %arg7: memref<8x128xi32, #tpu.memory_space<vmem>>, %arg8: memref<8x128xi32, #tpu.memory_space<vmem>>, %arg9: memref<128x128xf32, #tpu.memory_space<vmem>>, %arg10: memref<128x128xf32, #tpu.memory_space<vmem>>, %arg11: memref<!tpu.dma_semaphore, #tpu.memory_space<semaphore_mem>>, %arg12: memref<!tpu.dma_semaphore, #tpu.memory_space<semaphore_mem>>, %arg13: memref<!tpu.dma_semaphore, #tpu.memory_space<semaphore_mem>>, %arg14: memref<!tpu.dma_semaphore, #tpu.memory_space<semaphore_mem>>, %arg15: memref<!tpu.dma_semaphore, #tpu.memory_space<semaphore_mem>>, %arg16: memref<!tpu.dma_semaphore, #tpu.memory_space<semaphore_mem>>, %arg17: memref<10112x128xf32, #tpu.memory_space<vmem_shared>>) attributes {dimension_semantics = [#tpu.dimension_semantics<core_parallel>, #tpu.dimension_semantics<subcore_parallel>], iteration_bounds = array<i64: 2, 16>, scalar_prefetch = 0 : i64, scratch_operands = 12 : i64, tpu.core_type = #tpu.core_type<sc_vector_subcore>, window_params = [{transform_indices = #map}, {transform_indices = #map}, {transform_indices = #map}, {transform_indices = #map1}]} {
    %mul3A = arith.constant 632 : i32
    %mul3A_0 = arith.muli %arg1, %mul3A : i32
    %mul3A_1 = arith.constant 632 : i32
    %mul3A_2 = arith.muli %arg1, %mul3A_1 : i32
    "tpu.region"() ({
      %run_scoped3A = tpu.sem_alloc : memref<!tpu.dma_semaphore, #tpu.memory_space<semaphore_mem>>
      %dma_start3A_45 = arith.constant 0 : i32
      %dma_start3A_46 = tpu.memref_slice %arg17[%mul3A_2, %dma_start3A_45] : memref<10112x128xf32, #tpu.memory_space<vmem_shared>> -> memref<632x128xf32, #tpu.memory_space<vmem_shared>>
      %dma_start3A_47 = arith.constant 0 : i32
      %dma_start3A_48 = tpu.memref_slice %arg2[%mul3A_0, %dma_start3A_47] : memref<10112x128xf32, #tpu.memory_space<hbm>> -> memref<632x128xf32, #tpu.memory_space<hbm>>
      tpu.enqueue_dma source(%dma_start3A_48 : memref<632x128xf32, #tpu.memory_space<hbm>>) target(%dma_start3A_46 : memref<632x128xf32, #tpu.memory_space<vmem_shared>>) target_semaphore(%run_scoped3A : memref<!tpu.dma_semaphore, #tpu.memory_space<semaphore_mem>>)
      %dma_wait3A_49 = arith.constant 0 : i32
      %dma_wait3A_50 = tpu.memref_slice %arg17[%mul3A_2, %dma_wait3A_49] : memref<10112x128xf32, #tpu.memory_space<vmem_shared>> -> memref<632x128xf32, #tpu.memory_space<vmem_shared>>
      %dma_wait3A_51 = arith.constant 0 : i32
      %dma_wait3A_52 = tpu.memref_slice %arg2[%mul3A_0, %dma_wait3A_51] : memref<10112x128xf32, #tpu.memory_space<hbm>> -> memref<632x128xf32, #tpu.memory_space<hbm>>
      tpu.wait_dma2 semaphore(%run_scoped3A : memref<!tpu.dma_semaphore, #tpu.memory_space<semaphore_mem>>) src(%dma_wait3A_52 : memref<632x128xf32, #tpu.memory_space<hbm>>) dst(%dma_wait3A_50 : memref<632x128xf32, #tpu.memory_space<vmem_shared>>)
      tpu.yield
    }) : () -> ()
    %mul3A_3 = arith.constant 1280 : i32
    %mul3A_4 = arith.muli %arg0, %mul3A_3 : i32
    %mul3A_5 = arith.constant 80 : i32
    %mul3A_6 = arith.muli %arg1, %mul3A_5 : i32
    %add3A = arith.addi %mul3A_4, %mul3A_6 : i32
    "tpu.region"() ({
      %run_scoped3A = tpu.sem_alloc : memref<!tpu.dma_semaphore, #tpu.memory_space<semaphore_mem>>
      %dma_start3A_45 = arith.constant 0 : i32
      %dma_start3A_46 = tpu.memref_slice %arg4[%add3A, %dma_start3A_45] : memref<2560x128xi32, #tpu.memory_space<hbm>> -> memref<80x128xi32, #tpu.memory_space<hbm>>
      %dma_start3A_47 = arith.constant 0 : i32
      %dma_start3A_48 = tpu.memref_slice %arg4[%add3A, %dma_start3A_47] : memref<2560x128xi32, #tpu.memory_space<hbm>> -> memref<80x128xi32, #tpu.memory_space<hbm>>
      tpu.enqueue_dma source(%dma_start3A_48 : memref<80x128xi32, #tpu.memory_space<hbm>>) target(%arg6 : memref<80x128xi32, #tpu.memory_space<vmem>>) target_semaphore(%run_scoped3A : memref<!tpu.dma_semaphore, #tpu.memory_space<semaphore_mem>>)
      %dma_wait3A_49 = arith.constant 0 : i32
      %dma_wait3A_50 = tpu.memref_slice %arg4[%add3A, %dma_wait3A_49] : memref<2560x128xi32, #tpu.memory_space<hbm>> -> memref<80x128xi32, #tpu.memory_space<hbm>>
      %dma_wait3A_51 = arith.constant 0 : i32
      %dma_wait3A_52 = tpu.memref_slice %arg4[%add3A, %dma_wait3A_51] : memref<2560x128xi32, #tpu.memory_space<hbm>> -> memref<80x128xi32, #tpu.memory_space<hbm>>
      tpu.wait_dma2 semaphore(%run_scoped3A : memref<!tpu.dma_semaphore, #tpu.memory_space<semaphore_mem>>) src(%dma_wait3A_52 : memref<80x128xi32, #tpu.memory_space<hbm>>) dst(%arg6 : memref<80x128xi32, #tpu.memory_space<vmem>>)
      tpu.yield
    }) : () -> ()
    %add3A_7 = arith.constant 0 : i32
    %add3A_8 = arith.addi %add3A, %add3A_7 : i32
    %dma_start3A = arith.constant 0 : i32
    %dma_start3A_9 = tpu.memref_slice %arg3[%add3A_8, %dma_start3A] : memref<2560x128xi32, #tpu.memory_space<hbm>> -> memref<8x128xi32, #tpu.memory_space<hbm>>
    %dma_start3A_10 = arith.constant 0 : i32
    %dma_start3A_11 = tpu.memref_slice %arg3[%add3A_8, %dma_start3A_10] : memref<2560x128xi32, #tpu.memory_space<hbm>> -> memref<8x128xi32, #tpu.memory_space<hbm>>
    tpu.enqueue_dma source(%dma_start3A_11 : memref<8x128xi32, #tpu.memory_space<hbm>>) target(%arg7 : memref<8x128xi32, #tpu.memory_space<vmem>>) target_semaphore(%arg15 : memref<!tpu.dma_semaphore, #tpu.memory_space<semaphore_mem>>)
    %dma_wait3A = arith.constant 0 : i32
    %dma_wait3A_12 = tpu.memref_slice %arg3[%add3A, %dma_wait3A] : memref<2560x128xi32, #tpu.memory_space<hbm>> -> memref<8x128xi32, #tpu.memory_space<hbm>>
    %dma_wait3A_13 = arith.constant 0 : i32
    %dma_wait3A_14 = tpu.memref_slice %arg3[%add3A, %dma_wait3A_13] : memref<2560x128xi32, #tpu.memory_space<hbm>> -> memref<8x128xi32, #tpu.memory_space<hbm>>
    tpu.wait_dma2 semaphore(%arg15 : memref<!tpu.dma_semaphore, #tpu.memory_space<semaphore_mem>>) src(%dma_wait3A_14 : memref<8x128xi32, #tpu.memory_space<hbm>>) dst(%arg7 : memref<8x128xi32, #tpu.memory_space<vmem>>)
    %add3A_15 = arith.constant 8 : i32
    %add3A_16 = arith.addi %add3A, %add3A_15 : i32
    %dma_start3A_17 = arith.constant 0 : i32
    %dma_start3A_18 = tpu.memref_slice %arg3[%add3A_16, %dma_start3A_17] : memref<2560x128xi32, #tpu.memory_space<hbm>> -> memref<8x128xi32, #tpu.memory_space<hbm>>
    %dma_start3A_19 = arith.constant 0 : i32
    %dma_start3A_20 = tpu.memref_slice %arg3[%add3A_16, %dma_start3A_19] : memref<2560x128xi32, #tpu.memory_space<hbm>> -> memref<8x128xi32, #tpu.memory_space<hbm>>
    tpu.enqueue_dma source(%dma_start3A_20 : memref<8x128xi32, #tpu.memory_space<hbm>>) target(%arg8 : memref<8x128xi32, #tpu.memory_space<vmem>>) target_semaphore(%arg16 : memref<!tpu.dma_semaphore, #tpu.memory_space<semaphore_mem>>)
    %barrier3A = arith.constant 0 : index
    tpu.barrier barrier_id(%barrier3A)
    %dma_start3A_21 = arith.constant 0 : i32
    %dma_start3A_22 = arith.constant 0 : i32
    %dma_start3A_23 = tpu.memref_slice %arg7[%dma_start3A_21, %dma_start3A_22] : memref<8x128xi32, #tpu.memory_space<vmem>> -> memref<1x128xi32, #tpu.memory_space<vmem>>
    %dma_start3A_24 = tpu.memref_squeeze %dma_start3A_23 : memref<1x128xi32, #tpu.memory_space<vmem>> -> memref<128xi32, #tpu.memory_space<vmem>>
    %dma_start3A_25 = arith.constant 0 : i32
    %dma_start3A_26 = arith.constant 0 : i32
    %dma_start3A_27 = tpu.memref_slice %arg2[%dma_start3A_25, %dma_start3A_26] : memref<10112x128xf32, #tpu.memory_space<hbm>> -> memref<10112x128xf32, #tpu.memory_space<hbm>>
    tpu.enqueue_indirect_dma source(%dma_start3A_27 : memref<10112x128xf32, #tpu.memory_space<hbm>>) target(%arg9 : memref<128x128xf32, #tpu.memory_space<vmem>>) offsets(%dma_start3A_24 : memref<128xi32, #tpu.memory_space<vmem>>) semaphore(%arg11 : memref<!tpu.dma_semaphore, #tpu.memory_space<semaphore_mem>>)
    %dma_start3A_28 = arith.constant 1 : i32
    %dma_start3A_29 = arith.constant 0 : i32
    %dma_start3A_30 = tpu.memref_slice %arg7[%dma_start3A_28, %dma_start3A_29] : memref<8x128xi32, #tpu.memory_space<vmem>> -> memref<1x128xi32, #tpu.memory_space<vmem>>
    %dma_start3A_31 = tpu.memref_squeeze %dma_start3A_30 : memref<1x128xi32, #tpu.memory_space<vmem>> -> memref<128xi32, #tpu.memory_space<vmem>>
    %dma_start3A_32 = arith.constant 0 : i32
    %dma_start3A_33 = arith.constant 0 : i32
    %dma_start3A_34 = tpu.memref_slice %arg2[%dma_start3A_32, %dma_start3A_33] : memref<10112x128xf32, #tpu.memory_space<hbm>> -> memref<10112x128xf32, #tpu.memory_space<hbm>>
    tpu.enqueue_indirect_dma source(%dma_start3A_34 : memref<10112x128xf32, #tpu.memory_space<hbm>>) target(%arg10 : memref<128x128xf32, #tpu.memory_space<vmem>>) offsets(%dma_start3A_31 : memref<128xi32, #tpu.memory_space<vmem>>) semaphore(%arg12 : memref<!tpu.dma_semaphore, #tpu.memory_space<semaphore_mem>>)
    %scan3A = arith.constant 0 : i32
    %scan3A_35 = arith.constant 0 : i32
    %scan3A_36 = arith.constant 5 : i32
    %scan3A_37 = arith.addi %scan3A_35, %scan3A_36 : i32
    %scan3A_38 = arith.constant 1 : i32
    scf.for %scan3A_45 = %scan3A_35 to %scan3A_37 step %scan3A_38  : i32 {
      %gt3A = arith.constant 0 : i32
      %gt3A_46 = arith.cmpi sgt, %scan3A_45, %gt3A : i32
      %convert_element_type3A = arith.extui %gt3A_46 : i1 to i32
      %cond3A = arith.constant 0 : i32
      %cond3A_47 = arith.cmpi ne, %convert_element_type3A, %cond3A : i32
      scf.if %cond3A_47 {
        %mul3A_564 = arith.constant 2 : i32
        %mul3A_565 = arith.muli %mul3A_564, %scan3A_45 : i32
        %add3A_566 = arith.constant 1 : i32
        %add3A_567 = arith.addi %mul3A_565, %add3A_566 : i32
        %mul3A_568 = arith.constant 8 : i32
        %mul3A_569 = arith.muli %mul3A_568, %add3A_567 : i32
        %add3A_570 = arith.addi %add3A, %mul3A_569 : i32
        %dma_start3A_571 = arith.constant 0 : i32
        %dma_start3A_572 = tpu.memref_slice %arg3[%add3A_570, %dma_start3A_571] : memref<2560x128xi32, #tpu.memory_space<hbm>> -> memref<8x128xi32, #tpu.memory_space<hbm>>
        %dma_start3A_573 = arith.constant 0 : i32
        %dma_start3A_574 = tpu.memref_slice %arg3[%add3A_570, %dma_start3A_573] : memref<2560x128xi32, #tpu.memory_space<hbm>> -> memref<8x128xi32, #tpu.memory_space<hbm>>
        tpu.enqueue_dma source(%dma_start3A_574 : memref<8x128xi32, #tpu.memory_space<hbm>>) target(%arg8 : memref<8x128xi32, #tpu.memory_space<vmem>>) target_semaphore(%arg16 : memref<!tpu.dma_semaphore, #tpu.memory_space<semaphore_mem>>)
      } else {
      }
      %dma_wait3A_48 = arith.constant 0 : i32
      %dma_wait3A_49 = arith.constant 0 : i32
      %dma_wait3A_50 = tpu.memref_slice %arg7[%dma_wait3A_48, %dma_wait3A_49] : memref<8x128xi32, #tpu.memory_space<vmem>> -> memref<1x128xi32, #tpu.memory_space<vmem>>
      %dma_wait3A_51 = tpu.memref_squeeze %dma_wait3A_50 : memref<1x128xi32, #tpu.memory_space<vmem>> -> memref<128xi32, #tpu.memory_space<vmem>>
      %dma_wait3A_52 = arith.constant 0 : i32
      %dma_wait3A_53 = arith.constant 0 : i32
      %dma_wait3A_54 = tpu.memref_slice %arg2[%dma_wait3A_52, %dma_wait3A_53] : memref<10112x128xf32, #tpu.memory_space<hbm>> -> memref<10112x128xf32, #tpu.memory_space<hbm>>
      tpu.wait_indirect_dma semaphore(%arg11 : memref<!tpu.dma_semaphore, #tpu.memory_space<semaphore_mem>>) src(%dma_wait3A_54 : memref<10112x128xf32, #tpu.memory_space<hbm>>) dst(%arg9 : memref<128x128xf32, #tpu.memory_space<vmem>>)
      %mul3A_55 = arith.constant 16 : i32
      %mul3A_56 = arith.muli %mul3A_55, %scan3A_45 : i32
      %add3A_57 = arith.constant 0 : i32
      %add3A_58 = arith.addi %mul3A_56, %add3A_57 : i32
      %dma_start3A_59 = arith.constant 0 : i32
      %dma_start3A_60 = tpu.memref_slice %arg6[%add3A_58, %dma_start3A_59] : memref<80x128xi32, #tpu.memory_space<vmem>> -> memref<1x128xi32, #tpu.memory_space<vmem>>
      %dma_start3A_61 = tpu.memref_squeeze %dma_start3A_60 : memref<1x128xi32, #tpu.memory_space<vmem>> -> memref<128xi32, #tpu.memory_space<vmem>>
      %dma_start3A_62 = arith.constant 0 : i32
      %dma_start3A_63 = arith.constant 0 : i32
      %dma_start3A_64 = tpu.memref_slice %arg17[%dma_start3A_62, %dma_start3A_63] : memref<10112x128xf32, #tpu.memory_space<vmem_shared>> -> memref<10112x128xf32, #tpu.memory_space<vmem_shared>>
      tpu.enqueue_indirect_dma source(%arg9 : memref<128x128xf32, #tpu.memory_space<vmem>>) target(%dma_start3A_64 : memref<10112x128xf32, #tpu.memory_space<vmem_shared>>) offsets(%dma_start3A_61 : memref<128xi32, #tpu.memory_space<vmem>>) semaphore(%arg13 : memref<!tpu.dma_semaphore, #tpu.memory_space<semaphore_mem>>) {add = true}
      %dma_wait3A_65 = arith.constant 0 : i32
      %dma_wait3A_66 = arith.constant 0 : i32
      %dma_wait3A_67 = tpu.memref_slice %arg6[%dma_wait3A_65, %dma_wait3A_66] : memref<80x128xi32, #tpu.memory_space<vmem>> -> memref<1x128xi32, #tpu.memory_space<vmem>>
      %dma_wait3A_68 = tpu.memref_squeeze %dma_wait3A_67 : memref<1x128xi32, #tpu.memory_space<vmem>> -> memref<128xi32, #tpu.memory_space<vmem>>
      %dma_wait3A_69 = arith.constant 0 : i32
      %dma_wait3A_70 = arith.constant 0 : i32
      %dma_wait3A_71 = tpu.memref_slice %arg17[%dma_wait3A_69, %dma_wait3A_70] : memref<10112x128xf32, #tpu.memory_space<vmem_shared>> -> memref<10112x128xf32, #tpu.memory_space<vmem_shared>>
      tpu.wait_indirect_dma semaphore(%arg13 : memref<!tpu.dma_semaphore, #tpu.memory_space<semaphore_mem>>) src(%arg9 : memref<128x128xf32, #tpu.memory_space<vmem>>) dst(%dma_wait3A_71 : memref<10112x128xf32, #tpu.memory_space<vmem_shared>>)
      %dma_start3A_72 = arith.constant 2 : i32
      %dma_start3A_73 = arith.constant 0 : i32
      %dma_start3A_74 = tpu.memref_slice %arg7[%dma_start3A_72, %dma_start3A_73] : memref<8x128xi32, #tpu.memory_space<vmem>> -> memref<1x128xi32, #tpu.memory_space<vmem>>
      %dma_start3A_75 = tpu.memref_squeeze %dma_start3A_74 : memref<1x128xi32, #tpu.memory_space<vmem>> -> memref<128xi32, #tpu.memory_space<vmem>>
      %dma_start3A_76 = arith.constant 0 : i32
      %dma_start3A_77 = arith.constant 0 : i32
      %dma_start3A_78 = tpu.memref_slice %arg2[%dma_start3A_76, %dma_start3A_77] : memref<10112x128xf32, #tpu.memory_space<hbm>> -> memref<10112x128xf32, #tpu.memory_space<hbm>>
      tpu.enqueue_indirect_dma source(%dma_start3A_78 : memref<10112x128xf32, #tpu.memory_space<hbm>>) target(%arg9 : memref<128x128xf32, #tpu.memory_space<vmem>>) offsets(%dma_start3A_75 : memref<128xi32, #tpu.memory_space<vmem>>) semaphore(%arg11 : memref<!tpu.dma_semaphore, #tpu.memory_space<semaphore_mem>>)
      %dma_wait3A_79 = arith.constant 0 : i32
      %dma_wait3A_80 = arith.constant 0 : i32
      %dma_wait3A_81 = tpu.memref_slice %arg7[%dma_wait3A_79, %dma_wait3A_80] : memref<8x128xi32, #tpu.memory_space<vmem>> -> memref<1x128xi32, #tpu.memory_space<vmem>>
      %dma_wait3A_82 = tpu.memref_squeeze %dma_wait3A_81 : memref<1x128xi32, #tpu.memory_space<vmem>> -> memref<128xi32, #tpu.memory_space<vmem>>
      %dma_wait3A_83 = arith.constant 0 : i32
      %dma_wait3A_84 = arith.constant 0 : i32
      %dma_wait3A_85 = tpu.memref_slice %arg2[%dma_wait3A_83, %dma_wait3A_84] : memref<10112x128xf32, #tpu.memory_space<hbm>> -> memref<10112x128xf32, #tpu.memory_space<hbm>>
      tpu.wait_indirect_dma semaphore(%arg12 : memref<!tpu.dma_semaphore, #tpu.memory_space<semaphore_mem>>) src(%dma_wait3A_85 : memref<10112x128xf32, #tpu.memory_space<hbm>>) dst(%arg10 : memref<128x128xf32, #tpu.memory_space<vmem>>)
      %mul3A_86 = arith.constant 16 : i32
      %mul3A_87 = arith.muli %mul3A_86, %scan3A_45 : i32
      %add3A_88 = arith.constant 1 : i32
      %add3A_89 = arith.addi %mul3A_87, %add3A_88 : i32
      %dma_start3A_90 = arith.constant 0 : i32
      %dma_start3A_91 = tpu.memref_slice %arg6[%add3A_89, %dma_start3A_90] : memref<80x128xi32, #tpu.memory_space<vmem>> -> memref<1x128xi32, #tpu.memory_space<vmem>>
      %dma_start3A_92 = tpu.memref_squeeze %dma_start3A_91 : memref<1x128xi32, #tpu.memory_space<vmem>> -> memref<128xi32, #tpu.memory_space<vmem>>
      %dma_start3A_93 = arith.constant 0 : i32
      %dma_start3A_94 = arith.constant 0 : i32
      %dma_start3A_95 = tpu.memref_slice %arg17[%dma_start3A_93, %dma_start3A_94] : memref<10112x128xf32, #tpu.memory_space<vmem_shared>> -> memref<10112x128xf32, #tpu.memory_space<vmem_shared>>
      tpu.enqueue_indirect_dma source(%arg10 : memref<128x128xf32, #tpu.memory_space<vmem>>) target(%dma_start3A_95 : memref<10112x128xf32, #tpu.memory_space<vmem_shared>>) offsets(%dma_start3A_92 : memref<128xi32, #tpu.memory_space<vmem>>) semaphore(%arg14 : memref<!tpu.dma_semaphore, #tpu.memory_space<semaphore_mem>>) {add = true}
      %dma_wait3A_96 = arith.constant 0 : i32
      %dma_wait3A_97 = arith.constant 0 : i32
      %dma_wait3A_98 = tpu.memref_slice %arg6[%dma_wait3A_96, %dma_wait3A_97] : memref<80x128xi32, #tpu.memory_space<vmem>> -> memref<1x128xi32, #tpu.memory_space<vmem>>
      %dma_wait3A_99 = tpu.memref_squeeze %dma_wait3A_98 : memref<1x128xi32, #tpu.memory_space<vmem>> -> memref<128xi32, #tpu.memory_space<vmem>>
      %dma_wait3A_100 = arith.constant 0 : i32
      %dma_wait3A_101 = arith.constant 0 : i32
      %dma_wait3A_102 = tpu.memref_slice %arg17[%dma_wait3A_100, %dma_wait3A_101] : memref<10112x128xf32, #tpu.memory_space<vmem_shared>> -> memref<10112x128xf32, #tpu.memory_space<vmem_shared>>
      tpu.wait_indirect_dma semaphore(%arg14 : memref<!tpu.dma_semaphore, #tpu.memory_space<semaphore_mem>>) src(%arg10 : memref<128x128xf32, #tpu.memory_space<vmem>>) dst(%dma_wait3A_102 : memref<10112x128xf32, #tpu.memory_space<vmem_shared>>)
      %dma_start3A_103 = arith.constant 3 : i32
      %dma_start3A_104 = arith.constant 0 : i32
      %dma_start3A_105 = tpu.memref_slice %arg7[%dma_start3A_103, %dma_start3A_104] : memref<8x128xi32, #tpu.memory_space<vmem>> -> memref<1x128xi32, #tpu.memory_space<vmem>>
      %dma_start3A_106 = tpu.memref_squeeze %dma_start3A_105 : memref<1x128xi32, #tpu.memory_space<vmem>> -> memref<128xi32, #tpu.memory_space<vmem>>
      %dma_start3A_107 = arith.constant 0 : i32
      %dma_start3A_108 = arith.constant 0 : i32
      %dma_start3A_109 = tpu.memref_slice %arg2[%dma_start3A_107, %dma_start3A_108] : memref<10112x128xf32, #tpu.memory_space<hbm>> -> memref<10112x128xf32, #tpu.memory_space<hbm>>
      tpu.enqueue_indirect_dma source(%dma_start3A_109 : memref<10112x128xf32, #tpu.memory_space<hbm>>) target(%arg10 : memref<128x128xf32, #tpu.memory_space<vmem>>) offsets(%dma_start3A_106 : memref<128xi32, #tpu.memory_space<vmem>>) semaphore(%arg12 : memref<!tpu.dma_semaphore, #tpu.memory_space<semaphore_mem>>)
      %dma_wait3A_110 = arith.constant 0 : i32
      %dma_wait3A_111 = arith.constant 0 : i32
      %dma_wait3A_112 = tpu.memref_slice %arg7[%dma_wait3A_110, %dma_wait3A_111] : memref<8x128xi32, #tpu.memory_space<vmem>> -> memref<1x128xi32, #tpu.memory_space<vmem>>
      %dma_wait3A_113 = tpu.memref_squeeze %dma_wait3A_112 : memref<1x128xi32, #tpu.memory_space<vmem>> -> memref<128xi32, #tpu.memory_space<vmem>>
      %dma_wait3A_114 = arith.constant 0 : i32
      %dma_wait3A_115 = arith.constant 0 : i32
      %dma_wait3A_116 = tpu.memref_slice %arg2[%dma_wait3A_114, %dma_wait3A_115] : memref<10112x128xf32, #tpu.memory_space<hbm>> -> memref<10112x128xf32, #tpu.memory_space<hbm>>
      tpu.wait_indirect_dma semaphore(%arg11 : memref<!tpu.dma_semaphore, #tpu.memory_space<semaphore_mem>>) src(%dma_wait3A_116 : memref<10112x128xf32, #tpu.memory_space<hbm>>) dst(%arg9 : memref<128x128xf32, #tpu.memory_space<vmem>>)
      %mul3A_117 = arith.constant 16 : i32
      %mul3A_118 = arith.muli %mul3A_117, %scan3A_45 : i32
      %add3A_119 = arith.constant 2 : i32
      %add3A_120 = arith.addi %mul3A_118, %add3A_119 : i32
      %dma_start3A_121 = arith.constant 0 : i32
      %dma_start3A_122 = tpu.memref_slice %arg6[%add3A_120, %dma_start3A_121] : memref<80x128xi32, #tpu.memory_space<vmem>> -> memref<1x128xi32, #tpu.memory_space<vmem>>
      %dma_start3A_123 = tpu.memref_squeeze %dma_start3A_122 : memref<1x128xi32, #tpu.memory_space<vmem>> -> memref<128xi32, #tpu.memory_space<vmem>>
      %dma_start3A_124 = arith.constant 0 : i32
      %dma_start3A_125 = arith.constant 0 : i32
      %dma_start3A_126 = tpu.memref_slice %arg17[%dma_start3A_124, %dma_start3A_125] : memref<10112x128xf32, #tpu.memory_space<vmem_shared>> -> memref<10112x128xf32, #tpu.memory_space<vmem_shared>>
      tpu.enqueue_indirect_dma source(%arg9 : memref<128x128xf32, #tpu.memory_space<vmem>>) target(%dma_start3A_126 : memref<10112x128xf32, #tpu.memory_space<vmem_shared>>) offsets(%dma_start3A_123 : memref<128xi32, #tpu.memory_space<vmem>>) semaphore(%arg13 : memref<!tpu.dma_semaphore, #tpu.memory_space<semaphore_mem>>) {add = true}
      %dma_wait3A_127 = arith.constant 0 : i32
      %dma_wait3A_128 = arith.constant 0 : i32
      %dma_wait3A_129 = tpu.memref_slice %arg6[%dma_wait3A_127, %dma_wait3A_128] : memref<80x128xi32, #tpu.memory_space<vmem>> -> memref<1x128xi32, #tpu.memory_space<vmem>>
      %dma_wait3A_130 = tpu.memref_squeeze %dma_wait3A_129 : memref<1x128xi32, #tpu.memory_space<vmem>> -> memref<128xi32, #tpu.memory_space<vmem>>
      %dma_wait3A_131 = arith.constant 0 : i32
      %dma_wait3A_132 = arith.constant 0 : i32
      %dma_wait3A_133 = tpu.memref_slice %arg17[%dma_wait3A_131, %dma_wait3A_132] : memref<10112x128xf32, #tpu.memory_space<vmem_shared>> -> memref<10112x128xf32, #tpu.memory_space<vmem_shared>>
      tpu.wait_indirect_dma semaphore(%arg13 : memref<!tpu.dma_semaphore, #tpu.memory_space<semaphore_mem>>) src(%arg9 : memref<128x128xf32, #tpu.memory_space<vmem>>) dst(%dma_wait3A_133 : memref<10112x128xf32, #tpu.memory_space<vmem_shared>>)
      %dma_start3A_134 = arith.constant 4 : i32
      %dma_start3A_135 = arith.constant 0 : i32
      %dma_start3A_136 = tpu.memref_slice %arg7[%dma_start3A_134, %dma_start3A_135] : memref<8x128xi32, #tpu.memory_space<vmem>> -> memref<1x128xi32, #tpu.memory_space<vmem>>
      %dma_start3A_137 = tpu.memref_squeeze %dma_start3A_136 : memref<1x128xi32, #tpu.memory_space<vmem>> -> memref<128xi32, #tpu.memory_space<vmem>>
      %dma_start3A_138 = arith.constant 0 : i32
      %dma_start3A_139 = arith.constant 0 : i32
      %dma_start3A_140 = tpu.memref_slice %arg2[%dma_start3A_138, %dma_start3A_139] : memref<10112x128xf32, #tpu.memory_space<hbm>> -> memref<10112x128xf32, #tpu.memory_space<hbm>>
      tpu.enqueue_indirect_dma source(%dma_start3A_140 : memref<10112x128xf32, #tpu.memory_space<hbm>>) target(%arg9 : memref<128x128xf32, #tpu.memory_space<vmem>>) offsets(%dma_start3A_137 : memref<128xi32, #tpu.memory_space<vmem>>) semaphore(%arg11 : memref<!tpu.dma_semaphore, #tpu.memory_space<semaphore_mem>>)
      %dma_wait3A_141 = arith.constant 0 : i32
      %dma_wait3A_142 = arith.constant 0 : i32
      %dma_wait3A_143 = tpu.memref_slice %arg7[%dma_wait3A_141, %dma_wait3A_142] : memref<8x128xi32, #tpu.memory_space<vmem>> -> memref<1x128xi32, #tpu.memory_space<vmem>>
      %dma_wait3A_144 = tpu.memref_squeeze %dma_wait3A_143 : memref<1x128xi32, #tpu.memory_space<vmem>> -> memref<128xi32, #tpu.memory_space<vmem>>
      %dma_wait3A_145 = arith.constant 0 : i32
      %dma_wait3A_146 = arith.constant 0 : i32
      %dma_wait3A_147 = tpu.memref_slice %arg2[%dma_wait3A_145, %dma_wait3A_146] : memref<10112x128xf32, #tpu.memory_space<hbm>> -> memref<10112x128xf32, #tpu.memory_space<hbm>>
      tpu.wait_indirect_dma semaphore(%arg12 : memref<!tpu.dma_semaphore, #tpu.memory_space<semaphore_mem>>) src(%dma_wait3A_147 : memref<10112x128xf32, #tpu.memory_space<hbm>>) dst(%arg10 : memref<128x128xf32, #tpu.memory_space<vmem>>)
      %mul3A_148 = arith.constant 16 : i32
      %mul3A_149 = arith.muli %mul3A_148, %scan3A_45 : i32
      %add3A_150 = arith.constant 3 : i32
      %add3A_151 = arith.addi %mul3A_149, %add3A_150 : i32
      %dma_start3A_152 = arith.constant 0 : i32
      %dma_start3A_153 = tpu.memref_slice %arg6[%add3A_151, %dma_start3A_152] : memref<80x128xi32, #tpu.memory_space<vmem>> -> memref<1x128xi32, #tpu.memory_space<vmem>>
      %dma_start3A_154 = tpu.memref_squeeze %dma_start3A_153 : memref<1x128xi32, #tpu.memory_space<vmem>> -> memref<128xi32, #tpu.memory_space<vmem>>
      %dma_start3A_155 = arith.constant 0 : i32
      %dma_start3A_156 = arith.constant 0 : i32
      %dma_start3A_157 = tpu.memref_slice %arg17[%dma_start3A_155, %dma_start3A_156] : memref<10112x128xf32, #tpu.memory_space<vmem_shared>> -> memref<10112x128xf32, #tpu.memory_space<vmem_shared>>
      tpu.enqueue_indirect_dma source(%arg10 : memref<128x128xf32, #tpu.memory_space<vmem>>) target(%dma_start3A_157 : memref<10112x128xf32, #tpu.memory_space<vmem_shared>>) offsets(%dma_start3A_154 : memref<128xi32, #tpu.memory_space<vmem>>) semaphore(%arg14 : memref<!tpu.dma_semaphore, #tpu.memory_space<semaphore_mem>>) {add = true}
      %dma_wait3A_158 = arith.constant 0 : i32
      %dma_wait3A_159 = arith.constant 0 : i32
      %dma_wait3A_160 = tpu.memref_slice %arg6[%dma_wait3A_158, %dma_wait3A_159] : memref<80x128xi32, #tpu.memory_space<vmem>> -> memref<1x128xi32, #tpu.memory_space<vmem>>
      %dma_wait3A_161 = tpu.memref_squeeze %dma_wait3A_160 : memref<1x128xi32, #tpu.memory_space<vmem>> -> memref<128xi32, #tpu.memory_space<vmem>>
      %dma_wait3A_162 = arith.constant 0 : i32
      %dma_wait3A_163 = arith.constant 0 : i32
      %dma_wait3A_164 = tpu.memref_slice %arg17[%dma_wait3A_162, %dma_wait3A_163] : memref<10112x128xf32, #tpu.memory_space<vmem_shared>> -> memref<10112x128xf32, #tpu.memory_space<vmem_shared>>
      tpu.wait_indirect_dma semaphore(%arg14 : memref<!tpu.dma_semaphore, #tpu.memory_space<semaphore_mem>>) src(%arg10 : memref<128x128xf32, #tpu.memory_space<vmem>>) dst(%dma_wait3A_164 : memref<10112x128xf32, #tpu.memory_space<vmem_shared>>)
      %dma_start3A_165 = arith.constant 5 : i32
      %dma_start3A_166 = arith.constant 0 : i32
      %dma_start3A_167 = tpu.memref_slice %arg7[%dma_start3A_165, %dma_start3A_166] : memref<8x128xi32, #tpu.memory_space<vmem>> -> memref<1x128xi32, #tpu.memory_space<vmem>>
      %dma_start3A_168 = tpu.memref_squeeze %dma_start3A_167 : memref<1x128xi32, #tpu.memory_space<vmem>> -> memref<128xi32, #tpu.memory_space<vmem>>
      %dma_start3A_169 = arith.constant 0 : i32
      %dma_start3A_170 = arith.constant 0 : i32
      %dma_start3A_171 = tpu.memref_slice %arg2[%dma_start3A_169, %dma_start3A_170] : memref<10112x128xf32, #tpu.memory_space<hbm>> -> memref<10112x128xf32, #tpu.memory_space<hbm>>
      tpu.enqueue_indirect_dma source(%dma_start3A_171 : memref<10112x128xf32, #tpu.memory_space<hbm>>) target(%arg10 : memref<128x128xf32, #tpu.memory_space<vmem>>) offsets(%dma_start3A_168 : memref<128xi32, #tpu.memory_space<vmem>>) semaphore(%arg12 : memref<!tpu.dma_semaphore, #tpu.memory_space<semaphore_mem>>)
      %dma_wait3A_172 = arith.constant 0 : i32
      %dma_wait3A_173 = arith.constant 0 : i32
      %dma_wait3A_174 = tpu.memref_slice %arg7[%dma_wait3A_172, %dma_wait3A_173] : memref<8x128xi32, #tpu.memory_space<vmem>> -> memref<1x128xi32, #tpu.memory_space<vmem>>
      %dma_wait3A_175 = tpu.memref_squeeze %dma_wait3A_174 : memref<1x128xi32, #tpu.memory_space<vmem>> -> memref<128xi32, #tpu.memory_space<vmem>>
      %dma_wait3A_176 = arith.constant 0 : i32
      %dma_wait3A_177 = arith.constant 0 : i32
      %dma_wait3A_178 = tpu.memref_slice %arg2[%dma_wait3A_176, %dma_wait3A_177] : memref<10112x128xf32, #tpu.memory_space<hbm>> -> memref<10112x128xf32, #tpu.memory_space<hbm>>
      tpu.wait_indirect_dma semaphore(%arg11 : memref<!tpu.dma_semaphore, #tpu.memory_space<semaphore_mem>>) src(%dma_wait3A_178 : memref<10112x128xf32, #tpu.memory_space<hbm>>) dst(%arg9 : memref<128x128xf32, #tpu.memory_space<vmem>>)
      %mul3A_179 = arith.constant 16 : i32
      %mul3A_180 = arith.muli %mul3A_179, %scan3A_45 : i32
      %add3A_181 = arith.constant 4 : i32
      %add3A_182 = arith.addi %mul3A_180, %add3A_181 : i32
      %dma_start3A_183 = arith.constant 0 : i32
      %dma_start3A_184 = tpu.memref_slice %arg6[%add3A_182, %dma_start3A_183] : memref<80x128xi32, #tpu.memory_space<vmem>> -> memref<1x128xi32, #tpu.memory_space<vmem>>
      %dma_start3A_185 = tpu.memref_squeeze %dma_start3A_184 : memref<1x128xi32, #tpu.memory_space<vmem>> -> memref<128xi32, #tpu.memory_space<vmem>>
      %dma_start3A_186 = arith.constant 0 : i32
      %dma_start3A_187 = arith.constant 0 : i32
      %dma_start3A_188 = tpu.memref_slice %arg17[%dma_start3A_186, %dma_start3A_187] : memref<10112x128xf32, #tpu.memory_space<vmem_shared>> -> memref<10112x128xf32, #tpu.memory_space<vmem_shared>>
      tpu.enqueue_indirect_dma source(%arg9 : memref<128x128xf32, #tpu.memory_space<vmem>>) target(%dma_start3A_188 : memref<10112x128xf32, #tpu.memory_space<vmem_shared>>) offsets(%dma_start3A_185 : memref<128xi32, #tpu.memory_space<vmem>>) semaphore(%arg13 : memref<!tpu.dma_semaphore, #tpu.memory_space<semaphore_mem>>) {add = true}
      %dma_wait3A_189 = arith.constant 0 : i32
      %dma_wait3A_190 = arith.constant 0 : i32
      %dma_wait3A_191 = tpu.memref_slice %arg6[%dma_wait3A_189, %dma_wait3A_190] : memref<80x128xi32, #tpu.memory_space<vmem>> -> memref<1x128xi32, #tpu.memory_space<vmem>>
      %dma_wait3A_192 = tpu.memref_squeeze %dma_wait3A_191 : memref<1x128xi32, #tpu.memory_space<vmem>> -> memref<128xi32, #tpu.memory_space<vmem>>
      %dma_wait3A_193 = arith.constant 0 : i32
      %dma_wait3A_194 = arith.constant 0 : i32
      %dma_wait3A_195 = tpu.memref_slice %arg17[%dma_wait3A_193, %dma_wait3A_194] : memref<10112x128xf32, #tpu.memory_space<vmem_shared>> -> memref<10112x128xf32, #tpu.memory_space<vmem_shared>>
      tpu.wait_indirect_dma semaphore(%arg13 : memref<!tpu.dma_semaphore, #tpu.memory_space<semaphore_mem>>) src(%arg9 : memref<128x128xf32, #tpu.memory_space<vmem>>) dst(%dma_wait3A_195 : memref<10112x128xf32, #tpu.memory_space<vmem_shared>>)
      %dma_start3A_196 = arith.constant 6 : i32
      %dma_start3A_197 = arith.constant 0 : i32
      %dma_start3A_198 = tpu.memref_slice %arg7[%dma_start3A_196, %dma_start3A_197] : memref<8x128xi32, #tpu.memory_space<vmem>> -> memref<1x128xi32, #tpu.memory_space<vmem>>
      %dma_start3A_199 = tpu.memref_squeeze %dma_start3A_198 : memref<1x128xi32, #tpu.memory_space<vmem>> -> memref<128xi32, #tpu.memory_space<vmem>>
      %dma_start3A_200 = arith.constant 0 : i32
      %dma_start3A_201 = arith.constant 0 : i32
      %dma_start3A_202 = tpu.memref_slice %arg2[%dma_start3A_200, %dma_start3A_201] : memref<10112x128xf32, #tpu.memory_space<hbm>> -> memref<10112x128xf32, #tpu.memory_space<hbm>>
      tpu.enqueue_indirect_dma source(%dma_start3A_202 : memref<10112x128xf32, #tpu.memory_space<hbm>>) target(%arg9 : memref<128x128xf32, #tpu.memory_space<vmem>>) offsets(%dma_start3A_199 : memref<128xi32, #tpu.memory_space<vmem>>) semaphore(%arg11 : memref<!tpu.dma_semaphore, #tpu.memory_space<semaphore_mem>>)
      %dma_wait3A_203 = arith.constant 0 : i32
      %dma_wait3A_204 = arith.constant 0 : i32
      %dma_wait3A_205 = tpu.memref_slice %arg7[%dma_wait3A_203, %dma_wait3A_204] : memref<8x128xi32, #tpu.memory_space<vmem>> -> memref<1x128xi32, #tpu.memory_space<vmem>>
      %dma_wait3A_206 = tpu.memref_squeeze %dma_wait3A_205 : memref<1x128xi32, #tpu.memory_space<vmem>> -> memref<128xi32, #tpu.memory_space<vmem>>
      %dma_wait3A_207 = arith.constant 0 : i32
      %dma_wait3A_208 = arith.constant 0 : i32
      %dma_wait3A_209 = tpu.memref_slice %arg2[%dma_wait3A_207, %dma_wait3A_208] : memref<10112x128xf32, #tpu.memory_space<hbm>> -> memref<10112x128xf32, #tpu.memory_space<hbm>>
      tpu.wait_indirect_dma semaphore(%arg12 : memref<!tpu.dma_semaphore, #tpu.memory_space<semaphore_mem>>) src(%dma_wait3A_209 : memref<10112x128xf32, #tpu.memory_space<hbm>>) dst(%arg10 : memref<128x128xf32, #tpu.memory_space<vmem>>)
      %mul3A_210 = arith.constant 16 : i32
      %mul3A_211 = arith.muli %mul3A_210, %scan3A_45 : i32
      %add3A_212 = arith.constant 5 : i32
      %add3A_213 = arith.addi %mul3A_211, %add3A_212 : i32
      %dma_start3A_214 = arith.constant 0 : i32
      %dma_start3A_215 = tpu.memref_slice %arg6[%add3A_213, %dma_start3A_214] : memref<80x128xi32, #tpu.memory_space<vmem>> -> memref<1x128xi32, #tpu.memory_space<vmem>>
      %dma_start3A_216 = tpu.memref_squeeze %dma_start3A_215 : memref<1x128xi32, #tpu.memory_space<vmem>> -> memref<128xi32, #tpu.memory_space<vmem>>
      %dma_start3A_217 = arith.constant 0 : i32
      %dma_start3A_218 = arith.constant 0 : i32
      %dma_start3A_219 = tpu.memref_slice %arg17[%dma_start3A_217, %dma_start3A_218] : memref<10112x128xf32, #tpu.memory_space<vmem_shared>> -> memref<10112x128xf32, #tpu.memory_space<vmem_shared>>
      tpu.enqueue_indirect_dma source(%arg10 : memref<128x128xf32, #tpu.memory_space<vmem>>) target(%dma_start3A_219 : memref<10112x128xf32, #tpu.memory_space<vmem_shared>>) offsets(%dma_start3A_216 : memref<128xi32, #tpu.memory_space<vmem>>) semaphore(%arg14 : memref<!tpu.dma_semaphore, #tpu.memory_space<semaphore_mem>>) {add = true}
      %dma_wait3A_220 = arith.constant 0 : i32
      %dma_wait3A_221 = arith.constant 0 : i32
      %dma_wait3A_222 = tpu.memref_slice %arg6[%dma_wait3A_220, %dma_wait3A_221] : memref<80x128xi32, #tpu.memory_space<vmem>> -> memref<1x128xi32, #tpu.memory_space<vmem>>
      %dma_wait3A_223 = tpu.memref_squeeze %dma_wait3A_222 : memref<1x128xi32, #tpu.memory_space<vmem>> -> memref<128xi32, #tpu.memory_space<vmem>>
      %dma_wait3A_224 = arith.constant 0 : i32
      %dma_wait3A_225 = arith.constant 0 : i32
      %dma_wait3A_226 = tpu.memref_slice %arg17[%dma_wait3A_224, %dma_wait3A_225] : memref<10112x128xf32, #tpu.memory_space<vmem_shared>> -> memref<10112x128xf32, #tpu.memory_space<vmem_shared>>
      tpu.wait_indirect_dma semaphore(%arg14 : memref<!tpu.dma_semaphore, #tpu.memory_space<semaphore_mem>>) src(%arg10 : memref<128x128xf32, #tpu.memory_space<vmem>>) dst(%dma_wait3A_226 : memref<10112x128xf32, #tpu.memory_space<vmem_shared>>)
      %dma_start3A_227 = arith.constant 7 : i32
      %dma_start3A_228 = arith.constant 0 : i32
      %dma_start3A_229 = tpu.memref_slice %arg7[%dma_start3A_227, %dma_start3A_228] : memref<8x128xi32, #tpu.memory_space<vmem>> -> memref<1x128xi32, #tpu.memory_space<vmem>>
      %dma_start3A_230 = tpu.memref_squeeze %dma_start3A_229 : memref<1x128xi32, #tpu.memory_space<vmem>> -> memref<128xi32, #tpu.memory_space<vmem>>
      %dma_start3A_231 = arith.constant 0 : i32
      %dma_start3A_232 = arith.constant 0 : i32
      %dma_start3A_233 = tpu.memref_slice %arg2[%dma_start3A_231, %dma_start3A_232] : memref<10112x128xf32, #tpu.memory_space<hbm>> -> memref<10112x128xf32, #tpu.memory_space<hbm>>
      tpu.enqueue_indirect_dma source(%dma_start3A_233 : memref<10112x128xf32, #tpu.memory_space<hbm>>) target(%arg10 : memref<128x128xf32, #tpu.memory_space<vmem>>) offsets(%dma_start3A_230 : memref<128xi32, #tpu.memory_space<vmem>>) semaphore(%arg12 : memref<!tpu.dma_semaphore, #tpu.memory_space<semaphore_mem>>)
      %dma_wait3A_234 = arith.constant 0 : i32
      %dma_wait3A_235 = arith.constant 0 : i32
      %dma_wait3A_236 = tpu.memref_slice %arg7[%dma_wait3A_234, %dma_wait3A_235] : memref<8x128xi32, #tpu.memory_space<vmem>> -> memref<1x128xi32, #tpu.memory_space<vmem>>
      %dma_wait3A_237 = tpu.memref_squeeze %dma_wait3A_236 : memref<1x128xi32, #tpu.memory_space<vmem>> -> memref<128xi32, #tpu.memory_space<vmem>>
      %dma_wait3A_238 = arith.constant 0 : i32
      %dma_wait3A_239 = arith.constant 0 : i32
      %dma_wait3A_240 = tpu.memref_slice %arg2[%dma_wait3A_238, %dma_wait3A_239] : memref<10112x128xf32, #tpu.memory_space<hbm>> -> memref<10112x128xf32, #tpu.memory_space<hbm>>
      tpu.wait_indirect_dma semaphore(%arg11 : memref<!tpu.dma_semaphore, #tpu.memory_space<semaphore_mem>>) src(%dma_wait3A_240 : memref<10112x128xf32, #tpu.memory_space<hbm>>) dst(%arg9 : memref<128x128xf32, #tpu.memory_space<vmem>>)
      %mul3A_241 = arith.constant 16 : i32
      %mul3A_242 = arith.muli %mul3A_241, %scan3A_45 : i32
      %add3A_243 = arith.constant 6 : i32
      %add3A_244 = arith.addi %mul3A_242, %add3A_243 : i32
      %dma_start3A_245 = arith.constant 0 : i32
      %dma_start3A_246 = tpu.memref_slice %arg6[%add3A_244, %dma_start3A_245] : memref<80x128xi32, #tpu.memory_space<vmem>> -> memref<1x128xi32, #tpu.memory_space<vmem>>
      %dma_start3A_247 = tpu.memref_squeeze %dma_start3A_246 : memref<1x128xi32, #tpu.memory_space<vmem>> -> memref<128xi32, #tpu.memory_space<vmem>>
      %dma_start3A_248 = arith.constant 0 : i32
      %dma_start3A_249 = arith.constant 0 : i32
      %dma_start3A_250 = tpu.memref_slice %arg17[%dma_start3A_248, %dma_start3A_249] : memref<10112x128xf32, #tpu.memory_space<vmem_shared>> -> memref<10112x128xf32, #tpu.memory_space<vmem_shared>>
      tpu.enqueue_indirect_dma source(%arg9 : memref<128x128xf32, #tpu.memory_space<vmem>>) target(%dma_start3A_250 : memref<10112x128xf32, #tpu.memory_space<vmem_shared>>) offsets(%dma_start3A_247 : memref<128xi32, #tpu.memory_space<vmem>>) semaphore(%arg13 : memref<!tpu.dma_semaphore, #tpu.memory_space<semaphore_mem>>) {add = true}
      %dma_wait3A_251 = arith.constant 0 : i32
      %dma_wait3A_252 = arith.constant 0 : i32
      %dma_wait3A_253 = tpu.memref_slice %arg6[%dma_wait3A_251, %dma_wait3A_252] : memref<80x128xi32, #tpu.memory_space<vmem>> -> memref<1x128xi32, #tpu.memory_space<vmem>>
      %dma_wait3A_254 = tpu.memref_squeeze %dma_wait3A_253 : memref<1x128xi32, #tpu.memory_space<vmem>> -> memref<128xi32, #tpu.memory_space<vmem>>
      %dma_wait3A_255 = arith.constant 0 : i32
      %dma_wait3A_256 = arith.constant 0 : i32
      %dma_wait3A_257 = tpu.memref_slice %arg17[%dma_wait3A_255, %dma_wait3A_256] : memref<10112x128xf32, #tpu.memory_space<vmem_shared>> -> memref<10112x128xf32, #tpu.memory_space<vmem_shared>>
      tpu.wait_indirect_dma semaphore(%arg13 : memref<!tpu.dma_semaphore, #tpu.memory_space<semaphore_mem>>) src(%arg9 : memref<128x128xf32, #tpu.memory_space<vmem>>) dst(%dma_wait3A_257 : memref<10112x128xf32, #tpu.memory_space<vmem_shared>>)
      %dma_wait3A_258 = arith.constant 0 : i32
      %dma_wait3A_259 = tpu.memref_slice %arg3[%add3A, %dma_wait3A_258] : memref<2560x128xi32, #tpu.memory_space<hbm>> -> memref<8x128xi32, #tpu.memory_space<hbm>>
      %dma_wait3A_260 = arith.constant 0 : i32
      %dma_wait3A_261 = tpu.memref_slice %arg3[%add3A, %dma_wait3A_260] : memref<2560x128xi32, #tpu.memory_space<hbm>> -> memref<8x128xi32, #tpu.memory_space<hbm>>
      tpu.wait_dma2 semaphore(%arg16 : memref<!tpu.dma_semaphore, #tpu.memory_space<semaphore_mem>>) src(%dma_wait3A_261 : memref<8x128xi32, #tpu.memory_space<hbm>>) dst(%arg8 : memref<8x128xi32, #tpu.memory_space<vmem>>)
      %dma_start3A_262 = arith.constant 0 : i32
      %dma_start3A_263 = arith.constant 0 : i32
      %dma_start3A_264 = tpu.memref_slice %arg8[%dma_start3A_262, %dma_start3A_263] : memref<8x128xi32, #tpu.memory_space<vmem>> -> memref<1x128xi32, #tpu.memory_space<vmem>>
      %dma_start3A_265 = tpu.memref_squeeze %dma_start3A_264 : memref<1x128xi32, #tpu.memory_space<vmem>> -> memref<128xi32, #tpu.memory_space<vmem>>
      %dma_start3A_266 = arith.constant 0 : i32
      %dma_start3A_267 = arith.constant 0 : i32
      %dma_start3A_268 = tpu.memref_slice %arg2[%dma_start3A_266, %dma_start3A_267] : memref<10112x128xf32, #tpu.memory_space<hbm>> -> memref<10112x128xf32, #tpu.memory_space<hbm>>
      tpu.enqueue_indirect_dma source(%dma_start3A_268 : memref<10112x128xf32, #tpu.memory_space<hbm>>) target(%arg9 : memref<128x128xf32, #tpu.memory_space<vmem>>) offsets(%dma_start3A_265 : memref<128xi32, #tpu.memory_space<vmem>>) semaphore(%arg11 : memref<!tpu.dma_semaphore, #tpu.memory_space<semaphore_mem>>)
      %dma_wait3A_269 = arith.constant 0 : i32
      %dma_wait3A_270 = arith.constant 0 : i32
      %dma_wait3A_271 = tpu.memref_slice %arg7[%dma_wait3A_269, %dma_wait3A_270] : memref<8x128xi32, #tpu.memory_space<vmem>> -> memref<1x128xi32, #tpu.memory_space<vmem>>
      %dma_wait3A_272 = tpu.memref_squeeze %dma_wait3A_271 : memref<1x128xi32, #tpu.memory_space<vmem>> -> memref<128xi32, #tpu.memory_space<vmem>>
      %dma_wait3A_273 = arith.constant 0 : i32
      %dma_wait3A_274 = arith.constant 0 : i32
      %dma_wait3A_275 = tpu.memref_slice %arg2[%dma_wait3A_273, %dma_wait3A_274] : memref<10112x128xf32, #tpu.memory_space<hbm>> -> memref<10112x128xf32, #tpu.memory_space<hbm>>
      tpu.wait_indirect_dma semaphore(%arg12 : memref<!tpu.dma_semaphore, #tpu.memory_space<semaphore_mem>>) src(%dma_wait3A_275 : memref<10112x128xf32, #tpu.memory_space<hbm>>) dst(%arg10 : memref<128x128xf32, #tpu.memory_space<vmem>>)
      %mul3A_276 = arith.constant 16 : i32
      %mul3A_277 = arith.muli %mul3A_276, %scan3A_45 : i32
      %add3A_278 = arith.constant 7 : i32
      %add3A_279 = arith.addi %mul3A_277, %add3A_278 : i32
      %dma_start3A_280 = arith.constant 0 : i32
      %dma_start3A_281 = tpu.memref_slice %arg6[%add3A_279, %dma_start3A_280] : memref<80x128xi32, #tpu.memory_space<vmem>> -> memref<1x128xi32, #tpu.memory_space<vmem>>
      %dma_start3A_282 = tpu.memref_squeeze %dma_start3A_281 : memref<1x128xi32, #tpu.memory_space<vmem>> -> memref<128xi32, #tpu.memory_space<vmem>>
      %dma_start3A_283 = arith.constant 0 : i32
      %dma_start3A_284 = arith.constant 0 : i32
      %dma_start3A_285 = tpu.memref_slice %arg17[%dma_start3A_283, %dma_start3A_284] : memref<10112x128xf32, #tpu.memory_space<vmem_shared>> -> memref<10112x128xf32, #tpu.memory_space<vmem_shared>>
      tpu.enqueue_indirect_dma source(%arg10 : memref<128x128xf32, #tpu.memory_space<vmem>>) target(%dma_start3A_285 : memref<10112x128xf32, #tpu.memory_space<vmem_shared>>) offsets(%dma_start3A_282 : memref<128xi32, #tpu.memory_space<vmem>>) semaphore(%arg14 : memref<!tpu.dma_semaphore, #tpu.memory_space<semaphore_mem>>) {add = true}
      %dma_wait3A_286 = arith.constant 0 : i32
      %dma_wait3A_287 = arith.constant 0 : i32
      %dma_wait3A_288 = tpu.memref_slice %arg6[%dma_wait3A_286, %dma_wait3A_287] : memref<80x128xi32, #tpu.memory_space<vmem>> -> memref<1x128xi32, #tpu.memory_space<vmem>>
      %dma_wait3A_289 = tpu.memref_squeeze %dma_wait3A_288 : memref<1x128xi32, #tpu.memory_space<vmem>> -> memref<128xi32, #tpu.memory_space<vmem>>
      %dma_wait3A_290 = arith.constant 0 : i32
      %dma_wait3A_291 = arith.constant 0 : i32
      %dma_wait3A_292 = tpu.memref_slice %arg17[%dma_wait3A_290, %dma_wait3A_291] : memref<10112x128xf32, #tpu.memory_space<vmem_shared>> -> memref<10112x128xf32, #tpu.memory_space<vmem_shared>>
      tpu.wait_indirect_dma semaphore(%arg14 : memref<!tpu.dma_semaphore, #tpu.memory_space<semaphore_mem>>) src(%arg10 : memref<128x128xf32, #tpu.memory_space<vmem>>) dst(%dma_wait3A_292 : memref<10112x128xf32, #tpu.memory_space<vmem_shared>>)
      %dma_start3A_293 = arith.constant 1 : i32
      %dma_start3A_294 = arith.constant 0 : i32
      %dma_start3A_295 = tpu.memref_slice %arg8[%dma_start3A_293, %dma_start3A_294] : memref<8x128xi32, #tpu.memory_space<vmem>> -> memref<1x128xi32, #tpu.memory_space<vmem>>
      %dma_start3A_296 = tpu.memref_squeeze %dma_start3A_295 : memref<1x128xi32, #tpu.memory_space<vmem>> -> memref<128xi32, #tpu.memory_space<vmem>>
      %dma_start3A_297 = arith.constant 0 : i32
      %dma_start3A_298 = arith.constant 0 : i32
      %dma_start3A_299 = tpu.memref_slice %arg2[%dma_start3A_297, %dma_start3A_298] : memref<10112x128xf32, #tpu.memory_space<hbm>> -> memref<10112x128xf32, #tpu.memory_space<hbm>>
      tpu.enqueue_indirect_dma source(%dma_start3A_299 : memref<10112x128xf32, #tpu.memory_space<hbm>>) target(%arg10 : memref<128x128xf32, #tpu.memory_space<vmem>>) offsets(%dma_start3A_296 : memref<128xi32, #tpu.memory_space<vmem>>) semaphore(%arg12 : memref<!tpu.dma_semaphore, #tpu.memory_space<semaphore_mem>>)
      %lt3A = arith.constant 4 : i32
      %lt3A_300 = arith.cmpi slt, %scan3A_45, %lt3A : i32
      %convert_element_type3A_301 = arith.extui %lt3A_300 : i1 to i32
      %cond3A_302 = arith.constant 0 : i32
      %cond3A_303 = arith.cmpi ne, %convert_element_type3A_301, %cond3A_302 : i32
      scf.if %cond3A_303 {
        %mul3A_564 = arith.constant 2 : i32
        %mul3A_565 = arith.muli %mul3A_564, %scan3A_45 : i32
        %add3A_566 = arith.constant 2 : i32
        %add3A_567 = arith.addi %mul3A_565, %add3A_566 : i32
        %mul3A_568 = arith.constant 8 : i32
        %mul3A_569 = arith.muli %mul3A_568, %add3A_567 : i32
        %add3A_570 = arith.addi %add3A, %mul3A_569 : i32
        %dma_start3A_571 = arith.constant 0 : i32
        %dma_start3A_572 = tpu.memref_slice %arg3[%add3A_570, %dma_start3A_571] : memref<2560x128xi32, #tpu.memory_space<hbm>> -> memref<8x128xi32, #tpu.memory_space<hbm>>
        %dma_start3A_573 = arith.constant 0 : i32
        %dma_start3A_574 = tpu.memref_slice %arg3[%add3A_570, %dma_start3A_573] : memref<2560x128xi32, #tpu.memory_space<hbm>> -> memref<8x128xi32, #tpu.memory_space<hbm>>
        tpu.enqueue_dma source(%dma_start3A_574 : memref<8x128xi32, #tpu.memory_space<hbm>>) target(%arg7 : memref<8x128xi32, #tpu.memory_space<vmem>>) target_semaphore(%arg15 : memref<!tpu.dma_semaphore, #tpu.memory_space<semaphore_mem>>)
      } else {
      }
      %dma_wait3A_304 = arith.constant 0 : i32
      %dma_wait3A_305 = arith.constant 0 : i32
      %dma_wait3A_306 = tpu.memref_slice %arg7[%dma_wait3A_304, %dma_wait3A_305] : memref<8x128xi32, #tpu.memory_space<vmem>> -> memref<1x128xi32, #tpu.memory_space<vmem>>
      %dma_wait3A_307 = tpu.memref_squeeze %dma_wait3A_306 : memref<1x128xi32, #tpu.memory_space<vmem>> -> memref<128xi32, #tpu.memory_space<vmem>>
      %dma_wait3A_308 = arith.constant 0 : i32
      %dma_wait3A_309 = arith.constant 0 : i32
      %dma_wait3A_310 = tpu.memref_slice %arg2[%dma_wait3A_308, %dma_wait3A_309] : memref<10112x128xf32, #tpu.memory_space<hbm>> -> memref<10112x128xf32, #tpu.memory_space<hbm>>
      tpu.wait_indirect_dma semaphore(%arg11 : memref<!tpu.dma_semaphore, #tpu.memory_space<semaphore_mem>>) src(%dma_wait3A_310 : memref<10112x128xf32, #tpu.memory_space<hbm>>) dst(%arg9 : memref<128x128xf32, #tpu.memory_space<vmem>>)
      %mul3A_311 = arith.constant 16 : i32
      %mul3A_312 = arith.muli %mul3A_311, %scan3A_45 : i32
      %add3A_313 = arith.constant 8 : i32
      %add3A_314 = arith.addi %mul3A_312, %add3A_313 : i32
      %add3A_315 = arith.constant 0 : i32
      %add3A_316 = arith.addi %add3A_314, %add3A_315 : i32
      %dma_start3A_317 = arith.constant 0 : i32
      %dma_start3A_318 = tpu.memref_slice %arg6[%add3A_316, %dma_start3A_317] : memref<80x128xi32, #tpu.memory_space<vmem>> -> memref<1x128xi32, #tpu.memory_space<vmem>>
      %dma_start3A_319 = tpu.memref_squeeze %dma_start3A_318 : memref<1x128xi32, #tpu.memory_space<vmem>> -> memref<128xi32, #tpu.memory_space<vmem>>
      %dma_start3A_320 = arith.constant 0 : i32
      %dma_start3A_321 = arith.constant 0 : i32
      %dma_start3A_322 = tpu.memref_slice %arg17[%dma_start3A_320, %dma_start3A_321] : memref<10112x128xf32, #tpu.memory_space<vmem_shared>> -> memref<10112x128xf32, #tpu.memory_space<vmem_shared>>
      tpu.enqueue_indirect_dma source(%arg9 : memref<128x128xf32, #tpu.memory_space<vmem>>) target(%dma_start3A_322 : memref<10112x128xf32, #tpu.memory_space<vmem_shared>>) offsets(%dma_start3A_319 : memref<128xi32, #tpu.memory_space<vmem>>) semaphore(%arg13 : memref<!tpu.dma_semaphore, #tpu.memory_space<semaphore_mem>>) {add = true}
      %dma_wait3A_323 = arith.constant 0 : i32
      %dma_wait3A_324 = arith.constant 0 : i32
      %dma_wait3A_325 = tpu.memref_slice %arg6[%dma_wait3A_323, %dma_wait3A_324] : memref<80x128xi32, #tpu.memory_space<vmem>> -> memref<1x128xi32, #tpu.memory_space<vmem>>
      %dma_wait3A_326 = tpu.memref_squeeze %dma_wait3A_325 : memref<1x128xi32, #tpu.memory_space<vmem>> -> memref<128xi32, #tpu.memory_space<vmem>>
      %dma_wait3A_327 = arith.constant 0 : i32
      %dma_wait3A_328 = arith.constant 0 : i32
      %dma_wait3A_329 = tpu.memref_slice %arg17[%dma_wait3A_327, %dma_wait3A_328] : memref<10112x128xf32, #tpu.memory_space<vmem_shared>> -> memref<10112x128xf32, #tpu.memory_space<vmem_shared>>
      tpu.wait_indirect_dma semaphore(%arg13 : memref<!tpu.dma_semaphore, #tpu.memory_space<semaphore_mem>>) src(%arg9 : memref<128x128xf32, #tpu.memory_space<vmem>>) dst(%dma_wait3A_329 : memref<10112x128xf32, #tpu.memory_space<vmem_shared>>)
      %dma_start3A_330 = arith.constant 2 : i32
      %dma_start3A_331 = arith.constant 0 : i32
      %dma_start3A_332 = tpu.memref_slice %arg8[%dma_start3A_330, %dma_start3A_331] : memref<8x128xi32, #tpu.memory_space<vmem>> -> memref<1x128xi32, #tpu.memory_space<vmem>>
      %dma_start3A_333 = tpu.memref_squeeze %dma_start3A_332 : memref<1x128xi32, #tpu.memory_space<vmem>> -> memref<128xi32, #tpu.memory_space<vmem>>
      %dma_start3A_334 = arith.constant 0 : i32
      %dma_start3A_335 = arith.constant 0 : i32
      %dma_start3A_336 = tpu.memref_slice %arg2[%dma_start3A_334, %dma_start3A_335] : memref<10112x128xf32, #tpu.memory_space<hbm>> -> memref<10112x128xf32, #tpu.memory_space<hbm>>
      tpu.enqueue_indirect_dma source(%dma_start3A_336 : memref<10112x128xf32, #tpu.memory_space<hbm>>) target(%arg9 : memref<128x128xf32, #tpu.memory_space<vmem>>) offsets(%dma_start3A_333 : memref<128xi32, #tpu.memory_space<vmem>>) semaphore(%arg11 : memref<!tpu.dma_semaphore, #tpu.memory_space<semaphore_mem>>)
      %dma_wait3A_337 = arith.constant 0 : i32
      %dma_wait3A_338 = arith.constant 0 : i32
      %dma_wait3A_339 = tpu.memref_slice %arg7[%dma_wait3A_337, %dma_wait3A_338] : memref<8x128xi32, #tpu.memory_space<vmem>> -> memref<1x128xi32, #tpu.memory_space<vmem>>
      %dma_wait3A_340 = tpu.memref_squeeze %dma_wait3A_339 : memref<1x128xi32, #tpu.memory_space<vmem>> -> memref<128xi32, #tpu.memory_space<vmem>>
      %dma_wait3A_341 = arith.constant 0 : i32
      %dma_wait3A_342 = arith.constant 0 : i32
      %dma_wait3A_343 = tpu.memref_slice %arg2[%dma_wait3A_341, %dma_wait3A_342] : memref<10112x128xf32, #tpu.memory_space<hbm>> -> memref<10112x128xf32, #tpu.memory_space<hbm>>
      tpu.wait_indirect_dma semaphore(%arg12 : memref<!tpu.dma_semaphore, #tpu.memory_space<semaphore_mem>>) src(%dma_wait3A_343 : memref<10112x128xf32, #tpu.memory_space<hbm>>) dst(%arg10 : memref<128x128xf32, #tpu.memory_space<vmem>>)
      %mul3A_344 = arith.constant 16 : i32
      %mul3A_345 = arith.muli %mul3A_344, %scan3A_45 : i32
      %add3A_346 = arith.constant 8 : i32
      %add3A_347 = arith.addi %mul3A_345, %add3A_346 : i32
      %add3A_348 = arith.constant 1 : i32
      %add3A_349 = arith.addi %add3A_347, %add3A_348 : i32
      %dma_start3A_350 = arith.constant 0 : i32
      %dma_start3A_351 = tpu.memref_slice %arg6[%add3A_349, %dma_start3A_350] : memref<80x128xi32, #tpu.memory_space<vmem>> -> memref<1x128xi32, #tpu.memory_space<vmem>>
      %dma_start3A_352 = tpu.memref_squeeze %dma_start3A_351 : memref<1x128xi32, #tpu.memory_space<vmem>> -> memref<128xi32, #tpu.memory_space<vmem>>
      %dma_start3A_353 = arith.constant 0 : i32
      %dma_start3A_354 = arith.constant 0 : i32
      %dma_start3A_355 = tpu.memref_slice %arg17[%dma_start3A_353, %dma_start3A_354] : memref<10112x128xf32, #tpu.memory_space<vmem_shared>> -> memref<10112x128xf32, #tpu.memory_space<vmem_shared>>
      tpu.enqueue_indirect_dma source(%arg10 : memref<128x128xf32, #tpu.memory_space<vmem>>) target(%dma_start3A_355 : memref<10112x128xf32, #tpu.memory_space<vmem_shared>>) offsets(%dma_start3A_352 : memref<128xi32, #tpu.memory_space<vmem>>) semaphore(%arg14 : memref<!tpu.dma_semaphore, #tpu.memory_space<semaphore_mem>>) {add = true}
      %dma_wait3A_356 = arith.constant 0 : i32
      %dma_wait3A_357 = arith.constant 0 : i32
      %dma_wait3A_358 = tpu.memref_slice %arg6[%dma_wait3A_356, %dma_wait3A_357] : memref<80x128xi32, #tpu.memory_space<vmem>> -> memref<1x128xi32, #tpu.memory_space<vmem>>
      %dma_wait3A_359 = tpu.memref_squeeze %dma_wait3A_358 : memref<1x128xi32, #tpu.memory_space<vmem>> -> memref<128xi32, #tpu.memory_space<vmem>>
      %dma_wait3A_360 = arith.constant 0 : i32
      %dma_wait3A_361 = arith.constant 0 : i32
      %dma_wait3A_362 = tpu.memref_slice %arg17[%dma_wait3A_360, %dma_wait3A_361] : memref<10112x128xf32, #tpu.memory_space<vmem_shared>> -> memref<10112x128xf32, #tpu.memory_space<vmem_shared>>
      tpu.wait_indirect_dma semaphore(%arg14 : memref<!tpu.dma_semaphore, #tpu.memory_space<semaphore_mem>>) src(%arg10 : memref<128x128xf32, #tpu.memory_space<vmem>>) dst(%dma_wait3A_362 : memref<10112x128xf32, #tpu.memory_space<vmem_shared>>)
      %dma_start3A_363 = arith.constant 3 : i32
      %dma_start3A_364 = arith.constant 0 : i32
      %dma_start3A_365 = tpu.memref_slice %arg8[%dma_start3A_363, %dma_start3A_364] : memref<8x128xi32, #tpu.memory_space<vmem>> -> memref<1x128xi32, #tpu.memory_space<vmem>>
      %dma_start3A_366 = tpu.memref_squeeze %dma_start3A_365 : memref<1x128xi32, #tpu.memory_space<vmem>> -> memref<128xi32, #tpu.memory_space<vmem>>
      %dma_start3A_367 = arith.constant 0 : i32
      %dma_start3A_368 = arith.constant 0 : i32
      %dma_start3A_369 = tpu.memref_slice %arg2[%dma_start3A_367, %dma_start3A_368] : memref<10112x128xf32, #tpu.memory_space<hbm>> -> memref<10112x128xf32, #tpu.memory_space<hbm>>
      tpu.enqueue_indirect_dma source(%dma_start3A_369 : memref<10112x128xf32, #tpu.memory_space<hbm>>) target(%arg10 : memref<128x128xf32, #tpu.memory_space<vmem>>) offsets(%dma_start3A_366 : memref<128xi32, #tpu.memory_space<vmem>>) semaphore(%arg12 : memref<!tpu.dma_semaphore, #tpu.memory_space<semaphore_mem>>)
      %dma_wait3A_370 = arith.constant 0 : i32
      %dma_wait3A_371 = arith.constant 0 : i32
      %dma_wait3A_372 = tpu.memref_slice %arg7[%dma_wait3A_370, %dma_wait3A_371] : memref<8x128xi32, #tpu.memory_space<vmem>> -> memref<1x128xi32, #tpu.memory_space<vmem>>
      %dma_wait3A_373 = tpu.memref_squeeze %dma_wait3A_372 : memref<1x128xi32, #tpu.memory_space<vmem>> -> memref<128xi32, #tpu.memory_space<vmem>>
      %dma_wait3A_374 = arith.constant 0 : i32
      %dma_wait3A_375 = arith.constant 0 : i32
      %dma_wait3A_376 = tpu.memref_slice %arg2[%dma_wait3A_374, %dma_wait3A_375] : memref<10112x128xf32, #tpu.memory_space<hbm>> -> memref<10112x128xf32, #tpu.memory_space<hbm>>
      tpu.wait_indirect_dma semaphore(%arg11 : memref<!tpu.dma_semaphore, #tpu.memory_space<semaphore_mem>>) src(%dma_wait3A_376 : memref<10112x128xf32, #tpu.memory_space<hbm>>) dst(%arg9 : memref<128x128xf32, #tpu.memory_space<vmem>>)
      %mul3A_377 = arith.constant 16 : i32
      %mul3A_378 = arith.muli %mul3A_377, %scan3A_45 : i32
      %add3A_379 = arith.constant 8 : i32
      %add3A_380 = arith.addi %mul3A_378, %add3A_379 : i32
      %add3A_381 = arith.constant 2 : i32
      %add3A_382 = arith.addi %add3A_380, %add3A_381 : i32
      %dma_start3A_383 = arith.constant 0 : i32
      %dma_start3A_384 = tpu.memref_slice %arg6[%add3A_382, %dma_start3A_383] : memref<80x128xi32, #tpu.memory_space<vmem>> -> memref<1x128xi32, #tpu.memory_space<vmem>>
      %dma_start3A_385 = tpu.memref_squeeze %dma_start3A_384 : memref<1x128xi32, #tpu.memory_space<vmem>> -> memref<128xi32, #tpu.memory_space<vmem>>
      %dma_start3A_386 = arith.constant 0 : i32
      %dma_start3A_387 = arith.constant 0 : i32
      %dma_start3A_388 = tpu.memref_slice %arg17[%dma_start3A_386, %dma_start3A_387] : memref<10112x128xf32, #tpu.memory_space<vmem_shared>> -> memref<10112x128xf32, #tpu.memory_space<vmem_shared>>
      tpu.enqueue_indirect_dma source(%arg9 : memref<128x128xf32, #tpu.memory_space<vmem>>) target(%dma_start3A_388 : memref<10112x128xf32, #tpu.memory_space<vmem_shared>>) offsets(%dma_start3A_385 : memref<128xi32, #tpu.memory_space<vmem>>) semaphore(%arg13 : memref<!tpu.dma_semaphore, #tpu.memory_space<semaphore_mem>>) {add = true}
      %dma_wait3A_389 = arith.constant 0 : i32
      %dma_wait3A_390 = arith.constant 0 : i32
      %dma_wait3A_391 = tpu.memref_slice %arg6[%dma_wait3A_389, %dma_wait3A_390] : memref<80x128xi32, #tpu.memory_space<vmem>> -> memref<1x128xi32, #tpu.memory_space<vmem>>
      %dma_wait3A_392 = tpu.memref_squeeze %dma_wait3A_391 : memref<1x128xi32, #tpu.memory_space<vmem>> -> memref<128xi32, #tpu.memory_space<vmem>>
      %dma_wait3A_393 = arith.constant 0 : i32
      %dma_wait3A_394 = arith.constant 0 : i32
      %dma_wait3A_395 = tpu.memref_slice %arg17[%dma_wait3A_393, %dma_wait3A_394] : memref<10112x128xf32, #tpu.memory_space<vmem_shared>> -> memref<10112x128xf32, #tpu.memory_space<vmem_shared>>
      tpu.wait_indirect_dma semaphore(%arg13 : memref<!tpu.dma_semaphore, #tpu.memory_space<semaphore_mem>>) src(%arg9 : memref<128x128xf32, #tpu.memory_space<vmem>>) dst(%dma_wait3A_395 : memref<10112x128xf32, #tpu.memory_space<vmem_shared>>)
      %dma_start3A_396 = arith.constant 4 : i32
      %dma_start3A_397 = arith.constant 0 : i32
      %dma_start3A_398 = tpu.memref_slice %arg8[%dma_start3A_396, %dma_start3A_397] : memref<8x128xi32, #tpu.memory_space<vmem>> -> memref<1x128xi32, #tpu.memory_space<vmem>>
      %dma_start3A_399 = tpu.memref_squeeze %dma_start3A_398 : memref<1x128xi32, #tpu.memory_space<vmem>> -> memref<128xi32, #tpu.memory_space<vmem>>
      %dma_start3A_400 = arith.constant 0 : i32
      %dma_start3A_401 = arith.constant 0 : i32
      %dma_start3A_402 = tpu.memref_slice %arg2[%dma_start3A_400, %dma_start3A_401] : memref<10112x128xf32, #tpu.memory_space<hbm>> -> memref<10112x128xf32, #tpu.memory_space<hbm>>
      tpu.enqueue_indirect_dma source(%dma_start3A_402 : memref<10112x128xf32, #tpu.memory_space<hbm>>) target(%arg9 : memref<128x128xf32, #tpu.memory_space<vmem>>) offsets(%dma_start3A_399 : memref<128xi32, #tpu.memory_space<vmem>>) semaphore(%arg11 : memref<!tpu.dma_semaphore, #tpu.memory_space<semaphore_mem>>)
      %dma_wait3A_403 = arith.constant 0 : i32
      %dma_wait3A_404 = arith.constant 0 : i32
      %dma_wait3A_405 = tpu.memref_slice %arg7[%dma_wait3A_403, %dma_wait3A_404] : memref<8x128xi32, #tpu.memory_space<vmem>> -> memref<1x128xi32, #tpu.memory_space<vmem>>
      %dma_wait3A_406 = tpu.memref_squeeze %dma_wait3A_405 : memref<1x128xi32, #tpu.memory_space<vmem>> -> memref<128xi32, #tpu.memory_space<vmem>>
      %dma_wait3A_407 = arith.constant 0 : i32
      %dma_wait3A_408 = arith.constant 0 : i32
      %dma_wait3A_409 = tpu.memref_slice %arg2[%dma_wait3A_407, %dma_wait3A_408] : memref<10112x128xf32, #tpu.memory_space<hbm>> -> memref<10112x128xf32, #tpu.memory_space<hbm>>
      tpu.wait_indirect_dma semaphore(%arg12 : memref<!tpu.dma_semaphore, #tpu.memory_space<semaphore_mem>>) src(%dma_wait3A_409 : memref<10112x128xf32, #tpu.memory_space<hbm>>) dst(%arg10 : memref<128x128xf32, #tpu.memory_space<vmem>>)
      %mul3A_410 = arith.constant 16 : i32
      %mul3A_411 = arith.muli %mul3A_410, %scan3A_45 : i32
      %add3A_412 = arith.constant 8 : i32
      %add3A_413 = arith.addi %mul3A_411, %add3A_412 : i32
      %add3A_414 = arith.constant 3 : i32
      %add3A_415 = arith.addi %add3A_413, %add3A_414 : i32
      %dma_start3A_416 = arith.constant 0 : i32
      %dma_start3A_417 = tpu.memref_slice %arg6[%add3A_415, %dma_start3A_416] : memref<80x128xi32, #tpu.memory_space<vmem>> -> memref<1x128xi32, #tpu.memory_space<vmem>>
      %dma_start3A_418 = tpu.memref_squeeze %dma_start3A_417 : memref<1x128xi32, #tpu.memory_space<vmem>> -> memref<128xi32, #tpu.memory_space<vmem>>
      %dma_start3A_419 = arith.constant 0 : i32
      %dma_start3A_420 = arith.constant 0 : i32
      %dma_start3A_421 = tpu.memref_slice %arg17[%dma_start3A_419, %dma_start3A_420] : memref<10112x128xf32, #tpu.memory_space<vmem_shared>> -> memref<10112x128xf32, #tpu.memory_space<vmem_shared>>
      tpu.enqueue_indirect_dma source(%arg10 : memref<128x128xf32, #tpu.memory_space<vmem>>) target(%dma_start3A_421 : memref<10112x128xf32, #tpu.memory_space<vmem_shared>>) offsets(%dma_start3A_418 : memref<128xi32, #tpu.memory_space<vmem>>) semaphore(%arg14 : memref<!tpu.dma_semaphore, #tpu.memory_space<semaphore_mem>>) {add = true}
      %dma_wait3A_422 = arith.constant 0 : i32
      %dma_wait3A_423 = arith.constant 0 : i32
      %dma_wait3A_424 = tpu.memref_slice %arg6[%dma_wait3A_422, %dma_wait3A_423] : memref<80x128xi32, #tpu.memory_space<vmem>> -> memref<1x128xi32, #tpu.memory_space<vmem>>
      %dma_wait3A_425 = tpu.memref_squeeze %dma_wait3A_424 : memref<1x128xi32, #tpu.memory_space<vmem>> -> memref<128xi32, #tpu.memory_space<vmem>>
      %dma_wait3A_426 = arith.constant 0 : i32
      %dma_wait3A_427 = arith.constant 0 : i32
      %dma_wait3A_428 = tpu.memref_slice %arg17[%dma_wait3A_426, %dma_wait3A_427] : memref<10112x128xf32, #tpu.memory_space<vmem_shared>> -> memref<10112x128xf32, #tpu.memory_space<vmem_shared>>
      tpu.wait_indirect_dma semaphore(%arg14 : memref<!tpu.dma_semaphore, #tpu.memory_space<semaphore_mem>>) src(%arg10 : memref<128x128xf32, #tpu.memory_space<vmem>>) dst(%dma_wait3A_428 : memref<10112x128xf32, #tpu.memory_space<vmem_shared>>)
      %dma_start3A_429 = arith.constant 5 : i32
      %dma_start3A_430 = arith.constant 0 : i32
      %dma_start3A_431 = tpu.memref_slice %arg8[%dma_start3A_429, %dma_start3A_430] : memref<8x128xi32, #tpu.memory_space<vmem>> -> memref<1x128xi32, #tpu.memory_space<vmem>>
      %dma_start3A_432 = tpu.memref_squeeze %dma_start3A_431 : memref<1x128xi32, #tpu.memory_space<vmem>> -> memref<128xi32, #tpu.memory_space<vmem>>
      %dma_start3A_433 = arith.constant 0 : i32
      %dma_start3A_434 = arith.constant 0 : i32
      %dma_start3A_435 = tpu.memref_slice %arg2[%dma_start3A_433, %dma_start3A_434] : memref<10112x128xf32, #tpu.memory_space<hbm>> -> memref<10112x128xf32, #tpu.memory_space<hbm>>
      tpu.enqueue_indirect_dma source(%dma_start3A_435 : memref<10112x128xf32, #tpu.memory_space<hbm>>) target(%arg10 : memref<128x128xf32, #tpu.memory_space<vmem>>) offsets(%dma_start3A_432 : memref<128xi32, #tpu.memory_space<vmem>>) semaphore(%arg12 : memref<!tpu.dma_semaphore, #tpu.memory_space<semaphore_mem>>)
      %dma_wait3A_436 = arith.constant 0 : i32
      %dma_wait3A_437 = arith.constant 0 : i32
      %dma_wait3A_438 = tpu.memref_slice %arg7[%dma_wait3A_436, %dma_wait3A_437] : memref<8x128xi32, #tpu.memory_space<vmem>> -> memref<1x128xi32, #tpu.memory_space<vmem>>
      %dma_wait3A_439 = tpu.memref_squeeze %dma_wait3A_438 : memref<1x128xi32, #tpu.memory_space<vmem>> -> memref<128xi32, #tpu.memory_space<vmem>>
      %dma_wait3A_440 = arith.constant 0 : i32
      %dma_wait3A_441 = arith.constant 0 : i32
      %dma_wait3A_442 = tpu.memref_slice %arg2[%dma_wait3A_440, %dma_wait3A_441] : memref<10112x128xf32, #tpu.memory_space<hbm>> -> memref<10112x128xf32, #tpu.memory_space<hbm>>
      tpu.wait_indirect_dma semaphore(%arg11 : memref<!tpu.dma_semaphore, #tpu.memory_space<semaphore_mem>>) src(%dma_wait3A_442 : memref<10112x128xf32, #tpu.memory_space<hbm>>) dst(%arg9 : memref<128x128xf32, #tpu.memory_space<vmem>>)
      %mul3A_443 = arith.constant 16 : i32
      %mul3A_444 = arith.muli %mul3A_443, %scan3A_45 : i32
      %add3A_445 = arith.constant 8 : i32
      %add3A_446 = arith.addi %mul3A_444, %add3A_445 : i32
      %add3A_447 = arith.constant 4 : i32
      %add3A_448 = arith.addi %add3A_446, %add3A_447 : i32
      %dma_start3A_449 = arith.constant 0 : i32
      %dma_start3A_450 = tpu.memref_slice %arg6[%add3A_448, %dma_start3A_449] : memref<80x128xi32, #tpu.memory_space<vmem>> -> memref<1x128xi32, #tpu.memory_space<vmem>>
      %dma_start3A_451 = tpu.memref_squeeze %dma_start3A_450 : memref<1x128xi32, #tpu.memory_space<vmem>> -> memref<128xi32, #tpu.memory_space<vmem>>
      %dma_start3A_452 = arith.constant 0 : i32
      %dma_start3A_453 = arith.constant 0 : i32
      %dma_start3A_454 = tpu.memref_slice %arg17[%dma_start3A_452, %dma_start3A_453] : memref<10112x128xf32, #tpu.memory_space<vmem_shared>> -> memref<10112x128xf32, #tpu.memory_space<vmem_shared>>
      tpu.enqueue_indirect_dma source(%arg9 : memref<128x128xf32, #tpu.memory_space<vmem>>) target(%dma_start3A_454 : memref<10112x128xf32, #tpu.memory_space<vmem_shared>>) offsets(%dma_start3A_451 : memref<128xi32, #tpu.memory_space<vmem>>) semaphore(%arg13 : memref<!tpu.dma_semaphore, #tpu.memory_space<semaphore_mem>>) {add = true}
      %dma_wait3A_455 = arith.constant 0 : i32
      %dma_wait3A_456 = arith.constant 0 : i32
      %dma_wait3A_457 = tpu.memref_slice %arg6[%dma_wait3A_455, %dma_wait3A_456] : memref<80x128xi32, #tpu.memory_space<vmem>> -> memref<1x128xi32, #tpu.memory_space<vmem>>
      %dma_wait3A_458 = tpu.memref_squeeze %dma_wait3A_457 : memref<1x128xi32, #tpu.memory_space<vmem>> -> memref<128xi32, #tpu.memory_space<vmem>>
      %dma_wait3A_459 = arith.constant 0 : i32
      %dma_wait3A_460 = arith.constant 0 : i32
      %dma_wait3A_461 = tpu.memref_slice %arg17[%dma_wait3A_459, %dma_wait3A_460] : memref<10112x128xf32, #tpu.memory_space<vmem_shared>> -> memref<10112x128xf32, #tpu.memory_space<vmem_shared>>
      tpu.wait_indirect_dma semaphore(%arg13 : memref<!tpu.dma_semaphore, #tpu.memory_space<semaphore_mem>>) src(%arg9 : memref<128x128xf32, #tpu.memory_space<vmem>>) dst(%dma_wait3A_461 : memref<10112x128xf32, #tpu.memory_space<vmem_shared>>)
      %dma_start3A_462 = arith.constant 6 : i32
      %dma_start3A_463 = arith.constant 0 : i32
      %dma_start3A_464 = tpu.memref_slice %arg8[%dma_start3A_462, %dma_start3A_463] : memref<8x128xi32, #tpu.memory_space<vmem>> -> memref<1x128xi32, #tpu.memory_space<vmem>>
      %dma_start3A_465 = tpu.memref_squeeze %dma_start3A_464 : memref<1x128xi32, #tpu.memory_space<vmem>> -> memref<128xi32, #tpu.memory_space<vmem>>
      %dma_start3A_466 = arith.constant 0 : i32
      %dma_start3A_467 = arith.constant 0 : i32
      %dma_start3A_468 = tpu.memref_slice %arg2[%dma_start3A_466, %dma_start3A_467] : memref<10112x128xf32, #tpu.memory_space<hbm>> -> memref<10112x128xf32, #tpu.memory_space<hbm>>
      tpu.enqueue_indirect_dma source(%dma_start3A_468 : memref<10112x128xf32, #tpu.memory_space<hbm>>) target(%arg9 : memref<128x128xf32, #tpu.memory_space<vmem>>) offsets(%dma_start3A_465 : memref<128xi32, #tpu.memory_space<vmem>>) semaphore(%arg11 : memref<!tpu.dma_semaphore, #tpu.memory_space<semaphore_mem>>)
      %dma_wait3A_469 = arith.constant 0 : i32
      %dma_wait3A_470 = arith.constant 0 : i32
      %dma_wait3A_471 = tpu.memref_slice %arg7[%dma_wait3A_469, %dma_wait3A_470] : memref<8x128xi32, #tpu.memory_space<vmem>> -> memref<1x128xi32, #tpu.memory_space<vmem>>
      %dma_wait3A_472 = tpu.memref_squeeze %dma_wait3A_471 : memref<1x128xi32, #tpu.memory_space<vmem>> -> memref<128xi32, #tpu.memory_space<vmem>>
      %dma_wait3A_473 = arith.constant 0 : i32
      %dma_wait3A_474 = arith.constant 0 : i32
      %dma_wait3A_475 = tpu.memref_slice %arg2[%dma_wait3A_473, %dma_wait3A_474] : memref<10112x128xf32, #tpu.memory_space<hbm>> -> memref<10112x128xf32, #tpu.memory_space<hbm>>
      tpu.wait_indirect_dma semaphore(%arg12 : memref<!tpu.dma_semaphore, #tpu.memory_space<semaphore_mem>>) src(%dma_wait3A_475 : memref<10112x128xf32, #tpu.memory_space<hbm>>) dst(%arg10 : memref<128x128xf32, #tpu.memory_space<vmem>>)
      %mul3A_476 = arith.constant 16 : i32
      %mul3A_477 = arith.muli %mul3A_476, %scan3A_45 : i32
      %add3A_478 = arith.constant 8 : i32
      %add3A_479 = arith.addi %mul3A_477, %add3A_478 : i32
      %add3A_480 = arith.constant 5 : i32
      %add3A_481 = arith.addi %add3A_479, %add3A_480 : i32
      %dma_start3A_482 = arith.constant 0 : i32
      %dma_start3A_483 = tpu.memref_slice %arg6[%add3A_481, %dma_start3A_482] : memref<80x128xi32, #tpu.memory_space<vmem>> -> memref<1x128xi32, #tpu.memory_space<vmem>>
      %dma_start3A_484 = tpu.memref_squeeze %dma_start3A_483 : memref<1x128xi32, #tpu.memory_space<vmem>> -> memref<128xi32, #tpu.memory_space<vmem>>
      %dma_start3A_485 = arith.constant 0 : i32
      %dma_start3A_486 = arith.constant 0 : i32
      %dma_start3A_487 = tpu.memref_slice %arg17[%dma_start3A_485, %dma_start3A_486] : memref<10112x128xf32, #tpu.memory_space<vmem_shared>> -> memref<10112x128xf32, #tpu.memory_space<vmem_shared>>
      tpu.enqueue_indirect_dma source(%arg10 : memref<128x128xf32, #tpu.memory_space<vmem>>) target(%dma_start3A_487 : memref<10112x128xf32, #tpu.memory_space<vmem_shared>>) offsets(%dma_start3A_484 : memref<128xi32, #tpu.memory_space<vmem>>) semaphore(%arg14 : memref<!tpu.dma_semaphore, #tpu.memory_space<semaphore_mem>>) {add = true}
      %dma_wait3A_488 = arith.constant 0 : i32
      %dma_wait3A_489 = arith.constant 0 : i32
      %dma_wait3A_490 = tpu.memref_slice %arg6[%dma_wait3A_488, %dma_wait3A_489] : memref<80x128xi32, #tpu.memory_space<vmem>> -> memref<1x128xi32, #tpu.memory_space<vmem>>
      %dma_wait3A_491 = tpu.memref_squeeze %dma_wait3A_490 : memref<1x128xi32, #tpu.memory_space<vmem>> -> memref<128xi32, #tpu.memory_space<vmem>>
      %dma_wait3A_492 = arith.constant 0 : i32
      %dma_wait3A_493 = arith.constant 0 : i32
      %dma_wait3A_494 = tpu.memref_slice %arg17[%dma_wait3A_492, %dma_wait3A_493] : memref<10112x128xf32, #tpu.memory_space<vmem_shared>> -> memref<10112x128xf32, #tpu.memory_space<vmem_shared>>
      tpu.wait_indirect_dma semaphore(%arg14 : memref<!tpu.dma_semaphore, #tpu.memory_space<semaphore_mem>>) src(%arg10 : memref<128x128xf32, #tpu.memory_space<vmem>>) dst(%dma_wait3A_494 : memref<10112x128xf32, #tpu.memory_space<vmem_shared>>)
      %dma_start3A_495 = arith.constant 7 : i32
      %dma_start3A_496 = arith.constant 0 : i32
      %dma_start3A_497 = tpu.memref_slice %arg8[%dma_start3A_495, %dma_start3A_496] : memref<8x128xi32, #tpu.memory_space<vmem>> -> memref<1x128xi32, #tpu.memory_space<vmem>>
      %dma_start3A_498 = tpu.memref_squeeze %dma_start3A_497 : memref<1x128xi32, #tpu.memory_space<vmem>> -> memref<128xi32, #tpu.memory_space<vmem>>
      %dma_start3A_499 = arith.constant 0 : i32
      %dma_start3A_500 = arith.constant 0 : i32
      %dma_start3A_501 = tpu.memref_slice %arg2[%dma_start3A_499, %dma_start3A_500] : memref<10112x128xf32, #tpu.memory_space<hbm>> -> memref<10112x128xf32, #tpu.memory_space<hbm>>
      tpu.enqueue_indirect_dma source(%dma_start3A_501 : memref<10112x128xf32, #tpu.memory_space<hbm>>) target(%arg10 : memref<128x128xf32, #tpu.memory_space<vmem>>) offsets(%dma_start3A_498 : memref<128xi32, #tpu.memory_space<vmem>>) semaphore(%arg12 : memref<!tpu.dma_semaphore, #tpu.memory_space<semaphore_mem>>)
      %dma_wait3A_502 = arith.constant 0 : i32
      %dma_wait3A_503 = arith.constant 0 : i32
      %dma_wait3A_504 = tpu.memref_slice %arg7[%dma_wait3A_502, %dma_wait3A_503] : memref<8x128xi32, #tpu.memory_space<vmem>> -> memref<1x128xi32, #tpu.memory_space<vmem>>
      %dma_wait3A_505 = tpu.memref_squeeze %dma_wait3A_504 : memref<1x128xi32, #tpu.memory_space<vmem>> -> memref<128xi32, #tpu.memory_space<vmem>>
      %dma_wait3A_506 = arith.constant 0 : i32
      %dma_wait3A_507 = arith.constant 0 : i32
      %dma_wait3A_508 = tpu.memref_slice %arg2[%dma_wait3A_506, %dma_wait3A_507] : memref<10112x128xf32, #tpu.memory_space<hbm>> -> memref<10112x128xf32, #tpu.memory_space<hbm>>
      tpu.wait_indirect_dma semaphore(%arg11 : memref<!tpu.dma_semaphore, #tpu.memory_space<semaphore_mem>>) src(%dma_wait3A_508 : memref<10112x128xf32, #tpu.memory_space<hbm>>) dst(%arg9 : memref<128x128xf32, #tpu.memory_space<vmem>>)
      %mul3A_509 = arith.constant 16 : i32
      %mul3A_510 = arith.muli %mul3A_509, %scan3A_45 : i32
      %add3A_511 = arith.constant 8 : i32
      %add3A_512 = arith.addi %mul3A_510, %add3A_511 : i32
      %add3A_513 = arith.constant 6 : i32
      %add3A_514 = arith.addi %add3A_512, %add3A_513 : i32
      %dma_start3A_515 = arith.constant 0 : i32
      %dma_start3A_516 = tpu.memref_slice %arg6[%add3A_514, %dma_start3A_515] : memref<80x128xi32, #tpu.memory_space<vmem>> -> memref<1x128xi32, #tpu.memory_space<vmem>>
      %dma_start3A_517 = tpu.memref_squeeze %dma_start3A_516 : memref<1x128xi32, #tpu.memory_space<vmem>> -> memref<128xi32, #tpu.memory_space<vmem>>
      %dma_start3A_518 = arith.constant 0 : i32
      %dma_start3A_519 = arith.constant 0 : i32
      %dma_start3A_520 = tpu.memref_slice %arg17[%dma_start3A_518, %dma_start3A_519] : memref<10112x128xf32, #tpu.memory_space<vmem_shared>> -> memref<10112x128xf32, #tpu.memory_space<vmem_shared>>
      tpu.enqueue_indirect_dma source(%arg9 : memref<128x128xf32, #tpu.memory_space<vmem>>) target(%dma_start3A_520 : memref<10112x128xf32, #tpu.memory_space<vmem_shared>>) offsets(%dma_start3A_517 : memref<128xi32, #tpu.memory_space<vmem>>) semaphore(%arg13 : memref<!tpu.dma_semaphore, #tpu.memory_space<semaphore_mem>>) {add = true}
      %dma_wait3A_521 = arith.constant 0 : i32
      %dma_wait3A_522 = arith.constant 0 : i32
      %dma_wait3A_523 = tpu.memref_slice %arg6[%dma_wait3A_521, %dma_wait3A_522] : memref<80x128xi32, #tpu.memory_space<vmem>> -> memref<1x128xi32, #tpu.memory_space<vmem>>
      %dma_wait3A_524 = tpu.memref_squeeze %dma_wait3A_523 : memref<1x128xi32, #tpu.memory_space<vmem>> -> memref<128xi32, #tpu.memory_space<vmem>>
      %dma_wait3A_525 = arith.constant 0 : i32
      %dma_wait3A_526 = arith.constant 0 : i32
      %dma_wait3A_527 = tpu.memref_slice %arg17[%dma_wait3A_525, %dma_wait3A_526] : memref<10112x128xf32, #tpu.memory_space<vmem_shared>> -> memref<10112x128xf32, #tpu.memory_space<vmem_shared>>
      tpu.wait_indirect_dma semaphore(%arg13 : memref<!tpu.dma_semaphore, #tpu.memory_space<semaphore_mem>>) src(%arg9 : memref<128x128xf32, #tpu.memory_space<vmem>>) dst(%dma_wait3A_527 : memref<10112x128xf32, #tpu.memory_space<vmem_shared>>)
      %lt3A_528 = arith.constant 4 : i32
      %lt3A_529 = arith.cmpi slt, %scan3A_45, %lt3A_528 : i32
      %convert_element_type3A_530 = arith.extui %lt3A_529 : i1 to i32
      %cond3A_531 = arith.constant 0 : i32
      %cond3A_532 = arith.cmpi ne, %convert_element_type3A_530, %cond3A_531 : i32
      scf.if %cond3A_532 {
        %dma_wait3A_564 = arith.constant 0 : i32
        %dma_wait3A_565 = tpu.memref_slice %arg3[%add3A, %dma_wait3A_564] : memref<2560x128xi32, #tpu.memory_space<hbm>> -> memref<8x128xi32, #tpu.memory_space<hbm>>
        %dma_wait3A_566 = arith.constant 0 : i32
        %dma_wait3A_567 = tpu.memref_slice %arg3[%add3A, %dma_wait3A_566] : memref<2560x128xi32, #tpu.memory_space<hbm>> -> memref<8x128xi32, #tpu.memory_space<hbm>>
        tpu.wait_dma2 semaphore(%arg15 : memref<!tpu.dma_semaphore, #tpu.memory_space<semaphore_mem>>) src(%dma_wait3A_567 : memref<8x128xi32, #tpu.memory_space<hbm>>) dst(%arg7 : memref<8x128xi32, #tpu.memory_space<vmem>>)
        %dma_start3A_568 = arith.constant 0 : i32
        %dma_start3A_569 = arith.constant 0 : i32
        %dma_start3A_570 = tpu.memref_slice %arg7[%dma_start3A_568, %dma_start3A_569] : memref<8x128xi32, #tpu.memory_space<vmem>> -> memref<1x128xi32, #tpu.memory_space<vmem>>
        %dma_start3A_571 = tpu.memref_squeeze %dma_start3A_570 : memref<1x128xi32, #tpu.memory_space<vmem>> -> memref<128xi32, #tpu.memory_space<vmem>>
        %dma_start3A_572 = arith.constant 0 : i32
        %dma_start3A_573 = arith.constant 0 : i32
        %dma_start3A_574 = tpu.memref_slice %arg2[%dma_start3A_572, %dma_start3A_573] : memref<10112x128xf32, #tpu.memory_space<hbm>> -> memref<10112x128xf32, #tpu.memory_space<hbm>>
        tpu.enqueue_indirect_dma source(%dma_start3A_574 : memref<10112x128xf32, #tpu.memory_space<hbm>>) target(%arg9 : memref<128x128xf32, #tpu.memory_space<vmem>>) offsets(%dma_start3A_571 : memref<128xi32, #tpu.memory_space<vmem>>) semaphore(%arg11 : memref<!tpu.dma_semaphore, #tpu.memory_space<semaphore_mem>>)
      } else {
      }
      %dma_wait3A_533 = arith.constant 0 : i32
      %dma_wait3A_534 = arith.constant 0 : i32
      %dma_wait3A_535 = tpu.memref_slice %arg7[%dma_wait3A_533, %dma_wait3A_534] : memref<8x128xi32, #tpu.memory_space<vmem>> -> memref<1x128xi32, #tpu.memory_space<vmem>>
      %dma_wait3A_536 = tpu.memref_squeeze %dma_wait3A_535 : memref<1x128xi32, #tpu.memory_space<vmem>> -> memref<128xi32, #tpu.memory_space<vmem>>
      %dma_wait3A_537 = arith.constant 0 : i32
      %dma_wait3A_538 = arith.constant 0 : i32
      %dma_wait3A_539 = tpu.memref_slice %arg2[%dma_wait3A_537, %dma_wait3A_538] : memref<10112x128xf32, #tpu.memory_space<hbm>> -> memref<10112x128xf32, #tpu.memory_space<hbm>>
      tpu.wait_indirect_dma semaphore(%arg12 : memref<!tpu.dma_semaphore, #tpu.memory_space<semaphore_mem>>) src(%dma_wait3A_539 : memref<10112x128xf32, #tpu.memory_space<hbm>>) dst(%arg10 : memref<128x128xf32, #tpu.memory_space<vmem>>)
      %mul3A_540 = arith.constant 16 : i32
      %mul3A_541 = arith.muli %mul3A_540, %scan3A_45 : i32
      %add3A_542 = arith.constant 8 : i32
      %add3A_543 = arith.addi %mul3A_541, %add3A_542 : i32
      %add3A_544 = arith.constant 7 : i32
      %add3A_545 = arith.addi %add3A_543, %add3A_544 : i32
      %dma_start3A_546 = arith.constant 0 : i32
      %dma_start3A_547 = tpu.memref_slice %arg6[%add3A_545, %dma_start3A_546] : memref<80x128xi32, #tpu.memory_space<vmem>> -> memref<1x128xi32, #tpu.memory_space<vmem>>
      %dma_start3A_548 = tpu.memref_squeeze %dma_start3A_547 : memref<1x128xi32, #tpu.memory_space<vmem>> -> memref<128xi32, #tpu.memory_space<vmem>>
      %dma_start3A_549 = arith.constant 0 : i32
      %dma_start3A_550 = arith.constant 0 : i32
      %dma_start3A_551 = tpu.memref_slice %arg17[%dma_start3A_549, %dma_start3A_550] : memref<10112x128xf32, #tpu.memory_space<vmem_shared>> -> memref<10112x128xf32, #tpu.memory_space<vmem_shared>>
      tpu.enqueue_indirect_dma source(%arg10 : memref<128x128xf32, #tpu.memory_space<vmem>>) target(%dma_start3A_551 : memref<10112x128xf32, #tpu.memory_space<vmem_shared>>) offsets(%dma_start3A_548 : memref<128xi32, #tpu.memory_space<vmem>>) semaphore(%arg14 : memref<!tpu.dma_semaphore, #tpu.memory_space<semaphore_mem>>) {add = true}
      %dma_wait3A_552 = arith.constant 0 : i32
      %dma_wait3A_553 = arith.constant 0 : i32
      %dma_wait3A_554 = tpu.memref_slice %arg6[%dma_wait3A_552, %dma_wait3A_553] : memref<80x128xi32, #tpu.memory_space<vmem>> -> memref<1x128xi32, #tpu.memory_space<vmem>>
      %dma_wait3A_555 = tpu.memref_squeeze %dma_wait3A_554 : memref<1x128xi32, #tpu.memory_space<vmem>> -> memref<128xi32, #tpu.memory_space<vmem>>
      %dma_wait3A_556 = arith.constant 0 : i32
      %dma_wait3A_557 = arith.constant 0 : i32
      %dma_wait3A_558 = tpu.memref_slice %arg17[%dma_wait3A_556, %dma_wait3A_557] : memref<10112x128xf32, #tpu.memory_space<vmem_shared>> -> memref<10112x128xf32, #tpu.memory_space<vmem_shared>>
      tpu.wait_indirect_dma semaphore(%arg14 : memref<!tpu.dma_semaphore, #tpu.memory_space<semaphore_mem>>) src(%arg10 : memref<128x128xf32, #tpu.memory_space<vmem>>) dst(%dma_wait3A_558 : memref<10112x128xf32, #tpu.memory_space<vmem_shared>>)
      %lt3A_559 = arith.constant 4 : i32
      %lt3A_560 = arith.cmpi slt, %scan3A_45, %lt3A_559 : i32
      %convert_element_type3A_561 = arith.extui %lt3A_560 : i1 to i32
      %cond3A_562 = arith.constant 0 : i32
      %cond3A_563 = arith.cmpi ne, %convert_element_type3A_561, %cond3A_562 : i32
      scf.if %cond3A_563 {
        %dma_start3A_564 = arith.constant 1 : i32
        %dma_start3A_565 = arith.constant 0 : i32
        %dma_start3A_566 = tpu.memref_slice %arg7[%dma_start3A_564, %dma_start3A_565] : memref<8x128xi32, #tpu.memory_space<vmem>> -> memref<1x128xi32, #tpu.memory_space<vmem>>
        %dma_start3A_567 = tpu.memref_squeeze %dma_start3A_566 : memref<1x128xi32, #tpu.memory_space<vmem>> -> memref<128xi32, #tpu.memory_space<vmem>>
        %dma_start3A_568 = arith.constant 0 : i32
        %dma_start3A_569 = arith.constant 0 : i32
        %dma_start3A_570 = tpu.memref_slice %arg2[%dma_start3A_568, %dma_start3A_569] : memref<10112x128xf32, #tpu.memory_space<hbm>> -> memref<10112x128xf32, #tpu.memory_space<hbm>>
        tpu.enqueue_indirect_dma source(%dma_start3A_570 : memref<10112x128xf32, #tpu.memory_space<hbm>>) target(%arg10 : memref<128x128xf32, #tpu.memory_space<vmem>>) offsets(%dma_start3A_567 : memref<128xi32, #tpu.memory_space<vmem>>) semaphore(%arg12 : memref<!tpu.dma_semaphore, #tpu.memory_space<semaphore_mem>>)
      } else {
      }
    }
    %scan3A_39 = arith.constant 5 : i32
    %barrier3A_40 = arith.constant 0 : index
    tpu.barrier barrier_id(%barrier3A_40)
    %mul3A_41 = arith.constant 632 : i32
    %mul3A_42 = arith.muli %arg1, %mul3A_41 : i32
    %mul3A_43 = arith.constant 632 : i32
    %mul3A_44 = arith.muli %arg1, %mul3A_43 : i32
    "tpu.region"() ({
      %run_scoped3A = tpu.sem_alloc : memref<!tpu.dma_semaphore, #tpu.memory_space<semaphore_mem>>
      %dma_start3A_45 = arith.constant 0 : i32
      %dma_start3A_46 = tpu.memref_slice %arg5[%arg0, %mul3A_44, %dma_start3A_45] : memref<2x10112x128xf32, #tpu.memory_space<hbm>> -> memref<1x632x128xf32, #tpu.memory_space<hbm>>
      %dma_start3A_47 = tpu.memref_squeeze %dma_start3A_46 : memref<1x632x128xf32, #tpu.memory_space<hbm>> -> memref<632x128xf32, #tpu.memory_space<hbm>>
      %dma_start3A_48 = arith.constant 0 : i32
      %dma_start3A_49 = tpu.memref_slice %arg17[%mul3A_42, %dma_start3A_48] : memref<10112x128xf32, #tpu.memory_space<vmem_shared>> -> memref<632x128xf32, #tpu.memory_space<vmem_shared>>
      tpu.enqueue_dma source(%dma_start3A_49 : memref<632x128xf32, #tpu.memory_space<vmem_shared>>) target(%dma_start3A_47 : memref<632x128xf32, #tpu.memory_space<hbm>>) target_semaphore(%run_scoped3A : memref<!tpu.dma_semaphore, #tpu.memory_space<semaphore_mem>>)
      %dma_wait3A_50 = arith.constant 0 : i32
      %dma_wait3A_51 = tpu.memref_slice %arg5[%arg0, %mul3A_44, %dma_wait3A_50] : memref<2x10112x128xf32, #tpu.memory_space<hbm>> -> memref<1x632x128xf32, #tpu.memory_space<hbm>>
      %dma_wait3A_52 = tpu.memref_squeeze %dma_wait3A_51 : memref<1x632x128xf32, #tpu.memory_space<hbm>> -> memref<632x128xf32, #tpu.memory_space<hbm>>
      %dma_wait3A_53 = arith.constant 0 : i32
      %dma_wait3A_54 = tpu.memref_slice %arg17[%mul3A_42, %dma_wait3A_53] : memref<10112x128xf32, #tpu.memory_space<vmem_shared>> -> memref<632x128xf32, #tpu.memory_space<vmem_shared>>
      tpu.wait_dma2 semaphore(%run_scoped3A : memref<!tpu.dma_semaphore, #tpu.memory_space<semaphore_mem>>) src(%dma_wait3A_54 : memref<632x128xf32, #tpu.memory_space<vmem_shared>>) dst(%dma_wait3A_52 : memref<632x128xf32, #tpu.memory_space<hbm>>)
      tpu.yield
    }) : () -> ()
    return
  }
}

#map = affine_map<(d0, d1) -> (0, 0)>
#map1 = affine_map<(d0, d1) -> (0, 0, 0)>
module attributes {stable_mosaic.version = 14 : i64} {
  func.func @scat_kernel(%arg0: i32, %arg1: i32, %arg2: memref<10112x128xf32, #tpu.memory_space<hbm>>, %arg3: memref<2560x128xi32, #tpu.memory_space<hbm>>, %arg4: memref<2560x128xi32, #tpu.memory_space<hbm>>, %arg5: memref<2x10112x128xf32, #tpu.memory_space<hbm>>, %arg6: memref<80x128xi32, #tpu.memory_space<vmem>>, %arg7: memref<8x128xi32, #tpu.memory_space<vmem>>, %arg8: memref<8x128xi32, #tpu.memory_space<vmem>>, %arg9: memref<128x128xf32, #tpu.memory_space<vmem>>, %arg10: memref<128x128xf32, #tpu.memory_space<vmem>>, %arg11: memref<!tpu.dma_semaphore, #tpu.memory_space<semaphore_mem>>, %arg12: memref<!tpu.dma_semaphore, #tpu.memory_space<semaphore_mem>>, %arg13: memref<!tpu.dma_semaphore, #tpu.memory_space<semaphore_mem>>, %arg14: memref<!tpu.dma_semaphore, #tpu.memory_space<semaphore_mem>>, %arg15: memref<!tpu.dma_semaphore, #tpu.memory_space<semaphore_mem>>, %arg16: memref<!tpu.dma_semaphore, #tpu.memory_space<semaphore_mem>>, %arg17: memref<10112x128xf32, #tpu.memory_space<vmem_shared>>) attributes {dimension_semantics = [#tpu.dimension_semantics<core_parallel>, #tpu.dimension_semantics<subcore_parallel>], iteration_bounds = array<i64: 2, 16>, scalar_prefetch = 0 : i64, scratch_operands = 12 : i64, tpu.core_type = #tpu.core_type<sc_vector_subcore>, window_params = [{transform_indices = #map}, {transform_indices = #map}, {transform_indices = #map}, {transform_indices = #map1}]} {
    %mul3A = arith.constant 632 : i32
    %mul3A_0 = arith.muli %arg1, %mul3A : i32
    %mul3A_1 = arith.constant 632 : i32
    %mul3A_2 = arith.muli %arg1, %mul3A_1 : i32
    "tpu.region"() ({
      %run_scoped3A = tpu.sem_alloc : memref<!tpu.dma_semaphore, #tpu.memory_space<semaphore_mem>>
      %dma_start3A_45 = arith.constant 0 : i32
      %dma_start3A_46 = tpu.memref_slice %arg17[%mul3A_2, %dma_start3A_45] : memref<10112x128xf32, #tpu.memory_space<vmem_shared>> -> memref<632x128xf32, #tpu.memory_space<vmem_shared>>
      %dma_start3A_47 = arith.constant 0 : i32
      %dma_start3A_48 = tpu.memref_slice %arg2[%mul3A_0, %dma_start3A_47] : memref<10112x128xf32, #tpu.memory_space<hbm>> -> memref<632x128xf32, #tpu.memory_space<hbm>>
      tpu.enqueue_dma source(%dma_start3A_48 : memref<632x128xf32, #tpu.memory_space<hbm>>) target(%dma_start3A_46 : memref<632x128xf32, #tpu.memory_space<vmem_shared>>) target_semaphore(%run_scoped3A : memref<!tpu.dma_semaphore, #tpu.memory_space<semaphore_mem>>)
      %dma_wait3A_49 = arith.constant 0 : i32
      %dma_wait3A_50 = tpu.memref_slice %arg17[%mul3A_2, %dma_wait3A_49] : memref<10112x128xf32, #tpu.memory_space<vmem_shared>> -> memref<632x128xf32, #tpu.memory_space<vmem_shared>>
      %dma_wait3A_51 = arith.constant 0 : i32
      %dma_wait3A_52 = tpu.memref_slice %arg2[%mul3A_0, %dma_wait3A_51] : memref<10112x128xf32, #tpu.memory_space<hbm>> -> memref<632x128xf32, #tpu.memory_space<hbm>>
      tpu.wait_dma2 semaphore(%run_scoped3A : memref<!tpu.dma_semaphore, #tpu.memory_space<semaphore_mem>>) src(%dma_wait3A_52 : memref<632x128xf32, #tpu.memory_space<hbm>>) dst(%dma_wait3A_50 : memref<632x128xf32, #tpu.memory_space<vmem_shared>>)
      tpu.yield
    }) : () -> ()
    %mul3A_3 = arith.constant 1280 : i32
    %mul3A_4 = arith.muli %arg0, %mul3A_3 : i32
    %mul3A_5 = arith.constant 80 : i32
    %mul3A_6 = arith.muli %arg1, %mul3A_5 : i32
    %add3A = arith.addi %mul3A_4, %mul3A_6 : i32
    "tpu.region"() ({
      %run_scoped3A = tpu.sem_alloc : memref<!tpu.dma_semaphore, #tpu.memory_space<semaphore_mem>>
      %dma_start3A_45 = arith.constant 0 : i32
      %dma_start3A_46 = tpu.memref_slice %arg4[%add3A, %dma_start3A_45] : memref<2560x128xi32, #tpu.memory_space<hbm>> -> memref<80x128xi32, #tpu.memory_space<hbm>>
      %dma_start3A_47 = arith.constant 0 : i32
      %dma_start3A_48 = tpu.memref_slice %arg4[%add3A, %dma_start3A_47] : memref<2560x128xi32, #tpu.memory_space<hbm>> -> memref<80x128xi32, #tpu.memory_space<hbm>>
      tpu.enqueue_dma source(%dma_start3A_48 : memref<80x128xi32, #tpu.memory_space<hbm>>) target(%arg6 : memref<80x128xi32, #tpu.memory_space<vmem>>) target_semaphore(%run_scoped3A : memref<!tpu.dma_semaphore, #tpu.memory_space<semaphore_mem>>)
      %dma_wait3A_49 = arith.constant 0 : i32
      %dma_wait3A_50 = tpu.memref_slice %arg4[%add3A, %dma_wait3A_49] : memref<2560x128xi32, #tpu.memory_space<hbm>> -> memref<80x128xi32, #tpu.memory_space<hbm>>
      %dma_wait3A_51 = arith.constant 0 : i32
      %dma_wait3A_52 = tpu.memref_slice %arg4[%add3A, %dma_wait3A_51] : memref<2560x128xi32, #tpu.memory_space<hbm>> -> memref<80x128xi32, #tpu.memory_space<hbm>>
      tpu.wait_dma2 semaphore(%run_scoped3A : memref<!tpu.dma_semaphore, #tpu.memory_space<semaphore_mem>>) src(%dma_wait3A_52 : memref<80x128xi32, #tpu.memory_space<hbm>>) dst(%arg6 : memref<80x128xi32, #tpu.memory_space<vmem>>)
      tpu.yield
    }) : () -> ()
    %add3A_7 = arith.constant 0 : i32
    %add3A_8 = arith.addi %add3A, %add3A_7 : i32
    %dma_start3A = arith.constant 0 : i32
    %dma_start3A_9 = tpu.memref_slice %arg3[%add3A_8, %dma_start3A] : memref<2560x128xi32, #tpu.memory_space<hbm>> -> memref<8x128xi32, #tpu.memory_space<hbm>>
    %dma_start3A_10 = arith.constant 0 : i32
    %dma_start3A_11 = tpu.memref_slice %arg3[%add3A_8, %dma_start3A_10] : memref<2560x128xi32, #tpu.memory_space<hbm>> -> memref<8x128xi32, #tpu.memory_space<hbm>>
    tpu.enqueue_dma source(%dma_start3A_11 : memref<8x128xi32, #tpu.memory_space<hbm>>) target(%arg7 : memref<8x128xi32, #tpu.memory_space<vmem>>) target_semaphore(%arg15 : memref<!tpu.dma_semaphore, #tpu.memory_space<semaphore_mem>>)
    %dma_wait3A = arith.constant 0 : i32
    %dma_wait3A_12 = tpu.memref_slice %arg3[%add3A, %dma_wait3A] : memref<2560x128xi32, #tpu.memory_space<hbm>> -> memref<8x128xi32, #tpu.memory_space<hbm>>
    %dma_wait3A_13 = arith.constant 0 : i32
    %dma_wait3A_14 = tpu.memref_slice %arg3[%add3A, %dma_wait3A_13] : memref<2560x128xi32, #tpu.memory_space<hbm>> -> memref<8x128xi32, #tpu.memory_space<hbm>>
    tpu.wait_dma2 semaphore(%arg15 : memref<!tpu.dma_semaphore, #tpu.memory_space<semaphore_mem>>) src(%dma_wait3A_14 : memref<8x128xi32, #tpu.memory_space<hbm>>) dst(%arg7 : memref<8x128xi32, #tpu.memory_space<vmem>>)
    %add3A_15 = arith.constant 8 : i32
    %add3A_16 = arith.addi %add3A, %add3A_15 : i32
    %dma_start3A_17 = arith.constant 0 : i32
    %dma_start3A_18 = tpu.memref_slice %arg3[%add3A_16, %dma_start3A_17] : memref<2560x128xi32, #tpu.memory_space<hbm>> -> memref<8x128xi32, #tpu.memory_space<hbm>>
    %dma_start3A_19 = arith.constant 0 : i32
    %dma_start3A_20 = tpu.memref_slice %arg3[%add3A_16, %dma_start3A_19] : memref<2560x128xi32, #tpu.memory_space<hbm>> -> memref<8x128xi32, #tpu.memory_space<hbm>>
    tpu.enqueue_dma source(%dma_start3A_20 : memref<8x128xi32, #tpu.memory_space<hbm>>) target(%arg8 : memref<8x128xi32, #tpu.memory_space<vmem>>) target_semaphore(%arg16 : memref<!tpu.dma_semaphore, #tpu.memory_space<semaphore_mem>>)
    %barrier3A = arith.constant 0 : index
    tpu.barrier barrier_id(%barrier3A)
    %dma_start3A_21 = arith.constant 0 : i32
    %dma_start3A_22 = arith.constant 0 : i32
    %dma_start3A_23 = tpu.memref_slice %arg7[%dma_start3A_21, %dma_start3A_22] : memref<8x128xi32, #tpu.memory_space<vmem>> -> memref<1x128xi32, #tpu.memory_space<vmem>>
    %dma_start3A_24 = tpu.memref_squeeze %dma_start3A_23 : memref<1x128xi32, #tpu.memory_space<vmem>> -> memref<128xi32, #tpu.memory_space<vmem>>
    %dma_start3A_25 = arith.constant 0 : i32
    %dma_start3A_26 = arith.constant 0 : i32
    %dma_start3A_27 = tpu.memref_slice %arg2[%dma_start3A_25, %dma_start3A_26] : memref<10112x128xf32, #tpu.memory_space<hbm>> -> memref<10112x128xf32, #tpu.memory_space<hbm>>
    tpu.enqueue_indirect_dma source(%dma_start3A_27 : memref<10112x128xf32, #tpu.memory_space<hbm>>) target(%arg9 : memref<128x128xf32, #tpu.memory_space<vmem>>) offsets(%dma_start3A_24 : memref<128xi32, #tpu.memory_space<vmem>>) semaphore(%arg11 : memref<!tpu.dma_semaphore, #tpu.memory_space<semaphore_mem>>)
    %dma_start3A_28 = arith.constant 1 : i32
    %dma_start3A_29 = arith.constant 0 : i32
    %dma_start3A_30 = tpu.memref_slice %arg7[%dma_start3A_28, %dma_start3A_29] : memref<8x128xi32, #tpu.memory_space<vmem>> -> memref<1x128xi32, #tpu.memory_space<vmem>>
    %dma_start3A_31 = tpu.memref_squeeze %dma_start3A_30 : memref<1x128xi32, #tpu.memory_space<vmem>> -> memref<128xi32, #tpu.memory_space<vmem>>
    %dma_start3A_32 = arith.constant 0 : i32
    %dma_start3A_33 = arith.constant 0 : i32
    %dma_start3A_34 = tpu.memref_slice %arg2[%dma_start3A_32, %dma_start3A_33] : memref<10112x128xf32, #tpu.memory_space<hbm>> -> memref<10112x128xf32, #tpu.memory_space<hbm>>
    tpu.enqueue_indirect_dma source(%dma_start3A_34 : memref<10112x128xf32, #tpu.memory_space<hbm>>) target(%arg10 : memref<128x128xf32, #tpu.memory_space<vmem>>) offsets(%dma_start3A_31 : memref<128xi32, #tpu.memory_space<vmem>>) semaphore(%arg12 : memref<!tpu.dma_semaphore, #tpu.memory_space<semaphore_mem>>)
    %scan3A = arith.constant 0 : i32
    %scan3A_35 = arith.constant 0 : i32
    %scan3A_36 = arith.constant 5 : i32
    %scan3A_37 = arith.addi %scan3A_35, %scan3A_36 : i32
    %scan3A_38 = arith.constant 1 : i32
    scf.for %scan3A_45 = %scan3A_35 to %scan3A_37 step %scan3A_38  : i32 {
      %gt3A = arith.constant 0 : i32
      %gt3A_46 = arith.cmpi sgt, %scan3A_45, %gt3A : i32
      %convert_element_type3A = arith.extui %gt3A_46 : i1 to i32
      %cond3A = arith.constant 0 : i32
      %cond3A_47 = arith.cmpi ne, %convert_element_type3A, %cond3A : i32
      scf.if %cond3A_47 {
        %mul3A_564 = arith.constant 2 : i32
        %mul3A_565 = arith.muli %mul3A_564, %scan3A_45 : i32
        %add3A_566 = arith.constant 1 : i32
        %add3A_567 = arith.addi %mul3A_565, %add3A_566 : i32
        %mul3A_568 = arith.constant 8 : i32
        %mul3A_569 = arith.muli %mul3A_568, %add3A_567 : i32
        %add3A_570 = arith.addi %add3A, %mul3A_569 : i32
        %dma_start3A_571 = arith.constant 0 : i32
        %dma_start3A_572 = tpu.memref_slice %arg3[%add3A_570, %dma_start3A_571] : memref<2560x128xi32, #tpu.memory_space<hbm>> -> memref<8x128xi32, #tpu.memory_space<hbm>>
        %dma_start3A_573 = arith.constant 0 : i32
        %dma_start3A_574 = tpu.memref_slice %arg3[%add3A_570, %dma_start3A_573] : memref<2560x128xi32, #tpu.memory_space<hbm>> -> memref<8x128xi32, #tpu.memory_space<hbm>>
        tpu.enqueue_dma source(%dma_start3A_574 : memref<8x128xi32, #tpu.memory_space<hbm>>) target(%arg8 : memref<8x128xi32, #tpu.memory_space<vmem>>) target_semaphore(%arg16 : memref<!tpu.dma_semaphore, #tpu.memory_space<semaphore_mem>>)
      } else {
      }
      %dma_wait3A_48 = arith.constant 0 : i32
      %dma_wait3A_49 = arith.constant 0 : i32
      %dma_wait3A_50 = tpu.memref_slice %arg7[%dma_wait3A_48, %dma_wait3A_49] : memref<8x128xi32, #tpu.memory_space<vmem>> -> memref<1x128xi32, #tpu.memory_space<vmem>>
      %dma_wait3A_51 = tpu.memref_squeeze %dma_wait3A_50 : memref<1x128xi32, #tpu.memory_space<vmem>> -> memref<128xi32, #tpu.memory_space<vmem>>
      %dma_wait3A_52 = arith.constant 0 : i32
      %dma_wait3A_53 = arith.constant 0 : i32
      %dma_wait3A_54 = tpu.memref_slice %arg2[%dma_wait3A_52, %dma_wait3A_53] : memref<10112x128xf32, #tpu.memory_space<hbm>> -> memref<10112x128xf32, #tpu.memory_space<hbm>>
      tpu.wait_indirect_dma semaphore(%arg11 : memref<!tpu.dma_semaphore, #tpu.memory_space<semaphore_mem>>) src(%dma_wait3A_54 : memref<10112x128xf32, #tpu.memory_space<hbm>>) dst(%arg9 : memref<128x128xf32, #tpu.memory_space<vmem>>)
      %mul3A_55 = arith.constant 16 : i32
      %mul3A_56 = arith.muli %mul3A_55, %scan3A_45 : i32
      %add3A_57 = arith.constant 0 : i32
      %add3A_58 = arith.addi %mul3A_56, %add3A_57 : i32
      %dma_start3A_59 = arith.constant 0 : i32
      %dma_start3A_60 = tpu.memref_slice %arg6[%add3A_58, %dma_start3A_59] : memref<80x128xi32, #tpu.memory_space<vmem>> -> memref<1x128xi32, #tpu.memory_space<vmem>>
      %dma_start3A_61 = tpu.memref_squeeze %dma_start3A_60 : memref<1x128xi32, #tpu.memory_space<vmem>> -> memref<128xi32, #tpu.memory_space<vmem>>
      %dma_start3A_62 = arith.constant 0 : i32
      %dma_start3A_63 = arith.constant 0 : i32
      %dma_start3A_64 = tpu.memref_slice %arg17[%dma_start3A_62, %dma_start3A_63] : memref<10112x128xf32, #tpu.memory_space<vmem_shared>> -> memref<10112x128xf32, #tpu.memory_space<vmem_shared>>
      tpu.enqueue_indirect_dma source(%arg9 : memref<128x128xf32, #tpu.memory_space<vmem>>) target(%dma_start3A_64 : memref<10112x128xf32, #tpu.memory_space<vmem_shared>>) offsets(%dma_start3A_61 : memref<128xi32, #tpu.memory_space<vmem>>) semaphore(%arg13 : memref<!tpu.dma_semaphore, #tpu.memory_space<semaphore_mem>>) {add = true}
      %dma_wait3A_65 = arith.constant 0 : i32
      %dma_wait3A_66 = arith.constant 0 : i32
      %dma_wait3A_67 = tpu.memref_slice %arg6[%dma_wait3A_65, %dma_wait3A_66] : memref<80x128xi32, #tpu.memory_space<vmem>> -> memref<1x128xi32, #tpu.memory_space<vmem>>
      %dma_wait3A_68 = tpu.memref_squeeze %dma_wait3A_67 : memref<1x128xi32, #tpu.memory_space<vmem>> -> memref<128xi32, #tpu.memory_space<vmem>>
      %dma_wait3A_69 = arith.constant 0 : i32
      %dma_wait3A_70 = arith.constant 0 : i32
      %dma_wait3A_71 = tpu.memref_slice %arg17[%dma_wait3A_69, %dma_wait3A_70] : memref<10112x128xf32, #tpu.memory_space<vmem_shared>> -> memref<10112x128xf32, #tpu.memory_space<vmem_shared>>
      tpu.wait_indirect_dma semaphore(%arg13 : memref<!tpu.dma_semaphore, #tpu.memory_space<semaphore_mem>>) src(%arg9 : memref<128x128xf32, #tpu.memory_space<vmem>>) dst(%dma_wait3A_71 : memref<10112x128xf32, #tpu.memory_space<vmem_shared>>)
      %dma_start3A_72 = arith.constant 2 : i32
      %dma_start3A_73 = arith.constant 0 : i32
      %dma_start3A_74 = tpu.memref_slice %arg7[%dma_start3A_72, %dma_start3A_73] : memref<8x128xi32, #tpu.memory_space<vmem>> -> memref<1x128xi32, #tpu.memory_space<vmem>>
      %dma_start3A_75 = tpu.memref_squeeze %dma_start3A_74 : memref<1x128xi32, #tpu.memory_space<vmem>> -> memref<128xi32, #tpu.memory_space<vmem>>
      %dma_start3A_76 = arith.constant 0 : i32
      %dma_start3A_77 = arith.constant 0 : i32
      %dma_start3A_78 = tpu.memref_slice %arg2[%dma_start3A_76, %dma_start3A_77] : memref<10112x128xf32, #tpu.memory_space<hbm>> -> memref<10112x128xf32, #tpu.memory_space<hbm>>
      tpu.enqueue_indirect_dma source(%dma_start3A_78 : memref<10112x128xf32, #tpu.memory_space<hbm>>) target(%arg9 : memref<128x128xf32, #tpu.memory_space<vmem>>) offsets(%dma_start3A_75 : memref<128xi32, #tpu.memory_space<vmem>>) semaphore(%arg11 : memref<!tpu.dma_semaphore, #tpu.memory_space<semaphore_mem>>)
      %dma_wait3A_79 = arith.constant 0 : i32
      %dma_wait3A_80 = arith.constant 0 : i32
      %dma_wait3A_81 = tpu.memref_slice %arg7[%dma_wait3A_79, %dma_wait3A_80] : memref<8x128xi32, #tpu.memory_space<vmem>> -> memref<1x128xi32, #tpu.memory_space<vmem>>
      %dma_wait3A_82 = tpu.memref_squeeze %dma_wait3A_81 : memref<1x128xi32, #tpu.memory_space<vmem>> -> memref<128xi32, #tpu.memory_space<vmem>>
      %dma_wait3A_83 = arith.constant 0 : i32
      %dma_wait3A_84 = arith.constant 0 : i32
      %dma_wait3A_85 = tpu.memref_slice %arg2[%dma_wait3A_83, %dma_wait3A_84] : memref<10112x128xf32, #tpu.memory_space<hbm>> -> memref<10112x128xf32, #tpu.memory_space<hbm>>
      tpu.wait_indirect_dma semaphore(%arg12 : memref<!tpu.dma_semaphore, #tpu.memory_space<semaphore_mem>>) src(%dma_wait3A_85 : memref<10112x128xf32, #tpu.memory_space<hbm>>) dst(%arg10 : memref<128x128xf32, #tpu.memory_space<vmem>>)
      %mul3A_86 = arith.constant 16 : i32
      %mul3A_87 = arith.muli %mul3A_86, %scan3A_45 : i32
      %add3A_88 = arith.constant 1 : i32
      %add3A_89 = arith.addi %mul3A_87, %add3A_88 : i32
      %dma_start3A_90 = arith.constant 0 : i32
      %dma_start3A_91 = tpu.memref_slice %arg6[%add3A_89, %dma_start3A_90] : memref<80x128xi32, #tpu.memory_space<vmem>> -> memref<1x128xi32, #tpu.memory_space<vmem>>
      %dma_start3A_92 = tpu.memref_squeeze %dma_start3A_91 : memref<1x128xi32, #tpu.memory_space<vmem>> -> memref<128xi32, #tpu.memory_space<vmem>>
      %dma_start3A_93 = arith.constant 0 : i32
      %dma_start3A_94 = arith.constant 0 : i32
      %dma_start3A_95 = tpu.memref_slice %arg17[%dma_start3A_93, %dma_start3A_94] : memref<10112x128xf32, #tpu.memory_space<vmem_shared>> -> memref<10112x128xf32, #tpu.memory_space<vmem_shared>>
      tpu.enqueue_indirect_dma source(%arg10 : memref<128x128xf32, #tpu.memory_space<vmem>>) target(%dma_start3A_95 : memref<10112x128xf32, #tpu.memory_space<vmem_shared>>) offsets(%dma_start3A_92 : memref<128xi32, #tpu.memory_space<vmem>>) semaphore(%arg14 : memref<!tpu.dma_semaphore, #tpu.memory_space<semaphore_mem>>) {add = true}
      %dma_wait3A_96 = arith.constant 0 : i32
      %dma_wait3A_97 = arith.constant 0 : i32
      %dma_wait3A_98 = tpu.memref_slice %arg6[%dma_wait3A_96, %dma_wait3A_97] : memref<80x128xi32, #tpu.memory_space<vmem>> -> memref<1x128xi32, #tpu.memory_space<vmem>>
      %dma_wait3A_99 = tpu.memref_squeeze %dma_wait3A_98 : memref<1x128xi32, #tpu.memory_space<vmem>> -> memref<128xi32, #tpu.memory_space<vmem>>
      %dma_wait3A_100 = arith.constant 0 : i32
      %dma_wait3A_101 = arith.constant 0 : i32
      %dma_wait3A_102 = tpu.memref_slice %arg17[%dma_wait3A_100, %dma_wait3A_101] : memref<10112x128xf32, #tpu.memory_space<vmem_shared>> -> memref<10112x128xf32, #tpu.memory_space<vmem_shared>>
      tpu.wait_indirect_dma semaphore(%arg14 : memref<!tpu.dma_semaphore, #tpu.memory_space<semaphore_mem>>) src(%arg10 : memref<128x128xf32, #tpu.memory_space<vmem>>) dst(%dma_wait3A_102 : memref<10112x128xf32, #tpu.memory_space<vmem_shared>>)
      %dma_start3A_103 = arith.constant 3 : i32
      %dma_start3A_104 = arith.constant 0 : i32
      %dma_start3A_105 = tpu.memref_slice %arg7[%dma_start3A_103, %dma_start3A_104] : memref<8x128xi32, #tpu.memory_space<vmem>> -> memref<1x128xi32, #tpu.memory_space<vmem>>
      %dma_start3A_106 = tpu.memref_squeeze %dma_start3A_105 : memref<1x128xi32, #tpu.memory_space<vmem>> -> memref<128xi32, #tpu.memory_space<vmem>>
      %dma_start3A_107 = arith.constant 0 : i32
      %dma_start3A_108 = arith.constant 0 : i32
      %dma_start3A_109 = tpu.memref_slice %arg2[%dma_start3A_107, %dma_start3A_108] : memref<10112x128xf32, #tpu.memory_space<hbm>> -> memref<10112x128xf32, #tpu.memory_space<hbm>>
      tpu.enqueue_indirect_dma source(%dma_start3A_109 : memref<10112x128xf32, #tpu.memory_space<hbm>>) target(%arg10 : memref<128x128xf32, #tpu.memory_space<vmem>>) offsets(%dma_start3A_106 : memref<128xi32, #tpu.memory_space<vmem>>) semaphore(%arg12 : memref<!tpu.dma_semaphore, #tpu.memory_space<semaphore_mem>>)
      %dma_wait3A_110 = arith.constant 0 : i32
      %dma_wait3A_111 = arith.constant 0 : i32
      %dma_wait3A_112 = tpu.memref_slice %arg7[%dma_wait3A_110, %dma_wait3A_111] : memref<8x128xi32, #tpu.memory_space<vmem>> -> memref<1x128xi32, #tpu.memory_space<vmem>>
      %dma_wait3A_113 = tpu.memref_squeeze %dma_wait3A_112 : memref<1x128xi32, #tpu.memory_space<vmem>> -> memref<128xi32, #tpu.memory_space<vmem>>
      %dma_wait3A_114 = arith.constant 0 : i32
      %dma_wait3A_115 = arith.constant 0 : i32
      %dma_wait3A_116 = tpu.memref_slice %arg2[%dma_wait3A_114, %dma_wait3A_115] : memref<10112x128xf32, #tpu.memory_space<hbm>> -> memref<10112x128xf32, #tpu.memory_space<hbm>>
      tpu.wait_indirect_dma semaphore(%arg11 : memref<!tpu.dma_semaphore, #tpu.memory_space<semaphore_mem>>) src(%dma_wait3A_116 : memref<10112x128xf32, #tpu.memory_space<hbm>>) dst(%arg9 : memref<128x128xf32, #tpu.memory_space<vmem>>)
      %mul3A_117 = arith.constant 16 : i32
      %mul3A_118 = arith.muli %mul3A_117, %scan3A_45 : i32
      %add3A_119 = arith.constant 2 : i32
      %add3A_120 = arith.addi %mul3A_118, %add3A_119 : i32
      %dma_start3A_121 = arith.constant 0 : i32
      %dma_start3A_122 = tpu.memref_slice %arg6[%add3A_120, %dma_start3A_121] : memref<80x128xi32, #tpu.memory_space<vmem>> -> memref<1x128xi32, #tpu.memory_space<vmem>>
      %dma_start3A_123 = tpu.memref_squeeze %dma_start3A_122 : memref<1x128xi32, #tpu.memory_space<vmem>> -> memref<128xi32, #tpu.memory_space<vmem>>
      %dma_start3A_124 = arith.constant 0 : i32
      %dma_start3A_125 = arith.constant 0 : i32
      %dma_start3A_126 = tpu.memref_slice %arg17[%dma_start3A_124, %dma_start3A_125] : memref<10112x128xf32, #tpu.memory_space<vmem_shared>> -> memref<10112x128xf32, #tpu.memory_space<vmem_shared>>
      tpu.enqueue_indirect_dma source(%arg9 : memref<128x128xf32, #tpu.memory_space<vmem>>) target(%dma_start3A_126 : memref<10112x128xf32, #tpu.memory_space<vmem_shared>>) offsets(%dma_start3A_123 : memref<128xi32, #tpu.memory_space<vmem>>) semaphore(%arg13 : memref<!tpu.dma_semaphore, #tpu.memory_space<semaphore_mem>>) {add = true}
      %dma_wait3A_127 = arith.constant 0 : i32
      %dma_wait3A_128 = arith.constant 0 : i32
      %dma_wait3A_129 = tpu.memref_slice %arg6[%dma_wait3A_127, %dma_wait3A_128] : memref<80x128xi32, #tpu.memory_space<vmem>> -> memref<1x128xi32, #tpu.memory_space<vmem>>
      %dma_wait3A_130 = tpu.memref_squeeze %dma_wait3A_129 : memref<1x128xi32, #tpu.memory_space<vmem>> -> memref<128xi32, #tpu.memory_space<vmem>>
      %dma_wait3A_131 = arith.constant 0 : i32
      %dma_wait3A_132 = arith.constant 0 : i32
      %dma_wait3A_133 = tpu.memref_slice %arg17[%dma_wait3A_131, %dma_wait3A_132] : memref<10112x128xf32, #tpu.memory_space<vmem_shared>> -> memref<10112x128xf32, #tpu.memory_space<vmem_shared>>
      tpu.wait_indirect_dma semaphore(%arg13 : memref<!tpu.dma_semaphore, #tpu.memory_space<semaphore_mem>>) src(%arg9 : memref<128x128xf32, #tpu.memory_space<vmem>>) dst(%dma_wait3A_133 : memref<10112x128xf32, #tpu.memory_space<vmem_shared>>)
      %dma_start3A_134 = arith.constant 4 : i32
      %dma_start3A_135 = arith.constant 0 : i32
      %dma_start3A_136 = tpu.memref_slice %arg7[%dma_start3A_134, %dma_start3A_135] : memref<8x128xi32, #tpu.memory_space<vmem>> -> memref<1x128xi32, #tpu.memory_space<vmem>>
      %dma_start3A_137 = tpu.memref_squeeze %dma_start3A_136 : memref<1x128xi32, #tpu.memory_space<vmem>> -> memref<128xi32, #tpu.memory_space<vmem>>
      %dma_start3A_138 = arith.constant 0 : i32
      %dma_start3A_139 = arith.constant 0 : i32
      %dma_start3A_140 = tpu.memref_slice %arg2[%dma_start3A_138, %dma_start3A_139] : memref<10112x128xf32, #tpu.memory_space<hbm>> -> memref<10112x128xf32, #tpu.memory_space<hbm>>
      tpu.enqueue_indirect_dma source(%dma_start3A_140 : memref<10112x128xf32, #tpu.memory_space<hbm>>) target(%arg9 : memref<128x128xf32, #tpu.memory_space<vmem>>) offsets(%dma_start3A_137 : memref<128xi32, #tpu.memory_space<vmem>>) semaphore(%arg11 : memref<!tpu.dma_semaphore, #tpu.memory_space<semaphore_mem>>)
      %dma_wait3A_141 = arith.constant 0 : i32
      %dma_wait3A_142 = arith.constant 0 : i32
      %dma_wait3A_143 = tpu.memref_slice %arg7[%dma_wait3A_141, %dma_wait3A_142] : memref<8x128xi32, #tpu.memory_space<vmem>> -> memref<1x128xi32, #tpu.memory_space<vmem>>
      %dma_wait3A_144 = tpu.memref_squeeze %dma_wait3A_143 : memref<1x128xi32, #tpu.memory_space<vmem>> -> memref<128xi32, #tpu.memory_space<vmem>>
      %dma_wait3A_145 = arith.constant 0 : i32
      %dma_wait3A_146 = arith.constant 0 : i32
      %dma_wait3A_147 = tpu.memref_slice %arg2[%dma_wait3A_145, %dma_wait3A_146] : memref<10112x128xf32, #tpu.memory_space<hbm>> -> memref<10112x128xf32, #tpu.memory_space<hbm>>
      tpu.wait_indirect_dma semaphore(%arg12 : memref<!tpu.dma_semaphore, #tpu.memory_space<semaphore_mem>>) src(%dma_wait3A_147 : memref<10112x128xf32, #tpu.memory_space<hbm>>) dst(%arg10 : memref<128x128xf32, #tpu.memory_space<vmem>>)
      %mul3A_148 = arith.constant 16 : i32
      %mul3A_149 = arith.muli %mul3A_148, %scan3A_45 : i32
      %add3A_150 = arith.constant 3 : i32
      %add3A_151 = arith.addi %mul3A_149, %add3A_150 : i32
      %dma_start3A_152 = arith.constant 0 : i32
      %dma_start3A_153 = tpu.memref_slice %arg6[%add3A_151, %dma_start3A_152] : memref<80x128xi32, #tpu.memory_space<vmem>> -> memref<1x128xi32, #tpu.memory_space<vmem>>
      %dma_start3A_154 = tpu.memref_squeeze %dma_start3A_153 : memref<1x128xi32, #tpu.memory_space<vmem>> -> memref<128xi32, #tpu.memory_space<vmem>>
      %dma_start3A_155 = arith.constant 0 : i32
      %dma_start3A_156 = arith.constant 0 : i32
      %dma_start3A_157 = tpu.memref_slice %arg17[%dma_start3A_155, %dma_start3A_156] : memref<10112x128xf32, #tpu.memory_space<vmem_shared>> -> memref<10112x128xf32, #tpu.memory_space<vmem_shared>>
      tpu.enqueue_indirect_dma source(%arg10 : memref<128x128xf32, #tpu.memory_space<vmem>>) target(%dma_start3A_157 : memref<10112x128xf32, #tpu.memory_space<vmem_shared>>) offsets(%dma_start3A_154 : memref<128xi32, #tpu.memory_space<vmem>>) semaphore(%arg14 : memref<!tpu.dma_semaphore, #tpu.memory_space<semaphore_mem>>) {add = true}
      %dma_wait3A_158 = arith.constant 0 : i32
      %dma_wait3A_159 = arith.constant 0 : i32
      %dma_wait3A_160 = tpu.memref_slice %arg6[%dma_wait3A_158, %dma_wait3A_159] : memref<80x128xi32, #tpu.memory_space<vmem>> -> memref<1x128xi32, #tpu.memory_space<vmem>>
      %dma_wait3A_161 = tpu.memref_squeeze %dma_wait3A_160 : memref<1x128xi32, #tpu.memory_space<vmem>> -> memref<128xi32, #tpu.memory_space<vmem>>
      %dma_wait3A_162 = arith.constant 0 : i32
      %dma_wait3A_163 = arith.constant 0 : i32
      %dma_wait3A_164 = tpu.memref_slice %arg17[%dma_wait3A_162, %dma_wait3A_163] : memref<10112x128xf32, #tpu.memory_space<vmem_shared>> -> memref<10112x128xf32, #tpu.memory_space<vmem_shared>>
      tpu.wait_indirect_dma semaphore(%arg14 : memref<!tpu.dma_semaphore, #tpu.memory_space<semaphore_mem>>) src(%arg10 : memref<128x128xf32, #tpu.memory_space<vmem>>) dst(%dma_wait3A_164 : memref<10112x128xf32, #tpu.memory_space<vmem_shared>>)
      %dma_start3A_165 = arith.constant 5 : i32
      %dma_start3A_166 = arith.constant 0 : i32
      %dma_start3A_167 = tpu.memref_slice %arg7[%dma_start3A_165, %dma_start3A_166] : memref<8x128xi32, #tpu.memory_space<vmem>> -> memref<1x128xi32, #tpu.memory_space<vmem>>
      %dma_start3A_168 = tpu.memref_squeeze %dma_start3A_167 : memref<1x128xi32, #tpu.memory_space<vmem>> -> memref<128xi32, #tpu.memory_space<vmem>>
      %dma_start3A_169 = arith.constant 0 : i32
      %dma_start3A_170 = arith.constant 0 : i32
      %dma_start3A_171 = tpu.memref_slice %arg2[%dma_start3A_169, %dma_start3A_170] : memref<10112x128xf32, #tpu.memory_space<hbm>> -> memref<10112x128xf32, #tpu.memory_space<hbm>>
      tpu.enqueue_indirect_dma source(%dma_start3A_171 : memref<10112x128xf32, #tpu.memory_space<hbm>>) target(%arg10 : memref<128x128xf32, #tpu.memory_space<vmem>>) offsets(%dma_start3A_168 : memref<128xi32, #tpu.memory_space<vmem>>) semaphore(%arg12 : memref<!tpu.dma_semaphore, #tpu.memory_space<semaphore_mem>>)
      %dma_wait3A_172 = arith.constant 0 : i32
      %dma_wait3A_173 = arith.constant 0 : i32
      %dma_wait3A_174 = tpu.memref_slice %arg7[%dma_wait3A_172, %dma_wait3A_173] : memref<8x128xi32, #tpu.memory_space<vmem>> -> memref<1x128xi32, #tpu.memory_space<vmem>>
      %dma_wait3A_175 = tpu.memref_squeeze %dma_wait3A_174 : memref<1x128xi32, #tpu.memory_space<vmem>> -> memref<128xi32, #tpu.memory_space<vmem>>
      %dma_wait3A_176 = arith.constant 0 : i32
      %dma_wait3A_177 = arith.constant 0 : i32
      %dma_wait3A_178 = tpu.memref_slice %arg2[%dma_wait3A_176, %dma_wait3A_177] : memref<10112x128xf32, #tpu.memory_space<hbm>> -> memref<10112x128xf32, #tpu.memory_space<hbm>>
      tpu.wait_indirect_dma semaphore(%arg11 : memref<!tpu.dma_semaphore, #tpu.memory_space<semaphore_mem>>) src(%dma_wait3A_178 : memref<10112x128xf32, #tpu.memory_space<hbm>>) dst(%arg9 : memref<128x128xf32, #tpu.memory_space<vmem>>)
      %mul3A_179 = arith.constant 16 : i32
      %mul3A_180 = arith.muli %mul3A_179, %scan3A_45 : i32
      %add3A_181 = arith.constant 4 : i32
      %add3A_182 = arith.addi %mul3A_180, %add3A_181 : i32
      %dma_start3A_183 = arith.constant 0 : i32
      %dma_start3A_184 = tpu.memref_slice %arg6[%add3A_182, %dma_start3A_183] : memref<80x128xi32, #tpu.memory_space<vmem>> -> memref<1x128xi32, #tpu.memory_space<vmem>>
      %dma_start3A_185 = tpu.memref_squeeze %dma_start3A_184 : memref<1x128xi32, #tpu.memory_space<vmem>> -> memref<128xi32, #tpu.memory_space<vmem>>
      %dma_start3A_186 = arith.constant 0 : i32
      %dma_start3A_187 = arith.constant 0 : i32
      %dma_start3A_188 = tpu.memref_slice %arg17[%dma_start3A_186, %dma_start3A_187] : memref<10112x128xf32, #tpu.memory_space<vmem_shared>> -> memref<10112x128xf32, #tpu.memory_space<vmem_shared>>
      tpu.enqueue_indirect_dma source(%arg9 : memref<128x128xf32, #tpu.memory_space<vmem>>) target(%dma_start3A_188 : memref<10112x128xf32, #tpu.memory_space<vmem_shared>>) offsets(%dma_start3A_185 : memref<128xi32, #tpu.memory_space<vmem>>) semaphore(%arg13 : memref<!tpu.dma_semaphore, #tpu.memory_space<semaphore_mem>>) {add = true}
      %dma_wait3A_189 = arith.constant 0 : i32
      %dma_wait3A_190 = arith.constant 0 : i32
      %dma_wait3A_191 = tpu.memref_slice %arg6[%dma_wait3A_189, %dma_wait3A_190] : memref<80x128xi32, #tpu.memory_space<vmem>> -> memref<1x128xi32, #tpu.memory_space<vmem>>
      %dma_wait3A_192 = tpu.memref_squeeze %dma_wait3A_191 : memref<1x128xi32, #tpu.memory_space<vmem>> -> memref<128xi32, #tpu.memory_space<vmem>>
      %dma_wait3A_193 = arith.constant 0 : i32
      %dma_wait3A_194 = arith.constant 0 : i32
      %dma_wait3A_195 = tpu.memref_slice %arg17[%dma_wait3A_193, %dma_wait3A_194] : memref<10112x128xf32, #tpu.memory_space<vmem_shared>> -> memref<10112x128xf32, #tpu.memory_space<vmem_shared>>
      tpu.wait_indirect_dma semaphore(%arg13 : memref<!tpu.dma_semaphore, #tpu.memory_space<semaphore_mem>>) src(%arg9 : memref<128x128xf32, #tpu.memory_space<vmem>>) dst(%dma_wait3A_195 : memref<10112x128xf32, #tpu.memory_space<vmem_shared>>)
      %dma_start3A_196 = arith.constant 6 : i32
      %dma_start3A_197 = arith.constant 0 : i32
      %dma_start3A_198 = tpu.memref_slice %arg7[%dma_start3A_196, %dma_start3A_197] : memref<8x128xi32, #tpu.memory_space<vmem>> -> memref<1x128xi32, #tpu.memory_space<vmem>>
      %dma_start3A_199 = tpu.memref_squeeze %dma_start3A_198 : memref<1x128xi32, #tpu.memory_space<vmem>> -> memref<128xi32, #tpu.memory_space<vmem>>
      %dma_start3A_200 = arith.constant 0 : i32
      %dma_start3A_201 = arith.constant 0 : i32
      %dma_start3A_202 = tpu.memref_slice %arg2[%dma_start3A_200, %dma_start3A_201] : memref<10112x128xf32, #tpu.memory_space<hbm>> -> memref<10112x128xf32, #tpu.memory_space<hbm>>
      tpu.enqueue_indirect_dma source(%dma_start3A_202 : memref<10112x128xf32, #tpu.memory_space<hbm>>) target(%arg9 : memref<128x128xf32, #tpu.memory_space<vmem>>) offsets(%dma_start3A_199 : memref<128xi32, #tpu.memory_space<vmem>>) semaphore(%arg11 : memref<!tpu.dma_semaphore, #tpu.memory_space<semaphore_mem>>)
      %dma_wait3A_203 = arith.constant 0 : i32
      %dma_wait3A_204 = arith.constant 0 : i32
      %dma_wait3A_205 = tpu.memref_slice %arg7[%dma_wait3A_203, %dma_wait3A_204] : memref<8x128xi32, #tpu.memory_space<vmem>> -> memref<1x128xi32, #tpu.memory_space<vmem>>
      %dma_wait3A_206 = tpu.memref_squeeze %dma_wait3A_205 : memref<1x128xi32, #tpu.memory_space<vmem>> -> memref<128xi32, #tpu.memory_space<vmem>>
      %dma_wait3A_207 = arith.constant 0 : i32
      %dma_wait3A_208 = arith.constant 0 : i32
      %dma_wait3A_209 = tpu.memref_slice %arg2[%dma_wait3A_207, %dma_wait3A_208] : memref<10112x128xf32, #tpu.memory_space<hbm>> -> memref<10112x128xf32, #tpu.memory_space<hbm>>
      tpu.wait_indirect_dma semaphore(%arg12 : memref<!tpu.dma_semaphore, #tpu.memory_space<semaphore_mem>>) src(%dma_wait3A_209 : memref<10112x128xf32, #tpu.memory_space<hbm>>) dst(%arg10 : memref<128x128xf32, #tpu.memory_space<vmem>>)
      %mul3A_210 = arith.constant 16 : i32
      %mul3A_211 = arith.muli %mul3A_210, %scan3A_45 : i32
      %add3A_212 = arith.constant 5 : i32
      %add3A_213 = arith.addi %mul3A_211, %add3A_212 : i32
      %dma_start3A_214 = arith.constant 0 : i32
      %dma_start3A_215 = tpu.memref_slice %arg6[%add3A_213, %dma_start3A_214] : memref<80x128xi32, #tpu.memory_space<vmem>> -> memref<1x128xi32, #tpu.memory_space<vmem>>
      %dma_start3A_216 = tpu.memref_squeeze %dma_start3A_215 : memref<1x128xi32, #tpu.memory_space<vmem>> -> memref<128xi32, #tpu.memory_space<vmem>>
      %dma_start3A_217 = arith.constant 0 : i32
      %dma_start3A_218 = arith.constant 0 : i32
      %dma_start3A_219 = tpu.memref_slice %arg17[%dma_start3A_217, %dma_start3A_218] : memref<10112x128xf32, #tpu.memory_space<vmem_shared>> -> memref<10112x128xf32, #tpu.memory_space<vmem_shared>>
      tpu.enqueue_indirect_dma source(%arg10 : memref<128x128xf32, #tpu.memory_space<vmem>>) target(%dma_start3A_219 : memref<10112x128xf32, #tpu.memory_space<vmem_shared>>) offsets(%dma_start3A_216 : memref<128xi32, #tpu.memory_space<vmem>>) semaphore(%arg14 : memref<!tpu.dma_semaphore, #tpu.memory_space<semaphore_mem>>) {add = true}
      %dma_wait3A_220 = arith.constant 0 : i32
      %dma_wait3A_221 = arith.constant 0 : i32
      %dma_wait3A_222 = tpu.memref_slice %arg6[%dma_wait3A_220, %dma_wait3A_221] : memref<80x128xi32, #tpu.memory_space<vmem>> -> memref<1x128xi32, #tpu.memory_space<vmem>>
      %dma_wait3A_223 = tpu.memref_squeeze %dma_wait3A_222 : memref<1x128xi32, #tpu.memory_space<vmem>> -> memref<128xi32, #tpu.memory_space<vmem>>
      %dma_wait3A_224 = arith.constant 0 : i32
      %dma_wait3A_225 = arith.constant 0 : i32
      %dma_wait3A_226 = tpu.memref_slice %arg17[%dma_wait3A_224, %dma_wait3A_225] : memref<10112x128xf32, #tpu.memory_space<vmem_shared>> -> memref<10112x128xf32, #tpu.memory_space<vmem_shared>>
      tpu.wait_indirect_dma semaphore(%arg14 : memref<!tpu.dma_semaphore, #tpu.memory_space<semaphore_mem>>) src(%arg10 : memref<128x128xf32, #tpu.memory_space<vmem>>) dst(%dma_wait3A_226 : memref<10112x128xf32, #tpu.memory_space<vmem_shared>>)
      %dma_start3A_227 = arith.constant 7 : i32
      %dma_start3A_228 = arith.constant 0 : i32
      %dma_start3A_229 = tpu.memref_slice %arg7[%dma_start3A_227, %dma_start3A_228] : memref<8x128xi32, #tpu.memory_space<vmem>> -> memref<1x128xi32, #tpu.memory_space<vmem>>
      %dma_start3A_230 = tpu.memref_squeeze %dma_start3A_229 : memref<1x128xi32, #tpu.memory_space<vmem>> -> memref<128xi32, #tpu.memory_space<vmem>>
      %dma_start3A_231 = arith.constant 0 : i32
      %dma_start3A_232 = arith.constant 0 : i32
      %dma_start3A_233 = tpu.memref_slice %arg2[%dma_start3A_231, %dma_start3A_232] : memref<10112x128xf32, #tpu.memory_space<hbm>> -> memref<10112x128xf32, #tpu.memory_space<hbm>>
      tpu.enqueue_indirect_dma source(%dma_start3A_233 : memref<10112x128xf32, #tpu.memory_space<hbm>>) target(%arg10 : memref<128x128xf32, #tpu.memory_space<vmem>>) offsets(%dma_start3A_230 : memref<128xi32, #tpu.memory_space<vmem>>) semaphore(%arg12 : memref<!tpu.dma_semaphore, #tpu.memory_space<semaphore_mem>>)
      %dma_wait3A_234 = arith.constant 0 : i32
      %dma_wait3A_235 = arith.constant 0 : i32
      %dma_wait3A_236 = tpu.memref_slice %arg7[%dma_wait3A_234, %dma_wait3A_235] : memref<8x128xi32, #tpu.memory_space<vmem>> -> memref<1x128xi32, #tpu.memory_space<vmem>>
      %dma_wait3A_237 = tpu.memref_squeeze %dma_wait3A_236 : memref<1x128xi32, #tpu.memory_space<vmem>> -> memref<128xi32, #tpu.memory_space<vmem>>
      %dma_wait3A_238 = arith.constant 0 : i32
      %dma_wait3A_239 = arith.constant 0 : i32
      %dma_wait3A_240 = tpu.memref_slice %arg2[%dma_wait3A_238, %dma_wait3A_239] : memref<10112x128xf32, #tpu.memory_space<hbm>> -> memref<10112x128xf32, #tpu.memory_space<hbm>>
      tpu.wait_indirect_dma semaphore(%arg11 : memref<!tpu.dma_semaphore, #tpu.memory_space<semaphore_mem>>) src(%dma_wait3A_240 : memref<10112x128xf32, #tpu.memory_space<hbm>>) dst(%arg9 : memref<128x128xf32, #tpu.memory_space<vmem>>)
      %mul3A_241 = arith.constant 16 : i32
      %mul3A_242 = arith.muli %mul3A_241, %scan3A_45 : i32
      %add3A_243 = arith.constant 6 : i32
      %add3A_244 = arith.addi %mul3A_242, %add3A_243 : i32
      %dma_start3A_245 = arith.constant 0 : i32
      %dma_start3A_246 = tpu.memref_slice %arg6[%add3A_244, %dma_start3A_245] : memref<80x128xi32, #tpu.memory_space<vmem>> -> memref<1x128xi32, #tpu.memory_space<vmem>>
      %dma_start3A_247 = tpu.memref_squeeze %dma_start3A_246 : memref<1x128xi32, #tpu.memory_space<vmem>> -> memref<128xi32, #tpu.memory_space<vmem>>
      %dma_start3A_248 = arith.constant 0 : i32
      %dma_start3A_249 = arith.constant 0 : i32
      %dma_start3A_250 = tpu.memref_slice %arg17[%dma_start3A_248, %dma_start3A_249] : memref<10112x128xf32, #tpu.memory_space<vmem_shared>> -> memref<10112x128xf32, #tpu.memory_space<vmem_shared>>
      tpu.enqueue_indirect_dma source(%arg9 : memref<128x128xf32, #tpu.memory_space<vmem>>) target(%dma_start3A_250 : memref<10112x128xf32, #tpu.memory_space<vmem_shared>>) offsets(%dma_start3A_247 : memref<128xi32, #tpu.memory_space<vmem>>) semaphore(%arg13 : memref<!tpu.dma_semaphore, #tpu.memory_space<semaphore_mem>>) {add = true}
      %dma_wait3A_251 = arith.constant 0 : i32
      %dma_wait3A_252 = arith.constant 0 : i32
      %dma_wait3A_253 = tpu.memref_slice %arg6[%dma_wait3A_251, %dma_wait3A_252] : memref<80x128xi32, #tpu.memory_space<vmem>> -> memref<1x128xi32, #tpu.memory_space<vmem>>
      %dma_wait3A_254 = tpu.memref_squeeze %dma_wait3A_253 : memref<1x128xi32, #tpu.memory_space<vmem>> -> memref<128xi32, #tpu.memory_space<vmem>>
      %dma_wait3A_255 = arith.constant 0 : i32
      %dma_wait3A_256 = arith.constant 0 : i32
      %dma_wait3A_257 = tpu.memref_slice %arg17[%dma_wait3A_255, %dma_wait3A_256] : memref<10112x128xf32, #tpu.memory_space<vmem_shared>> -> memref<10112x128xf32, #tpu.memory_space<vmem_shared>>
      tpu.wait_indirect_dma semaphore(%arg13 : memref<!tpu.dma_semaphore, #tpu.memory_space<semaphore_mem>>) src(%arg9 : memref<128x128xf32, #tpu.memory_space<vmem>>) dst(%dma_wait3A_257 : memref<10112x128xf32, #tpu.memory_space<vmem_shared>>)
      %dma_wait3A_258 = arith.constant 0 : i32
      %dma_wait3A_259 = tpu.memref_slice %arg3[%add3A, %dma_wait3A_258] : memref<2560x128xi32, #tpu.memory_space<hbm>> -> memref<8x128xi32, #tpu.memory_space<hbm>>
      %dma_wait3A_260 = arith.constant 0 : i32
      %dma_wait3A_261 = tpu.memref_slice %arg3[%add3A, %dma_wait3A_260] : memref<2560x128xi32, #tpu.memory_space<hbm>> -> memref<8x128xi32, #tpu.memory_space<hbm>>
      tpu.wait_dma2 semaphore(%arg16 : memref<!tpu.dma_semaphore, #tpu.memory_space<semaphore_mem>>) src(%dma_wait3A_261 : memref<8x128xi32, #tpu.memory_space<hbm>>) dst(%arg8 : memref<8x128xi32, #tpu.memory_space<vmem>>)
      %dma_start3A_262 = arith.constant 0 : i32
      %dma_start3A_263 = arith.constant 0 : i32
      %dma_start3A_264 = tpu.memref_slice %arg8[%dma_start3A_262, %dma_start3A_263] : memref<8x128xi32, #tpu.memory_space<vmem>> -> memref<1x128xi32, #tpu.memory_space<vmem>>
      %dma_start3A_265 = tpu.memref_squeeze %dma_start3A_264 : memref<1x128xi32, #tpu.memory_space<vmem>> -> memref<128xi32, #tpu.memory_space<vmem>>
      %dma_start3A_266 = arith.constant 0 : i32
      %dma_start3A_267 = arith.constant 0 : i32
      %dma_start3A_268 = tpu.memref_slice %arg2[%dma_start3A_266, %dma_start3A_267] : memref<10112x128xf32, #tpu.memory_space<hbm>> -> memref<10112x128xf32, #tpu.memory_space<hbm>>
      tpu.enqueue_indirect_dma source(%dma_start3A_268 : memref<10112x128xf32, #tpu.memory_space<hbm>>) target(%arg9 : memref<128x128xf32, #tpu.memory_space<vmem>>) offsets(%dma_start3A_265 : memref<128xi32, #tpu.memory_space<vmem>>) semaphore(%arg11 : memref<!tpu.dma_semaphore, #tpu.memory_space<semaphore_mem>>)
      %dma_wait3A_269 = arith.constant 0 : i32
      %dma_wait3A_270 = arith.constant 0 : i32
      %dma_wait3A_271 = tpu.memref_slice %arg7[%dma_wait3A_269, %dma_wait3A_270] : memref<8x128xi32, #tpu.memory_space<vmem>> -> memref<1x128xi32, #tpu.memory_space<vmem>>
      %dma_wait3A_272 = tpu.memref_squeeze %dma_wait3A_271 : memref<1x128xi32, #tpu.memory_space<vmem>> -> memref<128xi32, #tpu.memory_space<vmem>>
      %dma_wait3A_273 = arith.constant 0 : i32
      %dma_wait3A_274 = arith.constant 0 : i32
      %dma_wait3A_275 = tpu.memref_slice %arg2[%dma_wait3A_273, %dma_wait3A_274] : memref<10112x128xf32, #tpu.memory_space<hbm>> -> memref<10112x128xf32, #tpu.memory_space<hbm>>
      tpu.wait_indirect_dma semaphore(%arg12 : memref<!tpu.dma_semaphore, #tpu.memory_space<semaphore_mem>>) src(%dma_wait3A_275 : memref<10112x128xf32, #tpu.memory_space<hbm>>) dst(%arg10 : memref<128x128xf32, #tpu.memory_space<vmem>>)
      %mul3A_276 = arith.constant 16 : i32
      %mul3A_277 = arith.muli %mul3A_276, %scan3A_45 : i32
      %add3A_278 = arith.constant 7 : i32
      %add3A_279 = arith.addi %mul3A_277, %add3A_278 : i32
      %dma_start3A_280 = arith.constant 0 : i32
      %dma_start3A_281 = tpu.memref_slice %arg6[%add3A_279, %dma_start3A_280] : memref<80x128xi32, #tpu.memory_space<vmem>> -> memref<1x128xi32, #tpu.memory_space<vmem>>
      %dma_start3A_282 = tpu.memref_squeeze %dma_start3A_281 : memref<1x128xi32, #tpu.memory_space<vmem>> -> memref<128xi32, #tpu.memory_space<vmem>>
      %dma_start3A_283 = arith.constant 0 : i32
      %dma_start3A_284 = arith.constant 0 : i32
      %dma_start3A_285 = tpu.memref_slice %arg17[%dma_start3A_283, %dma_start3A_284] : memref<10112x128xf32, #tpu.memory_space<vmem_shared>> -> memref<10112x128xf32, #tpu.memory_space<vmem_shared>>
      tpu.enqueue_indirect_dma source(%arg10 : memref<128x128xf32, #tpu.memory_space<vmem>>) target(%dma_start3A_285 : memref<10112x128xf32, #tpu.memory_space<vmem_shared>>) offsets(%dma_start3A_282 : memref<128xi32, #tpu.memory_space<vmem>>) semaphore(%arg14 : memref<!tpu.dma_semaphore, #tpu.memory_space<semaphore_mem>>) {add = true}
      %dma_wait3A_286 = arith.constant 0 : i32
      %dma_wait3A_287 = arith.constant 0 : i32
      %dma_wait3A_288 = tpu.memref_slice %arg6[%dma_wait3A_286, %dma_wait3A_287] : memref<80x128xi32, #tpu.memory_space<vmem>> -> memref<1x128xi32, #tpu.memory_space<vmem>>
      %dma_wait3A_289 = tpu.memref_squeeze %dma_wait3A_288 : memref<1x128xi32, #tpu.memory_space<vmem>> -> memref<128xi32, #tpu.memory_space<vmem>>
      %dma_wait3A_290 = arith.constant 0 : i32
      %dma_wait3A_291 = arith.constant 0 : i32
      %dma_wait3A_292 = tpu.memref_slice %arg17[%dma_wait3A_290, %dma_wait3A_291] : memref<10112x128xf32, #tpu.memory_space<vmem_shared>> -> memref<10112x128xf32, #tpu.memory_space<vmem_shared>>
      tpu.wait_indirect_dma semaphore(%arg14 : memref<!tpu.dma_semaphore, #tpu.memory_space<semaphore_mem>>) src(%arg10 : memref<128x128xf32, #tpu.memory_space<vmem>>) dst(%dma_wait3A_292 : memref<10112x128xf32, #tpu.memory_space<vmem_shared>>)
      %dma_start3A_293 = arith.constant 1 : i32
      %dma_start3A_294 = arith.constant 0 : i32
      %dma_start3A_295 = tpu.memref_slice %arg8[%dma_start3A_293, %dma_start3A_294] : memref<8x128xi32, #tpu.memory_space<vmem>> -> memref<1x128xi32, #tpu.memory_space<vmem>>
      %dma_start3A_296 = tpu.memref_squeeze %dma_start3A_295 : memref<1x128xi32, #tpu.memory_space<vmem>> -> memref<128xi32, #tpu.memory_space<vmem>>
      %dma_start3A_297 = arith.constant 0 : i32
      %dma_start3A_298 = arith.constant 0 : i32
      %dma_start3A_299 = tpu.memref_slice %arg2[%dma_start3A_297, %dma_start3A_298] : memref<10112x128xf32, #tpu.memory_space<hbm>> -> memref<10112x128xf32, #tpu.memory_space<hbm>>
      tpu.enqueue_indirect_dma source(%dma_start3A_299 : memref<10112x128xf32, #tpu.memory_space<hbm>>) target(%arg10 : memref<128x128xf32, #tpu.memory_space<vmem>>) offsets(%dma_start3A_296 : memref<128xi32, #tpu.memory_space<vmem>>) semaphore(%arg12 : memref<!tpu.dma_semaphore, #tpu.memory_space<semaphore_mem>>)
      %lt3A = arith.constant 4 : i32
      %lt3A_300 = arith.cmpi slt, %scan3A_45, %lt3A : i32
      %convert_element_type3A_301 = arith.extui %lt3A_300 : i1 to i32
      %cond3A_302 = arith.constant 0 : i32
      %cond3A_303 = arith.cmpi ne, %convert_element_type3A_301, %cond3A_302 : i32
      scf.if %cond3A_303 {
        %mul3A_564 = arith.constant 2 : i32
        %mul3A_565 = arith.muli %mul3A_564, %scan3A_45 : i32
        %add3A_566 = arith.constant 2 : i32
        %add3A_567 = arith.addi %mul3A_565, %add3A_566 : i32
        %mul3A_568 = arith.constant 8 : i32
        %mul3A_569 = arith.muli %mul3A_568, %add3A_567 : i32
        %add3A_570 = arith.addi %add3A, %mul3A_569 : i32
        %dma_start3A_571 = arith.constant 0 : i32
        %dma_start3A_572 = tpu.memref_slice %arg3[%add3A_570, %dma_start3A_571] : memref<2560x128xi32, #tpu.memory_space<hbm>> -> memref<8x128xi32, #tpu.memory_space<hbm>>
        %dma_start3A_573 = arith.constant 0 : i32
        %dma_start3A_574 = tpu.memref_slice %arg3[%add3A_570, %dma_start3A_573] : memref<2560x128xi32, #tpu.memory_space<hbm>> -> memref<8x128xi32, #tpu.memory_space<hbm>>
        tpu.enqueue_dma source(%dma_start3A_574 : memref<8x128xi32, #tpu.memory_space<hbm>>) target(%arg7 : memref<8x128xi32, #tpu.memory_space<vmem>>) target_semaphore(%arg15 : memref<!tpu.dma_semaphore, #tpu.memory_space<semaphore_mem>>)
      } else {
      }
      %dma_wait3A_304 = arith.constant 0 : i32
      %dma_wait3A_305 = arith.constant 0 : i32
      %dma_wait3A_306 = tpu.memref_slice %arg7[%dma_wait3A_304, %dma_wait3A_305] : memref<8x128xi32, #tpu.memory_space<vmem>> -> memref<1x128xi32, #tpu.memory_space<vmem>>
      %dma_wait3A_307 = tpu.memref_squeeze %dma_wait3A_306 : memref<1x128xi32, #tpu.memory_space<vmem>> -> memref<128xi32, #tpu.memory_space<vmem>>
      %dma_wait3A_308 = arith.constant 0 : i32
      %dma_wait3A_309 = arith.constant 0 : i32
      %dma_wait3A_310 = tpu.memref_slice %arg2[%dma_wait3A_308, %dma_wait3A_309] : memref<10112x128xf32, #tpu.memory_space<hbm>> -> memref<10112x128xf32, #tpu.memory_space<hbm>>
      tpu.wait_indirect_dma semaphore(%arg11 : memref<!tpu.dma_semaphore, #tpu.memory_space<semaphore_mem>>) src(%dma_wait3A_310 : memref<10112x128xf32, #tpu.memory_space<hbm>>) dst(%arg9 : memref<128x128xf32, #tpu.memory_space<vmem>>)
      %mul3A_311 = arith.constant 16 : i32
      %mul3A_312 = arith.muli %mul3A_311, %scan3A_45 : i32
      %add3A_313 = arith.constant 8 : i32
      %add3A_314 = arith.addi %mul3A_312, %add3A_313 : i32
      %add3A_315 = arith.constant 0 : i32
      %add3A_316 = arith.addi %add3A_314, %add3A_315 : i32
      %dma_start3A_317 = arith.constant 0 : i32
      %dma_start3A_318 = tpu.memref_slice %arg6[%add3A_316, %dma_start3A_317] : memref<80x128xi32, #tpu.memory_space<vmem>> -> memref<1x128xi32, #tpu.memory_space<vmem>>
      %dma_start3A_319 = tpu.memref_squeeze %dma_start3A_318 : memref<1x128xi32, #tpu.memory_space<vmem>> -> memref<128xi32, #tpu.memory_space<vmem>>
      %dma_start3A_320 = arith.constant 0 : i32
      %dma_start3A_321 = arith.constant 0 : i32
      %dma_start3A_322 = tpu.memref_slice %arg17[%dma_start3A_320, %dma_start3A_321] : memref<10112x128xf32, #tpu.memory_space<vmem_shared>> -> memref<10112x128xf32, #tpu.memory_space<vmem_shared>>
      tpu.enqueue_indirect_dma source(%arg9 : memref<128x128xf32, #tpu.memory_space<vmem>>) target(%dma_start3A_322 : memref<10112x128xf32, #tpu.memory_space<vmem_shared>>) offsets(%dma_start3A_319 : memref<128xi32, #tpu.memory_space<vmem>>) semaphore(%arg13 : memref<!tpu.dma_semaphore, #tpu.memory_space<semaphore_mem>>) {add = true}
      %dma_wait3A_323 = arith.constant 0 : i32
      %dma_wait3A_324 = arith.constant 0 : i32
      %dma_wait3A_325 = tpu.memref_slice %arg6[%dma_wait3A_323, %dma_wait3A_324] : memref<80x128xi32, #tpu.memory_space<vmem>> -> memref<1x128xi32, #tpu.memory_space<vmem>>
      %dma_wait3A_326 = tpu.memref_squeeze %dma_wait3A_325 : memref<1x128xi32, #tpu.memory_space<vmem>> -> memref<128xi32, #tpu.memory_space<vmem>>
      %dma_wait3A_327 = arith.constant 0 : i32
      %dma_wait3A_328 = arith.constant 0 : i32
      %dma_wait3A_329 = tpu.memref_slice %arg17[%dma_wait3A_327, %dma_wait3A_328] : memref<10112x128xf32, #tpu.memory_space<vmem_shared>> -> memref<10112x128xf32, #tpu.memory_space<vmem_shared>>
      tpu.wait_indirect_dma semaphore(%arg13 : memref<!tpu.dma_semaphore, #tpu.memory_space<semaphore_mem>>) src(%arg9 : memref<128x128xf32, #tpu.memory_space<vmem>>) dst(%dma_wait3A_329 : memref<10112x128xf32, #tpu.memory_space<vmem_shared>>)
      %dma_start3A_330 = arith.constant 2 : i32
      %dma_start3A_331 = arith.constant 0 : i32
      %dma_start3A_332 = tpu.memref_slice %arg8[%dma_start3A_330, %dma_start3A_331] : memref<8x128xi32, #tpu.memory_space<vmem>> -> memref<1x128xi32, #tpu.memory_space<vmem>>
      %dma_start3A_333 = tpu.memref_squeeze %dma_start3A_332 : memref<1x128xi32, #tpu.memory_space<vmem>> -> memref<128xi32, #tpu.memory_space<vmem>>
      %dma_start3A_334 = arith.constant 0 : i32
      %dma_start3A_335 = arith.constant 0 : i32
      %dma_start3A_336 = tpu.memref_slice %arg2[%dma_start3A_334, %dma_start3A_335] : memref<10112x128xf32, #tpu.memory_space<hbm>> -> memref<10112x128xf32, #tpu.memory_space<hbm>>
      tpu.enqueue_indirect_dma source(%dma_start3A_336 : memref<10112x128xf32, #tpu.memory_space<hbm>>) target(%arg9 : memref<128x128xf32, #tpu.memory_space<vmem>>) offsets(%dma_start3A_333 : memref<128xi32, #tpu.memory_space<vmem>>) semaphore(%arg11 : memref<!tpu.dma_semaphore, #tpu.memory_space<semaphore_mem>>)
      %dma_wait3A_337 = arith.constant 0 : i32
      %dma_wait3A_338 = arith.constant 0 : i32
      %dma_wait3A_339 = tpu.memref_slice %arg7[%dma_wait3A_337, %dma_wait3A_338] : memref<8x128xi32, #tpu.memory_space<vmem>> -> memref<1x128xi32, #tpu.memory_space<vmem>>
      %dma_wait3A_340 = tpu.memref_squeeze %dma_wait3A_339 : memref<1x128xi32, #tpu.memory_space<vmem>> -> memref<128xi32, #tpu.memory_space<vmem>>
      %dma_wait3A_341 = arith.constant 0 : i32
      %dma_wait3A_342 = arith.constant 0 : i32
      %dma_wait3A_343 = tpu.memref_slice %arg2[%dma_wait3A_341, %dma_wait3A_342] : memref<10112x128xf32, #tpu.memory_space<hbm>> -> memref<10112x128xf32, #tpu.memory_space<hbm>>
      tpu.wait_indirect_dma semaphore(%arg12 : memref<!tpu.dma_semaphore, #tpu.memory_space<semaphore_mem>>) src(%dma_wait3A_343 : memref<10112x128xf32, #tpu.memory_space<hbm>>) dst(%arg10 : memref<128x128xf32, #tpu.memory_space<vmem>>)
      %mul3A_344 = arith.constant 16 : i32
      %mul3A_345 = arith.muli %mul3A_344, %scan3A_45 : i32
      %add3A_346 = arith.constant 8 : i32
      %add3A_347 = arith.addi %mul3A_345, %add3A_346 : i32
      %add3A_348 = arith.constant 1 : i32
      %add3A_349 = arith.addi %add3A_347, %add3A_348 : i32
      %dma_start3A_350 = arith.constant 0 : i32
      %dma_start3A_351 = tpu.memref_slice %arg6[%add3A_349, %dma_start3A_350] : memref<80x128xi32, #tpu.memory_space<vmem>> -> memref<1x128xi32, #tpu.memory_space<vmem>>
      %dma_start3A_352 = tpu.memref_squeeze %dma_start3A_351 : memref<1x128xi32, #tpu.memory_space<vmem>> -> memref<128xi32, #tpu.memory_space<vmem>>
      %dma_start3A_353 = arith.constant 0 : i32
      %dma_start3A_354 = arith.constant 0 : i32
      %dma_start3A_355 = tpu.memref_slice %arg17[%dma_start3A_353, %dma_start3A_354] : memref<10112x128xf32, #tpu.memory_space<vmem_shared>> -> memref<10112x128xf32, #tpu.memory_space<vmem_shared>>
      tpu.enqueue_indirect_dma source(%arg10 : memref<128x128xf32, #tpu.memory_space<vmem>>) target(%dma_start3A_355 : memref<10112x128xf32, #tpu.memory_space<vmem_shared>>) offsets(%dma_start3A_352 : memref<128xi32, #tpu.memory_space<vmem>>) semaphore(%arg14 : memref<!tpu.dma_semaphore, #tpu.memory_space<semaphore_mem>>) {add = true}
      %dma_wait3A_356 = arith.constant 0 : i32
      %dma_wait3A_357 = arith.constant 0 : i32
      %dma_wait3A_358 = tpu.memref_slice %arg6[%dma_wait3A_356, %dma_wait3A_357] : memref<80x128xi32, #tpu.memory_space<vmem>> -> memref<1x128xi32, #tpu.memory_space<vmem>>
      %dma_wait3A_359 = tpu.memref_squeeze %dma_wait3A_358 : memref<1x128xi32, #tpu.memory_space<vmem>> -> memref<128xi32, #tpu.memory_space<vmem>>
      %dma_wait3A_360 = arith.constant 0 : i32
      %dma_wait3A_361 = arith.constant 0 : i32
      %dma_wait3A_362 = tpu.memref_slice %arg17[%dma_wait3A_360, %dma_wait3A_361] : memref<10112x128xf32, #tpu.memory_space<vmem_shared>> -> memref<10112x128xf32, #tpu.memory_space<vmem_shared>>
      tpu.wait_indirect_dma semaphore(%arg14 : memref<!tpu.dma_semaphore, #tpu.memory_space<semaphore_mem>>) src(%arg10 : memref<128x128xf32, #tpu.memory_space<vmem>>) dst(%dma_wait3A_362 : memref<10112x128xf32, #tpu.memory_space<vmem_shared>>)
      %dma_start3A_363 = arith.constant 3 : i32
      %dma_start3A_364 = arith.constant 0 : i32
      %dma_start3A_365 = tpu.memref_slice %arg8[%dma_start3A_363, %dma_start3A_364] : memref<8x128xi32, #tpu.memory_space<vmem>> -> memref<1x128xi32, #tpu.memory_space<vmem>>
      %dma_start3A_366 = tpu.memref_squeeze %dma_start3A_365 : memref<1x128xi32, #tpu.memory_space<vmem>> -> memref<128xi32, #tpu.memory_space<vmem>>
      %dma_start3A_367 = arith.constant 0 : i32
      %dma_start3A_368 = arith.constant 0 : i32
      %dma_start3A_369 = tpu.memref_slice %arg2[%dma_start3A_367, %dma_start3A_368] : memref<10112x128xf32, #tpu.memory_space<hbm>> -> memref<10112x128xf32, #tpu.memory_space<hbm>>
      tpu.enqueue_indirect_dma source(%dma_start3A_369 : memref<10112x128xf32, #tpu.memory_space<hbm>>) target(%arg10 : memref<128x128xf32, #tpu.memory_space<vmem>>) offsets(%dma_start3A_366 : memref<128xi32, #tpu.memory_space<vmem>>) semaphore(%arg12 : memref<!tpu.dma_semaphore, #tpu.memory_space<semaphore_mem>>)
      %dma_wait3A_370 = arith.constant 0 : i32
      %dma_wait3A_371 = arith.constant 0 : i32
      %dma_wait3A_372 = tpu.memref_slice %arg7[%dma_wait3A_370, %dma_wait3A_371] : memref<8x128xi32, #tpu.memory_space<vmem>> -> memref<1x128xi32, #tpu.memory_space<vmem>>
      %dma_wait3A_373 = tpu.memref_squeeze %dma_wait3A_372 : memref<1x128xi32, #tpu.memory_space<vmem>> -> memref<128xi32, #tpu.memory_space<vmem>>
      %dma_wait3A_374 = arith.constant 0 : i32
      %dma_wait3A_375 = arith.constant 0 : i32
      %dma_wait3A_376 = tpu.memref_slice %arg2[%dma_wait3A_374, %dma_wait3A_375] : memref<10112x128xf32, #tpu.memory_space<hbm>> -> memref<10112x128xf32, #tpu.memory_space<hbm>>
      tpu.wait_indirect_dma semaphore(%arg11 : memref<!tpu.dma_semaphore, #tpu.memory_space<semaphore_mem>>) src(%dma_wait3A_376 : memref<10112x128xf32, #tpu.memory_space<hbm>>) dst(%arg9 : memref<128x128xf32, #tpu.memory_space<vmem>>)
      %mul3A_377 = arith.constant 16 : i32
      %mul3A_378 = arith.muli %mul3A_377, %scan3A_45 : i32
      %add3A_379 = arith.constant 8 : i32
      %add3A_380 = arith.addi %mul3A_378, %add3A_379 : i32
      %add3A_381 = arith.constant 2 : i32
      %add3A_382 = arith.addi %add3A_380, %add3A_381 : i32
      %dma_start3A_383 = arith.constant 0 : i32
      %dma_start3A_384 = tpu.memref_slice %arg6[%add3A_382, %dma_start3A_383] : memref<80x128xi32, #tpu.memory_space<vmem>> -> memref<1x128xi32, #tpu.memory_space<vmem>>
      %dma_start3A_385 = tpu.memref_squeeze %dma_start3A_384 : memref<1x128xi32, #tpu.memory_space<vmem>> -> memref<128xi32, #tpu.memory_space<vmem>>
      %dma_start3A_386 = arith.constant 0 : i32
      %dma_start3A_387 = arith.constant 0 : i32
      %dma_start3A_388 = tpu.memref_slice %arg17[%dma_start3A_386, %dma_start3A_387] : memref<10112x128xf32, #tpu.memory_space<vmem_shared>> -> memref<10112x128xf32, #tpu.memory_space<vmem_shared>>
      tpu.enqueue_indirect_dma source(%arg9 : memref<128x128xf32, #tpu.memory_space<vmem>>) target(%dma_start3A_388 : memref<10112x128xf32, #tpu.memory_space<vmem_shared>>) offsets(%dma_start3A_385 : memref<128xi32, #tpu.memory_space<vmem>>) semaphore(%arg13 : memref<!tpu.dma_semaphore, #tpu.memory_space<semaphore_mem>>) {add = true}
      %dma_wait3A_389 = arith.constant 0 : i32
      %dma_wait3A_390 = arith.constant 0 : i32
      %dma_wait3A_391 = tpu.memref_slice %arg6[%dma_wait3A_389, %dma_wait3A_390] : memref<80x128xi32, #tpu.memory_space<vmem>> -> memref<1x128xi32, #tpu.memory_space<vmem>>
      %dma_wait3A_392 = tpu.memref_squeeze %dma_wait3A_391 : memref<1x128xi32, #tpu.memory_space<vmem>> -> memref<128xi32, #tpu.memory_space<vmem>>
      %dma_wait3A_393 = arith.constant 0 : i32
      %dma_wait3A_394 = arith.constant 0 : i32
      %dma_wait3A_395 = tpu.memref_slice %arg17[%dma_wait3A_393, %dma_wait3A_394] : memref<10112x128xf32, #tpu.memory_space<vmem_shared>> -> memref<10112x128xf32, #tpu.memory_space<vmem_shared>>
      tpu.wait_indirect_dma semaphore(%arg13 : memref<!tpu.dma_semaphore, #tpu.memory_space<semaphore_mem>>) src(%arg9 : memref<128x128xf32, #tpu.memory_space<vmem>>) dst(%dma_wait3A_395 : memref<10112x128xf32, #tpu.memory_space<vmem_shared>>)
      %dma_start3A_396 = arith.constant 4 : i32
      %dma_start3A_397 = arith.constant 0 : i32
      %dma_start3A_398 = tpu.memref_slice %arg8[%dma_start3A_396, %dma_start3A_397] : memref<8x128xi32, #tpu.memory_space<vmem>> -> memref<1x128xi32, #tpu.memory_space<vmem>>
      %dma_start3A_399 = tpu.memref_squeeze %dma_start3A_398 : memref<1x128xi32, #tpu.memory_space<vmem>> -> memref<128xi32, #tpu.memory_space<vmem>>
      %dma_start3A_400 = arith.constant 0 : i32
      %dma_start3A_401 = arith.constant 0 : i32
      %dma_start3A_402 = tpu.memref_slice %arg2[%dma_start3A_400, %dma_start3A_401] : memref<10112x128xf32, #tpu.memory_space<hbm>> -> memref<10112x128xf32, #tpu.memory_space<hbm>>
      tpu.enqueue_indirect_dma source(%dma_start3A_402 : memref<10112x128xf32, #tpu.memory_space<hbm>>) target(%arg9 : memref<128x128xf32, #tpu.memory_space<vmem>>) offsets(%dma_start3A_399 : memref<128xi32, #tpu.memory_space<vmem>>) semaphore(%arg11 : memref<!tpu.dma_semaphore, #tpu.memory_space<semaphore_mem>>)
      %dma_wait3A_403 = arith.constant 0 : i32
      %dma_wait3A_404 = arith.constant 0 : i32
      %dma_wait3A_405 = tpu.memref_slice %arg7[%dma_wait3A_403, %dma_wait3A_404] : memref<8x128xi32, #tpu.memory_space<vmem>> -> memref<1x128xi32, #tpu.memory_space<vmem>>
      %dma_wait3A_406 = tpu.memref_squeeze %dma_wait3A_405 : memref<1x128xi32, #tpu.memory_space<vmem>> -> memref<128xi32, #tpu.memory_space<vmem>>
      %dma_wait3A_407 = arith.constant 0 : i32
      %dma_wait3A_408 = arith.constant 0 : i32
      %dma_wait3A_409 = tpu.memref_slice %arg2[%dma_wait3A_407, %dma_wait3A_408] : memref<10112x128xf32, #tpu.memory_space<hbm>> -> memref<10112x128xf32, #tpu.memory_space<hbm>>
      tpu.wait_indirect_dma semaphore(%arg12 : memref<!tpu.dma_semaphore, #tpu.memory_space<semaphore_mem>>) src(%dma_wait3A_409 : memref<10112x128xf32, #tpu.memory_space<hbm>>) dst(%arg10 : memref<128x128xf32, #tpu.memory_space<vmem>>)
      %mul3A_410 = arith.constant 16 : i32
      %mul3A_411 = arith.muli %mul3A_410, %scan3A_45 : i32
      %add3A_412 = arith.constant 8 : i32
      %add3A_413 = arith.addi %mul3A_411, %add3A_412 : i32
      %add3A_414 = arith.constant 3 : i32
      %add3A_415 = arith.addi %add3A_413, %add3A_414 : i32
      %dma_start3A_416 = arith.constant 0 : i32
      %dma_start3A_417 = tpu.memref_slice %arg6[%add3A_415, %dma_start3A_416] : memref<80x128xi32, #tpu.memory_space<vmem>> -> memref<1x128xi32, #tpu.memory_space<vmem>>
      %dma_start3A_418 = tpu.memref_squeeze %dma_start3A_417 : memref<1x128xi32, #tpu.memory_space<vmem>> -> memref<128xi32, #tpu.memory_space<vmem>>
      %dma_start3A_419 = arith.constant 0 : i32
      %dma_start3A_420 = arith.constant 0 : i32
      %dma_start3A_421 = tpu.memref_slice %arg17[%dma_start3A_419, %dma_start3A_420] : memref<10112x128xf32, #tpu.memory_space<vmem_shared>> -> memref<10112x128xf32, #tpu.memory_space<vmem_shared>>
      tpu.enqueue_indirect_dma source(%arg10 : memref<128x128xf32, #tpu.memory_space<vmem>>) target(%dma_start3A_421 : memref<10112x128xf32, #tpu.memory_space<vmem_shared>>) offsets(%dma_start3A_418 : memref<128xi32, #tpu.memory_space<vmem>>) semaphore(%arg14 : memref<!tpu.dma_semaphore, #tpu.memory_space<semaphore_mem>>) {add = true}
      %dma_wait3A_422 = arith.constant 0 : i32
      %dma_wait3A_423 = arith.constant 0 : i32
      %dma_wait3A_424 = tpu.memref_slice %arg6[%dma_wait3A_422, %dma_wait3A_423] : memref<80x128xi32, #tpu.memory_space<vmem>> -> memref<1x128xi32, #tpu.memory_space<vmem>>
      %dma_wait3A_425 = tpu.memref_squeeze %dma_wait3A_424 : memref<1x128xi32, #tpu.memory_space<vmem>> -> memref<128xi32, #tpu.memory_space<vmem>>
      %dma_wait3A_426 = arith.constant 0 : i32
      %dma_wait3A_427 = arith.constant 0 : i32
      %dma_wait3A_428 = tpu.memref_slice %arg17[%dma_wait3A_426, %dma_wait3A_427] : memref<10112x128xf32, #tpu.memory_space<vmem_shared>> -> memref<10112x128xf32, #tpu.memory_space<vmem_shared>>
      tpu.wait_indirect_dma semaphore(%arg14 : memref<!tpu.dma_semaphore, #tpu.memory_space<semaphore_mem>>) src(%arg10 : memref<128x128xf32, #tpu.memory_space<vmem>>) dst(%dma_wait3A_428 : memref<10112x128xf32, #tpu.memory_space<vmem_shared>>)
      %dma_start3A_429 = arith.constant 5 : i32
      %dma_start3A_430 = arith.constant 0 : i32
      %dma_start3A_431 = tpu.memref_slice %arg8[%dma_start3A_429, %dma_start3A_430] : memref<8x128xi32, #tpu.memory_space<vmem>> -> memref<1x128xi32, #tpu.memory_space<vmem>>
      %dma_start3A_432 = tpu.memref_squeeze %dma_start3A_431 : memref<1x128xi32, #tpu.memory_space<vmem>> -> memref<128xi32, #tpu.memory_space<vmem>>
      %dma_start3A_433 = arith.constant 0 : i32
      %dma_start3A_434 = arith.constant 0 : i32
      %dma_start3A_435 = tpu.memref_slice %arg2[%dma_start3A_433, %dma_start3A_434] : memref<10112x128xf32, #tpu.memory_space<hbm>> -> memref<10112x128xf32, #tpu.memory_space<hbm>>
      tpu.enqueue_indirect_dma source(%dma_start3A_435 : memref<10112x128xf32, #tpu.memory_space<hbm>>) target(%arg10 : memref<128x128xf32, #tpu.memory_space<vmem>>) offsets(%dma_start3A_432 : memref<128xi32, #tpu.memory_space<vmem>>) semaphore(%arg12 : memref<!tpu.dma_semaphore, #tpu.memory_space<semaphore_mem>>)
      %dma_wait3A_436 = arith.constant 0 : i32
      %dma_wait3A_437 = arith.constant 0 : i32
      %dma_wait3A_438 = tpu.memref_slice %arg7[%dma_wait3A_436, %dma_wait3A_437] : memref<8x128xi32, #tpu.memory_space<vmem>> -> memref<1x128xi32, #tpu.memory_space<vmem>>
      %dma_wait3A_439 = tpu.memref_squeeze %dma_wait3A_438 : memref<1x128xi32, #tpu.memory_space<vmem>> -> memref<128xi32, #tpu.memory_space<vmem>>
      %dma_wait3A_440 = arith.constant 0 : i32
      %dma_wait3A_441 = arith.constant 0 : i32
      %dma_wait3A_442 = tpu.memref_slice %arg2[%dma_wait3A_440, %dma_wait3A_441] : memref<10112x128xf32, #tpu.memory_space<hbm>> -> memref<10112x128xf32, #tpu.memory_space<hbm>>
      tpu.wait_indirect_dma semaphore(%arg11 : memref<!tpu.dma_semaphore, #tpu.memory_space<semaphore_mem>>) src(%dma_wait3A_442 : memref<10112x128xf32, #tpu.memory_space<hbm>>) dst(%arg9 : memref<128x128xf32, #tpu.memory_space<vmem>>)
      %mul3A_443 = arith.constant 16 : i32
      %mul3A_444 = arith.muli %mul3A_443, %scan3A_45 : i32
      %add3A_445 = arith.constant 8 : i32
      %add3A_446 = arith.addi %mul3A_444, %add3A_445 : i32
      %add3A_447 = arith.constant 4 : i32
      %add3A_448 = arith.addi %add3A_446, %add3A_447 : i32
      %dma_start3A_449 = arith.constant 0 : i32
      %dma_start3A_450 = tpu.memref_slice %arg6[%add3A_448, %dma_start3A_449] : memref<80x128xi32, #tpu.memory_space<vmem>> -> memref<1x128xi32, #tpu.memory_space<vmem>>
      %dma_start3A_451 = tpu.memref_squeeze %dma_start3A_450 : memref<1x128xi32, #tpu.memory_space<vmem>> -> memref<128xi32, #tpu.memory_space<vmem>>
      %dma_start3A_452 = arith.constant 0 : i32
      %dma_start3A_453 = arith.constant 0 : i32
      %dma_start3A_454 = tpu.memref_slice %arg17[%dma_start3A_452, %dma_start3A_453] : memref<10112x128xf32, #tpu.memory_space<vmem_shared>> -> memref<10112x128xf32, #tpu.memory_space<vmem_shared>>
      tpu.enqueue_indirect_dma source(%arg9 : memref<128x128xf32, #tpu.memory_space<vmem>>) target(%dma_start3A_454 : memref<10112x128xf32, #tpu.memory_space<vmem_shared>>) offsets(%dma_start3A_451 : memref<128xi32, #tpu.memory_space<vmem>>) semaphore(%arg13 : memref<!tpu.dma_semaphore, #tpu.memory_space<semaphore_mem>>) {add = true}
      %dma_wait3A_455 = arith.constant 0 : i32
      %dma_wait3A_456 = arith.constant 0 : i32
      %dma_wait3A_457 = tpu.memref_slice %arg6[%dma_wait3A_455, %dma_wait3A_456] : memref<80x128xi32, #tpu.memory_space<vmem>> -> memref<1x128xi32, #tpu.memory_space<vmem>>
      %dma_wait3A_458 = tpu.memref_squeeze %dma_wait3A_457 : memref<1x128xi32, #tpu.memory_space<vmem>> -> memref<128xi32, #tpu.memory_space<vmem>>
      %dma_wait3A_459 = arith.constant 0 : i32
      %dma_wait3A_460 = arith.constant 0 : i32
      %dma_wait3A_461 = tpu.memref_slice %arg17[%dma_wait3A_459, %dma_wait3A_460] : memref<10112x128xf32, #tpu.memory_space<vmem_shared>> -> memref<10112x128xf32, #tpu.memory_space<vmem_shared>>
      tpu.wait_indirect_dma semaphore(%arg13 : memref<!tpu.dma_semaphore, #tpu.memory_space<semaphore_mem>>) src(%arg9 : memref<128x128xf32, #tpu.memory_space<vmem>>) dst(%dma_wait3A_461 : memref<10112x128xf32, #tpu.memory_space<vmem_shared>>)
      %dma_start3A_462 = arith.constant 6 : i32
      %dma_start3A_463 = arith.constant 0 : i32
      %dma_start3A_464 = tpu.memref_slice %arg8[%dma_start3A_462, %dma_start3A_463] : memref<8x128xi32, #tpu.memory_space<vmem>> -> memref<1x128xi32, #tpu.memory_space<vmem>>
      %dma_start3A_465 = tpu.memref_squeeze %dma_start3A_464 : memref<1x128xi32, #tpu.memory_space<vmem>> -> memref<128xi32, #tpu.memory_space<vmem>>
      %dma_start3A_466 = arith.constant 0 : i32
      %dma_start3A_467 = arith.constant 0 : i32
      %dma_start3A_468 = tpu.memref_slice %arg2[%dma_start3A_466, %dma_start3A_467] : memref<10112x128xf32, #tpu.memory_space<hbm>> -> memref<10112x128xf32, #tpu.memory_space<hbm>>
      tpu.enqueue_indirect_dma source(%dma_start3A_468 : memref<10112x128xf32, #tpu.memory_space<hbm>>) target(%arg9 : memref<128x128xf32, #tpu.memory_space<vmem>>) offsets(%dma_start3A_465 : memref<128xi32, #tpu.memory_space<vmem>>) semaphore(%arg11 : memref<!tpu.dma_semaphore, #tpu.memory_space<semaphore_mem>>)
      %dma_wait3A_469 = arith.constant 0 : i32
      %dma_wait3A_470 = arith.constant 0 : i32
      %dma_wait3A_471 = tpu.memref_slice %arg7[%dma_wait3A_469, %dma_wait3A_470] : memref<8x128xi32, #tpu.memory_space<vmem>> -> memref<1x128xi32, #tpu.memory_space<vmem>>
      %dma_wait3A_472 = tpu.memref_squeeze %dma_wait3A_471 : memref<1x128xi32, #tpu.memory_space<vmem>> -> memref<128xi32, #tpu.memory_space<vmem>>
      %dma_wait3A_473 = arith.constant 0 : i32
      %dma_wait3A_474 = arith.constant 0 : i32
      %dma_wait3A_475 = tpu.memref_slice %arg2[%dma_wait3A_473, %dma_wait3A_474] : memref<10112x128xf32, #tpu.memory_space<hbm>> -> memref<10112x128xf32, #tpu.memory_space<hbm>>
      tpu.wait_indirect_dma semaphore(%arg12 : memref<!tpu.dma_semaphore, #tpu.memory_space<semaphore_mem>>) src(%dma_wait3A_475 : memref<10112x128xf32, #tpu.memory_space<hbm>>) dst(%arg10 : memref<128x128xf32, #tpu.memory_space<vmem>>)
      %mul3A_476 = arith.constant 16 : i32
      %mul3A_477 = arith.muli %mul3A_476, %scan3A_45 : i32
      %add3A_478 = arith.constant 8 : i32
      %add3A_479 = arith.addi %mul3A_477, %add3A_478 : i32
      %add3A_480 = arith.constant 5 : i32
      %add3A_481 = arith.addi %add3A_479, %add3A_480 : i32
      %dma_start3A_482 = arith.constant 0 : i32
      %dma_start3A_483 = tpu.memref_slice %arg6[%add3A_481, %dma_start3A_482] : memref<80x128xi32, #tpu.memory_space<vmem>> -> memref<1x128xi32, #tpu.memory_space<vmem>>
      %dma_start3A_484 = tpu.memref_squeeze %dma_start3A_483 : memref<1x128xi32, #tpu.memory_space<vmem>> -> memref<128xi32, #tpu.memory_space<vmem>>
      %dma_start3A_485 = arith.constant 0 : i32
      %dma_start3A_486 = arith.constant 0 : i32
      %dma_start3A_487 = tpu.memref_slice %arg17[%dma_start3A_485, %dma_start3A_486] : memref<10112x128xf32, #tpu.memory_space<vmem_shared>> -> memref<10112x128xf32, #tpu.memory_space<vmem_shared>>
      tpu.enqueue_indirect_dma source(%arg10 : memref<128x128xf32, #tpu.memory_space<vmem>>) target(%dma_start3A_487 : memref<10112x128xf32, #tpu.memory_space<vmem_shared>>) offsets(%dma_start3A_484 : memref<128xi32, #tpu.memory_space<vmem>>) semaphore(%arg14 : memref<!tpu.dma_semaphore, #tpu.memory_space<semaphore_mem>>) {add = true}
      %dma_wait3A_488 = arith.constant 0 : i32
      %dma_wait3A_489 = arith.constant 0 : i32
      %dma_wait3A_490 = tpu.memref_slice %arg6[%dma_wait3A_488, %dma_wait3A_489] : memref<80x128xi32, #tpu.memory_space<vmem>> -> memref<1x128xi32, #tpu.memory_space<vmem>>
      %dma_wait3A_491 = tpu.memref_squeeze %dma_wait3A_490 : memref<1x128xi32, #tpu.memory_space<vmem>> -> memref<128xi32, #tpu.memory_space<vmem>>
      %dma_wait3A_492 = arith.constant 0 : i32
      %dma_wait3A_493 = arith.constant 0 : i32
      %dma_wait3A_494 = tpu.memref_slice %arg17[%dma_wait3A_492, %dma_wait3A_493] : memref<10112x128xf32, #tpu.memory_space<vmem_shared>> -> memref<10112x128xf32, #tpu.memory_space<vmem_shared>>
      tpu.wait_indirect_dma semaphore(%arg14 : memref<!tpu.dma_semaphore, #tpu.memory_space<semaphore_mem>>) src(%arg10 : memref<128x128xf32, #tpu.memory_space<vmem>>) dst(%dma_wait3A_494 : memref<10112x128xf32, #tpu.memory_space<vmem_shared>>)
      %dma_start3A_495 = arith.constant 7 : i32
      %dma_start3A_496 = arith.constant 0 : i32
      %dma_start3A_497 = tpu.memref_slice %arg8[%dma_start3A_495, %dma_start3A_496] : memref<8x128xi32, #tpu.memory_space<vmem>> -> memref<1x128xi32, #tpu.memory_space<vmem>>
      %dma_start3A_498 = tpu.memref_squeeze %dma_start3A_497 : memref<1x128xi32, #tpu.memory_space<vmem>> -> memref<128xi32, #tpu.memory_space<vmem>>
      %dma_start3A_499 = arith.constant 0 : i32
      %dma_start3A_500 = arith.constant 0 : i32
      %dma_start3A_501 = tpu.memref_slice %arg2[%dma_start3A_499, %dma_start3A_500] : memref<10112x128xf32, #tpu.memory_space<hbm>> -> memref<10112x128xf32, #tpu.memory_space<hbm>>
      tpu.enqueue_indirect_dma source(%dma_start3A_501 : memref<10112x128xf32, #tpu.memory_space<hbm>>) target(%arg10 : memref<128x128xf32, #tpu.memory_space<vmem>>) offsets(%dma_start3A_498 : memref<128xi32, #tpu.memory_space<vmem>>) semaphore(%arg12 : memref<!tpu.dma_semaphore, #tpu.memory_space<semaphore_mem>>)
      %dma_wait3A_502 = arith.constant 0 : i32
      %dma_wait3A_503 = arith.constant 0 : i32
      %dma_wait3A_504 = tpu.memref_slice %arg7[%dma_wait3A_502, %dma_wait3A_503] : memref<8x128xi32, #tpu.memory_space<vmem>> -> memref<1x128xi32, #tpu.memory_space<vmem>>
      %dma_wait3A_505 = tpu.memref_squeeze %dma_wait3A_504 : memref<1x128xi32, #tpu.memory_space<vmem>> -> memref<128xi32, #tpu.memory_space<vmem>>
      %dma_wait3A_506 = arith.constant 0 : i32
      %dma_wait3A_507 = arith.constant 0 : i32
      %dma_wait3A_508 = tpu.memref_slice %arg2[%dma_wait3A_506, %dma_wait3A_507] : memref<10112x128xf32, #tpu.memory_space<hbm>> -> memref<10112x128xf32, #tpu.memory_space<hbm>>
      tpu.wait_indirect_dma semaphore(%arg11 : memref<!tpu.dma_semaphore, #tpu.memory_space<semaphore_mem>>) src(%dma_wait3A_508 : memref<10112x128xf32, #tpu.memory_space<hbm>>) dst(%arg9 : memref<128x128xf32, #tpu.memory_space<vmem>>)
      %mul3A_509 = arith.constant 16 : i32
      %mul3A_510 = arith.muli %mul3A_509, %scan3A_45 : i32
      %add3A_511 = arith.constant 8 : i32
      %add3A_512 = arith.addi %mul3A_510, %add3A_511 : i32
      %add3A_513 = arith.constant 6 : i32
      %add3A_514 = arith.addi %add3A_512, %add3A_513 : i32
      %dma_start3A_515 = arith.constant 0 : i32
      %dma_start3A_516 = tpu.memref_slice %arg6[%add3A_514, %dma_start3A_515] : memref<80x128xi32, #tpu.memory_space<vmem>> -> memref<1x128xi32, #tpu.memory_space<vmem>>
      %dma_start3A_517 = tpu.memref_squeeze %dma_start3A_516 : memref<1x128xi32, #tpu.memory_space<vmem>> -> memref<128xi32, #tpu.memory_space<vmem>>
      %dma_start3A_518 = arith.constant 0 : i32
      %dma_start3A_519 = arith.constant 0 : i32
      %dma_start3A_520 = tpu.memref_slice %arg17[%dma_start3A_518, %dma_start3A_519] : memref<10112x128xf32, #tpu.memory_space<vmem_shared>> -> memref<10112x128xf32, #tpu.memory_space<vmem_shared>>
      tpu.enqueue_indirect_dma source(%arg9 : memref<128x128xf32, #tpu.memory_space<vmem>>) target(%dma_start3A_520 : memref<10112x128xf32, #tpu.memory_space<vmem_shared>>) offsets(%dma_start3A_517 : memref<128xi32, #tpu.memory_space<vmem>>) semaphore(%arg13 : memref<!tpu.dma_semaphore, #tpu.memory_space<semaphore_mem>>) {add = true}
      %dma_wait3A_521 = arith.constant 0 : i32
      %dma_wait3A_522 = arith.constant 0 : i32
      %dma_wait3A_523 = tpu.memref_slice %arg6[%dma_wait3A_521, %dma_wait3A_522] : memref<80x128xi32, #tpu.memory_space<vmem>> -> memref<1x128xi32, #tpu.memory_space<vmem>>
      %dma_wait3A_524 = tpu.memref_squeeze %dma_wait3A_523 : memref<1x128xi32, #tpu.memory_space<vmem>> -> memref<128xi32, #tpu.memory_space<vmem>>
      %dma_wait3A_525 = arith.constant 0 : i32
      %dma_wait3A_526 = arith.constant 0 : i32
      %dma_wait3A_527 = tpu.memref_slice %arg17[%dma_wait3A_525, %dma_wait3A_526] : memref<10112x128xf32, #tpu.memory_space<vmem_shared>> -> memref<10112x128xf32, #tpu.memory_space<vmem_shared>>
      tpu.wait_indirect_dma semaphore(%arg13 : memref<!tpu.dma_semaphore, #tpu.memory_space<semaphore_mem>>) src(%arg9 : memref<128x128xf32, #tpu.memory_space<vmem>>) dst(%dma_wait3A_527 : memref<10112x128xf32, #tpu.memory_space<vmem_shared>>)
      %lt3A_528 = arith.constant 4 : i32
      %lt3A_529 = arith.cmpi slt, %scan3A_45, %lt3A_528 : i32
      %convert_element_type3A_530 = arith.extui %lt3A_529 : i1 to i32
      %cond3A_531 = arith.constant 0 : i32
      %cond3A_532 = arith.cmpi ne, %convert_element_type3A_530, %cond3A_531 : i32
      scf.if %cond3A_532 {
        %dma_wait3A_564 = arith.constant 0 : i32
        %dma_wait3A_565 = tpu.memref_slice %arg3[%add3A, %dma_wait3A_564] : memref<2560x128xi32, #tpu.memory_space<hbm>> -> memref<8x128xi32, #tpu.memory_space<hbm>>
        %dma_wait3A_566 = arith.constant 0 : i32
        %dma_wait3A_567 = tpu.memref_slice %arg3[%add3A, %dma_wait3A_566] : memref<2560x128xi32, #tpu.memory_space<hbm>> -> memref<8x128xi32, #tpu.memory_space<hbm>>
        tpu.wait_dma2 semaphore(%arg15 : memref<!tpu.dma_semaphore, #tpu.memory_space<semaphore_mem>>) src(%dma_wait3A_567 : memref<8x128xi32, #tpu.memory_space<hbm>>) dst(%arg7 : memref<8x128xi32, #tpu.memory_space<vmem>>)
        %dma_start3A_568 = arith.constant 0 : i32
        %dma_start3A_569 = arith.constant 0 : i32
        %dma_start3A_570 = tpu.memref_slice %arg7[%dma_start3A_568, %dma_start3A_569] : memref<8x128xi32, #tpu.memory_space<vmem>> -> memref<1x128xi32, #tpu.memory_space<vmem>>
        %dma_start3A_571 = tpu.memref_squeeze %dma_start3A_570 : memref<1x128xi32, #tpu.memory_space<vmem>> -> memref<128xi32, #tpu.memory_space<vmem>>
        %dma_start3A_572 = arith.constant 0 : i32
        %dma_start3A_573 = arith.constant 0 : i32
        %dma_start3A_574 = tpu.memref_slice %arg2[%dma_start3A_572, %dma_start3A_573] : memref<10112x128xf32, #tpu.memory_space<hbm>> -> memref<10112x128xf32, #tpu.memory_space<hbm>>
        tpu.enqueue_indirect_dma source(%dma_start3A_574 : memref<10112x128xf32, #tpu.memory_space<hbm>>) target(%arg9 : memref<128x128xf32, #tpu.memory_space<vmem>>) offsets(%dma_start3A_571 : memref<128xi32, #tpu.memory_space<vmem>>) semaphore(%arg11 : memref<!tpu.dma_semaphore, #tpu.memory_space<semaphore_mem>>)
      } else {
      }
      %dma_wait3A_533 = arith.constant 0 : i32
      %dma_wait3A_534 = arith.constant 0 : i32
      %dma_wait3A_535 = tpu.memref_slice %arg7[%dma_wait3A_533, %dma_wait3A_534] : memref<8x128xi32, #tpu.memory_space<vmem>> -> memref<1x128xi32, #tpu.memory_space<vmem>>
      %dma_wait3A_536 = tpu.memref_squeeze %dma_wait3A_535 : memref<1x128xi32, #tpu.memory_space<vmem>> -> memref<128xi32, #tpu.memory_space<vmem>>
      %dma_wait3A_537 = arith.constant 0 : i32
      %dma_wait3A_538 = arith.constant 0 : i32
      %dma_wait3A_539 = tpu.memref_slice %arg2[%dma_wait3A_537, %dma_wait3A_538] : memref<10112x128xf32, #tpu.memory_space<hbm>> -> memref<10112x128xf32, #tpu.memory_space<hbm>>
      tpu.wait_indirect_dma semaphore(%arg12 : memref<!tpu.dma_semaphore, #tpu.memory_space<semaphore_mem>>) src(%dma_wait3A_539 : memref<10112x128xf32, #tpu.memory_space<hbm>>) dst(%arg10 : memref<128x128xf32, #tpu.memory_space<vmem>>)
      %mul3A_540 = arith.constant 16 : i32
      %mul3A_541 = arith.muli %mul3A_540, %scan3A_45 : i32
      %add3A_542 = arith.constant 8 : i32
      %add3A_543 = arith.addi %mul3A_541, %add3A_542 : i32
      %add3A_544 = arith.constant 7 : i32
      %add3A_545 = arith.addi %add3A_543, %add3A_544 : i32
      %dma_start3A_546 = arith.constant 0 : i32
      %dma_start3A_547 = tpu.memref_slice %arg6[%add3A_545, %dma_start3A_546] : memref<80x128xi32, #tpu.memory_space<vmem>> -> memref<1x128xi32, #tpu.memory_space<vmem>>
      %dma_start3A_548 = tpu.memref_squeeze %dma_start3A_547 : memref<1x128xi32, #tpu.memory_space<vmem>> -> memref<128xi32, #tpu.memory_space<vmem>>
      %dma_start3A_549 = arith.constant 0 : i32
      %dma_start3A_550 = arith.constant 0 : i32
      %dma_start3A_551 = tpu.memref_slice %arg17[%dma_start3A_549, %dma_start3A_550] : memref<10112x128xf32, #tpu.memory_space<vmem_shared>> -> memref<10112x128xf32, #tpu.memory_space<vmem_shared>>
      tpu.enqueue_indirect_dma source(%arg10 : memref<128x128xf32, #tpu.memory_space<vmem>>) target(%dma_start3A_551 : memref<10112x128xf32, #tpu.memory_space<vmem_shared>>) offsets(%dma_start3A_548 : memref<128xi32, #tpu.memory_space<vmem>>) semaphore(%arg14 : memref<!tpu.dma_semaphore, #tpu.memory_space<semaphore_mem>>) {add = true}
      %dma_wait3A_552 = arith.constant 0 : i32
      %dma_wait3A_553 = arith.constant 0 : i32
      %dma_wait3A_554 = tpu.memref_slice %arg6[%dma_wait3A_552, %dma_wait3A_553] : memref<80x128xi32, #tpu.memory_space<vmem>> -> memref<1x128xi32, #tpu.memory_space<vmem>>
      %dma_wait3A_555 = tpu.memref_squeeze %dma_wait3A_554 : memref<1x128xi32, #tpu.memory_space<vmem>> -> memref<128xi32, #tpu.memory_space<vmem>>
      %dma_wait3A_556 = arith.constant 0 : i32
      %dma_wait3A_557 = arith.constant 0 : i32
      %dma_wait3A_558 = tpu.memref_slice %arg17[%dma_wait3A_556, %dma_wait3A_557] : memref<10112x128xf32, #tpu.memory_space<vmem_shared>> -> memref<10112x128xf32, #tpu.memory_space<vmem_shared>>
      tpu.wait_indirect_dma semaphore(%arg14 : memref<!tpu.dma_semaphore, #tpu.memory_space<semaphore_mem>>) src(%arg10 : memref<128x128xf32, #tpu.memory_space<vmem>>) dst(%dma_wait3A_558 : memref<10112x128xf32, #tpu.memory_space<vmem_shared>>)
      %lt3A_559 = arith.constant 4 : i32
      %lt3A_560 = arith.cmpi slt, %scan3A_45, %lt3A_559 : i32
      %convert_element_type3A_561 = arith.extui %lt3A_560 : i1 to i32
      %cond3A_562 = arith.constant 0 : i32
      %cond3A_563 = arith.cmpi ne, %convert_element_type3A_561, %cond3A_562 : i32
      scf.if %cond3A_563 {
        %dma_start3A_564 = arith.constant 1 : i32
        %dma_start3A_565 = arith.constant 0 : i32
        %dma_start3A_566 = tpu.memref_slice %arg7[%dma_start3A_564, %dma_start3A_565] : memref<8x128xi32, #tpu.memory_space<vmem>> -> memref<1x128xi32, #tpu.memory_space<vmem>>
        %dma_start3A_567 = tpu.memref_squeeze %dma_start3A_566 : memref<1x128xi32, #tpu.memory_space<vmem>> -> memref<128xi32, #tpu.memory_space<vmem>>
        %dma_start3A_568 = arith.constant 0 : i32
        %dma_start3A_569 = arith.constant 0 : i32
        %dma_start3A_570 = tpu.memref_slice %arg2[%dma_start3A_568, %dma_start3A_569] : memref<10112x128xf32, #tpu.memory_space<hbm>> -> memref<10112x128xf32, #tpu.memory_space<hbm>>
        tpu.enqueue_indirect_dma source(%dma_start3A_570 : memref<10112x128xf32, #tpu.memory_space<hbm>>) target(%arg10 : memref<128x128xf32, #tpu.memory_space<vmem>>) offsets(%dma_start3A_567 : memref<128xi32, #tpu.memory_space<vmem>>) semaphore(%arg12 : memref<!tpu.dma_semaphore, #tpu.memory_space<semaphore_mem>>)
      } else {
      }
    }
    %scan3A_39 = arith.constant 5 : i32
    %barrier3A_40 = arith.constant 0 : index
    tpu.barrier barrier_id(%barrier3A_40)
    %mul3A_41 = arith.constant 632 : i32
    %mul3A_42 = arith.muli %arg1, %mul3A_41 : i32
    %mul3A_43 = arith.constant 632 : i32
    %mul3A_44 = arith.muli %arg1, %mul3A_43 : i32
    "tpu.region"() ({
      %run_scoped3A = tpu.sem_alloc : memref<!tpu.dma_semaphore, #tpu.memory_space<semaphore_mem>>
      %dma_start3A_45 = arith.constant 0 : i32
      %dma_start3A_46 = tpu.memref_slice %arg5[%arg0, %mul3A_44, %dma_start3A_45] : memref<2x10112x128xf32, #tpu.memory_space<hbm>> -> memref<1x632x128xf32, #tpu.memory_space<hbm>>
      %dma_start3A_47 = tpu.memref_squeeze %dma_start3A_46 : memref<1x632x128xf32, #tpu.memory_space<hbm>> -> memref<632x128xf32, #tpu.memory_space<hbm>>
      %dma_start3A_48 = arith.constant 0 : i32
      %dma_start3A_49 = tpu.memref_slice %arg17[%mul3A_42, %dma_start3A_48] : memref<10112x128xf32, #tpu.memory_space<vmem_shared>> -> memref<632x128xf32, #tpu.memory_space<vmem_shared>>
      tpu.enqueue_dma source(%dma_start3A_49 : memref<632x128xf32, #tpu.memory_space<vmem_shared>>) target(%dma_start3A_47 : memref<632x128xf32, #tpu.memory_space<hbm>>) target_semaphore(%run_scoped3A : memref<!tpu.dma_semaphore, #tpu.memory_space<semaphore_mem>>)
      %dma_wait3A_50 = arith.constant 0 : i32
      %dma_wait3A_51 = tpu.memref_slice %arg5[%arg0, %mul3A_44, %dma_wait3A_50] : memref<2x10112x128xf32, #tpu.memory_space<hbm>> -> memref<1x632x128xf32, #tpu.memory_space<hbm>>
      %dma_wait3A_52 = tpu.memref_squeeze %dma_wait3A_51 : memref<1x632x128xf32, #tpu.memory_space<hbm>> -> memref<632x128xf32, #tpu.memory_space<hbm>>
      %dma_wait3A_53 = arith.constant 0 : i32
      %dma_wait3A_54 = tpu.memref_slice %arg17[%mul3A_42, %dma_wait3A_53] : memref<10112x128xf32, #tpu.memory_space<vmem_shared>> -> memref<632x128xf32, #tpu.memory_space<vmem_shared>>
      tpu.wait_dma2 semaphore(%run_scoped3A : memref<!tpu.dma_semaphore, #tpu.memory_space<semaphore_mem>>) src(%dma_wait3A_54 : memref<632x128xf32, #tpu.memory_space<vmem_shared>>) dst(%dma_wait3A_52 : memref<632x128xf32, #tpu.memory_space<hbm>>)
      tpu.yield
    }) : () -> ()
    return
  }
}

#map = affine_map<(d0, d1) -> (0, 0)>
#map1 = affine_map<(d0, d1) -> (0, 0, 0)>
module attributes {stable_mosaic.version = 14 : i64} {
  func.func @scat_kernel(%arg0: i32, %arg1: i32, %arg2: memref<10112x128xf32, #tpu.memory_space<hbm>>, %arg3: memref<2560x128xi32, #tpu.memory_space<hbm>>, %arg4: memref<2560x128xi32, #tpu.memory_space<hbm>>, %arg5: memref<2x10112x128xf32, #tpu.memory_space<hbm>>, %arg6: memref<80x128xi32, #tpu.memory_space<vmem>>, %arg7: memref<8x128xi32, #tpu.memory_space<vmem>>, %arg8: memref<8x128xi32, #tpu.memory_space<vmem>>, %arg9: memref<128x128xf32, #tpu.memory_space<vmem>>, %arg10: memref<128x128xf32, #tpu.memory_space<vmem>>, %arg11: memref<!tpu.dma_semaphore, #tpu.memory_space<semaphore_mem>>, %arg12: memref<!tpu.dma_semaphore, #tpu.memory_space<semaphore_mem>>, %arg13: memref<!tpu.dma_semaphore, #tpu.memory_space<semaphore_mem>>, %arg14: memref<!tpu.dma_semaphore, #tpu.memory_space<semaphore_mem>>, %arg15: memref<!tpu.dma_semaphore, #tpu.memory_space<semaphore_mem>>, %arg16: memref<!tpu.dma_semaphore, #tpu.memory_space<semaphore_mem>>, %arg17: memref<10112x128xf32, #tpu.memory_space<vmem_shared>>) attributes {dimension_semantics = [#tpu.dimension_semantics<core_parallel>, #tpu.dimension_semantics<subcore_parallel>], iteration_bounds = array<i64: 2, 16>, scalar_prefetch = 0 : i64, scratch_operands = 12 : i64, tpu.core_type = #tpu.core_type<sc_vector_subcore>, window_params = [{transform_indices = #map}, {transform_indices = #map}, {transform_indices = #map}, {transform_indices = #map1}]} {
    %mul3A = arith.constant 632 : i32
    %mul3A_0 = arith.muli %arg1, %mul3A : i32
    %mul3A_1 = arith.constant 632 : i32
    %mul3A_2 = arith.muli %arg1, %mul3A_1 : i32
    "tpu.region"() ({
      %run_scoped3A = tpu.sem_alloc : memref<!tpu.dma_semaphore, #tpu.memory_space<semaphore_mem>>
      %dma_start3A_45 = arith.constant 0 : i32
      %dma_start3A_46 = tpu.memref_slice %arg17[%mul3A_2, %dma_start3A_45] : memref<10112x128xf32, #tpu.memory_space<vmem_shared>> -> memref<632x128xf32, #tpu.memory_space<vmem_shared>>
      %dma_start3A_47 = arith.constant 0 : i32
      %dma_start3A_48 = tpu.memref_slice %arg2[%mul3A_0, %dma_start3A_47] : memref<10112x128xf32, #tpu.memory_space<hbm>> -> memref<632x128xf32, #tpu.memory_space<hbm>>
      tpu.enqueue_dma source(%dma_start3A_48 : memref<632x128xf32, #tpu.memory_space<hbm>>) target(%dma_start3A_46 : memref<632x128xf32, #tpu.memory_space<vmem_shared>>) target_semaphore(%run_scoped3A : memref<!tpu.dma_semaphore, #tpu.memory_space<semaphore_mem>>)
      %dma_wait3A_49 = arith.constant 0 : i32
      %dma_wait3A_50 = tpu.memref_slice %arg17[%mul3A_2, %dma_wait3A_49] : memref<10112x128xf32, #tpu.memory_space<vmem_shared>> -> memref<632x128xf32, #tpu.memory_space<vmem_shared>>
      %dma_wait3A_51 = arith.constant 0 : i32
      %dma_wait3A_52 = tpu.memref_slice %arg2[%mul3A_0, %dma_wait3A_51] : memref<10112x128xf32, #tpu.memory_space<hbm>> -> memref<632x128xf32, #tpu.memory_space<hbm>>
      tpu.wait_dma2 semaphore(%run_scoped3A : memref<!tpu.dma_semaphore, #tpu.memory_space<semaphore_mem>>) src(%dma_wait3A_52 : memref<632x128xf32, #tpu.memory_space<hbm>>) dst(%dma_wait3A_50 : memref<632x128xf32, #tpu.memory_space<vmem_shared>>)
      tpu.yield
    }) : () -> ()
    %mul3A_3 = arith.constant 1280 : i32
    %mul3A_4 = arith.muli %arg0, %mul3A_3 : i32
    %mul3A_5 = arith.constant 80 : i32
    %mul3A_6 = arith.muli %arg1, %mul3A_5 : i32
    %add3A = arith.addi %mul3A_4, %mul3A_6 : i32
    "tpu.region"() ({
      %run_scoped3A = tpu.sem_alloc : memref<!tpu.dma_semaphore, #tpu.memory_space<semaphore_mem>>
      %dma_start3A_45 = arith.constant 0 : i32
      %dma_start3A_46 = tpu.memref_slice %arg4[%add3A, %dma_start3A_45] : memref<2560x128xi32, #tpu.memory_space<hbm>> -> memref<80x128xi32, #tpu.memory_space<hbm>>
      %dma_start3A_47 = arith.constant 0 : i32
      %dma_start3A_48 = tpu.memref_slice %arg4[%add3A, %dma_start3A_47] : memref<2560x128xi32, #tpu.memory_space<hbm>> -> memref<80x128xi32, #tpu.memory_space<hbm>>
      tpu.enqueue_dma source(%dma_start3A_48 : memref<80x128xi32, #tpu.memory_space<hbm>>) target(%arg6 : memref<80x128xi32, #tpu.memory_space<vmem>>) target_semaphore(%run_scoped3A : memref<!tpu.dma_semaphore, #tpu.memory_space<semaphore_mem>>)
      %dma_wait3A_49 = arith.constant 0 : i32
      %dma_wait3A_50 = tpu.memref_slice %arg4[%add3A, %dma_wait3A_49] : memref<2560x128xi32, #tpu.memory_space<hbm>> -> memref<80x128xi32, #tpu.memory_space<hbm>>
      %dma_wait3A_51 = arith.constant 0 : i32
      %dma_wait3A_52 = tpu.memref_slice %arg4[%add3A, %dma_wait3A_51] : memref<2560x128xi32, #tpu.memory_space<hbm>> -> memref<80x128xi32, #tpu.memory_space<hbm>>
      tpu.wait_dma2 semaphore(%run_scoped3A : memref<!tpu.dma_semaphore, #tpu.memory_space<semaphore_mem>>) src(%dma_wait3A_52 : memref<80x128xi32, #tpu.memory_space<hbm>>) dst(%arg6 : memref<80x128xi32, #tpu.memory_space<vmem>>)
      tpu.yield
    }) : () -> ()
    %add3A_7 = arith.constant 0 : i32
    %add3A_8 = arith.addi %add3A, %add3A_7 : i32
    %dma_start3A = arith.constant 0 : i32
    %dma_start3A_9 = tpu.memref_slice %arg3[%add3A_8, %dma_start3A] : memref<2560x128xi32, #tpu.memory_space<hbm>> -> memref<8x128xi32, #tpu.memory_space<hbm>>
    %dma_start3A_10 = arith.constant 0 : i32
    %dma_start3A_11 = tpu.memref_slice %arg3[%add3A_8, %dma_start3A_10] : memref<2560x128xi32, #tpu.memory_space<hbm>> -> memref<8x128xi32, #tpu.memory_space<hbm>>
    tpu.enqueue_dma source(%dma_start3A_11 : memref<8x128xi32, #tpu.memory_space<hbm>>) target(%arg7 : memref<8x128xi32, #tpu.memory_space<vmem>>) target_semaphore(%arg15 : memref<!tpu.dma_semaphore, #tpu.memory_space<semaphore_mem>>)
    %dma_wait3A = arith.constant 0 : i32
    %dma_wait3A_12 = tpu.memref_slice %arg3[%add3A, %dma_wait3A] : memref<2560x128xi32, #tpu.memory_space<hbm>> -> memref<8x128xi32, #tpu.memory_space<hbm>>
    %dma_wait3A_13 = arith.constant 0 : i32
    %dma_wait3A_14 = tpu.memref_slice %arg3[%add3A, %dma_wait3A_13] : memref<2560x128xi32, #tpu.memory_space<hbm>> -> memref<8x128xi32, #tpu.memory_space<hbm>>
    tpu.wait_dma2 semaphore(%arg15 : memref<!tpu.dma_semaphore, #tpu.memory_space<semaphore_mem>>) src(%dma_wait3A_14 : memref<8x128xi32, #tpu.memory_space<hbm>>) dst(%arg7 : memref<8x128xi32, #tpu.memory_space<vmem>>)
    %add3A_15 = arith.constant 8 : i32
    %add3A_16 = arith.addi %add3A, %add3A_15 : i32
    %dma_start3A_17 = arith.constant 0 : i32
    %dma_start3A_18 = tpu.memref_slice %arg3[%add3A_16, %dma_start3A_17] : memref<2560x128xi32, #tpu.memory_space<hbm>> -> memref<8x128xi32, #tpu.memory_space<hbm>>
    %dma_start3A_19 = arith.constant 0 : i32
    %dma_start3A_20 = tpu.memref_slice %arg3[%add3A_16, %dma_start3A_19] : memref<2560x128xi32, #tpu.memory_space<hbm>> -> memref<8x128xi32, #tpu.memory_space<hbm>>
    tpu.enqueue_dma source(%dma_start3A_20 : memref<8x128xi32, #tpu.memory_space<hbm>>) target(%arg8 : memref<8x128xi32, #tpu.memory_space<vmem>>) target_semaphore(%arg16 : memref<!tpu.dma_semaphore, #tpu.memory_space<semaphore_mem>>)
    %barrier3A = arith.constant 0 : index
    tpu.barrier barrier_id(%barrier3A)
    %dma_start3A_21 = arith.constant 0 : i32
    %dma_start3A_22 = arith.constant 0 : i32
    %dma_start3A_23 = tpu.memref_slice %arg7[%dma_start3A_21, %dma_start3A_22] : memref<8x128xi32, #tpu.memory_space<vmem>> -> memref<1x128xi32, #tpu.memory_space<vmem>>
    %dma_start3A_24 = tpu.memref_squeeze %dma_start3A_23 : memref<1x128xi32, #tpu.memory_space<vmem>> -> memref<128xi32, #tpu.memory_space<vmem>>
    %dma_start3A_25 = arith.constant 0 : i32
    %dma_start3A_26 = arith.constant 0 : i32
    %dma_start3A_27 = tpu.memref_slice %arg2[%dma_start3A_25, %dma_start3A_26] : memref<10112x128xf32, #tpu.memory_space<hbm>> -> memref<10112x128xf32, #tpu.memory_space<hbm>>
    tpu.enqueue_indirect_dma source(%dma_start3A_27 : memref<10112x128xf32, #tpu.memory_space<hbm>>) target(%arg9 : memref<128x128xf32, #tpu.memory_space<vmem>>) offsets(%dma_start3A_24 : memref<128xi32, #tpu.memory_space<vmem>>) semaphore(%arg11 : memref<!tpu.dma_semaphore, #tpu.memory_space<semaphore_mem>>)
    %dma_start3A_28 = arith.constant 1 : i32
    %dma_start3A_29 = arith.constant 0 : i32
    %dma_start3A_30 = tpu.memref_slice %arg7[%dma_start3A_28, %dma_start3A_29] : memref<8x128xi32, #tpu.memory_space<vmem>> -> memref<1x128xi32, #tpu.memory_space<vmem>>
    %dma_start3A_31 = tpu.memref_squeeze %dma_start3A_30 : memref<1x128xi32, #tpu.memory_space<vmem>> -> memref<128xi32, #tpu.memory_space<vmem>>
    %dma_start3A_32 = arith.constant 0 : i32
    %dma_start3A_33 = arith.constant 0 : i32
    %dma_start3A_34 = tpu.memref_slice %arg2[%dma_start3A_32, %dma_start3A_33] : memref<10112x128xf32, #tpu.memory_space<hbm>> -> memref<10112x128xf32, #tpu.memory_space<hbm>>
    tpu.enqueue_indirect_dma source(%dma_start3A_34 : memref<10112x128xf32, #tpu.memory_space<hbm>>) target(%arg10 : memref<128x128xf32, #tpu.memory_space<vmem>>) offsets(%dma_start3A_31 : memref<128xi32, #tpu.memory_space<vmem>>) semaphore(%arg12 : memref<!tpu.dma_semaphore, #tpu.memory_space<semaphore_mem>>)
    %scan3A = arith.constant 0 : i32
    %scan3A_35 = arith.constant 0 : i32
    %scan3A_36 = arith.constant 5 : i32
    %scan3A_37 = arith.addi %scan3A_35, %scan3A_36 : i32
    %scan3A_38 = arith.constant 1 : i32
    scf.for %scan3A_45 = %scan3A_35 to %scan3A_37 step %scan3A_38  : i32 {
      %gt3A = arith.constant 0 : i32
      %gt3A_46 = arith.cmpi sgt, %scan3A_45, %gt3A : i32
      %convert_element_type3A = arith.extui %gt3A_46 : i1 to i32
      %cond3A = arith.constant 0 : i32
      %cond3A_47 = arith.cmpi ne, %convert_element_type3A, %cond3A : i32
      scf.if %cond3A_47 {
        %mul3A_564 = arith.constant 2 : i32
        %mul3A_565 = arith.muli %mul3A_564, %scan3A_45 : i32
        %add3A_566 = arith.constant 1 : i32
        %add3A_567 = arith.addi %mul3A_565, %add3A_566 : i32
        %mul3A_568 = arith.constant 8 : i32
        %mul3A_569 = arith.muli %mul3A_568, %add3A_567 : i32
        %add3A_570 = arith.addi %add3A, %mul3A_569 : i32
        %dma_start3A_571 = arith.constant 0 : i32
        %dma_start3A_572 = tpu.memref_slice %arg3[%add3A_570, %dma_start3A_571] : memref<2560x128xi32, #tpu.memory_space<hbm>> -> memref<8x128xi32, #tpu.memory_space<hbm>>
        %dma_start3A_573 = arith.constant 0 : i32
        %dma_start3A_574 = tpu.memref_slice %arg3[%add3A_570, %dma_start3A_573] : memref<2560x128xi32, #tpu.memory_space<hbm>> -> memref<8x128xi32, #tpu.memory_space<hbm>>
        tpu.enqueue_dma source(%dma_start3A_574 : memref<8x128xi32, #tpu.memory_space<hbm>>) target(%arg8 : memref<8x128xi32, #tpu.memory_space<vmem>>) target_semaphore(%arg16 : memref<!tpu.dma_semaphore, #tpu.memory_space<semaphore_mem>>)
      } else {
      }
      %dma_wait3A_48 = arith.constant 0 : i32
      %dma_wait3A_49 = arith.constant 0 : i32
      %dma_wait3A_50 = tpu.memref_slice %arg7[%dma_wait3A_48, %dma_wait3A_49] : memref<8x128xi32, #tpu.memory_space<vmem>> -> memref<1x128xi32, #tpu.memory_space<vmem>>
      %dma_wait3A_51 = tpu.memref_squeeze %dma_wait3A_50 : memref<1x128xi32, #tpu.memory_space<vmem>> -> memref<128xi32, #tpu.memory_space<vmem>>
      %dma_wait3A_52 = arith.constant 0 : i32
      %dma_wait3A_53 = arith.constant 0 : i32
      %dma_wait3A_54 = tpu.memref_slice %arg2[%dma_wait3A_52, %dma_wait3A_53] : memref<10112x128xf32, #tpu.memory_space<hbm>> -> memref<10112x128xf32, #tpu.memory_space<hbm>>
      tpu.wait_indirect_dma semaphore(%arg11 : memref<!tpu.dma_semaphore, #tpu.memory_space<semaphore_mem>>) src(%dma_wait3A_54 : memref<10112x128xf32, #tpu.memory_space<hbm>>) dst(%arg9 : memref<128x128xf32, #tpu.memory_space<vmem>>)
      %mul3A_55 = arith.constant 16 : i32
      %mul3A_56 = arith.muli %mul3A_55, %scan3A_45 : i32
      %add3A_57 = arith.constant 0 : i32
      %add3A_58 = arith.addi %mul3A_56, %add3A_57 : i32
      %dma_start3A_59 = arith.constant 0 : i32
      %dma_start3A_60 = tpu.memref_slice %arg6[%add3A_58, %dma_start3A_59] : memref<80x128xi32, #tpu.memory_space<vmem>> -> memref<1x128xi32, #tpu.memory_space<vmem>>
      %dma_start3A_61 = tpu.memref_squeeze %dma_start3A_60 : memref<1x128xi32, #tpu.memory_space<vmem>> -> memref<128xi32, #tpu.memory_space<vmem>>
      %dma_start3A_62 = arith.constant 0 : i32
      %dma_start3A_63 = arith.constant 0 : i32
      %dma_start3A_64 = tpu.memref_slice %arg17[%dma_start3A_62, %dma_start3A_63] : memref<10112x128xf32, #tpu.memory_space<vmem_shared>> -> memref<10112x128xf32, #tpu.memory_space<vmem_shared>>
      tpu.enqueue_indirect_dma source(%arg9 : memref<128x128xf32, #tpu.memory_space<vmem>>) target(%dma_start3A_64 : memref<10112x128xf32, #tpu.memory_space<vmem_shared>>) offsets(%dma_start3A_61 : memref<128xi32, #tpu.memory_space<vmem>>) semaphore(%arg13 : memref<!tpu.dma_semaphore, #tpu.memory_space<semaphore_mem>>) {add = true}
      %dma_wait3A_65 = arith.constant 0 : i32
      %dma_wait3A_66 = arith.constant 0 : i32
      %dma_wait3A_67 = tpu.memref_slice %arg6[%dma_wait3A_65, %dma_wait3A_66] : memref<80x128xi32, #tpu.memory_space<vmem>> -> memref<1x128xi32, #tpu.memory_space<vmem>>
      %dma_wait3A_68 = tpu.memref_squeeze %dma_wait3A_67 : memref<1x128xi32, #tpu.memory_space<vmem>> -> memref<128xi32, #tpu.memory_space<vmem>>
      %dma_wait3A_69 = arith.constant 0 : i32
      %dma_wait3A_70 = arith.constant 0 : i32
      %dma_wait3A_71 = tpu.memref_slice %arg17[%dma_wait3A_69, %dma_wait3A_70] : memref<10112x128xf32, #tpu.memory_space<vmem_shared>> -> memref<10112x128xf32, #tpu.memory_space<vmem_shared>>
      tpu.wait_indirect_dma semaphore(%arg13 : memref<!tpu.dma_semaphore, #tpu.memory_space<semaphore_mem>>) src(%arg9 : memref<128x128xf32, #tpu.memory_space<vmem>>) dst(%dma_wait3A_71 : memref<10112x128xf32, #tpu.memory_space<vmem_shared>>)
      %dma_start3A_72 = arith.constant 2 : i32
      %dma_start3A_73 = arith.constant 0 : i32
      %dma_start3A_74 = tpu.memref_slice %arg7[%dma_start3A_72, %dma_start3A_73] : memref<8x128xi32, #tpu.memory_space<vmem>> -> memref<1x128xi32, #tpu.memory_space<vmem>>
      %dma_start3A_75 = tpu.memref_squeeze %dma_start3A_74 : memref<1x128xi32, #tpu.memory_space<vmem>> -> memref<128xi32, #tpu.memory_space<vmem>>
      %dma_start3A_76 = arith.constant 0 : i32
      %dma_start3A_77 = arith.constant 0 : i32
      %dma_start3A_78 = tpu.memref_slice %arg2[%dma_start3A_76, %dma_start3A_77] : memref<10112x128xf32, #tpu.memory_space<hbm>> -> memref<10112x128xf32, #tpu.memory_space<hbm>>
      tpu.enqueue_indirect_dma source(%dma_start3A_78 : memref<10112x128xf32, #tpu.memory_space<hbm>>) target(%arg9 : memref<128x128xf32, #tpu.memory_space<vmem>>) offsets(%dma_start3A_75 : memref<128xi32, #tpu.memory_space<vmem>>) semaphore(%arg11 : memref<!tpu.dma_semaphore, #tpu.memory_space<semaphore_mem>>)
      %dma_wait3A_79 = arith.constant 0 : i32
      %dma_wait3A_80 = arith.constant 0 : i32
      %dma_wait3A_81 = tpu.memref_slice %arg7[%dma_wait3A_79, %dma_wait3A_80] : memref<8x128xi32, #tpu.memory_space<vmem>> -> memref<1x128xi32, #tpu.memory_space<vmem>>
      %dma_wait3A_82 = tpu.memref_squeeze %dma_wait3A_81 : memref<1x128xi32, #tpu.memory_space<vmem>> -> memref<128xi32, #tpu.memory_space<vmem>>
      %dma_wait3A_83 = arith.constant 0 : i32
      %dma_wait3A_84 = arith.constant 0 : i32
      %dma_wait3A_85 = tpu.memref_slice %arg2[%dma_wait3A_83, %dma_wait3A_84] : memref<10112x128xf32, #tpu.memory_space<hbm>> -> memref<10112x128xf32, #tpu.memory_space<hbm>>
      tpu.wait_indirect_dma semaphore(%arg12 : memref<!tpu.dma_semaphore, #tpu.memory_space<semaphore_mem>>) src(%dma_wait3A_85 : memref<10112x128xf32, #tpu.memory_space<hbm>>) dst(%arg10 : memref<128x128xf32, #tpu.memory_space<vmem>>)
      %mul3A_86 = arith.constant 16 : i32
      %mul3A_87 = arith.muli %mul3A_86, %scan3A_45 : i32
      %add3A_88 = arith.constant 1 : i32
      %add3A_89 = arith.addi %mul3A_87, %add3A_88 : i32
      %dma_start3A_90 = arith.constant 0 : i32
      %dma_start3A_91 = tpu.memref_slice %arg6[%add3A_89, %dma_start3A_90] : memref<80x128xi32, #tpu.memory_space<vmem>> -> memref<1x128xi32, #tpu.memory_space<vmem>>
      %dma_start3A_92 = tpu.memref_squeeze %dma_start3A_91 : memref<1x128xi32, #tpu.memory_space<vmem>> -> memref<128xi32, #tpu.memory_space<vmem>>
      %dma_start3A_93 = arith.constant 0 : i32
      %dma_start3A_94 = arith.constant 0 : i32
      %dma_start3A_95 = tpu.memref_slice %arg17[%dma_start3A_93, %dma_start3A_94] : memref<10112x128xf32, #tpu.memory_space<vmem_shared>> -> memref<10112x128xf32, #tpu.memory_space<vmem_shared>>
      tpu.enqueue_indirect_dma source(%arg10 : memref<128x128xf32, #tpu.memory_space<vmem>>) target(%dma_start3A_95 : memref<10112x128xf32, #tpu.memory_space<vmem_shared>>) offsets(%dma_start3A_92 : memref<128xi32, #tpu.memory_space<vmem>>) semaphore(%arg14 : memref<!tpu.dma_semaphore, #tpu.memory_space<semaphore_mem>>) {add = true}
      %dma_wait3A_96 = arith.constant 0 : i32
      %dma_wait3A_97 = arith.constant 0 : i32
      %dma_wait3A_98 = tpu.memref_slice %arg6[%dma_wait3A_96, %dma_wait3A_97] : memref<80x128xi32, #tpu.memory_space<vmem>> -> memref<1x128xi32, #tpu.memory_space<vmem>>
      %dma_wait3A_99 = tpu.memref_squeeze %dma_wait3A_98 : memref<1x128xi32, #tpu.memory_space<vmem>> -> memref<128xi32, #tpu.memory_space<vmem>>
      %dma_wait3A_100 = arith.constant 0 : i32
      %dma_wait3A_101 = arith.constant 0 : i32
      %dma_wait3A_102 = tpu.memref_slice %arg17[%dma_wait3A_100, %dma_wait3A_101] : memref<10112x128xf32, #tpu.memory_space<vmem_shared>> -> memref<10112x128xf32, #tpu.memory_space<vmem_shared>>
      tpu.wait_indirect_dma semaphore(%arg14 : memref<!tpu.dma_semaphore, #tpu.memory_space<semaphore_mem>>) src(%arg10 : memref<128x128xf32, #tpu.memory_space<vmem>>) dst(%dma_wait3A_102 : memref<10112x128xf32, #tpu.memory_space<vmem_shared>>)
      %dma_start3A_103 = arith.constant 3 : i32
      %dma_start3A_104 = arith.constant 0 : i32
      %dma_start3A_105 = tpu.memref_slice %arg7[%dma_start3A_103, %dma_start3A_104] : memref<8x128xi32, #tpu.memory_space<vmem>> -> memref<1x128xi32, #tpu.memory_space<vmem>>
      %dma_start3A_106 = tpu.memref_squeeze %dma_start3A_105 : memref<1x128xi32, #tpu.memory_space<vmem>> -> memref<128xi32, #tpu.memory_space<vmem>>
      %dma_start3A_107 = arith.constant 0 : i32
      %dma_start3A_108 = arith.constant 0 : i32
      %dma_start3A_109 = tpu.memref_slice %arg2[%dma_start3A_107, %dma_start3A_108] : memref<10112x128xf32, #tpu.memory_space<hbm>> -> memref<10112x128xf32, #tpu.memory_space<hbm>>
      tpu.enqueue_indirect_dma source(%dma_start3A_109 : memref<10112x128xf32, #tpu.memory_space<hbm>>) target(%arg10 : memref<128x128xf32, #tpu.memory_space<vmem>>) offsets(%dma_start3A_106 : memref<128xi32, #tpu.memory_space<vmem>>) semaphore(%arg12 : memref<!tpu.dma_semaphore, #tpu.memory_space<semaphore_mem>>)
      %dma_wait3A_110 = arith.constant 0 : i32
      %dma_wait3A_111 = arith.constant 0 : i32
      %dma_wait3A_112 = tpu.memref_slice %arg7[%dma_wait3A_110, %dma_wait3A_111] : memref<8x128xi32, #tpu.memory_space<vmem>> -> memref<1x128xi32, #tpu.memory_space<vmem>>
      %dma_wait3A_113 = tpu.memref_squeeze %dma_wait3A_112 : memref<1x128xi32, #tpu.memory_space<vmem>> -> memref<128xi32, #tpu.memory_space<vmem>>
      %dma_wait3A_114 = arith.constant 0 : i32
      %dma_wait3A_115 = arith.constant 0 : i32
      %dma_wait3A_116 = tpu.memref_slice %arg2[%dma_wait3A_114, %dma_wait3A_115] : memref<10112x128xf32, #tpu.memory_space<hbm>> -> memref<10112x128xf32, #tpu.memory_space<hbm>>
      tpu.wait_indirect_dma semaphore(%arg11 : memref<!tpu.dma_semaphore, #tpu.memory_space<semaphore_mem>>) src(%dma_wait3A_116 : memref<10112x128xf32, #tpu.memory_space<hbm>>) dst(%arg9 : memref<128x128xf32, #tpu.memory_space<vmem>>)
      %mul3A_117 = arith.constant 16 : i32
      %mul3A_118 = arith.muli %mul3A_117, %scan3A_45 : i32
      %add3A_119 = arith.constant 2 : i32
      %add3A_120 = arith.addi %mul3A_118, %add3A_119 : i32
      %dma_start3A_121 = arith.constant 0 : i32
      %dma_start3A_122 = tpu.memref_slice %arg6[%add3A_120, %dma_start3A_121] : memref<80x128xi32, #tpu.memory_space<vmem>> -> memref<1x128xi32, #tpu.memory_space<vmem>>
      %dma_start3A_123 = tpu.memref_squeeze %dma_start3A_122 : memref<1x128xi32, #tpu.memory_space<vmem>> -> memref<128xi32, #tpu.memory_space<vmem>>
      %dma_start3A_124 = arith.constant 0 : i32
      %dma_start3A_125 = arith.constant 0 : i32
      %dma_start3A_126 = tpu.memref_slice %arg17[%dma_start3A_124, %dma_start3A_125] : memref<10112x128xf32, #tpu.memory_space<vmem_shared>> -> memref<10112x128xf32, #tpu.memory_space<vmem_shared>>
      tpu.enqueue_indirect_dma source(%arg9 : memref<128x128xf32, #tpu.memory_space<vmem>>) target(%dma_start3A_126 : memref<10112x128xf32, #tpu.memory_space<vmem_shared>>) offsets(%dma_start3A_123 : memref<128xi32, #tpu.memory_space<vmem>>) semaphore(%arg13 : memref<!tpu.dma_semaphore, #tpu.memory_space<semaphore_mem>>) {add = true}
      %dma_wait3A_127 = arith.constant 0 : i32
      %dma_wait3A_128 = arith.constant 0 : i32
      %dma_wait3A_129 = tpu.memref_slice %arg6[%dma_wait3A_127, %dma_wait3A_128] : memref<80x128xi32, #tpu.memory_space<vmem>> -> memref<1x128xi32, #tpu.memory_space<vmem>>
      %dma_wait3A_130 = tpu.memref_squeeze %dma_wait3A_129 : memref<1x128xi32, #tpu.memory_space<vmem>> -> memref<128xi32, #tpu.memory_space<vmem>>
      %dma_wait3A_131 = arith.constant 0 : i32
      %dma_wait3A_132 = arith.constant 0 : i32
      %dma_wait3A_133 = tpu.memref_slice %arg17[%dma_wait3A_131, %dma_wait3A_132] : memref<10112x128xf32, #tpu.memory_space<vmem_shared>> -> memref<10112x128xf32, #tpu.memory_space<vmem_shared>>
      tpu.wait_indirect_dma semaphore(%arg13 : memref<!tpu.dma_semaphore, #tpu.memory_space<semaphore_mem>>) src(%arg9 : memref<128x128xf32, #tpu.memory_space<vmem>>) dst(%dma_wait3A_133 : memref<10112x128xf32, #tpu.memory_space<vmem_shared>>)
      %dma_start3A_134 = arith.constant 4 : i32
      %dma_start3A_135 = arith.constant 0 : i32
      %dma_start3A_136 = tpu.memref_slice %arg7[%dma_start3A_134, %dma_start3A_135] : memref<8x128xi32, #tpu.memory_space<vmem>> -> memref<1x128xi32, #tpu.memory_space<vmem>>
      %dma_start3A_137 = tpu.memref_squeeze %dma_start3A_136 : memref<1x128xi32, #tpu.memory_space<vmem>> -> memref<128xi32, #tpu.memory_space<vmem>>
      %dma_start3A_138 = arith.constant 0 : i32
      %dma_start3A_139 = arith.constant 0 : i32
      %dma_start3A_140 = tpu.memref_slice %arg2[%dma_start3A_138, %dma_start3A_139] : memref<10112x128xf32, #tpu.memory_space<hbm>> -> memref<10112x128xf32, #tpu.memory_space<hbm>>
      tpu.enqueue_indirect_dma source(%dma_start3A_140 : memref<10112x128xf32, #tpu.memory_space<hbm>>) target(%arg9 : memref<128x128xf32, #tpu.memory_space<vmem>>) offsets(%dma_start3A_137 : memref<128xi32, #tpu.memory_space<vmem>>) semaphore(%arg11 : memref<!tpu.dma_semaphore, #tpu.memory_space<semaphore_mem>>)
      %dma_wait3A_141 = arith.constant 0 : i32
      %dma_wait3A_142 = arith.constant 0 : i32
      %dma_wait3A_143 = tpu.memref_slice %arg7[%dma_wait3A_141, %dma_wait3A_142] : memref<8x128xi32, #tpu.memory_space<vmem>> -> memref<1x128xi32, #tpu.memory_space<vmem>>
      %dma_wait3A_144 = tpu.memref_squeeze %dma_wait3A_143 : memref<1x128xi32, #tpu.memory_space<vmem>> -> memref<128xi32, #tpu.memory_space<vmem>>
      %dma_wait3A_145 = arith.constant 0 : i32
      %dma_wait3A_146 = arith.constant 0 : i32
      %dma_wait3A_147 = tpu.memref_slice %arg2[%dma_wait3A_145, %dma_wait3A_146] : memref<10112x128xf32, #tpu.memory_space<hbm>> -> memref<10112x128xf32, #tpu.memory_space<hbm>>
      tpu.wait_indirect_dma semaphore(%arg12 : memref<!tpu.dma_semaphore, #tpu.memory_space<semaphore_mem>>) src(%dma_wait3A_147 : memref<10112x128xf32, #tpu.memory_space<hbm>>) dst(%arg10 : memref<128x128xf32, #tpu.memory_space<vmem>>)
      %mul3A_148 = arith.constant 16 : i32
      %mul3A_149 = arith.muli %mul3A_148, %scan3A_45 : i32
      %add3A_150 = arith.constant 3 : i32
      %add3A_151 = arith.addi %mul3A_149, %add3A_150 : i32
      %dma_start3A_152 = arith.constant 0 : i32
      %dma_start3A_153 = tpu.memref_slice %arg6[%add3A_151, %dma_start3A_152] : memref<80x128xi32, #tpu.memory_space<vmem>> -> memref<1x128xi32, #tpu.memory_space<vmem>>
      %dma_start3A_154 = tpu.memref_squeeze %dma_start3A_153 : memref<1x128xi32, #tpu.memory_space<vmem>> -> memref<128xi32, #tpu.memory_space<vmem>>
      %dma_start3A_155 = arith.constant 0 : i32
      %dma_start3A_156 = arith.constant 0 : i32
      %dma_start3A_157 = tpu.memref_slice %arg17[%dma_start3A_155, %dma_start3A_156] : memref<10112x128xf32, #tpu.memory_space<vmem_shared>> -> memref<10112x128xf32, #tpu.memory_space<vmem_shared>>
      tpu.enqueue_indirect_dma source(%arg10 : memref<128x128xf32, #tpu.memory_space<vmem>>) target(%dma_start3A_157 : memref<10112x128xf32, #tpu.memory_space<vmem_shared>>) offsets(%dma_start3A_154 : memref<128xi32, #tpu.memory_space<vmem>>) semaphore(%arg14 : memref<!tpu.dma_semaphore, #tpu.memory_space<semaphore_mem>>) {add = true}
      %dma_wait3A_158 = arith.constant 0 : i32
      %dma_wait3A_159 = arith.constant 0 : i32
      %dma_wait3A_160 = tpu.memref_slice %arg6[%dma_wait3A_158, %dma_wait3A_159] : memref<80x128xi32, #tpu.memory_space<vmem>> -> memref<1x128xi32, #tpu.memory_space<vmem>>
      %dma_wait3A_161 = tpu.memref_squeeze %dma_wait3A_160 : memref<1x128xi32, #tpu.memory_space<vmem>> -> memref<128xi32, #tpu.memory_space<vmem>>
      %dma_wait3A_162 = arith.constant 0 : i32
      %dma_wait3A_163 = arith.constant 0 : i32
      %dma_wait3A_164 = tpu.memref_slice %arg17[%dma_wait3A_162, %dma_wait3A_163] : memref<10112x128xf32, #tpu.memory_space<vmem_shared>> -> memref<10112x128xf32, #tpu.memory_space<vmem_shared>>
      tpu.wait_indirect_dma semaphore(%arg14 : memref<!tpu.dma_semaphore, #tpu.memory_space<semaphore_mem>>) src(%arg10 : memref<128x128xf32, #tpu.memory_space<vmem>>) dst(%dma_wait3A_164 : memref<10112x128xf32, #tpu.memory_space<vmem_shared>>)
      %dma_start3A_165 = arith.constant 5 : i32
      %dma_start3A_166 = arith.constant 0 : i32
      %dma_start3A_167 = tpu.memref_slice %arg7[%dma_start3A_165, %dma_start3A_166] : memref<8x128xi32, #tpu.memory_space<vmem>> -> memref<1x128xi32, #tpu.memory_space<vmem>>
      %dma_start3A_168 = tpu.memref_squeeze %dma_start3A_167 : memref<1x128xi32, #tpu.memory_space<vmem>> -> memref<128xi32, #tpu.memory_space<vmem>>
      %dma_start3A_169 = arith.constant 0 : i32
      %dma_start3A_170 = arith.constant 0 : i32
      %dma_start3A_171 = tpu.memref_slice %arg2[%dma_start3A_169, %dma_start3A_170] : memref<10112x128xf32, #tpu.memory_space<hbm>> -> memref<10112x128xf32, #tpu.memory_space<hbm>>
      tpu.enqueue_indirect_dma source(%dma_start3A_171 : memref<10112x128xf32, #tpu.memory_space<hbm>>) target(%arg10 : memref<128x128xf32, #tpu.memory_space<vmem>>) offsets(%dma_start3A_168 : memref<128xi32, #tpu.memory_space<vmem>>) semaphore(%arg12 : memref<!tpu.dma_semaphore, #tpu.memory_space<semaphore_mem>>)
      %dma_wait3A_172 = arith.constant 0 : i32
      %dma_wait3A_173 = arith.constant 0 : i32
      %dma_wait3A_174 = tpu.memref_slice %arg7[%dma_wait3A_172, %dma_wait3A_173] : memref<8x128xi32, #tpu.memory_space<vmem>> -> memref<1x128xi32, #tpu.memory_space<vmem>>
      %dma_wait3A_175 = tpu.memref_squeeze %dma_wait3A_174 : memref<1x128xi32, #tpu.memory_space<vmem>> -> memref<128xi32, #tpu.memory_space<vmem>>
      %dma_wait3A_176 = arith.constant 0 : i32
      %dma_wait3A_177 = arith.constant 0 : i32
      %dma_wait3A_178 = tpu.memref_slice %arg2[%dma_wait3A_176, %dma_wait3A_177] : memref<10112x128xf32, #tpu.memory_space<hbm>> -> memref<10112x128xf32, #tpu.memory_space<hbm>>
      tpu.wait_indirect_dma semaphore(%arg11 : memref<!tpu.dma_semaphore, #tpu.memory_space<semaphore_mem>>) src(%dma_wait3A_178 : memref<10112x128xf32, #tpu.memory_space<hbm>>) dst(%arg9 : memref<128x128xf32, #tpu.memory_space<vmem>>)
      %mul3A_179 = arith.constant 16 : i32
      %mul3A_180 = arith.muli %mul3A_179, %scan3A_45 : i32
      %add3A_181 = arith.constant 4 : i32
      %add3A_182 = arith.addi %mul3A_180, %add3A_181 : i32
      %dma_start3A_183 = arith.constant 0 : i32
      %dma_start3A_184 = tpu.memref_slice %arg6[%add3A_182, %dma_start3A_183] : memref<80x128xi32, #tpu.memory_space<vmem>> -> memref<1x128xi32, #tpu.memory_space<vmem>>
      %dma_start3A_185 = tpu.memref_squeeze %dma_start3A_184 : memref<1x128xi32, #tpu.memory_space<vmem>> -> memref<128xi32, #tpu.memory_space<vmem>>
      %dma_start3A_186 = arith.constant 0 : i32
      %dma_start3A_187 = arith.constant 0 : i32
      %dma_start3A_188 = tpu.memref_slice %arg17[%dma_start3A_186, %dma_start3A_187] : memref<10112x128xf32, #tpu.memory_space<vmem_shared>> -> memref<10112x128xf32, #tpu.memory_space<vmem_shared>>
      tpu.enqueue_indirect_dma source(%arg9 : memref<128x128xf32, #tpu.memory_space<vmem>>) target(%dma_start3A_188 : memref<10112x128xf32, #tpu.memory_space<vmem_shared>>) offsets(%dma_start3A_185 : memref<128xi32, #tpu.memory_space<vmem>>) semaphore(%arg13 : memref<!tpu.dma_semaphore, #tpu.memory_space<semaphore_mem>>) {add = true}
      %dma_wait3A_189 = arith.constant 0 : i32
      %dma_wait3A_190 = arith.constant 0 : i32
      %dma_wait3A_191 = tpu.memref_slice %arg6[%dma_wait3A_189, %dma_wait3A_190] : memref<80x128xi32, #tpu.memory_space<vmem>> -> memref<1x128xi32, #tpu.memory_space<vmem>>
      %dma_wait3A_192 = tpu.memref_squeeze %dma_wait3A_191 : memref<1x128xi32, #tpu.memory_space<vmem>> -> memref<128xi32, #tpu.memory_space<vmem>>
      %dma_wait3A_193 = arith.constant 0 : i32
      %dma_wait3A_194 = arith.constant 0 : i32
      %dma_wait3A_195 = tpu.memref_slice %arg17[%dma_wait3A_193, %dma_wait3A_194] : memref<10112x128xf32, #tpu.memory_space<vmem_shared>> -> memref<10112x128xf32, #tpu.memory_space<vmem_shared>>
      tpu.wait_indirect_dma semaphore(%arg13 : memref<!tpu.dma_semaphore, #tpu.memory_space<semaphore_mem>>) src(%arg9 : memref<128x128xf32, #tpu.memory_space<vmem>>) dst(%dma_wait3A_195 : memref<10112x128xf32, #tpu.memory_space<vmem_shared>>)
      %dma_start3A_196 = arith.constant 6 : i32
      %dma_start3A_197 = arith.constant 0 : i32
      %dma_start3A_198 = tpu.memref_slice %arg7[%dma_start3A_196, %dma_start3A_197] : memref<8x128xi32, #tpu.memory_space<vmem>> -> memref<1x128xi32, #tpu.memory_space<vmem>>
      %dma_start3A_199 = tpu.memref_squeeze %dma_start3A_198 : memref<1x128xi32, #tpu.memory_space<vmem>> -> memref<128xi32, #tpu.memory_space<vmem>>
      %dma_start3A_200 = arith.constant 0 : i32
      %dma_start3A_201 = arith.constant 0 : i32
      %dma_start3A_202 = tpu.memref_slice %arg2[%dma_start3A_200, %dma_start3A_201] : memref<10112x128xf32, #tpu.memory_space<hbm>> -> memref<10112x128xf32, #tpu.memory_space<hbm>>
      tpu.enqueue_indirect_dma source(%dma_start3A_202 : memref<10112x128xf32, #tpu.memory_space<hbm>>) target(%arg9 : memref<128x128xf32, #tpu.memory_space<vmem>>) offsets(%dma_start3A_199 : memref<128xi32, #tpu.memory_space<vmem>>) semaphore(%arg11 : memref<!tpu.dma_semaphore, #tpu.memory_space<semaphore_mem>>)
      %dma_wait3A_203 = arith.constant 0 : i32
      %dma_wait3A_204 = arith.constant 0 : i32
      %dma_wait3A_205 = tpu.memref_slice %arg7[%dma_wait3A_203, %dma_wait3A_204] : memref<8x128xi32, #tpu.memory_space<vmem>> -> memref<1x128xi32, #tpu.memory_space<vmem>>
      %dma_wait3A_206 = tpu.memref_squeeze %dma_wait3A_205 : memref<1x128xi32, #tpu.memory_space<vmem>> -> memref<128xi32, #tpu.memory_space<vmem>>
      %dma_wait3A_207 = arith.constant 0 : i32
      %dma_wait3A_208 = arith.constant 0 : i32
      %dma_wait3A_209 = tpu.memref_slice %arg2[%dma_wait3A_207, %dma_wait3A_208] : memref<10112x128xf32, #tpu.memory_space<hbm>> -> memref<10112x128xf32, #tpu.memory_space<hbm>>
      tpu.wait_indirect_dma semaphore(%arg12 : memref<!tpu.dma_semaphore, #tpu.memory_space<semaphore_mem>>) src(%dma_wait3A_209 : memref<10112x128xf32, #tpu.memory_space<hbm>>) dst(%arg10 : memref<128x128xf32, #tpu.memory_space<vmem>>)
      %mul3A_210 = arith.constant 16 : i32
      %mul3A_211 = arith.muli %mul3A_210, %scan3A_45 : i32
      %add3A_212 = arith.constant 5 : i32
      %add3A_213 = arith.addi %mul3A_211, %add3A_212 : i32
      %dma_start3A_214 = arith.constant 0 : i32
      %dma_start3A_215 = tpu.memref_slice %arg6[%add3A_213, %dma_start3A_214] : memref<80x128xi32, #tpu.memory_space<vmem>> -> memref<1x128xi32, #tpu.memory_space<vmem>>
      %dma_start3A_216 = tpu.memref_squeeze %dma_start3A_215 : memref<1x128xi32, #tpu.memory_space<vmem>> -> memref<128xi32, #tpu.memory_space<vmem>>
      %dma_start3A_217 = arith.constant 0 : i32
      %dma_start3A_218 = arith.constant 0 : i32
      %dma_start3A_219 = tpu.memref_slice %arg17[%dma_start3A_217, %dma_start3A_218] : memref<10112x128xf32, #tpu.memory_space<vmem_shared>> -> memref<10112x128xf32, #tpu.memory_space<vmem_shared>>
      tpu.enqueue_indirect_dma source(%arg10 : memref<128x128xf32, #tpu.memory_space<vmem>>) target(%dma_start3A_219 : memref<10112x128xf32, #tpu.memory_space<vmem_shared>>) offsets(%dma_start3A_216 : memref<128xi32, #tpu.memory_space<vmem>>) semaphore(%arg14 : memref<!tpu.dma_semaphore, #tpu.memory_space<semaphore_mem>>) {add = true}
      %dma_wait3A_220 = arith.constant 0 : i32
      %dma_wait3A_221 = arith.constant 0 : i32
      %dma_wait3A_222 = tpu.memref_slice %arg6[%dma_wait3A_220, %dma_wait3A_221] : memref<80x128xi32, #tpu.memory_space<vmem>> -> memref<1x128xi32, #tpu.memory_space<vmem>>
      %dma_wait3A_223 = tpu.memref_squeeze %dma_wait3A_222 : memref<1x128xi32, #tpu.memory_space<vmem>> -> memref<128xi32, #tpu.memory_space<vmem>>
      %dma_wait3A_224 = arith.constant 0 : i32
      %dma_wait3A_225 = arith.constant 0 : i32
      %dma_wait3A_226 = tpu.memref_slice %arg17[%dma_wait3A_224, %dma_wait3A_225] : memref<10112x128xf32, #tpu.memory_space<vmem_shared>> -> memref<10112x128xf32, #tpu.memory_space<vmem_shared>>
      tpu.wait_indirect_dma semaphore(%arg14 : memref<!tpu.dma_semaphore, #tpu.memory_space<semaphore_mem>>) src(%arg10 : memref<128x128xf32, #tpu.memory_space<vmem>>) dst(%dma_wait3A_226 : memref<10112x128xf32, #tpu.memory_space<vmem_shared>>)
      %dma_start3A_227 = arith.constant 7 : i32
      %dma_start3A_228 = arith.constant 0 : i32
      %dma_start3A_229 = tpu.memref_slice %arg7[%dma_start3A_227, %dma_start3A_228] : memref<8x128xi32, #tpu.memory_space<vmem>> -> memref<1x128xi32, #tpu.memory_space<vmem>>
      %dma_start3A_230 = tpu.memref_squeeze %dma_start3A_229 : memref<1x128xi32, #tpu.memory_space<vmem>> -> memref<128xi32, #tpu.memory_space<vmem>>
      %dma_start3A_231 = arith.constant 0 : i32
      %dma_start3A_232 = arith.constant 0 : i32
      %dma_start3A_233 = tpu.memref_slice %arg2[%dma_start3A_231, %dma_start3A_232] : memref<10112x128xf32, #tpu.memory_space<hbm>> -> memref<10112x128xf32, #tpu.memory_space<hbm>>
      tpu.enqueue_indirect_dma source(%dma_start3A_233 : memref<10112x128xf32, #tpu.memory_space<hbm>>) target(%arg10 : memref<128x128xf32, #tpu.memory_space<vmem>>) offsets(%dma_start3A_230 : memref<128xi32, #tpu.memory_space<vmem>>) semaphore(%arg12 : memref<!tpu.dma_semaphore, #tpu.memory_space<semaphore_mem>>)
      %dma_wait3A_234 = arith.constant 0 : i32
      %dma_wait3A_235 = arith.constant 0 : i32
      %dma_wait3A_236 = tpu.memref_slice %arg7[%dma_wait3A_234, %dma_wait3A_235] : memref<8x128xi32, #tpu.memory_space<vmem>> -> memref<1x128xi32, #tpu.memory_space<vmem>>
      %dma_wait3A_237 = tpu.memref_squeeze %dma_wait3A_236 : memref<1x128xi32, #tpu.memory_space<vmem>> -> memref<128xi32, #tpu.memory_space<vmem>>
      %dma_wait3A_238 = arith.constant 0 : i32
      %dma_wait3A_239 = arith.constant 0 : i32
      %dma_wait3A_240 = tpu.memref_slice %arg2[%dma_wait3A_238, %dma_wait3A_239] : memref<10112x128xf32, #tpu.memory_space<hbm>> -> memref<10112x128xf32, #tpu.memory_space<hbm>>
      tpu.wait_indirect_dma semaphore(%arg11 : memref<!tpu.dma_semaphore, #tpu.memory_space<semaphore_mem>>) src(%dma_wait3A_240 : memref<10112x128xf32, #tpu.memory_space<hbm>>) dst(%arg9 : memref<128x128xf32, #tpu.memory_space<vmem>>)
      %mul3A_241 = arith.constant 16 : i32
      %mul3A_242 = arith.muli %mul3A_241, %scan3A_45 : i32
      %add3A_243 = arith.constant 6 : i32
      %add3A_244 = arith.addi %mul3A_242, %add3A_243 : i32
      %dma_start3A_245 = arith.constant 0 : i32
      %dma_start3A_246 = tpu.memref_slice %arg6[%add3A_244, %dma_start3A_245] : memref<80x128xi32, #tpu.memory_space<vmem>> -> memref<1x128xi32, #tpu.memory_space<vmem>>
      %dma_start3A_247 = tpu.memref_squeeze %dma_start3A_246 : memref<1x128xi32, #tpu.memory_space<vmem>> -> memref<128xi32, #tpu.memory_space<vmem>>
      %dma_start3A_248 = arith.constant 0 : i32
      %dma_start3A_249 = arith.constant 0 : i32
      %dma_start3A_250 = tpu.memref_slice %arg17[%dma_start3A_248, %dma_start3A_249] : memref<10112x128xf32, #tpu.memory_space<vmem_shared>> -> memref<10112x128xf32, #tpu.memory_space<vmem_shared>>
      tpu.enqueue_indirect_dma source(%arg9 : memref<128x128xf32, #tpu.memory_space<vmem>>) target(%dma_start3A_250 : memref<10112x128xf32, #tpu.memory_space<vmem_shared>>) offsets(%dma_start3A_247 : memref<128xi32, #tpu.memory_space<vmem>>) semaphore(%arg13 : memref<!tpu.dma_semaphore, #tpu.memory_space<semaphore_mem>>) {add = true}
      %dma_wait3A_251 = arith.constant 0 : i32
      %dma_wait3A_252 = arith.constant 0 : i32
      %dma_wait3A_253 = tpu.memref_slice %arg6[%dma_wait3A_251, %dma_wait3A_252] : memref<80x128xi32, #tpu.memory_space<vmem>> -> memref<1x128xi32, #tpu.memory_space<vmem>>
      %dma_wait3A_254 = tpu.memref_squeeze %dma_wait3A_253 : memref<1x128xi32, #tpu.memory_space<vmem>> -> memref<128xi32, #tpu.memory_space<vmem>>
      %dma_wait3A_255 = arith.constant 0 : i32
      %dma_wait3A_256 = arith.constant 0 : i32
      %dma_wait3A_257 = tpu.memref_slice %arg17[%dma_wait3A_255, %dma_wait3A_256] : memref<10112x128xf32, #tpu.memory_space<vmem_shared>> -> memref<10112x128xf32, #tpu.memory_space<vmem_shared>>
      tpu.wait_indirect_dma semaphore(%arg13 : memref<!tpu.dma_semaphore, #tpu.memory_space<semaphore_mem>>) src(%arg9 : memref<128x128xf32, #tpu.memory_space<vmem>>) dst(%dma_wait3A_257 : memref<10112x128xf32, #tpu.memory_space<vmem_shared>>)
      %dma_wait3A_258 = arith.constant 0 : i32
      %dma_wait3A_259 = tpu.memref_slice %arg3[%add3A, %dma_wait3A_258] : memref<2560x128xi32, #tpu.memory_space<hbm>> -> memref<8x128xi32, #tpu.memory_space<hbm>>
      %dma_wait3A_260 = arith.constant 0 : i32
      %dma_wait3A_261 = tpu.memref_slice %arg3[%add3A, %dma_wait3A_260] : memref<2560x128xi32, #tpu.memory_space<hbm>> -> memref<8x128xi32, #tpu.memory_space<hbm>>
      tpu.wait_dma2 semaphore(%arg16 : memref<!tpu.dma_semaphore, #tpu.memory_space<semaphore_mem>>) src(%dma_wait3A_261 : memref<8x128xi32, #tpu.memory_space<hbm>>) dst(%arg8 : memref<8x128xi32, #tpu.memory_space<vmem>>)
      %dma_start3A_262 = arith.constant 0 : i32
      %dma_start3A_263 = arith.constant 0 : i32
      %dma_start3A_264 = tpu.memref_slice %arg8[%dma_start3A_262, %dma_start3A_263] : memref<8x128xi32, #tpu.memory_space<vmem>> -> memref<1x128xi32, #tpu.memory_space<vmem>>
      %dma_start3A_265 = tpu.memref_squeeze %dma_start3A_264 : memref<1x128xi32, #tpu.memory_space<vmem>> -> memref<128xi32, #tpu.memory_space<vmem>>
      %dma_start3A_266 = arith.constant 0 : i32
      %dma_start3A_267 = arith.constant 0 : i32
      %dma_start3A_268 = tpu.memref_slice %arg2[%dma_start3A_266, %dma_start3A_267] : memref<10112x128xf32, #tpu.memory_space<hbm>> -> memref<10112x128xf32, #tpu.memory_space<hbm>>
      tpu.enqueue_indirect_dma source(%dma_start3A_268 : memref<10112x128xf32, #tpu.memory_space<hbm>>) target(%arg9 : memref<128x128xf32, #tpu.memory_space<vmem>>) offsets(%dma_start3A_265 : memref<128xi32, #tpu.memory_space<vmem>>) semaphore(%arg11 : memref<!tpu.dma_semaphore, #tpu.memory_space<semaphore_mem>>)
      %dma_wait3A_269 = arith.constant 0 : i32
      %dma_wait3A_270 = arith.constant 0 : i32
      %dma_wait3A_271 = tpu.memref_slice %arg7[%dma_wait3A_269, %dma_wait3A_270] : memref<8x128xi32, #tpu.memory_space<vmem>> -> memref<1x128xi32, #tpu.memory_space<vmem>>
      %dma_wait3A_272 = tpu.memref_squeeze %dma_wait3A_271 : memref<1x128xi32, #tpu.memory_space<vmem>> -> memref<128xi32, #tpu.memory_space<vmem>>
      %dma_wait3A_273 = arith.constant 0 : i32
      %dma_wait3A_274 = arith.constant 0 : i32
      %dma_wait3A_275 = tpu.memref_slice %arg2[%dma_wait3A_273, %dma_wait3A_274] : memref<10112x128xf32, #tpu.memory_space<hbm>> -> memref<10112x128xf32, #tpu.memory_space<hbm>>
      tpu.wait_indirect_dma semaphore(%arg12 : memref<!tpu.dma_semaphore, #tpu.memory_space<semaphore_mem>>) src(%dma_wait3A_275 : memref<10112x128xf32, #tpu.memory_space<hbm>>) dst(%arg10 : memref<128x128xf32, #tpu.memory_space<vmem>>)
      %mul3A_276 = arith.constant 16 : i32
      %mul3A_277 = arith.muli %mul3A_276, %scan3A_45 : i32
      %add3A_278 = arith.constant 7 : i32
      %add3A_279 = arith.addi %mul3A_277, %add3A_278 : i32
      %dma_start3A_280 = arith.constant 0 : i32
      %dma_start3A_281 = tpu.memref_slice %arg6[%add3A_279, %dma_start3A_280] : memref<80x128xi32, #tpu.memory_space<vmem>> -> memref<1x128xi32, #tpu.memory_space<vmem>>
      %dma_start3A_282 = tpu.memref_squeeze %dma_start3A_281 : memref<1x128xi32, #tpu.memory_space<vmem>> -> memref<128xi32, #tpu.memory_space<vmem>>
      %dma_start3A_283 = arith.constant 0 : i32
      %dma_start3A_284 = arith.constant 0 : i32
      %dma_start3A_285 = tpu.memref_slice %arg17[%dma_start3A_283, %dma_start3A_284] : memref<10112x128xf32, #tpu.memory_space<vmem_shared>> -> memref<10112x128xf32, #tpu.memory_space<vmem_shared>>
      tpu.enqueue_indirect_dma source(%arg10 : memref<128x128xf32, #tpu.memory_space<vmem>>) target(%dma_start3A_285 : memref<10112x128xf32, #tpu.memory_space<vmem_shared>>) offsets(%dma_start3A_282 : memref<128xi32, #tpu.memory_space<vmem>>) semaphore(%arg14 : memref<!tpu.dma_semaphore, #tpu.memory_space<semaphore_mem>>) {add = true}
      %dma_wait3A_286 = arith.constant 0 : i32
      %dma_wait3A_287 = arith.constant 0 : i32
      %dma_wait3A_288 = tpu.memref_slice %arg6[%dma_wait3A_286, %dma_wait3A_287] : memref<80x128xi32, #tpu.memory_space<vmem>> -> memref<1x128xi32, #tpu.memory_space<vmem>>
      %dma_wait3A_289 = tpu.memref_squeeze %dma_wait3A_288 : memref<1x128xi32, #tpu.memory_space<vmem>> -> memref<128xi32, #tpu.memory_space<vmem>>
      %dma_wait3A_290 = arith.constant 0 : i32
      %dma_wait3A_291 = arith.constant 0 : i32
      %dma_wait3A_292 = tpu.memref_slice %arg17[%dma_wait3A_290, %dma_wait3A_291] : memref<10112x128xf32, #tpu.memory_space<vmem_shared>> -> memref<10112x128xf32, #tpu.memory_space<vmem_shared>>
      tpu.wait_indirect_dma semaphore(%arg14 : memref<!tpu.dma_semaphore, #tpu.memory_space<semaphore_mem>>) src(%arg10 : memref<128x128xf32, #tpu.memory_space<vmem>>) dst(%dma_wait3A_292 : memref<10112x128xf32, #tpu.memory_space<vmem_shared>>)
      %dma_start3A_293 = arith.constant 1 : i32
      %dma_start3A_294 = arith.constant 0 : i32
      %dma_start3A_295 = tpu.memref_slice %arg8[%dma_start3A_293, %dma_start3A_294] : memref<8x128xi32, #tpu.memory_space<vmem>> -> memref<1x128xi32, #tpu.memory_space<vmem>>
      %dma_start3A_296 = tpu.memref_squeeze %dma_start3A_295 : memref<1x128xi32, #tpu.memory_space<vmem>> -> memref<128xi32, #tpu.memory_space<vmem>>
      %dma_start3A_297 = arith.constant 0 : i32
      %dma_start3A_298 = arith.constant 0 : i32
      %dma_start3A_299 = tpu.memref_slice %arg2[%dma_start3A_297, %dma_start3A_298] : memref<10112x128xf32, #tpu.memory_space<hbm>> -> memref<10112x128xf32, #tpu.memory_space<hbm>>
      tpu.enqueue_indirect_dma source(%dma_start3A_299 : memref<10112x128xf32, #tpu.memory_space<hbm>>) target(%arg10 : memref<128x128xf32, #tpu.memory_space<vmem>>) offsets(%dma_start3A_296 : memref<128xi32, #tpu.memory_space<vmem>>) semaphore(%arg12 : memref<!tpu.dma_semaphore, #tpu.memory_space<semaphore_mem>>)
      %lt3A = arith.constant 4 : i32
      %lt3A_300 = arith.cmpi slt, %scan3A_45, %lt3A : i32
      %convert_element_type3A_301 = arith.extui %lt3A_300 : i1 to i32
      %cond3A_302 = arith.constant 0 : i32
      %cond3A_303 = arith.cmpi ne, %convert_element_type3A_301, %cond3A_302 : i32
      scf.if %cond3A_303 {
        %mul3A_564 = arith.constant 2 : i32
        %mul3A_565 = arith.muli %mul3A_564, %scan3A_45 : i32
        %add3A_566 = arith.constant 2 : i32
        %add3A_567 = arith.addi %mul3A_565, %add3A_566 : i32
        %mul3A_568 = arith.constant 8 : i32
        %mul3A_569 = arith.muli %mul3A_568, %add3A_567 : i32
        %add3A_570 = arith.addi %add3A, %mul3A_569 : i32
        %dma_start3A_571 = arith.constant 0 : i32
        %dma_start3A_572 = tpu.memref_slice %arg3[%add3A_570, %dma_start3A_571] : memref<2560x128xi32, #tpu.memory_space<hbm>> -> memref<8x128xi32, #tpu.memory_space<hbm>>
        %dma_start3A_573 = arith.constant 0 : i32
        %dma_start3A_574 = tpu.memref_slice %arg3[%add3A_570, %dma_start3A_573] : memref<2560x128xi32, #tpu.memory_space<hbm>> -> memref<8x128xi32, #tpu.memory_space<hbm>>
        tpu.enqueue_dma source(%dma_start3A_574 : memref<8x128xi32, #tpu.memory_space<hbm>>) target(%arg7 : memref<8x128xi32, #tpu.memory_space<vmem>>) target_semaphore(%arg15 : memref<!tpu.dma_semaphore, #tpu.memory_space<semaphore_mem>>)
      } else {
      }
      %dma_wait3A_304 = arith.constant 0 : i32
      %dma_wait3A_305 = arith.constant 0 : i32
      %dma_wait3A_306 = tpu.memref_slice %arg7[%dma_wait3A_304, %dma_wait3A_305] : memref<8x128xi32, #tpu.memory_space<vmem>> -> memref<1x128xi32, #tpu.memory_space<vmem>>
      %dma_wait3A_307 = tpu.memref_squeeze %dma_wait3A_306 : memref<1x128xi32, #tpu.memory_space<vmem>> -> memref<128xi32, #tpu.memory_space<vmem>>
      %dma_wait3A_308 = arith.constant 0 : i32
      %dma_wait3A_309 = arith.constant 0 : i32
      %dma_wait3A_310 = tpu.memref_slice %arg2[%dma_wait3A_308, %dma_wait3A_309] : memref<10112x128xf32, #tpu.memory_space<hbm>> -> memref<10112x128xf32, #tpu.memory_space<hbm>>
      tpu.wait_indirect_dma semaphore(%arg11 : memref<!tpu.dma_semaphore, #tpu.memory_space<semaphore_mem>>) src(%dma_wait3A_310 : memref<10112x128xf32, #tpu.memory_space<hbm>>) dst(%arg9 : memref<128x128xf32, #tpu.memory_space<vmem>>)
      %mul3A_311 = arith.constant 16 : i32
      %mul3A_312 = arith.muli %mul3A_311, %scan3A_45 : i32
      %add3A_313 = arith.constant 8 : i32
      %add3A_314 = arith.addi %mul3A_312, %add3A_313 : i32
      %add3A_315 = arith.constant 0 : i32
      %add3A_316 = arith.addi %add3A_314, %add3A_315 : i32
      %dma_start3A_317 = arith.constant 0 : i32
      %dma_start3A_318 = tpu.memref_slice %arg6[%add3A_316, %dma_start3A_317] : memref<80x128xi32, #tpu.memory_space<vmem>> -> memref<1x128xi32, #tpu.memory_space<vmem>>
      %dma_start3A_319 = tpu.memref_squeeze %dma_start3A_318 : memref<1x128xi32, #tpu.memory_space<vmem>> -> memref<128xi32, #tpu.memory_space<vmem>>
      %dma_start3A_320 = arith.constant 0 : i32
      %dma_start3A_321 = arith.constant 0 : i32
      %dma_start3A_322 = tpu.memref_slice %arg17[%dma_start3A_320, %dma_start3A_321] : memref<10112x128xf32, #tpu.memory_space<vmem_shared>> -> memref<10112x128xf32, #tpu.memory_space<vmem_shared>>
      tpu.enqueue_indirect_dma source(%arg9 : memref<128x128xf32, #tpu.memory_space<vmem>>) target(%dma_start3A_322 : memref<10112x128xf32, #tpu.memory_space<vmem_shared>>) offsets(%dma_start3A_319 : memref<128xi32, #tpu.memory_space<vmem>>) semaphore(%arg13 : memref<!tpu.dma_semaphore, #tpu.memory_space<semaphore_mem>>) {add = true}
      %dma_wait3A_323 = arith.constant 0 : i32
      %dma_wait3A_324 = arith.constant 0 : i32
      %dma_wait3A_325 = tpu.memref_slice %arg6[%dma_wait3A_323, %dma_wait3A_324] : memref<80x128xi32, #tpu.memory_space<vmem>> -> memref<1x128xi32, #tpu.memory_space<vmem>>
      %dma_wait3A_326 = tpu.memref_squeeze %dma_wait3A_325 : memref<1x128xi32, #tpu.memory_space<vmem>> -> memref<128xi32, #tpu.memory_space<vmem>>
      %dma_wait3A_327 = arith.constant 0 : i32
      %dma_wait3A_328 = arith.constant 0 : i32
      %dma_wait3A_329 = tpu.memref_slice %arg17[%dma_wait3A_327, %dma_wait3A_328] : memref<10112x128xf32, #tpu.memory_space<vmem_shared>> -> memref<10112x128xf32, #tpu.memory_space<vmem_shared>>
      tpu.wait_indirect_dma semaphore(%arg13 : memref<!tpu.dma_semaphore, #tpu.memory_space<semaphore_mem>>) src(%arg9 : memref<128x128xf32, #tpu.memory_space<vmem>>) dst(%dma_wait3A_329 : memref<10112x128xf32, #tpu.memory_space<vmem_shared>>)
      %dma_start3A_330 = arith.constant 2 : i32
      %dma_start3A_331 = arith.constant 0 : i32
      %dma_start3A_332 = tpu.memref_slice %arg8[%dma_start3A_330, %dma_start3A_331] : memref<8x128xi32, #tpu.memory_space<vmem>> -> memref<1x128xi32, #tpu.memory_space<vmem>>
      %dma_start3A_333 = tpu.memref_squeeze %dma_start3A_332 : memref<1x128xi32, #tpu.memory_space<vmem>> -> memref<128xi32, #tpu.memory_space<vmem>>
      %dma_start3A_334 = arith.constant 0 : i32
      %dma_start3A_335 = arith.constant 0 : i32
      %dma_start3A_336 = tpu.memref_slice %arg2[%dma_start3A_334, %dma_start3A_335] : memref<10112x128xf32, #tpu.memory_space<hbm>> -> memref<10112x128xf32, #tpu.memory_space<hbm>>
      tpu.enqueue_indirect_dma source(%dma_start3A_336 : memref<10112x128xf32, #tpu.memory_space<hbm>>) target(%arg9 : memref<128x128xf32, #tpu.memory_space<vmem>>) offsets(%dma_start3A_333 : memref<128xi32, #tpu.memory_space<vmem>>) semaphore(%arg11 : memref<!tpu.dma_semaphore, #tpu.memory_space<semaphore_mem>>)
      %dma_wait3A_337 = arith.constant 0 : i32
      %dma_wait3A_338 = arith.constant 0 : i32
      %dma_wait3A_339 = tpu.memref_slice %arg7[%dma_wait3A_337, %dma_wait3A_338] : memref<8x128xi32, #tpu.memory_space<vmem>> -> memref<1x128xi32, #tpu.memory_space<vmem>>
      %dma_wait3A_340 = tpu.memref_squeeze %dma_wait3A_339 : memref<1x128xi32, #tpu.memory_space<vmem>> -> memref<128xi32, #tpu.memory_space<vmem>>
      %dma_wait3A_341 = arith.constant 0 : i32
      %dma_wait3A_342 = arith.constant 0 : i32
      %dma_wait3A_343 = tpu.memref_slice %arg2[%dma_wait3A_341, %dma_wait3A_342] : memref<10112x128xf32, #tpu.memory_space<hbm>> -> memref<10112x128xf32, #tpu.memory_space<hbm>>
      tpu.wait_indirect_dma semaphore(%arg12 : memref<!tpu.dma_semaphore, #tpu.memory_space<semaphore_mem>>) src(%dma_wait3A_343 : memref<10112x128xf32, #tpu.memory_space<hbm>>) dst(%arg10 : memref<128x128xf32, #tpu.memory_space<vmem>>)
      %mul3A_344 = arith.constant 16 : i32
      %mul3A_345 = arith.muli %mul3A_344, %scan3A_45 : i32
      %add3A_346 = arith.constant 8 : i32
      %add3A_347 = arith.addi %mul3A_345, %add3A_346 : i32
      %add3A_348 = arith.constant 1 : i32
      %add3A_349 = arith.addi %add3A_347, %add3A_348 : i32
      %dma_start3A_350 = arith.constant 0 : i32
      %dma_start3A_351 = tpu.memref_slice %arg6[%add3A_349, %dma_start3A_350] : memref<80x128xi32, #tpu.memory_space<vmem>> -> memref<1x128xi32, #tpu.memory_space<vmem>>
      %dma_start3A_352 = tpu.memref_squeeze %dma_start3A_351 : memref<1x128xi32, #tpu.memory_space<vmem>> -> memref<128xi32, #tpu.memory_space<vmem>>
      %dma_start3A_353 = arith.constant 0 : i32
      %dma_start3A_354 = arith.constant 0 : i32
      %dma_start3A_355 = tpu.memref_slice %arg17[%dma_start3A_353, %dma_start3A_354] : memref<10112x128xf32, #tpu.memory_space<vmem_shared>> -> memref<10112x128xf32, #tpu.memory_space<vmem_shared>>
      tpu.enqueue_indirect_dma source(%arg10 : memref<128x128xf32, #tpu.memory_space<vmem>>) target(%dma_start3A_355 : memref<10112x128xf32, #tpu.memory_space<vmem_shared>>) offsets(%dma_start3A_352 : memref<128xi32, #tpu.memory_space<vmem>>) semaphore(%arg14 : memref<!tpu.dma_semaphore, #tpu.memory_space<semaphore_mem>>) {add = true}
      %dma_wait3A_356 = arith.constant 0 : i32
      %dma_wait3A_357 = arith.constant 0 : i32
      %dma_wait3A_358 = tpu.memref_slice %arg6[%dma_wait3A_356, %dma_wait3A_357] : memref<80x128xi32, #tpu.memory_space<vmem>> -> memref<1x128xi32, #tpu.memory_space<vmem>>
      %dma_wait3A_359 = tpu.memref_squeeze %dma_wait3A_358 : memref<1x128xi32, #tpu.memory_space<vmem>> -> memref<128xi32, #tpu.memory_space<vmem>>
      %dma_wait3A_360 = arith.constant 0 : i32
      %dma_wait3A_361 = arith.constant 0 : i32
      %dma_wait3A_362 = tpu.memref_slice %arg17[%dma_wait3A_360, %dma_wait3A_361] : memref<10112x128xf32, #tpu.memory_space<vmem_shared>> -> memref<10112x128xf32, #tpu.memory_space<vmem_shared>>
      tpu.wait_indirect_dma semaphore(%arg14 : memref<!tpu.dma_semaphore, #tpu.memory_space<semaphore_mem>>) src(%arg10 : memref<128x128xf32, #tpu.memory_space<vmem>>) dst(%dma_wait3A_362 : memref<10112x128xf32, #tpu.memory_space<vmem_shared>>)
      %dma_start3A_363 = arith.constant 3 : i32
      %dma_start3A_364 = arith.constant 0 : i32
      %dma_start3A_365 = tpu.memref_slice %arg8[%dma_start3A_363, %dma_start3A_364] : memref<8x128xi32, #tpu.memory_space<vmem>> -> memref<1x128xi32, #tpu.memory_space<vmem>>
      %dma_start3A_366 = tpu.memref_squeeze %dma_start3A_365 : memref<1x128xi32, #tpu.memory_space<vmem>> -> memref<128xi32, #tpu.memory_space<vmem>>
      %dma_start3A_367 = arith.constant 0 : i32
      %dma_start3A_368 = arith.constant 0 : i32
      %dma_start3A_369 = tpu.memref_slice %arg2[%dma_start3A_367, %dma_start3A_368] : memref<10112x128xf32, #tpu.memory_space<hbm>> -> memref<10112x128xf32, #tpu.memory_space<hbm>>
      tpu.enqueue_indirect_dma source(%dma_start3A_369 : memref<10112x128xf32, #tpu.memory_space<hbm>>) target(%arg10 : memref<128x128xf32, #tpu.memory_space<vmem>>) offsets(%dma_start3A_366 : memref<128xi32, #tpu.memory_space<vmem>>) semaphore(%arg12 : memref<!tpu.dma_semaphore, #tpu.memory_space<semaphore_mem>>)
      %dma_wait3A_370 = arith.constant 0 : i32
      %dma_wait3A_371 = arith.constant 0 : i32
      %dma_wait3A_372 = tpu.memref_slice %arg7[%dma_wait3A_370, %dma_wait3A_371] : memref<8x128xi32, #tpu.memory_space<vmem>> -> memref<1x128xi32, #tpu.memory_space<vmem>>
      %dma_wait3A_373 = tpu.memref_squeeze %dma_wait3A_372 : memref<1x128xi32, #tpu.memory_space<vmem>> -> memref<128xi32, #tpu.memory_space<vmem>>
      %dma_wait3A_374 = arith.constant 0 : i32
      %dma_wait3A_375 = arith.constant 0 : i32
      %dma_wait3A_376 = tpu.memref_slice %arg2[%dma_wait3A_374, %dma_wait3A_375] : memref<10112x128xf32, #tpu.memory_space<hbm>> -> memref<10112x128xf32, #tpu.memory_space<hbm>>
      tpu.wait_indirect_dma semaphore(%arg11 : memref<!tpu.dma_semaphore, #tpu.memory_space<semaphore_mem>>) src(%dma_wait3A_376 : memref<10112x128xf32, #tpu.memory_space<hbm>>) dst(%arg9 : memref<128x128xf32, #tpu.memory_space<vmem>>)
      %mul3A_377 = arith.constant 16 : i32
      %mul3A_378 = arith.muli %mul3A_377, %scan3A_45 : i32
      %add3A_379 = arith.constant 8 : i32
      %add3A_380 = arith.addi %mul3A_378, %add3A_379 : i32
      %add3A_381 = arith.constant 2 : i32
      %add3A_382 = arith.addi %add3A_380, %add3A_381 : i32
      %dma_start3A_383 = arith.constant 0 : i32
      %dma_start3A_384 = tpu.memref_slice %arg6[%add3A_382, %dma_start3A_383] : memref<80x128xi32, #tpu.memory_space<vmem>> -> memref<1x128xi32, #tpu.memory_space<vmem>>
      %dma_start3A_385 = tpu.memref_squeeze %dma_start3A_384 : memref<1x128xi32, #tpu.memory_space<vmem>> -> memref<128xi32, #tpu.memory_space<vmem>>
      %dma_start3A_386 = arith.constant 0 : i32
      %dma_start3A_387 = arith.constant 0 : i32
      %dma_start3A_388 = tpu.memref_slice %arg17[%dma_start3A_386, %dma_start3A_387] : memref<10112x128xf32, #tpu.memory_space<vmem_shared>> -> memref<10112x128xf32, #tpu.memory_space<vmem_shared>>
      tpu.enqueue_indirect_dma source(%arg9 : memref<128x128xf32, #tpu.memory_space<vmem>>) target(%dma_start3A_388 : memref<10112x128xf32, #tpu.memory_space<vmem_shared>>) offsets(%dma_start3A_385 : memref<128xi32, #tpu.memory_space<vmem>>) semaphore(%arg13 : memref<!tpu.dma_semaphore, #tpu.memory_space<semaphore_mem>>) {add = true}
      %dma_wait3A_389 = arith.constant 0 : i32
      %dma_wait3A_390 = arith.constant 0 : i32
      %dma_wait3A_391 = tpu.memref_slice %arg6[%dma_wait3A_389, %dma_wait3A_390] : memref<80x128xi32, #tpu.memory_space<vmem>> -> memref<1x128xi32, #tpu.memory_space<vmem>>
      %dma_wait3A_392 = tpu.memref_squeeze %dma_wait3A_391 : memref<1x128xi32, #tpu.memory_space<vmem>> -> memref<128xi32, #tpu.memory_space<vmem>>
      %dma_wait3A_393 = arith.constant 0 : i32
      %dma_wait3A_394 = arith.constant 0 : i32
      %dma_wait3A_395 = tpu.memref_slice %arg17[%dma_wait3A_393, %dma_wait3A_394] : memref<10112x128xf32, #tpu.memory_space<vmem_shared>> -> memref<10112x128xf32, #tpu.memory_space<vmem_shared>>
      tpu.wait_indirect_dma semaphore(%arg13 : memref<!tpu.dma_semaphore, #tpu.memory_space<semaphore_mem>>) src(%arg9 : memref<128x128xf32, #tpu.memory_space<vmem>>) dst(%dma_wait3A_395 : memref<10112x128xf32, #tpu.memory_space<vmem_shared>>)
      %dma_start3A_396 = arith.constant 4 : i32
      %dma_start3A_397 = arith.constant 0 : i32
      %dma_start3A_398 = tpu.memref_slice %arg8[%dma_start3A_396, %dma_start3A_397] : memref<8x128xi32, #tpu.memory_space<vmem>> -> memref<1x128xi32, #tpu.memory_space<vmem>>
      %dma_start3A_399 = tpu.memref_squeeze %dma_start3A_398 : memref<1x128xi32, #tpu.memory_space<vmem>> -> memref<128xi32, #tpu.memory_space<vmem>>
      %dma_start3A_400 = arith.constant 0 : i32
      %dma_start3A_401 = arith.constant 0 : i32
      %dma_start3A_402 = tpu.memref_slice %arg2[%dma_start3A_400, %dma_start3A_401] : memref<10112x128xf32, #tpu.memory_space<hbm>> -> memref<10112x128xf32, #tpu.memory_space<hbm>>
      tpu.enqueue_indirect_dma source(%dma_start3A_402 : memref<10112x128xf32, #tpu.memory_space<hbm>>) target(%arg9 : memref<128x128xf32, #tpu.memory_space<vmem>>) offsets(%dma_start3A_399 : memref<128xi32, #tpu.memory_space<vmem>>) semaphore(%arg11 : memref<!tpu.dma_semaphore, #tpu.memory_space<semaphore_mem>>)
      %dma_wait3A_403 = arith.constant 0 : i32
      %dma_wait3A_404 = arith.constant 0 : i32
      %dma_wait3A_405 = tpu.memref_slice %arg7[%dma_wait3A_403, %dma_wait3A_404] : memref<8x128xi32, #tpu.memory_space<vmem>> -> memref<1x128xi32, #tpu.memory_space<vmem>>
      %dma_wait3A_406 = tpu.memref_squeeze %dma_wait3A_405 : memref<1x128xi32, #tpu.memory_space<vmem>> -> memref<128xi32, #tpu.memory_space<vmem>>
      %dma_wait3A_407 = arith.constant 0 : i32
      %dma_wait3A_408 = arith.constant 0 : i32
      %dma_wait3A_409 = tpu.memref_slice %arg2[%dma_wait3A_407, %dma_wait3A_408] : memref<10112x128xf32, #tpu.memory_space<hbm>> -> memref<10112x128xf32, #tpu.memory_space<hbm>>
      tpu.wait_indirect_dma semaphore(%arg12 : memref<!tpu.dma_semaphore, #tpu.memory_space<semaphore_mem>>) src(%dma_wait3A_409 : memref<10112x128xf32, #tpu.memory_space<hbm>>) dst(%arg10 : memref<128x128xf32, #tpu.memory_space<vmem>>)
      %mul3A_410 = arith.constant 16 : i32
      %mul3A_411 = arith.muli %mul3A_410, %scan3A_45 : i32
      %add3A_412 = arith.constant 8 : i32
      %add3A_413 = arith.addi %mul3A_411, %add3A_412 : i32
      %add3A_414 = arith.constant 3 : i32
      %add3A_415 = arith.addi %add3A_413, %add3A_414 : i32
      %dma_start3A_416 = arith.constant 0 : i32
      %dma_start3A_417 = tpu.memref_slice %arg6[%add3A_415, %dma_start3A_416] : memref<80x128xi32, #tpu.memory_space<vmem>> -> memref<1x128xi32, #tpu.memory_space<vmem>>
      %dma_start3A_418 = tpu.memref_squeeze %dma_start3A_417 : memref<1x128xi32, #tpu.memory_space<vmem>> -> memref<128xi32, #tpu.memory_space<vmem>>
      %dma_start3A_419 = arith.constant 0 : i32
      %dma_start3A_420 = arith.constant 0 : i32
      %dma_start3A_421 = tpu.memref_slice %arg17[%dma_start3A_419, %dma_start3A_420] : memref<10112x128xf32, #tpu.memory_space<vmem_shared>> -> memref<10112x128xf32, #tpu.memory_space<vmem_shared>>
      tpu.enqueue_indirect_dma source(%arg10 : memref<128x128xf32, #tpu.memory_space<vmem>>) target(%dma_start3A_421 : memref<10112x128xf32, #tpu.memory_space<vmem_shared>>) offsets(%dma_start3A_418 : memref<128xi32, #tpu.memory_space<vmem>>) semaphore(%arg14 : memref<!tpu.dma_semaphore, #tpu.memory_space<semaphore_mem>>) {add = true}
      %dma_wait3A_422 = arith.constant 0 : i32
      %dma_wait3A_423 = arith.constant 0 : i32
      %dma_wait3A_424 = tpu.memref_slice %arg6[%dma_wait3A_422, %dma_wait3A_423] : memref<80x128xi32, #tpu.memory_space<vmem>> -> memref<1x128xi32, #tpu.memory_space<vmem>>
      %dma_wait3A_425 = tpu.memref_squeeze %dma_wait3A_424 : memref<1x128xi32, #tpu.memory_space<vmem>> -> memref<128xi32, #tpu.memory_space<vmem>>
      %dma_wait3A_426 = arith.constant 0 : i32
      %dma_wait3A_427 = arith.constant 0 : i32
      %dma_wait3A_428 = tpu.memref_slice %arg17[%dma_wait3A_426, %dma_wait3A_427] : memref<10112x128xf32, #tpu.memory_space<vmem_shared>> -> memref<10112x128xf32, #tpu.memory_space<vmem_shared>>
      tpu.wait_indirect_dma semaphore(%arg14 : memref<!tpu.dma_semaphore, #tpu.memory_space<semaphore_mem>>) src(%arg10 : memref<128x128xf32, #tpu.memory_space<vmem>>) dst(%dma_wait3A_428 : memref<10112x128xf32, #tpu.memory_space<vmem_shared>>)
      %dma_start3A_429 = arith.constant 5 : i32
      %dma_start3A_430 = arith.constant 0 : i32
      %dma_start3A_431 = tpu.memref_slice %arg8[%dma_start3A_429, %dma_start3A_430] : memref<8x128xi32, #tpu.memory_space<vmem>> -> memref<1x128xi32, #tpu.memory_space<vmem>>
      %dma_start3A_432 = tpu.memref_squeeze %dma_start3A_431 : memref<1x128xi32, #tpu.memory_space<vmem>> -> memref<128xi32, #tpu.memory_space<vmem>>
      %dma_start3A_433 = arith.constant 0 : i32
      %dma_start3A_434 = arith.constant 0 : i32
      %dma_start3A_435 = tpu.memref_slice %arg2[%dma_start3A_433, %dma_start3A_434] : memref<10112x128xf32, #tpu.memory_space<hbm>> -> memref<10112x128xf32, #tpu.memory_space<hbm>>
      tpu.enqueue_indirect_dma source(%dma_start3A_435 : memref<10112x128xf32, #tpu.memory_space<hbm>>) target(%arg10 : memref<128x128xf32, #tpu.memory_space<vmem>>) offsets(%dma_start3A_432 : memref<128xi32, #tpu.memory_space<vmem>>) semaphore(%arg12 : memref<!tpu.dma_semaphore, #tpu.memory_space<semaphore_mem>>)
      %dma_wait3A_436 = arith.constant 0 : i32
      %dma_wait3A_437 = arith.constant 0 : i32
      %dma_wait3A_438 = tpu.memref_slice %arg7[%dma_wait3A_436, %dma_wait3A_437] : memref<8x128xi32, #tpu.memory_space<vmem>> -> memref<1x128xi32, #tpu.memory_space<vmem>>
      %dma_wait3A_439 = tpu.memref_squeeze %dma_wait3A_438 : memref<1x128xi32, #tpu.memory_space<vmem>> -> memref<128xi32, #tpu.memory_space<vmem>>
      %dma_wait3A_440 = arith.constant 0 : i32
      %dma_wait3A_441 = arith.constant 0 : i32
      %dma_wait3A_442 = tpu.memref_slice %arg2[%dma_wait3A_440, %dma_wait3A_441] : memref<10112x128xf32, #tpu.memory_space<hbm>> -> memref<10112x128xf32, #tpu.memory_space<hbm>>
      tpu.wait_indirect_dma semaphore(%arg11 : memref<!tpu.dma_semaphore, #tpu.memory_space<semaphore_mem>>) src(%dma_wait3A_442 : memref<10112x128xf32, #tpu.memory_space<hbm>>) dst(%arg9 : memref<128x128xf32, #tpu.memory_space<vmem>>)
      %mul3A_443 = arith.constant 16 : i32
      %mul3A_444 = arith.muli %mul3A_443, %scan3A_45 : i32
      %add3A_445 = arith.constant 8 : i32
      %add3A_446 = arith.addi %mul3A_444, %add3A_445 : i32
      %add3A_447 = arith.constant 4 : i32
      %add3A_448 = arith.addi %add3A_446, %add3A_447 : i32
      %dma_start3A_449 = arith.constant 0 : i32
      %dma_start3A_450 = tpu.memref_slice %arg6[%add3A_448, %dma_start3A_449] : memref<80x128xi32, #tpu.memory_space<vmem>> -> memref<1x128xi32, #tpu.memory_space<vmem>>
      %dma_start3A_451 = tpu.memref_squeeze %dma_start3A_450 : memref<1x128xi32, #tpu.memory_space<vmem>> -> memref<128xi32, #tpu.memory_space<vmem>>
      %dma_start3A_452 = arith.constant 0 : i32
      %dma_start3A_453 = arith.constant 0 : i32
      %dma_start3A_454 = tpu.memref_slice %arg17[%dma_start3A_452, %dma_start3A_453] : memref<10112x128xf32, #tpu.memory_space<vmem_shared>> -> memref<10112x128xf32, #tpu.memory_space<vmem_shared>>
      tpu.enqueue_indirect_dma source(%arg9 : memref<128x128xf32, #tpu.memory_space<vmem>>) target(%dma_start3A_454 : memref<10112x128xf32, #tpu.memory_space<vmem_shared>>) offsets(%dma_start3A_451 : memref<128xi32, #tpu.memory_space<vmem>>) semaphore(%arg13 : memref<!tpu.dma_semaphore, #tpu.memory_space<semaphore_mem>>) {add = true}
      %dma_wait3A_455 = arith.constant 0 : i32
      %dma_wait3A_456 = arith.constant 0 : i32
      %dma_wait3A_457 = tpu.memref_slice %arg6[%dma_wait3A_455, %dma_wait3A_456] : memref<80x128xi32, #tpu.memory_space<vmem>> -> memref<1x128xi32, #tpu.memory_space<vmem>>
      %dma_wait3A_458 = tpu.memref_squeeze %dma_wait3A_457 : memref<1x128xi32, #tpu.memory_space<vmem>> -> memref<128xi32, #tpu.memory_space<vmem>>
      %dma_wait3A_459 = arith.constant 0 : i32
      %dma_wait3A_460 = arith.constant 0 : i32
      %dma_wait3A_461 = tpu.memref_slice %arg17[%dma_wait3A_459, %dma_wait3A_460] : memref<10112x128xf32, #tpu.memory_space<vmem_shared>> -> memref<10112x128xf32, #tpu.memory_space<vmem_shared>>
      tpu.wait_indirect_dma semaphore(%arg13 : memref<!tpu.dma_semaphore, #tpu.memory_space<semaphore_mem>>) src(%arg9 : memref<128x128xf32, #tpu.memory_space<vmem>>) dst(%dma_wait3A_461 : memref<10112x128xf32, #tpu.memory_space<vmem_shared>>)
      %dma_start3A_462 = arith.constant 6 : i32
      %dma_start3A_463 = arith.constant 0 : i32
      %dma_start3A_464 = tpu.memref_slice %arg8[%dma_start3A_462, %dma_start3A_463] : memref<8x128xi32, #tpu.memory_space<vmem>> -> memref<1x128xi32, #tpu.memory_space<vmem>>
      %dma_start3A_465 = tpu.memref_squeeze %dma_start3A_464 : memref<1x128xi32, #tpu.memory_space<vmem>> -> memref<128xi32, #tpu.memory_space<vmem>>
      %dma_start3A_466 = arith.constant 0 : i32
      %dma_start3A_467 = arith.constant 0 : i32
      %dma_start3A_468 = tpu.memref_slice %arg2[%dma_start3A_466, %dma_start3A_467] : memref<10112x128xf32, #tpu.memory_space<hbm>> -> memref<10112x128xf32, #tpu.memory_space<hbm>>
      tpu.enqueue_indirect_dma source(%dma_start3A_468 : memref<10112x128xf32, #tpu.memory_space<hbm>>) target(%arg9 : memref<128x128xf32, #tpu.memory_space<vmem>>) offsets(%dma_start3A_465 : memref<128xi32, #tpu.memory_space<vmem>>) semaphore(%arg11 : memref<!tpu.dma_semaphore, #tpu.memory_space<semaphore_mem>>)
      %dma_wait3A_469 = arith.constant 0 : i32
      %dma_wait3A_470 = arith.constant 0 : i32
      %dma_wait3A_471 = tpu.memref_slice %arg7[%dma_wait3A_469, %dma_wait3A_470] : memref<8x128xi32, #tpu.memory_space<vmem>> -> memref<1x128xi32, #tpu.memory_space<vmem>>
      %dma_wait3A_472 = tpu.memref_squeeze %dma_wait3A_471 : memref<1x128xi32, #tpu.memory_space<vmem>> -> memref<128xi32, #tpu.memory_space<vmem>>
      %dma_wait3A_473 = arith.constant 0 : i32
      %dma_wait3A_474 = arith.constant 0 : i32
      %dma_wait3A_475 = tpu.memref_slice %arg2[%dma_wait3A_473, %dma_wait3A_474] : memref<10112x128xf32, #tpu.memory_space<hbm>> -> memref<10112x128xf32, #tpu.memory_space<hbm>>
      tpu.wait_indirect_dma semaphore(%arg12 : memref<!tpu.dma_semaphore, #tpu.memory_space<semaphore_mem>>) src(%dma_wait3A_475 : memref<10112x128xf32, #tpu.memory_space<hbm>>) dst(%arg10 : memref<128x128xf32, #tpu.memory_space<vmem>>)
      %mul3A_476 = arith.constant 16 : i32
      %mul3A_477 = arith.muli %mul3A_476, %scan3A_45 : i32
      %add3A_478 = arith.constant 8 : i32
      %add3A_479 = arith.addi %mul3A_477, %add3A_478 : i32
      %add3A_480 = arith.constant 5 : i32
      %add3A_481 = arith.addi %add3A_479, %add3A_480 : i32
      %dma_start3A_482 = arith.constant 0 : i32
      %dma_start3A_483 = tpu.memref_slice %arg6[%add3A_481, %dma_start3A_482] : memref<80x128xi32, #tpu.memory_space<vmem>> -> memref<1x128xi32, #tpu.memory_space<vmem>>
      %dma_start3A_484 = tpu.memref_squeeze %dma_start3A_483 : memref<1x128xi32, #tpu.memory_space<vmem>> -> memref<128xi32, #tpu.memory_space<vmem>>
      %dma_start3A_485 = arith.constant 0 : i32
      %dma_start3A_486 = arith.constant 0 : i32
      %dma_start3A_487 = tpu.memref_slice %arg17[%dma_start3A_485, %dma_start3A_486] : memref<10112x128xf32, #tpu.memory_space<vmem_shared>> -> memref<10112x128xf32, #tpu.memory_space<vmem_shared>>
      tpu.enqueue_indirect_dma source(%arg10 : memref<128x128xf32, #tpu.memory_space<vmem>>) target(%dma_start3A_487 : memref<10112x128xf32, #tpu.memory_space<vmem_shared>>) offsets(%dma_start3A_484 : memref<128xi32, #tpu.memory_space<vmem>>) semaphore(%arg14 : memref<!tpu.dma_semaphore, #tpu.memory_space<semaphore_mem>>) {add = true}
      %dma_wait3A_488 = arith.constant 0 : i32
      %dma_wait3A_489 = arith.constant 0 : i32
      %dma_wait3A_490 = tpu.memref_slice %arg6[%dma_wait3A_488, %dma_wait3A_489] : memref<80x128xi32, #tpu.memory_space<vmem>> -> memref<1x128xi32, #tpu.memory_space<vmem>>
      %dma_wait3A_491 = tpu.memref_squeeze %dma_wait3A_490 : memref<1x128xi32, #tpu.memory_space<vmem>> -> memref<128xi32, #tpu.memory_space<vmem>>
      %dma_wait3A_492 = arith.constant 0 : i32
      %dma_wait3A_493 = arith.constant 0 : i32
      %dma_wait3A_494 = tpu.memref_slice %arg17[%dma_wait3A_492, %dma_wait3A_493] : memref<10112x128xf32, #tpu.memory_space<vmem_shared>> -> memref<10112x128xf32, #tpu.memory_space<vmem_shared>>
      tpu.wait_indirect_dma semaphore(%arg14 : memref<!tpu.dma_semaphore, #tpu.memory_space<semaphore_mem>>) src(%arg10 : memref<128x128xf32, #tpu.memory_space<vmem>>) dst(%dma_wait3A_494 : memref<10112x128xf32, #tpu.memory_space<vmem_shared>>)
      %dma_start3A_495 = arith.constant 7 : i32
      %dma_start3A_496 = arith.constant 0 : i32
      %dma_start3A_497 = tpu.memref_slice %arg8[%dma_start3A_495, %dma_start3A_496] : memref<8x128xi32, #tpu.memory_space<vmem>> -> memref<1x128xi32, #tpu.memory_space<vmem>>
      %dma_start3A_498 = tpu.memref_squeeze %dma_start3A_497 : memref<1x128xi32, #tpu.memory_space<vmem>> -> memref<128xi32, #tpu.memory_space<vmem>>
      %dma_start3A_499 = arith.constant 0 : i32
      %dma_start3A_500 = arith.constant 0 : i32
      %dma_start3A_501 = tpu.memref_slice %arg2[%dma_start3A_499, %dma_start3A_500] : memref<10112x128xf32, #tpu.memory_space<hbm>> -> memref<10112x128xf32, #tpu.memory_space<hbm>>
      tpu.enqueue_indirect_dma source(%dma_start3A_501 : memref<10112x128xf32, #tpu.memory_space<hbm>>) target(%arg10 : memref<128x128xf32, #tpu.memory_space<vmem>>) offsets(%dma_start3A_498 : memref<128xi32, #tpu.memory_space<vmem>>) semaphore(%arg12 : memref<!tpu.dma_semaphore, #tpu.memory_space<semaphore_mem>>)
      %dma_wait3A_502 = arith.constant 0 : i32
      %dma_wait3A_503 = arith.constant 0 : i32
      %dma_wait3A_504 = tpu.memref_slice %arg7[%dma_wait3A_502, %dma_wait3A_503] : memref<8x128xi32, #tpu.memory_space<vmem>> -> memref<1x128xi32, #tpu.memory_space<vmem>>
      %dma_wait3A_505 = tpu.memref_squeeze %dma_wait3A_504 : memref<1x128xi32, #tpu.memory_space<vmem>> -> memref<128xi32, #tpu.memory_space<vmem>>
      %dma_wait3A_506 = arith.constant 0 : i32
      %dma_wait3A_507 = arith.constant 0 : i32
      %dma_wait3A_508 = tpu.memref_slice %arg2[%dma_wait3A_506, %dma_wait3A_507] : memref<10112x128xf32, #tpu.memory_space<hbm>> -> memref<10112x128xf32, #tpu.memory_space<hbm>>
      tpu.wait_indirect_dma semaphore(%arg11 : memref<!tpu.dma_semaphore, #tpu.memory_space<semaphore_mem>>) src(%dma_wait3A_508 : memref<10112x128xf32, #tpu.memory_space<hbm>>) dst(%arg9 : memref<128x128xf32, #tpu.memory_space<vmem>>)
      %mul3A_509 = arith.constant 16 : i32
      %mul3A_510 = arith.muli %mul3A_509, %scan3A_45 : i32
      %add3A_511 = arith.constant 8 : i32
      %add3A_512 = arith.addi %mul3A_510, %add3A_511 : i32
      %add3A_513 = arith.constant 6 : i32
      %add3A_514 = arith.addi %add3A_512, %add3A_513 : i32
      %dma_start3A_515 = arith.constant 0 : i32
      %dma_start3A_516 = tpu.memref_slice %arg6[%add3A_514, %dma_start3A_515] : memref<80x128xi32, #tpu.memory_space<vmem>> -> memref<1x128xi32, #tpu.memory_space<vmem>>
      %dma_start3A_517 = tpu.memref_squeeze %dma_start3A_516 : memref<1x128xi32, #tpu.memory_space<vmem>> -> memref<128xi32, #tpu.memory_space<vmem>>
      %dma_start3A_518 = arith.constant 0 : i32
      %dma_start3A_519 = arith.constant 0 : i32
      %dma_start3A_520 = tpu.memref_slice %arg17[%dma_start3A_518, %dma_start3A_519] : memref<10112x128xf32, #tpu.memory_space<vmem_shared>> -> memref<10112x128xf32, #tpu.memory_space<vmem_shared>>
      tpu.enqueue_indirect_dma source(%arg9 : memref<128x128xf32, #tpu.memory_space<vmem>>) target(%dma_start3A_520 : memref<10112x128xf32, #tpu.memory_space<vmem_shared>>) offsets(%dma_start3A_517 : memref<128xi32, #tpu.memory_space<vmem>>) semaphore(%arg13 : memref<!tpu.dma_semaphore, #tpu.memory_space<semaphore_mem>>) {add = true}
      %dma_wait3A_521 = arith.constant 0 : i32
      %dma_wait3A_522 = arith.constant 0 : i32
      %dma_wait3A_523 = tpu.memref_slice %arg6[%dma_wait3A_521, %dma_wait3A_522] : memref<80x128xi32, #tpu.memory_space<vmem>> -> memref<1x128xi32, #tpu.memory_space<vmem>>
      %dma_wait3A_524 = tpu.memref_squeeze %dma_wait3A_523 : memref<1x128xi32, #tpu.memory_space<vmem>> -> memref<128xi32, #tpu.memory_space<vmem>>
      %dma_wait3A_525 = arith.constant 0 : i32
      %dma_wait3A_526 = arith.constant 0 : i32
      %dma_wait3A_527 = tpu.memref_slice %arg17[%dma_wait3A_525, %dma_wait3A_526] : memref<10112x128xf32, #tpu.memory_space<vmem_shared>> -> memref<10112x128xf32, #tpu.memory_space<vmem_shared>>
      tpu.wait_indirect_dma semaphore(%arg13 : memref<!tpu.dma_semaphore, #tpu.memory_space<semaphore_mem>>) src(%arg9 : memref<128x128xf32, #tpu.memory_space<vmem>>) dst(%dma_wait3A_527 : memref<10112x128xf32, #tpu.memory_space<vmem_shared>>)
      %lt3A_528 = arith.constant 4 : i32
      %lt3A_529 = arith.cmpi slt, %scan3A_45, %lt3A_528 : i32
      %convert_element_type3A_530 = arith.extui %lt3A_529 : i1 to i32
      %cond3A_531 = arith.constant 0 : i32
      %cond3A_532 = arith.cmpi ne, %convert_element_type3A_530, %cond3A_531 : i32
      scf.if %cond3A_532 {
        %dma_wait3A_564 = arith.constant 0 : i32
        %dma_wait3A_565 = tpu.memref_slice %arg3[%add3A, %dma_wait3A_564] : memref<2560x128xi32, #tpu.memory_space<hbm>> -> memref<8x128xi32, #tpu.memory_space<hbm>>
        %dma_wait3A_566 = arith.constant 0 : i32
        %dma_wait3A_567 = tpu.memref_slice %arg3[%add3A, %dma_wait3A_566] : memref<2560x128xi32, #tpu.memory_space<hbm>> -> memref<8x128xi32, #tpu.memory_space<hbm>>
        tpu.wait_dma2 semaphore(%arg15 : memref<!tpu.dma_semaphore, #tpu.memory_space<semaphore_mem>>) src(%dma_wait3A_567 : memref<8x128xi32, #tpu.memory_space<hbm>>) dst(%arg7 : memref<8x128xi32, #tpu.memory_space<vmem>>)
        %dma_start3A_568 = arith.constant 0 : i32
        %dma_start3A_569 = arith.constant 0 : i32
        %dma_start3A_570 = tpu.memref_slice %arg7[%dma_start3A_568, %dma_start3A_569] : memref<8x128xi32, #tpu.memory_space<vmem>> -> memref<1x128xi32, #tpu.memory_space<vmem>>
        %dma_start3A_571 = tpu.memref_squeeze %dma_start3A_570 : memref<1x128xi32, #tpu.memory_space<vmem>> -> memref<128xi32, #tpu.memory_space<vmem>>
        %dma_start3A_572 = arith.constant 0 : i32
        %dma_start3A_573 = arith.constant 0 : i32
        %dma_start3A_574 = tpu.memref_slice %arg2[%dma_start3A_572, %dma_start3A_573] : memref<10112x128xf32, #tpu.memory_space<hbm>> -> memref<10112x128xf32, #tpu.memory_space<hbm>>
        tpu.enqueue_indirect_dma source(%dma_start3A_574 : memref<10112x128xf32, #tpu.memory_space<hbm>>) target(%arg9 : memref<128x128xf32, #tpu.memory_space<vmem>>) offsets(%dma_start3A_571 : memref<128xi32, #tpu.memory_space<vmem>>) semaphore(%arg11 : memref<!tpu.dma_semaphore, #tpu.memory_space<semaphore_mem>>)
      } else {
      }
      %dma_wait3A_533 = arith.constant 0 : i32
      %dma_wait3A_534 = arith.constant 0 : i32
      %dma_wait3A_535 = tpu.memref_slice %arg7[%dma_wait3A_533, %dma_wait3A_534] : memref<8x128xi32, #tpu.memory_space<vmem>> -> memref<1x128xi32, #tpu.memory_space<vmem>>
      %dma_wait3A_536 = tpu.memref_squeeze %dma_wait3A_535 : memref<1x128xi32, #tpu.memory_space<vmem>> -> memref<128xi32, #tpu.memory_space<vmem>>
      %dma_wait3A_537 = arith.constant 0 : i32
      %dma_wait3A_538 = arith.constant 0 : i32
      %dma_wait3A_539 = tpu.memref_slice %arg2[%dma_wait3A_537, %dma_wait3A_538] : memref<10112x128xf32, #tpu.memory_space<hbm>> -> memref<10112x128xf32, #tpu.memory_space<hbm>>
      tpu.wait_indirect_dma semaphore(%arg12 : memref<!tpu.dma_semaphore, #tpu.memory_space<semaphore_mem>>) src(%dma_wait3A_539 : memref<10112x128xf32, #tpu.memory_space<hbm>>) dst(%arg10 : memref<128x128xf32, #tpu.memory_space<vmem>>)
      %mul3A_540 = arith.constant 16 : i32
      %mul3A_541 = arith.muli %mul3A_540, %scan3A_45 : i32
      %add3A_542 = arith.constant 8 : i32
      %add3A_543 = arith.addi %mul3A_541, %add3A_542 : i32
      %add3A_544 = arith.constant 7 : i32
      %add3A_545 = arith.addi %add3A_543, %add3A_544 : i32
      %dma_start3A_546 = arith.constant 0 : i32
      %dma_start3A_547 = tpu.memref_slice %arg6[%add3A_545, %dma_start3A_546] : memref<80x128xi32, #tpu.memory_space<vmem>> -> memref<1x128xi32, #tpu.memory_space<vmem>>
      %dma_start3A_548 = tpu.memref_squeeze %dma_start3A_547 : memref<1x128xi32, #tpu.memory_space<vmem>> -> memref<128xi32, #tpu.memory_space<vmem>>
      %dma_start3A_549 = arith.constant 0 : i32
      %dma_start3A_550 = arith.constant 0 : i32
      %dma_start3A_551 = tpu.memref_slice %arg17[%dma_start3A_549, %dma_start3A_550] : memref<10112x128xf32, #tpu.memory_space<vmem_shared>> -> memref<10112x128xf32, #tpu.memory_space<vmem_shared>>
      tpu.enqueue_indirect_dma source(%arg10 : memref<128x128xf32, #tpu.memory_space<vmem>>) target(%dma_start3A_551 : memref<10112x128xf32, #tpu.memory_space<vmem_shared>>) offsets(%dma_start3A_548 : memref<128xi32, #tpu.memory_space<vmem>>) semaphore(%arg14 : memref<!tpu.dma_semaphore, #tpu.memory_space<semaphore_mem>>) {add = true}
      %dma_wait3A_552 = arith.constant 0 : i32
      %dma_wait3A_553 = arith.constant 0 : i32
      %dma_wait3A_554 = tpu.memref_slice %arg6[%dma_wait3A_552, %dma_wait3A_553] : memref<80x128xi32, #tpu.memory_space<vmem>> -> memref<1x128xi32, #tpu.memory_space<vmem>>
      %dma_wait3A_555 = tpu.memref_squeeze %dma_wait3A_554 : memref<1x128xi32, #tpu.memory_space<vmem>> -> memref<128xi32, #tpu.memory_space<vmem>>
      %dma_wait3A_556 = arith.constant 0 : i32
      %dma_wait3A_557 = arith.constant 0 : i32
      %dma_wait3A_558 = tpu.memref_slice %arg17[%dma_wait3A_556, %dma_wait3A_557] : memref<10112x128xf32, #tpu.memory_space<vmem_shared>> -> memref<10112x128xf32, #tpu.memory_space<vmem_shared>>
      tpu.wait_indirect_dma semaphore(%arg14 : memref<!tpu.dma_semaphore, #tpu.memory_space<semaphore_mem>>) src(%arg10 : memref<128x128xf32, #tpu.memory_space<vmem>>) dst(%dma_wait3A_558 : memref<10112x128xf32, #tpu.memory_space<vmem_shared>>)
      %lt3A_559 = arith.constant 4 : i32
      %lt3A_560 = arith.cmpi slt, %scan3A_45, %lt3A_559 : i32
      %convert_element_type3A_561 = arith.extui %lt3A_560 : i1 to i32
      %cond3A_562 = arith.constant 0 : i32
      %cond3A_563 = arith.cmpi ne, %convert_element_type3A_561, %cond3A_562 : i32
      scf.if %cond3A_563 {
        %dma_start3A_564 = arith.constant 1 : i32
        %dma_start3A_565 = arith.constant 0 : i32
        %dma_start3A_566 = tpu.memref_slice %arg7[%dma_start3A_564, %dma_start3A_565] : memref<8x128xi32, #tpu.memory_space<vmem>> -> memref<1x128xi32, #tpu.memory_space<vmem>>
        %dma_start3A_567 = tpu.memref_squeeze %dma_start3A_566 : memref<1x128xi32, #tpu.memory_space<vmem>> -> memref<128xi32, #tpu.memory_space<vmem>>
        %dma_start3A_568 = arith.constant 0 : i32
        %dma_start3A_569 = arith.constant 0 : i32
        %dma_start3A_570 = tpu.memref_slice %arg2[%dma_start3A_568, %dma_start3A_569] : memref<10112x128xf32, #tpu.memory_space<hbm>> -> memref<10112x128xf32, #tpu.memory_space<hbm>>
        tpu.enqueue_indirect_dma source(%dma_start3A_570 : memref<10112x128xf32, #tpu.memory_space<hbm>>) target(%arg10 : memref<128x128xf32, #tpu.memory_space<vmem>>) offsets(%dma_start3A_567 : memref<128xi32, #tpu.memory_space<vmem>>) semaphore(%arg12 : memref<!tpu.dma_semaphore, #tpu.memory_space<semaphore_mem>>)
      } else {
      }
    }
    %scan3A_39 = arith.constant 5 : i32
    %barrier3A_40 = arith.constant 0 : index
    tpu.barrier barrier_id(%barrier3A_40)
    %mul3A_41 = arith.constant 632 : i32
    %mul3A_42 = arith.muli %arg1, %mul3A_41 : i32
    %mul3A_43 = arith.constant 632 : i32
    %mul3A_44 = arith.muli %arg1, %mul3A_43 : i32
    "tpu.region"() ({
      %run_scoped3A = tpu.sem_alloc : memref<!tpu.dma_semaphore, #tpu.memory_space<semaphore_mem>>
      %dma_start3A_45 = arith.constant 0 : i32
      %dma_start3A_46 = tpu.memref_slice %arg5[%arg0, %mul3A_44, %dma_start3A_45] : memref<2x10112x128xf32, #tpu.memory_space<hbm>> -> memref<1x632x128xf32, #tpu.memory_space<hbm>>
      %dma_start3A_47 = tpu.memref_squeeze %dma_start3A_46 : memref<1x632x128xf32, #tpu.memory_space<hbm>> -> memref<632x128xf32, #tpu.memory_space<hbm>>
      %dma_start3A_48 = arith.constant 0 : i32
      %dma_start3A_49 = tpu.memref_slice %arg17[%mul3A_42, %dma_start3A_48] : memref<10112x128xf32, #tpu.memory_space<vmem_shared>> -> memref<632x128xf32, #tpu.memory_space<vmem_shared>>
      tpu.enqueue_dma source(%dma_start3A_49 : memref<632x128xf32, #tpu.memory_space<vmem_shared>>) target(%dma_start3A_47 : memref<632x128xf32, #tpu.memory_space<hbm>>) target_semaphore(%run_scoped3A : memref<!tpu.dma_semaphore, #tpu.memory_space<semaphore_mem>>)
      %dma_wait3A_50 = arith.constant 0 : i32
      %dma_wait3A_51 = tpu.memref_slice %arg5[%arg0, %mul3A_44, %dma_wait3A_50] : memref<2x10112x128xf32, #tpu.memory_space<hbm>> -> memref<1x632x128xf32, #tpu.memory_space<hbm>>
      %dma_wait3A_52 = tpu.memref_squeeze %dma_wait3A_51 : memref<1x632x128xf32, #tpu.memory_space<hbm>> -> memref<632x128xf32, #tpu.memory_space<hbm>>
      %dma_wait3A_53 = arith.constant 0 : i32
      %dma_wait3A_54 = tpu.memref_slice %arg17[%mul3A_42, %dma_wait3A_53] : memref<10112x128xf32, #tpu.memory_space<vmem_shared>> -> memref<632x128xf32, #tpu.memory_space<vmem_shared>>
      tpu.wait_dma2 semaphore(%run_scoped3A : memref<!tpu.dma_semaphore, #tpu.memory_space<semaphore_mem>>) src(%dma_wait3A_54 : memref<632x128xf32, #tpu.memory_space<vmem_shared>>) dst(%dma_wait3A_52 : memref<632x128xf32, #tpu.memory_space<hbm>>)
      tpu.yield
    }) : () -> ()
    return
  }
}

module attributes {stable_mosaic.version = 14 : i64} {
  func.func @_tcmid_body(%arg0: memref<2x10112x128xf32, #tpu.memory_space<vmem>>, %arg1: memref<10112x128xf32, #tpu.memory_space<vmem>>, %arg2: memref<2x10000x1xf32, #tpu.memory_space<vmem>>, %arg3: memref<128x128xf32, #tpu.memory_space<vmem>>, %arg4: memref<1x128xf32, #tpu.memory_space<vmem>>, %arg5: memref<1x128xf32, #tpu.memory_space<vmem>>, %arg6: memref<1x128xf32, #tpu.memory_space<vmem>>, %arg7: memref<10112x128xf32, #tpu.memory_space<vmem>>) attributes {dimension_semantics = [], scalar_prefetch = 0 : i64, scratch_operands = 0 : i64, tpu.core_type = #tpu.core_type<tc>} {
    %get3A = arith.constant 0 : index
    %get3A_0 = arith.constant 0 : index
    %get3A_1 = arith.constant 0 : index
    %get3A_2 = vector.load %arg2[%get3A, %get3A_0, %get3A_1] : memref<2x10000x1xf32, #tpu.memory_space<vmem>>, vector<2x10000x1xf32>
    %slice3A = vector.extract_strided_slice %get3A_2 {offsets = [0, 0, 0], sizes = [1, 10000, 1], strides = [1, 1, 1]} : vector<2x10000x1xf32> to vector<1x10000x1xf32>
    %squeeze3A = vector.shape_cast %slice3A : vector<1x10000x1xf32> to vector<10000x1xf32>
    %slice3A_3 = vector.extract_strided_slice %get3A_2 {offsets = [1, 0, 0], sizes = [1, 10000, 1], strides = [1, 1, 1]} : vector<2x10000x1xf32> to vector<1x10000x1xf32>
    %squeeze3A_4 = vector.shape_cast %slice3A_3 : vector<1x10000x1xf32> to vector<10000x1xf32>
    %add3A = arith.addf %squeeze3A, %squeeze3A_4 : vector<10000x1xf32>
    %add3A_5 = arith.constant 1.000000e+00 : f32
    %add3A_6 = vector.broadcast %add3A_5 : f32 to vector<10000x1xf32>
    %add3A_7 = arith.addf %add3A, %add3A_6 : vector<10000x1xf32>
    %rsqrt3A = math.rsqrt %add3A_7 : vector<10000x1xf32>
    %get3A_8 = arith.constant 0 : index
    %get3A_9 = arith.constant 0 : index
    %get3A_10 = arith.constant 0 : index
    %get3A_11 = vector.load %arg0[%get3A_8, %get3A_9, %get3A_10] : memref<2x10112x128xf32, #tpu.memory_space<vmem>>, vector<1x10112x128xf32>
    %get3A_12 = vector.shape_cast %get3A_11 : vector<1x10112x128xf32> to vector<10112x128xf32>
    %get3A_13 = arith.constant 1 : index
    %get3A_14 = arith.constant 0 : index
    %get3A_15 = arith.constant 0 : index
    %get3A_16 = vector.load %arg0[%get3A_13, %get3A_14, %get3A_15] : memref<2x10112x128xf32, #tpu.memory_space<vmem>>, vector<1x10112x128xf32>
    %get3A_17 = vector.shape_cast %get3A_16 : vector<1x10112x128xf32> to vector<10112x128xf32>
    %add3A_18 = arith.addf %get3A_12, %get3A_17 : vector<10112x128xf32>
    %get3A_19 = arith.constant 0 : index
    %get3A_20 = arith.constant 0 : index
    %get3A_21 = vector.load %arg1[%get3A_19, %get3A_20] : memref<10112x128xf32, #tpu.memory_space<vmem>>, vector<10112x128xf32>
    %sub3A = arith.subf %add3A_18, %get3A_21 : vector<10112x128xf32>
    %slice3A_22 = vector.extract_strided_slice %sub3A {offsets = [0, 0], sizes = [10000, 128], strides = [1, 1]} : vector<10112x128xf32> to vector<10000x128xf32>
    %mul3A = vector.broadcast %rsqrt3A : vector<10000x1xf32> to vector<10000x128xf32>
    %mul3A_23 = arith.mulf %slice3A_22, %mul3A : vector<10000x128xf32>
    %get3A_24 = arith.constant 0 : index
    %get3A_25 = arith.constant 0 : index
    %get3A_26 = vector.load %arg4[%get3A_24, %get3A_25] : memref<1x128xf32, #tpu.memory_space<vmem>>, vector<1x128xf32>
    %add3A_27 = vector.broadcast %get3A_26 : vector<1x128xf32> to vector<10000x128xf32>
    %add3A_28 = arith.addf %mul3A_23, %add3A_27 : vector<10000x128xf32>
    %reduce_sum3A = arith.constant dense<0.000000e+00> : vector<128xf32>
    %reduce_sum3A_29 = vector.multi_reduction <add>, %add3A_28, %reduce_sum3A [0] : vector<10000x128xf32> to vector<128xf32>
    %broadcast_in_dim3A = vector.shape_cast %reduce_sum3A_29 : vector<128xf32> to vector<1x128xf32>
    %div3A = arith.constant 1.000000e+04 : f32
    %div3A_30 = vector.broadcast %div3A : f32 to vector<1x128xf32>
    %div3A_31 = arith.divf %broadcast_in_dim3A, %div3A_30 : vector<1x128xf32>
    %sub3A_32 = vector.broadcast %div3A_31 : vector<1x128xf32> to vector<10000x128xf32>
    %sub3A_33 = arith.subf %add3A_28, %sub3A_32 : vector<10000x128xf32>
    %integer_pow3A = arith.mulf %sub3A_33, %sub3A_33 : vector<10000x128xf32>
    %reduce_sum3A_34 = arith.constant dense<0.000000e+00> : vector<128xf32>
    %reduce_sum3A_35 = vector.multi_reduction <add>, %integer_pow3A, %reduce_sum3A_34 [0] : vector<10000x128xf32> to vector<128xf32>
    %broadcast_in_dim3A_36 = vector.shape_cast %reduce_sum3A_35 : vector<128xf32> to vector<1x128xf32>
    %div3A_37 = arith.constant 1.000000e+04 : f32
    %div3A_38 = vector.broadcast %div3A_37 : f32 to vector<1x128xf32>
    %div3A_39 = arith.divf %broadcast_in_dim3A_36, %div3A_38 : vector<1x128xf32>
    %sub3A_40 = vector.broadcast %div3A_31 : vector<1x128xf32> to vector<10000x128xf32>
    %sub3A_41 = arith.subf %add3A_28, %sub3A_40 : vector<10000x128xf32>
    %add3A_42 = arith.constant 9.99999974E-6 : f32
    %add3A_43 = vector.broadcast %add3A_42 : f32 to vector<1x128xf32>
    %add3A_44 = arith.addf %div3A_39, %add3A_43 : vector<1x128xf32>
    %rsqrt3A_45 = math.rsqrt %add3A_44 : vector<1x128xf32>
    %mul3A_46 = vector.broadcast %rsqrt3A_45 : vector<1x128xf32> to vector<10000x128xf32>
    %mul3A_47 = arith.mulf %sub3A_41, %mul3A_46 : vector<10000x128xf32>
    %get3A_48 = arith.constant 0 : index
    %get3A_49 = arith.constant 0 : index
    %get3A_50 = vector.load %arg5[%get3A_48, %get3A_49] : memref<1x128xf32, #tpu.memory_space<vmem>>, vector<1x128xf32>
    %mul3A_51 = vector.broadcast %get3A_50 : vector<1x128xf32> to vector<10000x128xf32>
    %mul3A_52 = arith.mulf %mul3A_47, %mul3A_51 : vector<10000x128xf32>
    %get3A_53 = arith.constant 0 : index
    %get3A_54 = arith.constant 0 : index
    %get3A_55 = vector.load %arg6[%get3A_53, %get3A_54] : memref<1x128xf32, #tpu.memory_space<vmem>>, vector<1x128xf32>
    %add3A_56 = vector.broadcast %get3A_55 : vector<1x128xf32> to vector<10000x128xf32>
    %add3A_57 = arith.addf %mul3A_52, %add3A_56 : vector<10000x128xf32>
    %max3A = arith.constant 0.000000e+00 : f32
    %max3A_58 = vector.broadcast %max3A : f32 to vector<10000x128xf32>
    %max3A_59 = arith.maximumf %add3A_57, %max3A_58 : vector<10000x128xf32>
    %get3A_60 = arith.constant 0 : index
    %get3A_61 = arith.constant 0 : index
    %get3A_62 = vector.load %arg3[%get3A_60, %get3A_61] : memref<128x128xf32, #tpu.memory_space<vmem>>, vector<128x128xf32>
    %dot_general3A = arith.constant dense<0.000000e+00> : vector<10000x128xf32>
    %dot_general3A_63 = tpu.matmul %max3A_59, %get3A_62, %dot_general3A {dimension_numbers = #tpu.dot_dimension_numbers<[1], [0], [0], [1], [0, 0, 1, 1], [], []>, transpose_lhs_hint = false} : vector<10000x128xf32>, vector<128x128xf32>, vector<10000x128xf32> -> vector<10000x128xf32>
    %mul3A_64 = vector.broadcast %rsqrt3A : vector<10000x1xf32> to vector<10000x128xf32>
    %mul3A_65 = arith.mulf %dot_general3A_63, %mul3A_64 : vector<10000x128xf32>
    %swap3A = arith.constant 0 : index
    %swap3A_66 = arith.constant 0 : index
    %swap3A_67 = vector.load %arg7[%swap3A, %swap3A_66] : memref<10112x128xf32, #tpu.memory_space<vmem>>, vector<10000x128xf32>
    tpu.vector_store %arg7[%swap3A, %swap3A_66], %mul3A_65 {strides = array<i32>} : memref<10112x128xf32, #tpu.memory_space<vmem>>, vector<10000x128xf32>,
    %broadcast_in_dim3A_68 = arith.constant 0.000000e+00 : f32
    %broadcast_in_dim3A_69 = vector.broadcast %broadcast_in_dim3A_68 : f32 to vector<112x128xf32>
    %swap3A_70 = arith.constant 10000 : index
    %swap3A_71 = arith.constant 0 : index
    %swap3A_72 = vector.load %arg7[%swap3A_70, %swap3A_71] : memref<10112x128xf32, #tpu.memory_space<vmem>>, vector<112x128xf32>
    tpu.vector_store %arg7[%swap3A_70, %swap3A_71], %broadcast_in_dim3A_69 {strides = array<i32>} : memref<10112x128xf32, #tpu.memory_space<vmem>>, vector<112x128xf32>,
    return
  }
}

module attributes {stable_mosaic.version = 14 : i64} {
  func.func @_tc0_body(%arg0: memref<10000x128xf32, #tpu.memory_space<vmem>>, %arg1: memref<128x128xf32, #tpu.memory_space<vmem>>, %arg2: memref<2x10000x1xf32, #tpu.memory_space<vmem>>, %arg3: memref<10112x128xf32, #tpu.memory_space<vmem>>) attributes {dimension_semantics = [], scalar_prefetch = 0 : i64, scratch_operands = 0 : i64, tpu.core_type = #tpu.core_type<tc>} {
    %get3A = arith.constant 0 : index
    %get3A_0 = arith.constant 0 : index
    %get3A_1 = arith.constant 0 : index
    %get3A_2 = vector.load %arg2[%get3A, %get3A_0, %get3A_1] : memref<2x10000x1xf32, #tpu.memory_space<vmem>>, vector<2x10000x1xf32>
    %slice3A = vector.extract_strided_slice %get3A_2 {offsets = [0, 0, 0], sizes = [1, 10000, 1], strides = [1, 1, 1]} : vector<2x10000x1xf32> to vector<1x10000x1xf32>
    %squeeze3A = vector.shape_cast %slice3A : vector<1x10000x1xf32> to vector<10000x1xf32>
    %slice3A_3 = vector.extract_strided_slice %get3A_2 {offsets = [1, 0, 0], sizes = [1, 10000, 1], strides = [1, 1, 1]} : vector<2x10000x1xf32> to vector<1x10000x1xf32>
    %squeeze3A_4 = vector.shape_cast %slice3A_3 : vector<1x10000x1xf32> to vector<10000x1xf32>
    %add3A = arith.addf %squeeze3A, %squeeze3A_4 : vector<10000x1xf32>
    %add3A_5 = arith.constant 1.000000e+00 : f32
    %add3A_6 = vector.broadcast %add3A_5 : f32 to vector<10000x1xf32>
    %add3A_7 = arith.addf %add3A, %add3A_6 : vector<10000x1xf32>
    %rsqrt3A = math.rsqrt %add3A_7 : vector<10000x1xf32>
    %get3A_8 = arith.constant 0 : index
    %get3A_9 = arith.constant 0 : index
    %get3A_10 = vector.load %arg0[%get3A_8, %get3A_9] : memref<10000x128xf32, #tpu.memory_space<vmem>>, vector<10000x128xf32>
    %get3A_11 = arith.constant 0 : index
    %get3A_12 = arith.constant 0 : index
    %get3A_13 = vector.load %arg1[%get3A_11, %get3A_12] : memref<128x128xf32, #tpu.memory_space<vmem>>, vector<128x128xf32>
    %dot_general3A = arith.constant dense<0.000000e+00> : vector<10000x128xf32>
    %dot_general3A_14 = tpu.matmul %get3A_10, %get3A_13, %dot_general3A {dimension_numbers = #tpu.dot_dimension_numbers<[1], [0], [0], [1], [0, 0, 1, 1], [], []>, transpose_lhs_hint = false} : vector<10000x128xf32>, vector<128x128xf32>, vector<10000x128xf32> -> vector<10000x128xf32>
    %mul3A = vector.broadcast %rsqrt3A : vector<10000x1xf32> to vector<10000x128xf32>
    %mul3A_15 = arith.mulf %dot_general3A_14, %mul3A : vector<10000x128xf32>
    %swap3A = arith.constant 0 : index
    %swap3A_16 = arith.constant 0 : index
    %swap3A_17 = vector.load %arg3[%swap3A, %swap3A_16] : memref<10112x128xf32, #tpu.memory_space<vmem>>, vector<10000x128xf32>
    tpu.vector_store %arg3[%swap3A, %swap3A_16], %mul3A_15 {strides = array<i32>} : memref<10112x128xf32, #tpu.memory_space<vmem>>, vector<10000x128xf32>,
    %broadcast_in_dim3A = arith.constant 0.000000e+00 : f32
    %broadcast_in_dim3A_18 = vector.broadcast %broadcast_in_dim3A : f32 to vector<112x128xf32>
    %swap3A_19 = arith.constant 10000 : index
    %swap3A_20 = arith.constant 0 : index
    %swap3A_21 = vector.load %arg3[%swap3A_19, %swap3A_20] : memref<10112x128xf32, #tpu.memory_space<vmem>>, vector<112x128xf32>
    tpu.vector_store %arg3[%swap3A_19, %swap3A_20], %broadcast_in_dim3A_18 {strides = array<i32>} : memref<10112x128xf32, #tpu.memory_space<vmem>>, vector<112x128xf32>,
    return
  }
}

module attributes {stable_mosaic.version = 14 : i64} {
  func.func @_tcfin_body(%arg0: memref<2x10112x128xf32, #tpu.memory_space<vmem>>, %arg1: memref<10112x128xf32, #tpu.memory_space<vmem>>, %arg2: memref<2x10000x1xf32, #tpu.memory_space<vmem>>, %arg3: memref<1x40xf32, #tpu.memory_space<vmem>>, %arg4: memref<10000x40xf32, #tpu.memory_space<vmem>>) attributes {dimension_semantics = [], scalar_prefetch = 0 : i64, scratch_operands = 0 : i64, tpu.core_type = #tpu.core_type<tc>} {
    %get3A = arith.constant 0 : index
    %get3A_0 = arith.constant 0 : index
    %get3A_1 = arith.constant 0 : index
    %get3A_2 = vector.load %arg2[%get3A, %get3A_0, %get3A_1] : memref<2x10000x1xf32, #tpu.memory_space<vmem>>, vector<2x10000x1xf32>
    %slice3A = vector.extract_strided_slice %get3A_2 {offsets = [0, 0, 0], sizes = [1, 10000, 1], strides = [1, 1, 1]} : vector<2x10000x1xf32> to vector<1x10000x1xf32>
    %squeeze3A = vector.shape_cast %slice3A : vector<1x10000x1xf32> to vector<10000x1xf32>
    %slice3A_3 = vector.extract_strided_slice %get3A_2 {offsets = [1, 0, 0], sizes = [1, 10000, 1], strides = [1, 1, 1]} : vector<2x10000x1xf32> to vector<1x10000x1xf32>
    %squeeze3A_4 = vector.shape_cast %slice3A_3 : vector<1x10000x1xf32> to vector<10000x1xf32>
    %add3A = arith.addf %squeeze3A, %squeeze3A_4 : vector<10000x1xf32>
    %add3A_5 = arith.constant 1.000000e+00 : f32
    %add3A_6 = vector.broadcast %add3A_5 : f32 to vector<10000x1xf32>
    %add3A_7 = arith.addf %add3A, %add3A_6 : vector<10000x1xf32>
    %rsqrt3A = math.rsqrt %add3A_7 : vector<10000x1xf32>
    %get3A_8 = arith.constant 0 : index
    %get3A_9 = arith.constant 0 : index
    %get3A_10 = arith.constant 0 : index
    %get3A_11 = vector.load %arg0[%get3A_8, %get3A_9, %get3A_10] : memref<2x10112x128xf32, #tpu.memory_space<vmem>>, vector<1x10112x40xf32>
    %get3A_12 = vector.shape_cast %get3A_11 : vector<1x10112x40xf32> to vector<10112x40xf32>
    %get3A_13 = arith.constant 1 : index
    %get3A_14 = arith.constant 0 : index
    %get3A_15 = arith.constant 0 : index
    %get3A_16 = vector.load %arg0[%get3A_13, %get3A_14, %get3A_15] : memref<2x10112x128xf32, #tpu.memory_space<vmem>>, vector<1x10112x40xf32>
    %get3A_17 = vector.shape_cast %get3A_16 : vector<1x10112x40xf32> to vector<10112x40xf32>
    %add3A_18 = arith.addf %get3A_12, %get3A_17 : vector<10112x40xf32>
    %get3A_19 = arith.constant 0 : index
    %get3A_20 = arith.constant 0 : index
    %get3A_21 = vector.load %arg1[%get3A_19, %get3A_20] : memref<10112x128xf32, #tpu.memory_space<vmem>>, vector<10112x40xf32>
    %sub3A = arith.subf %add3A_18, %get3A_21 : vector<10112x40xf32>
    %slice3A_22 = vector.extract_strided_slice %sub3A {offsets = [0, 0], sizes = [10000, 40], strides = [1, 1]} : vector<10112x40xf32> to vector<10000x40xf32>
    %mul3A = vector.broadcast %rsqrt3A : vector<10000x1xf32> to vector<10000x40xf32>
    %mul3A_23 = arith.mulf %slice3A_22, %mul3A : vector<10000x40xf32>
    %get3A_24 = arith.constant 0 : index
    %get3A_25 = arith.constant 0 : index
    %get3A_26 = vector.load %arg3[%get3A_24, %get3A_25] : memref<1x40xf32, #tpu.memory_space<vmem>>, vector<1x40xf32>
    %add3A_27 = vector.broadcast %get3A_26 : vector<1x40xf32> to vector<10000x40xf32>
    %add3A_28 = arith.addf %mul3A_23, %add3A_27 : vector<10000x40xf32>
    %reduce_max3A = arith.constant dense<0xFF800000> : vector<10000xf32>
    %reduce_max3A_29 = vector.multi_reduction <maximumf>, %add3A_28, %reduce_max3A [1] : vector<10000x40xf32> to vector<10000xf32>
    %broadcast_in_dim3A = vector.shape_cast %reduce_max3A_29 : vector<10000xf32> to vector<10000x1xf32>
    %sub3A_30 = vector.broadcast %broadcast_in_dim3A : vector<10000x1xf32> to vector<10000x40xf32>
    %sub3A_31 = arith.subf %add3A_28, %sub3A_30 : vector<10000x40xf32>
    %exp3A = math.exp %sub3A_31 : vector<10000x40xf32>
    %reduce_sum3A = arith.constant dense<0.000000e+00> : vector<10000xf32>
    %reduce_sum3A_32 = vector.multi_reduction <add>, %exp3A, %reduce_sum3A [1] : vector<10000x40xf32> to vector<10000xf32>
    %broadcast_in_dim3A_33 = vector.shape_cast %reduce_sum3A_32 : vector<10000xf32> to vector<10000x1xf32>
    %log3A = math.log %broadcast_in_dim3A_33 : vector<10000x1xf32>
    %sub3A_34 = vector.broadcast %log3A : vector<10000x1xf32> to vector<10000x40xf32>
    %sub3A_35 = arith.subf %sub3A_31, %sub3A_34 : vector<10000x40xf32>
    %swap3A = arith.constant 0 : index
    %swap3A_36 = arith.constant 0 : index
    %swap3A_37 = vector.load %arg4[%swap3A, %swap3A_36] : memref<10000x40xf32, #tpu.memory_space<vmem>>, vector<10000x40xf32>
    tpu.vector_store %arg4[%swap3A, %swap3A_36], %sub3A_35 {strides = array<i32>} : memref<10000x40xf32, #tpu.memory_space<vmem>>, vector<10000x40xf32>,
    return
  }
}

</mosaic_0001>

<sc_bundles>
// kernel: kernel.10.cloned.1.call-start
scs
__scs_entry_jumppad:
0x0: {  	(pc) =	sbr.rel $0x88, $3  }
0x1: {  	(tag) =	ssettag $0x0;
	lr =	simm.s32 $0x1  }
0x2: {  	[smem:$0x3F95] =	sst lr;
	_ =	strace $0xD0000000  }
0x3: {  	_ = 	snop  }
0x4: {  	_ = 	snop  }
0x5: {  	_ = 	snop  }
0x6: {  	_ = 	snop  }
0x7: {  	_ = 	snop  }
__scs_overlays_trampoline_lowered:
0x8: {  	[smem:$0x3FA4] =	sst s0  }
0x9: {  	[smem:$0x3FA5] =	sst s1  }
0xa: {  	[smem:$0x3FA6] =	sst s2  }
0xb: {  	[smem:$0x3FA7] =	sst s3  }
0xc: {  	[smem:$0x3FA8] =	sst s4  }
0xd: {  	[smem:$0x3FA9] =	sst s5  }
0xe: {  	[smem:$0x3FAA] =	sst s6  }
0xf: {  	[smem:$0x3FAB] =	sst s7  }
0x10: {  	[smem:$0x3FAC] =	sst s8  }
0x11: {  	[smem:$0x3FAD] =	sst s9;
	s0 =	simm.s32 @!p0 $0x0  }
0x12: {  	s1 =	sld [smem:$0x3F93];
	s0 =	simm.s32 @p0 $0x1  }
0x13: {  	[smem:$0x3FAE] =	sst s0;
	s0 =	simm.s32 @!p1 $0x0  }
0x14: {  	s2 =	sld [smem:$0x3F92];
	s0 =	simm.s32 @p1 $0x1  }
0x15: {  	[smem:$0x3FAF] =	sst s0;
	s0 =	simm.s32 @!p2 $0x0  }
0x16: {  	s3 =	sld [smem:$0x3FDB];
	s0 =	simm.s32 @p2 $0x1  }
0x17: {  	s4 =	simm.s32 $0x1BF5;
	[smem:$0x3FB1] =	sst s0  }
0x18: {  	s0 =	sld [smem:$0x3F94];
	_ =	swait.ge [sflag:s4], $0x0  }
0x19: {  	s7 =	sld [smem:$0x3F95]  }
0x1a: {  	s8 =	sadd.s32 $0xFFFFE003, lr  }
0x1b: {  	s9 =	sadd.s32 $0xFFFFFEF7, lr;
	s5 =	simm.s32 $0xFFFFFFFF;
	p2 =	slt.u32 s8, $0xFFFFF086  }
0x1c: {  	p1 =	slt.u32 s9, $0xF7A;
	s5 =	simm.s32 @!p2 $0x0  }
0x1d: {  	s5 =	simm.s32 @p1 $0x1;
	p0 =	seq.s32 s7, s2  }
0x1e: {  	s7 =	smul.u32 @!p0 $0xF7A, s2;
	p2 =	seq.s32 @!p0 s5, $0x0  }
0x1f: {  	s9 =	smul.u32 $0xF7A, s1;
	s8 =	simm.s32 @!p0 $0x1BF5;
	p2 =	por !p2, p0  }
0x20: {  	[sflag:s8] =	ssyncset.s32 @!p0 $0xFFFFF086;
	s6 =	sadd.s32 @!p0 s3, s7;
	s7 =	simm.s32 @!p0 $0x108  }
0x21: {  	s3 =	sadd.s32 s3, s9;
	s6 =	sadd.s32 @!p0 $0x88, s6;
	s7 =	simm.s32 @p2 $0x1082  }
0x22: {  	[simem:s7], [sflag:s8] =	dma.local @!p0 [hbm:s6], $0xF7A  }
0x23: {  	s9 =	sor.u32 $0xD0000000, s2;
	s6 =	simm.s32 $0x108;
	_ =	swait.ge @!p0 [sflag:s8], $0x0  }
0x24: {  	s3 =	sadd.s32 $0x88, s3;
	s6 =	simm.s32 @!p1 $0x1082;
	[sflag:s4] =	ssyncset.s32 $0xFFFFF086  }
0x25: {  	[simem:s6], [sflag:s4] =	dma.local [hbm:s3], $0xF7A  }
0x26: {  	[smem:$0x3F95] =	sst s1;
	(tag) =	ssettag s2;
	_ =	strace s9  }
0x27: {  	s1 =	sld [smem:$0x3FA5]  }
0x28: {  	s2 =	sld [smem:$0x3FA6]  }
0x29: {  	s4 =	sld [smem:$0x3FA8]  }
0x2a: {  	p0 =	seq.s32 s5, $0x0;
	s5 =	sld [smem:$0x3FA9]  }
0x2b: {  	s6 =	sld [smem:$0x3FAA]  }
0x2c: {  	s7 =	sld [smem:$0x3FAB]  }
0x2d: {  	s3 =	simm.s32 $0x108;
	s8 =	sld [smem:$0x3FAC]  }
0x2e: {  	s3 =	simm.s32 @!p0 $0x1082;
	s9 =	sld [smem:$0x3FAD]  }
0x2f: {  	lr =	sadd.s32 s0, s3;
	s0 =	sld [smem:$0x3FA4]  }
0x30: {  	s3 =	sld [smem:$0x3FA7]  }
0x31: {  	[smem:$0x3FB0] =	sst s10  }
0x32: {  	s10 =	sld [smem:$0x3FAE];
	_ =	sdelay $0x3  }
0x33: {  	p0 =	seq.s32 s10, $0x1;
	s10 =	sld [smem:$0x3FB0];
	_ =	sdelay $0x3  }
0x34: {  	[smem:$0x3FB0] =	sst s10  }
0x35: {  	s10 =	sld [smem:$0x3FAF];
	_ =	sdelay $0x3  }
0x36: {  	p1 =	seq.s32 s10, $0x1;
	s10 =	sld [smem:$0x3FB0];
	_ =	sdelay $0x3  }
0x37: {  	[smem:$0x3FB0] =	sst s10  }
0x38: {  	s10 =	sld [smem:$0x3FB1]  }
0x39: {  	_ = 	snop;
	(pc) =	sbr.ind lr, $3  }
0x3a: {  	_ = 	snop  }
0x3b: {  	_ = 	snop  }
0x3c: {  	p2 =	seq.s32 s10, $0x1;
	s10 =	sld [smem:$0x3FB0]  }
0x3d: {  	_ =	shalt  }
0x3e: {  	_ =	shalt  }
0x3f: {  	_ =	shalt  }
0x40: {  	_ =	shalt  }
0x41: {  	_ =	shalt  }
0x42: {  	_ =	shalt  }
0x43: {  	_ =	shalt  }
0x44: {  	_ =	shalt  }
0x45: {  	_ =	shalt  }
0x46: {  	_ =	shalt  }
0x47: {  	_ =	shalt  }
0x48: {  	_ =	shalt  }
0x49: {  	_ =	shalt  }
0x4a: {  	_ =	shalt  }
0x4b: {  	_ =	shalt  }
0x4c: {  	_ =	shalt  }
0x4d: {  	_ =	shalt  }
0x4e: {  	_ =	shalt  }
0x4f: {  	_ =	shalt  }
0x50: {  	_ =	shalt  }
0x51: {  	_ =	shalt  }
0x52: {  	_ =	shalt  }
0x53: {  	_ =	shalt  }
0x54: {  	_ =	shalt  }
0x55: {  	_ =	shalt  }
0x56: {  	_ =	shalt  }
0x57: {  	_ =	shalt  }
0x58: {  	_ =	shalt  }
0x59: {  	_ =	shalt  }
0x5a: {  	_ =	shalt  }
0x5b: {  	_ =	shalt  }
0x5c: {  	_ =	shalt  }
0x5d: {  	_ =	shalt  }
0x5e: {  	_ =	shalt  }
0x5f: {  	_ =	shalt  }
0x60: {  	_ =	shalt  }
0x61: {  	_ =	shalt  }
0x62: {  	_ =	shalt  }
0x63: {  	_ =	shalt  }
0x64: {  	_ =	shalt  }
0x65: {  	_ =	shalt  }
0x66: {  	_ =	shalt  }
0x67: {  	_ =	shalt  }
0x68: {  	_ =	shalt  }
0x69: {  	_ =	shalt  }
0x6a: {  	_ =	shalt  }
0x6b: {  	_ =	shalt  }
0x6c: {  	_ =	shalt  }
0x6d: {  	_ =	shalt  }
0x6e: {  	_ =	shalt  }
0x6f: {  	_ =	shalt  }
0x70: {  	_ =	shalt  }
0x71: {  	_ =	shalt  }
0x72: {  	_ =	shalt  }
0x73: {  	_ =	shalt  }
0x74: {  	_ =	shalt  }
0x75: {  	_ =	shalt  }
0x76: {  	_ =	shalt  }
0x77: {  	_ =	shalt  }
0x78: {  	_ =	shalt  }
0x79: {  	_ =	shalt  }
0x7a: {  	_ =	shalt  }
0x7b: {  	_ =	shalt  }
0x7c: {  	_ =	shalt  }
0x7d: {  	_ =	shalt  }
0x7e: {  	_ =	shalt  }
0x7f: {  	_ =	shalt  }
0x80: {  	_ =	shalt  }
0x81: {  	_ =	shalt  }
0x82: {  	_ =	shalt  }
0x83: {  	_ =	shalt  }
0x84: {  	_ =	shalt  }
0x85: {  	_ =	shalt  }
0x86: {  	_ =	shalt  }
0x87: {  	_ =	shalt  }
.Lfunc_end0:
.L_simem_size_0:
called_computation_lowered:
.L_overlay_start_0:
0x88: {  	s2 =	sld [smem:$0x3FD9]  }
0x89: {  	s3 =	sld [smem:$0x3FFE];
	_ =	sdelay $0x1  }
0x8a: {  	s1 =	srdreg.scid  }
0x8b: {  	s0 =	sand.u32 $0x1, s1  }
0x8c: {  	s16 =	sshll.u32 s0, $0xA;
	s2 =	sadd.s32 s3, s2  }
0x8d: {  	s2 =	sadd.s32 s2, s16  }
0x8e: {  	[smem:$0x3FBC] =	sst s2  }
0x8f: {  	_ = 	snop  }
0x90: {  	(tm) =	ssettm $0x1  }
0x91: {  	s17 =	sld [smem:$0x3FFB];
	_ =	sdelay $0x3  }
0x92: {  	_ =	strace s17  }
0x93: {  	s2 =	sld [smem:$0x3FFC];
	_ =	sdelay $0x3  }
0x94: {  	_ =	strace s2  }
0x95: {  	s2 =	sld [smem:$0x3FFD];
	_ =	sdelay $0x3  }
0x96: {  	_ =	strace s2  }
0x97: {  	_ =	strace $0x8FFFFFFF  }
0x98: {  	s18 =	sld [smem:$0x3FDB];
	_ =	sdelay $0x1  }
0x99: {  	s19 =	simm.s32 $_scs_section_size  }
0x9a: {  	s4 =	simm.s32 $_size__tile_overlayer_lowered;
	s5 =	simm.s32 $_tile_overlayer_lowered  }
0x9b: {  	s22 =	simm.s32 $0x1BFF;
	s21 =	sshll.u32 s5, $0x1;
	s2 =	sadd.s32 s19, s18  }
0x9c: {  	s6 =	simm.s32 $0x0;
	s20 =	sshll.u32 s4, $0x1;
	s4 =	sadd.s32 s21, s2  }
0x9d: {  	[timem:s6], [sflag:s22] =	dma.local [hbm:s4], s20  }
0x9e: {  	_ =	swait.ge [sflag:s22], s20  }
0x9f: {  	s3 =	ssub.s32 $0x0, s20;
	[sflag:s22] =	ssyncset.done $0x0  }
0xa0: {  	[sflag:s22] =	ssyncadd.s32 s3;
	_ =	sdelay $0x1  }
0xa1: {  	s23 =	simm.s32 $0x1B8B  }
0xa2: {  	_ =	swait.ge [sflag:s23], $0x1  }
0xa3: {  	[sflag:s23] =	ssyncset.done $0x0  }
0xa4: {  	s25 =	simm.s32 $0x1B8E;
	s24 =	sld [smem:$0x3FFE];
	[sflag:s23] =	ssyncadd.s32 $0xFFFFFFFF  }
0xa5: {  	s26 =	simm.s32 $execute0_lowered;
	[smem:$0x3FD2] =	sst s25  }
0xa6: {  	s4 =	sshll.u32 s26, $0x1;
	_ =	strace $0x80000046;
	[dreg:$0x1] =	wrdreg $0xFFFFFFFF  }
0xa7: {  	s28 =	simm.s32 $_size_execute0_lowered;
	s2 =	sadd.s32 s2, s4;
	[dreg:$0x0] =	wrdreg $0x0  }
0xa8: {  	s4 =	sshll.u32 s28, $0x1;
	[dreg:$0x2] =	wrdreg s2  }
0xa9: {  	[dreg:$0x3] =	wrdreg s4  }
0xaa: {  	[dreg:$0x4] =	wrdreg $0xC0  }
0xab: {  	_ =	task [dreg:s6], $0x5FFFF  }
0xac: {  	[dreg:$0x1] =	wrdreg $0xFFFFFFFF  }
0xad: {  	[dreg:$0x0] =	wrdreg $0x60  }
0xae: {  	[dreg:$0x2] =	wrdreg s24  }
0xaf: {  	[dreg:$0x3] =	wrdreg $0x50800  }
0xb0: {  	[dreg:$0x4] =	wrdreg $0x9  }
0xb1: {  	_ =	task.clear_ibuf [dreg:s6], $0x5FFFF;
	_ =	strace $0x90000046  }
0xb2: {  	s29 =	simm.s32 $0x9;
	_ =	strace $0x80000048  }
0xb3: {  	_ =	swait.ge [sflag:s29], $0x1  }
0xb4: {  	[sflag:s29] =	ssyncadd.s32 $0xFFFFFFFF  }
0xb5: {  	_ =	strace $0x90000048  }
0xb6: {  	_ =	sfence  }
0xb7: {  	s30 =	sld [smem:$0x0];
	_ =	sdelay $0x2  }
0xb8: {  	s31 =	sshll.u32 s1, $0xD;
	s1 =	sshrl.u32 s1, $0x2  }
0xb9: {  	s3 =	sand.u32 $0x4000, s31;
	s1 =	sadd.s32 s1, s30  }
0xba: {  	s0 =	sor.u32 s3, s0;
	s1 =	sshll.u32 s1, $0x11  }
0xbb: {  	s0 =	sor.u32 s1, s0  }
0xbc: {  	s0 =	sadd.s32 $0x8F2B, s0  }
0xbd: {  	[sflag:s0] =	ssyncadd.remote.s32 $0x1  }
0xbe: {  	_ =	sfence.sel $0xFFFF  }
0xbf: {  	[dreg:$0x0] =	wrdreg $0xFFFFFFFF;
	(pc) =	sbr.abs _section_cstart, $3  }
0xc0: {  	[dreg:$0x1] =	wrdreg $0xFFFFFFFF  }
0xc1: {  	_ =	task.clear_ibuf [dreg:s6], $0x2FFFF;
	_ =	strace $0x9FFFFFFF  }
0xc2: {  	(tm) =	ssettm $0x7FFFFFFF  }
0xc3: {  	_ =	shalt  }
tec
execute0_lowered:
.L_overlay_start_1:
0x0: {  	(tag) =	ssettag $0x1  }
0x1: {  	s0 =	srdreg.scid  }
0x2: {  	s3 =	rddreg [dreg:$0x0];
	s6 =	stileid.u32  }
0x3: {  	s1 =	rddreg [dreg:$0x1];
	s2 =	simm.s32 $0x0;
	s9 =	simm.s32 $0x5000  }
0x4: {  	s4 =	sand.u32 $0x1, s0;
	s7 =	smul.u32 $0x50, s6;
	s0 =	rddreg [dreg:$0x2]  }
0x5: {  	[smem:$0x7FF] =	sst s2;
	p0 =	sne.s32 s6, $0x0;
	s5 =	smul.u32 $0x500, s4  }
0x6: {  	s6 =	simm.s32 $0x1;
	s4 =	ssub.s32 $0x2, s4;
	_ =	strace $0x80000047  }
0x7: {  	s10 =	sshrl.u32 @!p0 s1, $0x3;
	s8 =	sshrl.u32 s4, $0x1;
	s7 =	sadd.s32 s7, s5  }
0x8: {  	v0 =	vlaneseq.u32;
	s5 =	sadd.s32 s5, s3;
	s8 =	ssub.s32 s4, s8;
	s7 =	sshll.u32 s7, $0x4  }
0x9: {  	v1 =	vimm.f32 $0.0e+00;
	v6 =	vimm.f32 $1.000000000e+00;
	v2 =	vor.u32 $0x10, v0;
	s4 =	sadd.s32 $0xD800, s5;
	s5 =	smax.u32 s8, $0x1;
	s7 =	sadd.s32 s7, s3  }
0xa: {  	v3 =	vor.u32 $0x20, v0;
	v4 =	vor.u32 $0x30, v0;
	v5 =	vor.u32 $0x40, v0;
	s8 =	simm.s32 $0x50;
	s3 =	sadd.s32 $0x3800, s7;
	s7 =	simm.s32 $0x2800  }
.LBB2_1:
0xb: {  	s11 =	simm.s32 $0x0;
	s12 =	simm.s32 $0x200  }
.LBB2_2:
0xc: {  	p1 =	sne.s32 s12, $0x9E00;
	[tilespmem:s11+$0x2870] =	vst v1  }
0xd: {  	[tilespmem:s11+$0x2800] =	vst v1  }
0xe: {  	[tilespmem:s11+$0x2810] =	vst v1  }
.Ltmp0:
0xf: {  	[tilespmem:s11+$0x2820] =	vst v1;
	(pc) =	sbr.rel @p1 .LBB2_2-.Ltmp0, $4  }
0x10: {  	[tilespmem:s11+$0x2830] =	vst v1  }
0x11: {  	[tilespmem:s11+$0x2840] =	vst v1  }
0x12: {  	[tilespmem:s11+$0x2850] =	vst v1  }
0x13: {  	[tilespmem:s11+$0x2860] =	vst v1;
	s11 =	sshra.s32 s12, $0x2;
	s12 =	sadd.s32 $0x200, s12  }
0x14: {  	[tilespmem:s11+$0x2870] =	vst v1  }
0x15: {  	[tilespmem:s11+$0x2800] =	vst v1  }
0x16: {  	[tilespmem:s11+$0x2810] =	vst v1  }
0x17: {  	[tilespmem:s11+$0x2820] =	vst v1  }
0x18: {  	[tilespmem:s11+$0x2830] =	vst v1  }
0x19: {  	[tilespmem:s11+$0x2840] =	vst v1  }
0x1a: {  	[tilespmem:s11+$0x2850] =	vst v1  }
0x1b: {  	[tilespmem:s11+$0x2860] =	vst v1  }
0x1c: {  	[tilespmem:$0x5000] =	vst v0  }
0x1d: {  	[tilespmem:$0x5010] =	vst v2  }
0x1e: {  	[tilespmem:$0x5020] =	vst v3  }
0x1f: {  	[tilespmem:$0x5030] =	vst v4  }
0x20: {  	s11 =	simm.s32 @!p0 $0x2800;
	[tilespmem:$0x5040] =	vst v5  }
0x21: {  	[spmem:s1] =	stream.linear.scatter @!p0 [tilespmem:s11], [sflag:$0x1], $0x2800, $0x38;
	[tilespmem:$0x5300] =	vst v63  }
0x22: {  	s11 =	simm.s32 @!p0 $0x1  }
0x23: {  	_ =	swait.ge @!p0 [sflag:s11], $0x2800  }
0x24: {  	[sflag:s11] =	ssyncset.done @!p0 $0x0  }
0x25: {  	[sflag:s11] =	ssyncadd.s32 @!p0 $0xFFFFD800;
	s11 =	simm.s32 $0x0  }
0x26: {  	[tilespmem:s11], [sflag:$0x1] =	stream.linear.gather [hbm4b:s3+s11], $0x2800, $0x38;
	[tilespmem:$0x5300] =	vst v63  }
0x27: {  	_ =	swait.ge [sflag:s6], $0x2800  }
0x28: {  	[sflag:s6] =	ssyncset.done $0x0  }
0x29: {  	[sflag:s6] =	ssyncadd.s32 $0xFFFFD800  }
0x2a: {  	[bflag:$0x0] =	sbarrier.arrive $0xFFFF  }
.LBB2_4:
0x2b: {  	s12 =	sshra.s32 s11, $0x2  }
0x2c: {  	v7 =	vld [tilespmem:s12+$0x0];
	_ =	sdelay $0x7  }
0x2d: {  	[tilespmem:v7+s7+$0x0] =	vst.idx.add.f32.msk $0xffff, v6  }
0x2e: {  	v7 =	vld [tilespmem:s12+$0x10];
	_ =	sdelay $0x7  }
0x2f: {  	[tilespmem:v7+s7+$0x0] =	vst.idx.add.f32.msk $0xffff, v6  }
0x30: {  	v7 =	vld [tilespmem:s12+$0x20];
	_ =	sdelay $0x7  }
0x31: {  	[tilespmem:v7+s7+$0x0] =	vst.idx.add.f32.msk $0xffff, v6  }
0x32: {  	v7 =	vld [tilespmem:s12+$0x30];
	_ =	sdelay $0x7  }
0x33: {  	[tilespmem:v7+s7+$0x0] =	vst.idx.add.f32.msk $0xffff, v6  }
0x34: {  	v7 =	vld [tilespmem:s12+$0x40];
	_ =	sdelay $0x7  }
0x35: {  	[tilespmem:v7+s7+$0x0] =	vst.idx.add.f32.msk $0xffff, v6  }
0x36: {  	v7 =	vld [tilespmem:s12+$0x50];
	_ =	sdelay $0x7  }
0x37: {  	[tilespmem:v7+s7+$0x0] =	vst.idx.add.f32.msk $0xffff, v6  }
0x38: {  	v7 =	vld [tilespmem:s12+$0x60];
	_ =	sdelay $0x7  }
0x39: {  	[tilespmem:v7+s7+$0x0] =	vst.idx.add.f32.msk $0xffff, v6  }
0x3a: {  	v7 =	vld [tilespmem:s12+$0x70];
	_ =	sdelay $0x2  }
0x3b: {  	p1 =	sne.s32 s11, $0x9E00  }
.Ltmp1:
0x3c: {  	_ = 	snop;
	(pc) =	sbr.rel @p1 .LBB2_4-.Ltmp1, $2  }
0x3d: {  	_ =	sdelay $0x2  }
0x3e: {  	s11 =	sadd.s32 $0x200, s11;
	[tilespmem:v7+s7+$0x0] =	vst.idx.add.f32.msk $0xffff, v6  }
0x3f: {  	[bflag:$0x0] =	sbarrier.arrive $0xFFFF  }
0x40: {  	[spmem:s1] =	stream.indirect.scatter.add.f32 [tilespmem:s7], [sflag:$0x1], $0x80, s9, s8, $0xb8;
	[tilespmem:$0x5300] =	vst v63  }
0x41: {  	_ =	swait.ge [sflag:s6], $0x2800  }
0x42: {  	[sflag:s6] =	ssyncset.done $0x0  }
0x43: {  	s2 =	sadd.s32 $0x1, s2;
	[sflag:s6] =	ssyncadd.s32 $0xFFFFD800  }
0x44: {  	s11 =	simm.s32 @!p0 $0x1C01;
	p1 =	sne.s32 s2, s5;
	[bflag:$0x0] =	sbarrier.arrive $0xFFFF  }
0x45: {  	[hbm:s4], [sflag:s11] =	dma.local @!p0 [spmem:s10], $0x500  }
.Ltmp2:
0x46: {  	_ = 	snop;
	(pc) =	sbr.rel @p1 .LBB2_1-.Ltmp2, $4  }
0x47: {  	s11 =	simm.s32 @!p0 $0x1  }
0x48: {  	_ =	swait.ge @!p0 [sflag:s11], $0x500  }
0x49: {  	[sflag:s11] =	ssyncset.done @!p0 $0x0  }
0x4a: {  	[sflag:s11] =	ssyncadd.s32 @!p0 $0xFFFFFB00  }
0x4b: {  	_ =	sfence.sel $0x180000  }
0x4c: {  	[bflag:$0x0] =	sbarrier.arrive $0xFFFF  }
0x4d: {  	_ =	strace $0x90000047  }
0x4e: {  	s0 =	sadd.s32 @!p0 $0x100000, s0;
	[bflag:$0x2] =	sbarrier.arrive $0xFFFF  }
0x4f: {  	[sflag:s0] =	ssyncadd.tile.s32 @!p0 $0x1;
	_ =	shalt  }
.Lfunc_end2:
_tile_overlayer_lowered:
.L_overlay_start_2:
0x50: {  	(tag) =	ssettag $0x2  }
0x51: {  	s0 =	rddreg [dreg:$0x0];
	s2 =	stileid.u32  }
0x52: {  	s1 =	rddreg [dreg:$0x1];
	p0 =	sne.s32 s2, $0x0  }
0x53: {  	s3 =	rddreg [dreg:$0x2];
	[bflag:$0x3] =	sbarrier.arrive $0xFFFF;
	s2 =	simm.s32 @!p0 $0x1C01  }
0x54: {  	[timem:s3], [sflag:s2] =	dma.local @!p0 [hbm:s0], s1  }
0x55: {  	s0 =	simm.s32 @!p0 $0x1  }
0x56: {  	_ =	swait.ge @!p0 [sflag:s0], s1  }
0x57: {  	s1 =	ssub.s32 @!p0 $0x0, s1;
	[sflag:s0] =	ssyncset.done @!p0 $0x0  }
0x58: {  	[sflag:s0] =	ssyncadd.s32 @!p0 s1  }
0x59: {  	[bflag:$0x3] =	sbarrier.arrive $0xFFFF  }
0x5a: {  	_ =	shalt  }

// kernel: kernel.13.cloned.1.call-start
scs
__scs_entry_jumppad:
0x0: {  	(pc) =	sbr.rel $0x88, $3  }
0x1: {  	(tag) =	ssettag $0x0;
	lr =	simm.s32 $0x1  }
0x2: {  	[smem:$0x3F95] =	sst lr;
	_ =	strace $0xD0000000  }
0x3: {  	_ = 	snop  }
0x4: {  	_ = 	snop  }
0x5: {  	_ = 	snop  }
0x6: {  	_ = 	snop  }
0x7: {  	_ = 	snop  }
__scs_overlays_trampoline_lowered:
0x8: {  	[smem:$0x3FA4] =	sst s0  }
0x9: {  	[smem:$0x3FA5] =	sst s1  }
0xa: {  	[smem:$0x3FA6] =	sst s2  }
0xb: {  	[smem:$0x3FA7] =	sst s3  }
0xc: {  	[smem:$0x3FA8] =	sst s4  }
0xd: {  	[smem:$0x3FA9] =	sst s5  }
0xe: {  	[smem:$0x3FAA] =	sst s6  }
0xf: {  	[smem:$0x3FAB] =	sst s7  }
0x10: {  	[smem:$0x3FAC] =	sst s8  }
0x11: {  	[smem:$0x3FAD] =	sst s9;
	s0 =	simm.s32 @!p0 $0x0  }
0x12: {  	s1 =	sld [smem:$0x3F93];
	s0 =	simm.s32 @p0 $0x1  }
0x13: {  	[smem:$0x3FAE] =	sst s0;
	s0 =	simm.s32 @!p1 $0x0  }
0x14: {  	s2 =	sld [smem:$0x3F92];
	s0 =	simm.s32 @p1 $0x1  }
0x15: {  	[smem:$0x3FAF] =	sst s0;
	s0 =	simm.s32 @!p2 $0x0  }
0x16: {  	s3 =	sld [smem:$0x3FDB];
	s0 =	simm.s32 @p2 $0x1  }
0x17: {  	s4 =	simm.s32 $0x1BF5;
	[smem:$0x3FB1] =	sst s0  }
0x18: {  	s0 =	sld [smem:$0x3F94];
	_ =	swait.ge [sflag:s4], $0x0  }
0x19: {  	s7 =	sld [smem:$0x3F95]  }
0x1a: {  	s8 =	sadd.s32 $0xFFFFE003, lr  }
0x1b: {  	s9 =	sadd.s32 $0xFFFFFEF7, lr;
	s5 =	simm.s32 $0xFFFFFFFF;
	p2 =	slt.u32 s8, $0xFFFFF086  }
0x1c: {  	p1 =	slt.u32 s9, $0xF7A;
	s5 =	simm.s32 @!p2 $0x0  }
0x1d: {  	s5 =	simm.s32 @p1 $0x1;
	p0 =	seq.s32 s7, s2  }
0x1e: {  	s7 =	smul.u32 @!p0 $0xF7A, s2;
	p2 =	seq.s32 @!p0 s5, $0x0  }
0x1f: {  	s9 =	smul.u32 $0xF7A, s1;
	s8 =	simm.s32 @!p0 $0x1BF5;
	p2 =	por !p2, p0  }
0x20: {  	[sflag:s8] =	ssyncset.s32 @!p0 $0xFFFFF086;
	s6 =	sadd.s32 @!p0 s3, s7;
	s7 =	simm.s32 @!p0 $0x108  }
0x21: {  	s3 =	sadd.s32 s3, s9;
	s6 =	sadd.s32 @!p0 $0x88, s6;
	s7 =	simm.s32 @p2 $0x1082  }
0x22: {  	[simem:s7], [sflag:s8] =	dma.local @!p0 [hbm:s6], $0xF7A  }
0x23: {  	s9 =	sor.u32 $0xD0000000, s2;
	s6 =	simm.s32 $0x108;
	_ =	swait.ge @!p0 [sflag:s8], $0x0  }
0x24: {  	s3 =	sadd.s32 $0x88, s3;
	s6 =	simm.s32 @!p1 $0x1082;
	[sflag:s4] =	ssyncset.s32 $0xFFFFF086  }
0x25: {  	[simem:s6], [sflag:s4] =	dma.local [hbm:s3], $0xF7A  }
0x26: {  	[smem:$0x3F95] =	sst s1;
	(tag) =	ssettag s2;
	_ =	strace s9  }
0x27: {  	s1 =	sld [smem:$0x3FA5]  }
0x28: {  	s2 =	sld [smem:$0x3FA6]  }
0x29: {  	s4 =	sld [smem:$0x3FA8]  }
0x2a: {  	p0 =	seq.s32 s5, $0x0;
	s5 =	sld [smem:$0x3FA9]  }
0x2b: {  	s6 =	sld [smem:$0x3FAA]  }
0x2c: {  	s7 =	sld [smem:$0x3FAB]  }
0x2d: {  	s3 =	simm.s32 $0x108;
	s8 =	sld [smem:$0x3FAC]  }
0x2e: {  	s3 =	simm.s32 @!p0 $0x1082;
	s9 =	sld [smem:$0x3FAD]  }
0x2f: {  	lr =	sadd.s32 s0, s3;
	s0 =	sld [smem:$0x3FA4]  }
0x30: {  	s3 =	sld [smem:$0x3FA7]  }
0x31: {  	[smem:$0x3FB0] =	sst s10  }
0x32: {  	s10 =	sld [smem:$0x3FAE];
	_ =	sdelay $0x3  }
0x33: {  	p0 =	seq.s32 s10, $0x1;
	s10 =	sld [smem:$0x3FB0];
	_ =	sdelay $0x3  }
0x34: {  	[smem:$0x3FB0] =	sst s10  }
0x35: {  	s10 =	sld [smem:$0x3FAF];
	_ =	sdelay $0x3  }
0x36: {  	p1 =	seq.s32 s10, $0x1;
	s10 =	sld [smem:$0x3FB0];
	_ =	sdelay $0x3  }
0x37: {  	[smem:$0x3FB0] =	sst s10  }
0x38: {  	s10 =	sld [smem:$0x3FB1]  }
0x39: {  	_ = 	snop;
	(pc) =	sbr.ind lr, $3  }
0x3a: {  	_ = 	snop  }
0x3b: {  	_ = 	snop  }
0x3c: {  	p2 =	seq.s32 s10, $0x1;
	s10 =	sld [smem:$0x3FB0]  }
0x3d: {  	_ =	shalt  }
0x3e: {  	_ =	shalt  }
0x3f: {  	_ =	shalt  }
0x40: {  	_ =	shalt  }
0x41: {  	_ =	shalt  }
0x42: {  	_ =	shalt  }
0x43: {  	_ =	shalt  }
0x44: {  	_ =	shalt  }
0x45: {  	_ =	shalt  }
0x46: {  	_ =	shalt  }
0x47: {  	_ =	shalt  }
0x48: {  	_ =	shalt  }
0x49: {  	_ =	shalt  }
0x4a: {  	_ =	shalt  }
0x4b: {  	_ =	shalt  }
0x4c: {  	_ =	shalt  }
0x4d: {  	_ =	shalt  }
0x4e: {  	_ =	shalt  }
0x4f: {  	_ =	shalt  }
0x50: {  	_ =	shalt  }
0x51: {  	_ =	shalt  }
0x52: {  	_ =	shalt  }
0x53: {  	_ =	shalt  }
0x54: {  	_ =	shalt  }
0x55: {  	_ =	shalt  }
0x56: {  	_ =	shalt  }
0x57: {  	_ =	shalt  }
0x58: {  	_ =	shalt  }
0x59: {  	_ =	shalt  }
0x5a: {  	_ =	shalt  }
0x5b: {  	_ =	shalt  }
0x5c: {  	_ =	shalt  }
0x5d: {  	_ =	shalt  }
0x5e: {  	_ =	shalt  }
0x5f: {  	_ =	shalt  }
0x60: {  	_ =	shalt  }
0x61: {  	_ =	shalt  }
0x62: {  	_ =	shalt  }
0x63: {  	_ =	shalt  }
0x64: {  	_ =	shalt  }
0x65: {  	_ =	shalt  }
0x66: {  	_ =	shalt  }
0x67: {  	_ =	shalt  }
0x68: {  	_ =	shalt  }
0x69: {  	_ =	shalt  }
0x6a: {  	_ =	shalt  }
0x6b: {  	_ =	shalt  }
0x6c: {  	_ =	shalt  }
0x6d: {  	_ =	shalt  }
0x6e: {  	_ =	shalt  }
0x6f: {  	_ =	shalt  }
0x70: {  	_ =	shalt  }
0x71: {  	_ =	shalt  }
0x72: {  	_ =	shalt  }
0x73: {  	_ =	shalt  }
0x74: {  	_ =	shalt  }
0x75: {  	_ =	shalt  }
0x76: {  	_ =	shalt  }
0x77: {  	_ =	shalt  }
0x78: {  	_ =	shalt  }
0x79: {  	_ =	shalt  }
0x7a: {  	_ =	shalt  }
0x7b: {  	_ =	shalt  }
0x7c: {  	_ =	shalt  }
0x7d: {  	_ =	shalt  }
0x7e: {  	_ =	shalt  }
0x7f: {  	_ =	shalt  }
0x80: {  	_ =	shalt  }
0x81: {  	_ =	shalt  }
0x82: {  	_ =	shalt  }
0x83: {  	_ =	shalt  }
0x84: {  	_ =	shalt  }
0x85: {  	_ =	shalt  }
0x86: {  	_ =	shalt  }
0x87: {  	_ =	shalt  }
.Lfunc_end0:
.L_simem_size_0:
called_computation.1_lowered:
.L_overlay_start_0:
0x88: {  	s2 =	sld [smem:$0x3FD9]  }
0x89: {  	s3 =	sld [smem:$0x3FFE];
	_ =	sdelay $0x1  }
0x8a: {  	s1 =	srdreg.scid  }
0x8b: {  	s0 =	sand.u32 $0x1, s1  }
0x8c: {  	s17 =	sshll.u32 s0, $0xA;
	s2 =	sadd.s32 s3, s2  }
0x8d: {  	s2 =	sadd.s32 s2, s17  }
0x8e: {  	[smem:$0x3FBC] =	sst s2  }
0x8f: {  	_ = 	snop  }
0x90: {  	s2 =	sld [smem:$0x3FD0];
	(tm) =	ssettm $0x1  }
0x91: {  	s18 =	sld [smem:$0x3FFB];
	_ =	sdelay $0x3  }
0x92: {  	_ =	strace s18  }
0x93: {  	s3 =	sld [smem:$0x3FFC];
	_ =	sdelay $0x3  }
0x94: {  	_ =	strace s3  }
0x95: {  	s3 =	sld [smem:$0x3FFD];
	_ =	sdelay $0x3  }
0x96: {  	_ =	strace s3  }
0x97: {  	_ =	strace $0x8FFFFFFF  }
0x98: {  	s19 =	sld [smem:$0x3FDB];
	_ =	sdelay $0x1  }
0x99: {  	s4 =	simm.s32 $_scs_section_size  }
0x9a: {  	s5 =	simm.s32 $_size__tile_overlayer_lowered;
	s6 =	simm.s32 $_tile_overlayer_lowered  }
0x9b: {  	s22 =	simm.s32 $0x1BFF;
	s21 =	sshll.u32 s6, $0x1;
	s3 =	sadd.s32 s4, s19  }
0x9c: {  	s7 =	simm.s32 $0x0;
	s20 =	sshll.u32 s5, $0x1;
	s5 =	sadd.s32 s21, s3  }
0x9d: {  	[timem:s7], [sflag:s22] =	dma.local [hbm:s5], s20  }
0x9e: {  	_ =	swait.ge [sflag:s22], s20  }
0x9f: {  	s4 =	ssub.s32 $0x0, s20;
	[sflag:s22] =	ssyncset.done $0x0  }
0xa0: {  	[sflag:s22] =	ssyncadd.s32 s4;
	_ =	sdelay $0x1  }
0xa1: {  	s23 =	simm.s32 $0x1B8B  }
0xa2: {  	_ =	swait.ge [sflag:s23], $0x1  }
0xa3: {  	[sflag:s23] =	ssyncset.done $0x0  }
0xa4: {  	s25 =	simm.s32 $0x1B8E;
	s24 =	sld [smem:$0x3FFE];
	[sflag:s23] =	ssyncadd.s32 $0xFFFFFFFF  }
0xa5: {  	s26 =	simm.s32 $execute0_lowered;
	[smem:$0x3FD2] =	sst s25  }
0xa6: {  	s5 =	sshll.u32 s26, $0x1;
	_ =	strace $0x80000049;
	[dreg:$0x1] =	wrdreg $0xFFFFFFFF  }
0xa7: {  	s28 =	simm.s32 $_size_execute0_lowered;
	s3 =	sadd.s32 s3, s5;
	[dreg:$0x0] =	wrdreg $0x0  }
0xa8: {  	s5 =	sshll.u32 s28, $0x1;
	[dreg:$0x2] =	wrdreg s3  }
0xa9: {  	[dreg:$0x3] =	wrdreg s5  }
0xaa: {  	[dreg:$0x4] =	wrdreg $0xC0  }
0xab: {  	_ =	task [dreg:s7], $0x5FFFF  }
0xac: {  	[dreg:$0x1] =	wrdreg $0xFFFFFFFF  }
0xad: {  	[dreg:$0x0] =	wrdreg $0x60  }
0xae: {  	[dreg:$0x2] =	wrdreg s24  }
0xaf: {  	[dreg:$0x3] =	wrdreg s2  }
0xb0: {  	[dreg:$0x4] =	wrdreg $0xB0000  }
0xb1: {  	[dreg:$0x5] =	wrdreg $0x9  }
0xb2: {  	_ =	task.clear_ibuf [dreg:s7], $0x6FFFF;
	_ =	strace $0x90000049  }
0xb3: {  	s29 =	simm.s32 $0x9;
	_ =	strace $0x8000004B  }
0xb4: {  	_ =	swait.ge [sflag:s29], $0x1  }
0xb5: {  	[sflag:s29] =	ssyncadd.s32 $0xFFFFFFFF  }
0xb6: {  	_ =	strace $0x9000004B  }
0xb7: {  	_ =	sfence  }
0xb8: {  	s30 =	sld [smem:$0x0];
	_ =	sdelay $0x2  }
0xb9: {  	s31 =	sshll.u32 s1, $0xD;
	s1 =	sshrl.u32 s1, $0x2  }
0xba: {  	s3 =	sand.u32 $0x4000, s31;
	s1 =	sadd.s32 s1, s30  }
0xbb: {  	s0 =	sor.u32 s3, s0;
	s1 =	sshll.u32 s1, $0x11  }
0xbc: {  	s0 =	sor.u32 s1, s0  }
0xbd: {  	s0 =	sadd.s32 $0x8F2B, s0  }
0xbe: {  	[sflag:s0] =	ssyncadd.remote.s32 $0x1  }
0xbf: {  	_ =	sfence.sel $0xFFFF  }
0xc0: {  	[dreg:$0x0] =	wrdreg $0xFFFFFFFF;
	(pc) =	sbr.abs _section_cstart, $3  }
0xc1: {  	[dreg:$0x1] =	wrdreg $0xFFFFFFFF  }
0xc2: {  	_ =	task.clear_ibuf [dreg:s7], $0x2FFFF;
	_ =	strace $0x9FFFFFFF  }
0xc3: {  	(tm) =	ssettm $0x7FFFFFFF  }
tec
execute0_lowered:
.L_overlay_start_1:
0x0: {  	(tag) =	ssettag $0x1  }
0x1: {  	s0 =	rddreg [dreg:$0x0];
	s1 =	srdreg.scid  }
0x2: {  	s3 =	rddreg [dreg:$0x1];
	s11 =	stileid.u32  }
0x3: {  	s2 =	rddreg [dreg:$0x2];
	s7 =	simm.s32 $0x0;
	s14 =	simm.s32 $0x7  }
0x4: {  	s15 =	simm.s32 $0x2800;
	s16 =	simm.s32 $0x5;
	s17 =	simm.s32 $0x2C00  }
0x5: {  	s18 =	simm.s32 $0x80;
	s19 =	simm.s32 $0x3000;
	s28 =	simm.s32 $0x2980  }
0x6: {  	s29 =	simm.s32 $0x2A00;
	s30 =	simm.s32 $0x2A80;
	s5 =	smul.u32 $0x50, s11  }
0x7: {  	s31 =	simm.s32 $0x2B00;
	s12 =	simm.s32 $0x2F00;
	s6 =	smul.u32 $0x13C00, s11  }
0x8: {  	s1 =	sand.u32 $0x1, s1;
	[smem:$0x7FF] =	sst s7;
	s8 =	smul.u32 $0x4F000, s11  }
0x9: {  	s22 =	sshll.u32 s11, $0x6;
	s11 =	simm.s32 $0x2E80;
	s4 =	smul.u32 $0x500, s1  }
0xa: {  	s20 =	smul.u32 $0x13C000, s1;
	_ =	strace $0x8000004A;
	s1 =	ssub.s32 $0x2, s1  }
0xb: {  	s10 =	sshrl.u32 s1, $0x1;
	s21 =	sshrl.u32 s8, $0x2;
	s8 =	simm.s32 $0x2D00  }
0xc: {  	s5 =	sadd.s32 s5, s4;
	s4 =	sadd.s32 $0xD800, s0;
	s7 =	sadd.s32 s6, s20  }
0xd: {  	s1 =	ssub.s32 s1, s10;
	s6 =	sshrl.u32 s6, $0x3;
	s10 =	simm.s32 $0x2E00  }
0xe: {  	s20 =	simm.s32 $0x0;
	s5 =	sshll.u32 s5, $0x4;
	s7 =	sshrl.u32 s7, $0x3  }
0xf: {  	s6 =	sadd.s32 s4, s6;
	s25 =	smax.u32 s1, $0x1;
	s1 =	simm.s32 $0x2B80  }
0x10: {  	s9 =	sadd.s32 s5, s0;
	s0 =	sadd.s32 s7, s0;
	s7 =	sadd.s32 s21, s2  }
0x11: {  	[dreg:$0x4] =	wrdreg s6;
	s6 =	sor.u32 $0x1C07, s22;
	s3 =	sadd.s32 s3, s5  }
0x12: {  	[dreg:$0xa] =	wrdreg s25;
	s21 =	simm.s32 $0x7000;
	s22 =	simm.s32 $0x1  }
0x13: {  	s25 =	simm.s32 $0x2;
	s5 =	simm.s32 $0x2C80;
	[dreg:$0x6] =	wrdreg s3  }
0x14: {  	s23 =	sadd.s32 $0x3800, s9;
	s24 =	sadd.s32 $0x80, s3;
	[dreg:$0x5] =	wrdreg s6  }
.Ltmp0:
0x15: {  	s0 =	sadd.s32 $0x35000, s0;
	[dreg:$0x7] =	wrdreg s23;
	(pc) =	sbr.rel .LBB2_1-.Ltmp0, $4  }
0x16: {  	s26 =	sadd.s32 $0x100, s3;
	s13 =	sshrl.u32 s7, $0x3;
	[dreg:$0x8] =	wrdreg s24  }
0x17: {  	s9 =	simm.s32 $0x2D80;
	s7 =	simm.s32 $0x2F80;
	[dreg:$0x9] =	wrdreg s0  }
0x18: {  	[dreg:$0xb] =	wrdreg s26;
	s23 =	simm.s32 $0x3;
	s24 =	simm.s32 $0x2900  }
0x19: {  	s26 =	simm.s32 $0x4;
	s0 =	simm.s32 $0x6;
	[dreg:$0xc] =	wrdreg s13  }
.LBB2_4:
0x1a: {  	_ =	swait.ge [sflag:s25], $0x4000  }
0x1b: {  	[sflag:s25] =	ssyncset.done $0x0  }
0x1c: {  	[sflag:s25] =	ssyncadd.s32 $0xFFFFC000  }
0x1d: {  	[spmem:s2] =	stream.indirect.scatter.add.f32 [tilespmem:s21], [sflag:$0x4], $0x80, s14, s18, $0xb8;
	[tilespmem:$0x1EC00] =	vst v63  }
0x1e: {  	_ =	swait.ge [sflag:s26], $0x4000  }
0x1f: {  	[sflag:s26] =	ssyncset.done $0x0  }
0x20: {  	[sflag:s26] =	ssyncadd.s32 $0xFFFFC000  }
0x21: {  	[bflag:$0x0] =	sbarrier.arrive $0xFFFF  }
0x22: {  	s6 =	rddreg [dreg:$0x5]  }
0x23: {  	s3 =	rddreg [dreg:$0x9]  }
0x24: {  	s14 =	simm.s32 $0x7;
	s13 =	rddreg [dreg:$0xc]  }
0x25: {  	[hbm:s3], [sflag:s6] =	dma.local [spmem:s13], $0x2780  }
0x26: {  	_ =	swait.ge [sflag:s14], $0x2780  }
0x27: {  	s20 =	rddreg [dreg:$0xd]  }
0x28: {  	s3 =	rddreg [dreg:$0xa];
	s20 =	sadd.s32 $0x1, s20  }
0x29: {  	p0 =	sne.s32 s20, s3  }
.Ltmp1:
0x2a: {  	_ = 	snop;
	(pc) =	sbr.rel @!p0 .LBB2_5-.Ltmp1, $3  }
0x2b: {  	_ =	sdelay $0x1  }
0x2c: {  	[sflag:s14] =	ssyncset.done $0x0  }
0x2d: {  	[sflag:s14] =	ssyncadd.s32 $0xFFFFD880  }
.LBB2_1:
0x2e: {  	[dreg:$0xd] =	wrdreg s20  }
0x2f: {  	s3 =	rddreg [dreg:$0x4]  }
0x30: {  	[spmem:s13], [sflag:s6] =	dma.local [hbm:s3], $0x2780  }
0x31: {  	_ =	swait.ge [sflag:s14], $0x2780  }
0x32: {  	[sflag:s14] =	ssyncset.done $0x0  }
0x33: {  	s3 =	simm.s32 $0x0;
	s20 =	rddreg [dreg:$0x7];
	[sflag:s14] =	ssyncadd.s32 $0xFFFFD880  }
0x34: {  	[tilespmem:s3], [sflag:$0x7] =	stream.linear.gather [hbm4b:s20+s3], $0x2800, $0x38;
	[tilespmem:$0x1EC00] =	vst v63  }
0x35: {  	_ =	swait.ge [sflag:s14], $0x2800  }
0x36: {  	[sflag:s14] =	ssyncset.done $0x0  }
0x37: {  	s13 =	rddreg [dreg:$0x6];
	[sflag:s14] =	ssyncadd.s32 $0xFFFFD800  }
0x38: {  	[tilespmem:s15], [sflag:$0x5] =	stream.linear.gather [hbm4b:s13+s3], $0x400, $0x38;
	[tilespmem:$0x1EC00] =	vst v63  }
0x39: {  	_ =	swait.ge [sflag:s16], $0x400  }
0x3a: {  	[sflag:s16] =	ssyncset.done $0x0  }
0x3b: {  	s14 =	rddreg [dreg:$0x8];
	[sflag:s16] =	ssyncadd.s32 $0xFFFFFC00  }
0x3c: {  	[tilespmem:s17], [sflag:$0x6] =	stream.linear.gather [hbm4b:s14+s3], $0x400, $0x38;
	[tilespmem:$0x1EC00] =	vst v63  }
0x3d: {  	[bflag:$0x0] =	sbarrier.arrive $0xFFFF  }
0x3e: {  	[tilespmem:s19], [sflag:$0x1] =	stream.indirect.gather [hbm4b:s4+s18], $0x80, s15, s18, $0xb8;
	[tilespmem:$0x1EC00] =	vst v63  }
0x3f: {  	s6 =	simm.s32 $0x0;
	s20 =	simm.s32 $0x2880;
	s13 =	rddreg [dreg:$0xb]  }
0x40: {  	[tilespmem:s21], [sflag:$0x2] =	stream.indirect.gather [hbm4b:s4+s18], $0x80, s20, s18, $0xb8;
	[tilespmem:$0x1EC00] =	vst v63  }
.LBB2_2:
0x41: {  	p0 =	seq.s32 s6, $0x0  }
0x42: {  	s14 =	sadd.s32 @!p0 $0xFFFFFF80, s13;
	s3 =	simm.s32 @!p0 $0x0;
	s20 =	simm.s32 @!p0 $0x2C00  }
0x43: {  	[tilespmem:s20], [sflag:$0x6] =	stream.linear.gather @!p0 [hbm4b:s14+s3], $0x400, $0x38;
	[tilespmem:$0x1EC00] =	vst v63  }
0x44: {  	_ =	swait.ge [sflag:s22], $0x4000  }
0x45: {  	[sflag:s22] =	ssyncset.done $0x0  }
0x46: {  	s14 =	sshra.s32 s6, $0x2;
	[sflag:s22] =	ssyncadd.s32 $0xFFFFC000  }
0x47: {  	[spmem:s2] =	stream.indirect.scatter.add.f32 [tilespmem:s19], [sflag:$0x3], $0x80, s14, s18, $0xb8;
	[tilespmem:$0x1EC00] =	vst v63  }
0x48: {  	_ =	swait.ge [sflag:s23], $0x4000  }
0x49: {  	[sflag:s23] =	ssyncset.done $0x0  }
0x4a: {  	[sflag:s23] =	ssyncadd.s32 $0xFFFFC000  }
0x4b: {  	[tilespmem:s19], [sflag:$0x1] =	stream.indirect.gather [hbm4b:s4+s18], $0x80, s24, s18, $0xb8;
	[tilespmem:$0x1EC00] =	vst v63  }
0x4c: {  	_ =	swait.ge [sflag:s25], $0x4000  }
0x4d: {  	[sflag:s25] =	ssyncset.done $0x0  }
0x4e: {  	s20 =	sadd.s32 $0x80, s14;
	[sflag:s25] =	ssyncadd.s32 $0xFFFFC000  }
0x4f: {  	[spmem:s2] =	stream.indirect.scatter.add.f32 [tilespmem:s21], [sflag:$0x4], $0x80, s20, s18, $0xb8;
	[tilespmem:$0x1EC00] =	vst v63  }
0x50: {  	_ =	swait.ge [sflag:s26], $0x4000  }
0x51: {  	[sflag:s26] =	ssyncset.done $0x0  }
0x52: {  	[sflag:s26] =	ssyncadd.s32 $0xFFFFC000  }
0x53: {  	[tilespmem:s21], [sflag:$0x2] =	stream.indirect.gather [hbm4b:s4+s18], $0x80, s28, s18, $0xb8;
	[tilespmem:$0x1EC00] =	vst v63  }
0x54: {  	_ =	swait.ge [sflag:s22], $0x4000  }
0x55: {  	[sflag:s22] =	ssyncset.done $0x0  }
0x56: {  	s20 =	sadd.s32 $0x100, s14;
	[sflag:s22] =	ssyncadd.s32 $0xFFFFC000  }
0x57: {  	[spmem:s2] =	stream.indirect.scatter.add.f32 [tilespmem:s19], [sflag:$0x3], $0x80, s20, s18, $0xb8;
	[tilespmem:$0x1EC00] =	vst v63  }
0x58: {  	_ =	swait.ge [sflag:s23], $0x4000  }
0x59: {  	[sflag:s23] =	ssyncset.done $0x0  }
0x5a: {  	[sflag:s23] =	ssyncadd.s32 $0xFFFFC000  }
0x5b: {  	[tilespmem:s19], [sflag:$0x1] =	stream.indirect.gather [hbm4b:s4+s18], $0x80, s29, s18, $0xb8;
	[tilespmem:$0x1EC00] =	vst v63  }
0x5c: {  	_ =	swait.ge [sflag:s25], $0x4000  }
0x5d: {  	[sflag:s25] =	ssyncset.done $0x0  }
0x5e: {  	s20 =	sadd.s32 $0x180, s14;
	[sflag:s25] =	ssyncadd.s32 $0xFFFFC000  }
0x5f: {  	[spmem:s2] =	stream.indirect.scatter.add.f32 [tilespmem:s21], [sflag:$0x4], $0x80, s20, s18, $0xb8;
	[tilespmem:$0x1EC00] =	vst v63  }
0x60: {  	_ =	swait.ge [sflag:s26], $0x4000  }
0x61: {  	[sflag:s26] =	ssyncset.done $0x0  }
0x62: {  	[sflag:s26] =	ssyncadd.s32 $0xFFFFC000  }
0x63: {  	[tilespmem:s21], [sflag:$0x2] =	stream.indirect.gather [hbm4b:s4+s18], $0x80, s30, s18, $0xb8;
	[tilespmem:$0x1EC00] =	vst v63  }
0x64: {  	_ =	swait.ge [sflag:s22], $0x4000  }
0x65: {  	[sflag:s22] =	ssyncset.done $0x0  }
0x66: {  	s20 =	sadd.s32 $0x200, s14;
	[sflag:s22] =	ssyncadd.s32 $0xFFFFC000  }
0x67: {  	[spmem:s2] =	stream.indirect.scatter.add.f32 [tilespmem:s19], [sflag:$0x3], $0x80, s20, s18, $0xb8;
	[tilespmem:$0x1EC00] =	vst v63  }
0x68: {  	_ =	swait.ge [sflag:s23], $0x4000  }
0x69: {  	[sflag:s23] =	ssyncset.done $0x0  }
0x6a: {  	[sflag:s23] =	ssyncadd.s32 $0xFFFFC000  }
0x6b: {  	[tilespmem:s19], [sflag:$0x1] =	stream.indirect.gather [hbm4b:s4+s18], $0x80, s31, s18, $0xb8;
	[tilespmem:$0x1EC00] =	vst v63  }
0x6c: {  	_ =	swait.ge [sflag:s25], $0x4000  }
0x6d: {  	[sflag:s25] =	ssyncset.done $0x0  }
0x6e: {  	s20 =	sadd.s32 $0x280, s14;
	[sflag:s25] =	ssyncadd.s32 $0xFFFFC000  }
0x6f: {  	[spmem:s2] =	stream.indirect.scatter.add.f32 [tilespmem:s21], [sflag:$0x4], $0x80, s20, s18, $0xb8;
	[tilespmem:$0x1EC00] =	vst v63  }
0x70: {  	_ =	swait.ge [sflag:s26], $0x4000  }
0x71: {  	[sflag:s26] =	ssyncset.done $0x0  }
0x72: {  	[sflag:s26] =	ssyncadd.s32 $0xFFFFC000  }
0x73: {  	[tilespmem:s21], [sflag:$0x2] =	stream.indirect.gather [hbm4b:s4+s18], $0x80, s1, s18, $0xb8;
	[tilespmem:$0x1EC00] =	vst v63  }
0x74: {  	_ =	swait.ge [sflag:s22], $0x4000  }
0x75: {  	[sflag:s22] =	ssyncset.done $0x0  }
0x76: {  	s20 =	sadd.s32 $0x300, s14;
	[sflag:s22] =	ssyncadd.s32 $0xFFFFC000  }
0x77: {  	[spmem:s2] =	stream.indirect.scatter.add.f32 [tilespmem:s19], [sflag:$0x3], $0x80, s20, s18, $0xb8;
	[tilespmem:$0x1EC00] =	vst v63  }
0x78: {  	_ =	swait.ge [sflag:s23], $0x4000  }
0x79: {  	[sflag:s23] =	ssyncset.done $0x0  }
0x7a: {  	[sflag:s23] =	ssyncadd.s32 $0xFFFFC000  }
0x7b: {  	_ =	swait.ge [sflag:s0], $0x400  }
0x7c: {  	[sflag:s0] =	ssyncset.done $0x0  }
0x7d: {  	[sflag:s0] =	ssyncadd.s32 $0xFFFFFC00  }
0x7e: {  	[tilespmem:s19], [sflag:$0x1] =	stream.indirect.gather [hbm4b:s4+s18], $0x80, s17, s18, $0xb8;
	[tilespmem:$0x1EC00] =	vst v63  }
0x7f: {  	_ =	swait.ge [sflag:s25], $0x4000  }
0x80: {  	[sflag:s25] =	ssyncset.done $0x0  }
0x81: {  	s20 =	sadd.s32 $0x380, s14;
	[sflag:s25] =	ssyncadd.s32 $0xFFFFC000  }
0x82: {  	[spmem:s2] =	stream.indirect.scatter.add.f32 [tilespmem:s21], [sflag:$0x4], $0x80, s20, s18, $0xb8;
	[tilespmem:$0x1EC00] =	vst v63  }
0x83: {  	_ =	swait.ge [sflag:s26], $0x4000  }
0x84: {  	[sflag:s26] =	ssyncset.done $0x0  }
0x85: {  	p0 =	seq.s32 s6, $0x8000;
	[sflag:s26] =	ssyncadd.s32 $0xFFFFC000  }
0x86: {  	[tilespmem:s21], [sflag:$0x2] =	stream.indirect.gather [hbm4b:s4+s18], $0x80, s5, s18, $0xb8;
	[tilespmem:$0x1EC00] =	vst v63  }
0x87: {  	s3 =	simm.s32 @!p0 $0x0;
	s20 =	simm.s32 @!p0 $0x2800  }
0x88: {  	[tilespmem:s20], [sflag:$0x5] =	stream.linear.gather @!p0 [hbm4b:s13+s3], $0x400, $0x38;
	[tilespmem:$0x1EC00] =	vst v63  }
0x89: {  	_ =	swait.ge [sflag:s22], $0x4000  }
0x8a: {  	[sflag:s22] =	ssyncset.done $0x0  }
0x8b: {  	s20 =	sadd.s32 $0x400, s14;
	[sflag:s22] =	ssyncadd.s32 $0xFFFFC000  }
0x8c: {  	[spmem:s2] =	stream.indirect.scatter.add.f32 [tilespmem:s19], [sflag:$0x3], $0x80, s20, s18, $0xb8;
	[tilespmem:$0x1EC00] =	vst v63  }
0x8d: {  	_ =	swait.ge [sflag:s23], $0x4000  }
0x8e: {  	[sflag:s23] =	ssyncset.done $0x0  }
0x8f: {  	[sflag:s23] =	ssyncadd.s32 $0xFFFFC000  }
0x90: {  	[tilespmem:s19], [sflag:$0x1] =	stream.indirect.gather [hbm4b:s4+s18], $0x80, s8, s18, $0xb8;
	[tilespmem:$0x1EC00] =	vst v63  }
0x91: {  	_ =	swait.ge [sflag:s25], $0x4000  }
0x92: {  	[sflag:s25] =	ssyncset.done $0x0  }
0x93: {  	s20 =	sadd.s32 $0x480, s14;
	[sflag:s25] =	ssyncadd.s32 $0xFFFFC000  }
0x94: {  	[spmem:s2] =	stream.indirect.scatter.add.f32 [tilespmem:s21], [sflag:$0x4], $0x80, s20, s18, $0xb8;
	[tilespmem:$0x1EC00] =	vst v63  }
0x95: {  	_ =	swait.ge [sflag:s26], $0x4000  }
0x96: {  	[sflag:s26] =	ssyncset.done $0x0  }
0x97: {  	[sflag:s26] =	ssyncadd.s32 $0xFFFFC000  }
0x98: {  	[tilespmem:s21], [sflag:$0x2] =	stream.indirect.gather [hbm4b:s4+s18], $0x80, s9, s18, $0xb8;
	[tilespmem:$0x1EC00] =	vst v63  }
0x99: {  	_ =	swait.ge [sflag:s22], $0x4000  }
0x9a: {  	[sflag:s22] =	ssyncset.done $0x0  }
0x9b: {  	s20 =	sadd.s32 $0x500, s14;
	[sflag:s22] =	ssyncadd.s32 $0xFFFFC000  }
0x9c: {  	[spmem:s2] =	stream.indirect.scatter.add.f32 [tilespmem:s19], [sflag:$0x3], $0x80, s20, s18, $0xb8;
	[tilespmem:$0x1EC00] =	vst v63  }
0x9d: {  	_ =	swait.ge [sflag:s23], $0x4000  }
0x9e: {  	[sflag:s23] =	ssyncset.done $0x0  }
0x9f: {  	[sflag:s23] =	ssyncadd.s32 $0xFFFFC000  }
0xa0: {  	[tilespmem:s19], [sflag:$0x1] =	stream.indirect.gather [hbm4b:s4+s18], $0x80, s10, s18, $0xb8;
	[tilespmem:$0x1EC00] =	vst v63  }
0xa1: {  	_ =	swait.ge [sflag:s25], $0x4000  }
0xa2: {  	[sflag:s25] =	ssyncset.done $0x0  }
0xa3: {  	s20 =	sadd.s32 $0x580, s14;
	[sflag:s25] =	ssyncadd.s32 $0xFFFFC000  }
0xa4: {  	[spmem:s2] =	stream.indirect.scatter.add.f32 [tilespmem:s21], [sflag:$0x4], $0x80, s20, s18, $0xb8;
	[tilespmem:$0x1EC00] =	vst v63  }
0xa5: {  	_ =	swait.ge [sflag:s26], $0x4000  }
0xa6: {  	[sflag:s26] =	ssyncset.done $0x0  }
0xa7: {  	[sflag:s26] =	ssyncadd.s32 $0xFFFFC000  }
0xa8: {  	[tilespmem:s21], [sflag:$0x2] =	stream.indirect.gather [hbm4b:s4+s18], $0x80, s11, s18, $0xb8;
	[tilespmem:$0x1EC00] =	vst v63  }
0xa9: {  	_ =	swait.ge [sflag:s22], $0x4000  }
0xaa: {  	[sflag:s22] =	ssyncset.done $0x0  }
0xab: {  	s20 =	sadd.s32 $0x600, s14;
	[sflag:s22] =	ssyncadd.s32 $0xFFFFC000  }
0xac: {  	[spmem:s2] =	stream.indirect.scatter.add.f32 [tilespmem:s19], [sflag:$0x3], $0x80, s20, s18, $0xb8;
	[tilespmem:$0x1EC00] =	vst v63  }
0xad: {  	_ =	swait.ge [sflag:s23], $0x4000  }
0xae: {  	[sflag:s23] =	ssyncset.done $0x0  }
0xaf: {  	[sflag:s23] =	ssyncadd.s32 $0xFFFFC000  }
0xb0: {  	[tilespmem:s19], [sflag:$0x1] =	stream.indirect.gather [hbm4b:s4+s18], $0x80, s12, s18, $0xb8;
	[tilespmem:$0x1EC00] =	vst v63  }
0xb1: {  	_ =	swait.ge [sflag:s25], $0x4000  }
0xb2: {  	[sflag:s25] =	ssyncset.done $0x0  }
0xb3: {  	s20 =	sadd.s32 $0x680, s14;
	[sflag:s25] =	ssyncadd.s32 $0xFFFFC000  }
0xb4: {  	[spmem:s2] =	stream.indirect.scatter.add.f32 [tilespmem:s21], [sflag:$0x4], $0x80, s20, s18, $0xb8;
	[tilespmem:$0x1EC00] =	vst v63  }
0xb5: {  	_ =	swait.ge [sflag:s26], $0x4000  }
0xb6: {  	[sflag:s26] =	ssyncset.done $0x0  }
0xb7: {  	[sflag:s26] =	ssyncadd.s32 $0xFFFFC000  }
0xb8: {  	[tilespmem:s21], [sflag:$0x2] =	stream.indirect.gather [hbm4b:s4+s18], $0x80, s7, s18, $0xb8;
	[tilespmem:$0x1EC00] =	vst v63  }
0xb9: {  	_ =	swait.ge [sflag:s22], $0x4000  }
0xba: {  	[sflag:s22] =	ssyncset.done $0x0  }
.Ltmp2:
0xbb: {  	s20 =	sadd.s32 $0x700, s14;
	[sflag:s22] =	ssyncadd.s32 $0xFFFFC000;
	(pc) =	sbr.rel @p0 .LBB2_4-.Ltmp2, $4  }
0xbc: {  	[spmem:s2] =	stream.indirect.scatter.add.f32 [tilespmem:s19], [sflag:$0x3], $0x80, s20, s18, $0xb8;
	[tilespmem:$0x1EC00] =	vst v63  }
0xbd: {  	_ =	swait.ge [sflag:s23], $0x4000  }
0xbe: {  	[sflag:s23] =	ssyncset.done $0x0  }
0xbf: {  	s14 =	sadd.s32 $0x780, s14;
	[sflag:s23] =	ssyncadd.s32 $0xFFFFC000  }
0xc0: {  	_ =	swait.ge [sflag:s16], $0x400  }
0xc1: {  	[sflag:s16] =	ssyncset.done $0x0  }
0xc2: {  	[sflag:s16] =	ssyncadd.s32 $0xFFFFFC00  }
0xc3: {  	[tilespmem:s19], [sflag:$0x1] =	stream.indirect.gather [hbm4b:s4+s18], $0x80, s15, s18, $0xb8;
	[tilespmem:$0x1EC00] =	vst v63  }
0xc4: {  	_ =	swait.ge [sflag:s25], $0x4000  }
0xc5: {  	[sflag:s25] =	ssyncset.done $0x0  }
0xc6: {  	[sflag:s25] =	ssyncadd.s32 $0xFFFFC000  }
0xc7: {  	[spmem:s2] =	stream.indirect.scatter.add.f32 [tilespmem:s21], [sflag:$0x4], $0x80, s14, s18, $0xb8;
	[tilespmem:$0x1EC00] =	vst v63  }
.Ltmp3:
0xc8: {  	_ = 	snop;
	(pc) =	sbr.rel .LBB2_2-.Ltmp3, $4  }
0xc9: {  	_ =	swait.ge [sflag:s26], $0x4000  }
0xca: {  	s3 =	simm.s32 $0x2880;
	[sflag:s26] =	ssyncset.done $0x0  }
0xcb: {  	s13 =	sadd.s32 $0x100, s13;
	s6 =	sadd.s32 $0x2000, s6;
	[sflag:s26] =	ssyncadd.s32 $0xFFFFC000  }
0xcc: {  	[tilespmem:s21], [sflag:$0x2] =	stream.indirect.gather [hbm4b:s4+s18], $0x80, s3, s18, $0xb8;
	[tilespmem:$0x1EC00] =	vst v63  }
.LBB2_5:
0xcd: {  	_ =	sfence.sel $0x180000  }
0xce: {  	[bflag:$0x0] =	sbarrier.arrive $0xFFFF  }
0xcf: {  	_ =	strace $0x9000004A  }
0xd0: {  	s0 =	stileid.u32;
	[bflag:$0x2] =	sbarrier.arrive $0xFFFF  }
0xd1: {  	p0 =	sne.s32 s0, $0x0;
	s0 =	rddreg [dreg:$0x3]  }
0xd2: {  	s0 =	sadd.s32 @!p0 $0x100000, s0  }
0xd3: {  	[sflag:s0] =	ssyncadd.tile.s32 @!p0 $0x1;
	_ =	shalt  }
.Lfunc_end2:
_tile_overlayer_lowered:
.L_overlay_start_2:
0xd4: {  	(tag) =	ssettag $0x2  }
0xd5: {  	s0 =	rddreg [dreg:$0x0];
	s2 =	stileid.u32  }
0xd6: {  	s1 =	rddreg [dreg:$0x1];
	p0 =	sne.s32 s2, $0x0  }
0xd7: {  	s3 =	rddreg [dreg:$0x2];
	[bflag:$0x3] =	sbarrier.arrive $0xFFFF;
	s2 =	simm.s32 @!p0 $0x1C07  }
0xd8: {  	[timem:s3], [sflag:s2] =	dma.local @!p0 [hbm:s0], s1  }
0xd9: {  	s0 =	simm.s32 @!p0 $0x7  }
0xda: {  	_ =	swait.ge @!p0 [sflag:s0], s1  }
0xdb: {  	s1 =	ssub.s32 @!p0 $0x0, s1;
	[sflag:s0] =	ssyncset.done @!p0 $0x0  }
0xdc: {  	[sflag:s0] =	ssyncadd.s32 @!p0 s1  }
0xdd: {  	[bflag:$0x3] =	sbarrier.arrive $0xFFFF  }
0xde: {  	_ =	shalt  }

// kernel: kernel.16.cloned.1.call-start
scs
__scs_entry_jumppad:
0x0: {  	(pc) =	sbr.rel $0x88, $3  }
0x1: {  	(tag) =	ssettag $0x0;
	lr =	simm.s32 $0x1  }
0x2: {  	[smem:$0x3F95] =	sst lr;
	_ =	strace $0xD0000000  }
0x3: {  	_ = 	snop  }
0x4: {  	_ = 	snop  }
0x5: {  	_ = 	snop  }
0x6: {  	_ = 	snop  }
0x7: {  	_ = 	snop  }
__scs_overlays_trampoline_lowered:
0x8: {  	[smem:$0x3FA4] =	sst s0  }
0x9: {  	[smem:$0x3FA5] =	sst s1  }
0xa: {  	[smem:$0x3FA6] =	sst s2  }
0xb: {  	[smem:$0x3FA7] =	sst s3  }
0xc: {  	[smem:$0x3FA8] =	sst s4  }
0xd: {  	[smem:$0x3FA9] =	sst s5  }
0xe: {  	[smem:$0x3FAA] =	sst s6  }
0xf: {  	[smem:$0x3FAB] =	sst s7  }
0x10: {  	[smem:$0x3FAC] =	sst s8  }
0x11: {  	[smem:$0x3FAD] =	sst s9;
	s0 =	simm.s32 @!p0 $0x0  }
0x12: {  	s1 =	sld [smem:$0x3F93];
	s0 =	simm.s32 @p0 $0x1  }
0x13: {  	[smem:$0x3FAE] =	sst s0;
	s0 =	simm.s32 @!p1 $0x0  }
0x14: {  	s2 =	sld [smem:$0x3F92];
	s0 =	simm.s32 @p1 $0x1  }
0x15: {  	[smem:$0x3FAF] =	sst s0;
	s0 =	simm.s32 @!p2 $0x0  }
0x16: {  	s3 =	sld [smem:$0x3FDB];
	s0 =	simm.s32 @p2 $0x1  }
0x17: {  	s4 =	simm.s32 $0x1BF5;
	[smem:$0x3FB1] =	sst s0  }
0x18: {  	s0 =	sld [smem:$0x3F94];
	_ =	swait.ge [sflag:s4], $0x0  }
0x19: {  	s7 =	sld [smem:$0x3F95]  }
0x1a: {  	s8 =	sadd.s32 $0xFFFFE003, lr  }
0x1b: {  	s9 =	sadd.s32 $0xFFFFFEF7, lr;
	s5 =	simm.s32 $0xFFFFFFFF;
	p2 =	slt.u32 s8, $0xFFFFF086  }
0x1c: {  	p1 =	slt.u32 s9, $0xF7A;
	s5 =	simm.s32 @!p2 $0x0  }
0x1d: {  	s5 =	simm.s32 @p1 $0x1;
	p0 =	seq.s32 s7, s2  }
0x1e: {  	s7 =	smul.u32 @!p0 $0xF7A, s2;
	p2 =	seq.s32 @!p0 s5, $0x0  }
0x1f: {  	s9 =	smul.u32 $0xF7A, s1;
	s8 =	simm.s32 @!p0 $0x1BF5;
	p2 =	por !p2, p0  }
0x20: {  	[sflag:s8] =	ssyncset.s32 @!p0 $0xFFFFF086;
	s6 =	sadd.s32 @!p0 s3, s7;
	s7 =	simm.s32 @!p0 $0x108  }
0x21: {  	s3 =	sadd.s32 s3, s9;
	s6 =	sadd.s32 @!p0 $0x88, s6;
	s7 =	simm.s32 @p2 $0x1082  }
0x22: {  	[simem:s7], [sflag:s8] =	dma.local @!p0 [hbm:s6], $0xF7A  }
0x23: {  	s9 =	sor.u32 $0xD0000000, s2;
	s6 =	simm.s32 $0x108;
	_ =	swait.ge @!p0 [sflag:s8], $0x0  }
0x24: {  	s3 =	sadd.s32 $0x88, s3;
	s6 =	simm.s32 @!p1 $0x1082;
	[sflag:s4] =	ssyncset.s32 $0xFFFFF086  }
0x25: {  	[simem:s6], [sflag:s4] =	dma.local [hbm:s3], $0xF7A  }
0x26: {  	[smem:$0x3F95] =	sst s1;
	(tag) =	ssettag s2;
	_ =	strace s9  }
0x27: {  	s1 =	sld [smem:$0x3FA5]  }
0x28: {  	s2 =	sld [smem:$0x3FA6]  }
0x29: {  	s4 =	sld [smem:$0x3FA8]  }
0x2a: {  	p0 =	seq.s32 s5, $0x0;
	s5 =	sld [smem:$0x3FA9]  }
0x2b: {  	s6 =	sld [smem:$0x3FAA]  }
0x2c: {  	s7 =	sld [smem:$0x3FAB]  }
0x2d: {  	s3 =	simm.s32 $0x108;
	s8 =	sld [smem:$0x3FAC]  }
0x2e: {  	s3 =	simm.s32 @!p0 $0x1082;
	s9 =	sld [smem:$0x3FAD]  }
0x2f: {  	lr =	sadd.s32 s0, s3;
	s0 =	sld [smem:$0x3FA4]  }
0x30: {  	s3 =	sld [smem:$0x3FA7]  }
0x31: {  	[smem:$0x3FB0] =	sst s10  }
0x32: {  	s10 =	sld [smem:$0x3FAE];
	_ =	sdelay $0x3  }
0x33: {  	p0 =	seq.s32 s10, $0x1;
	s10 =	sld [smem:$0x3FB0];
	_ =	sdelay $0x3  }
0x34: {  	[smem:$0x3FB0] =	sst s10  }
0x35: {  	s10 =	sld [smem:$0x3FAF];
	_ =	sdelay $0x3  }
0x36: {  	p1 =	seq.s32 s10, $0x1;
	s10 =	sld [smem:$0x3FB0];
	_ =	sdelay $0x3  }
0x37: {  	[smem:$0x3FB0] =	sst s10  }
0x38: {  	s10 =	sld [smem:$0x3FB1]  }
0x39: {  	_ = 	snop;
	(pc) =	sbr.ind lr, $3  }
0x3a: {  	_ = 	snop  }
0x3b: {  	_ = 	snop  }
0x3c: {  	p2 =	seq.s32 s10, $0x1;
	s10 =	sld [smem:$0x3FB0]  }
0x3d: {  	_ =	shalt  }
0x3e: {  	_ =	shalt  }
0x3f: {  	_ =	shalt  }
0x40: {  	_ =	shalt  }
0x41: {  	_ =	shalt  }
0x42: {  	_ =	shalt  }
0x43: {  	_ =	shalt  }
0x44: {  	_ =	shalt  }
0x45: {  	_ =	shalt  }
0x46: {  	_ =	shalt  }
0x47: {  	_ =	shalt  }
0x48: {  	_ =	shalt  }
0x49: {  	_ =	shalt  }
0x4a: {  	_ =	shalt  }
0x4b: {  	_ =	shalt  }
0x4c: {  	_ =	shalt  }
0x4d: {  	_ =	shalt  }
0x4e: {  	_ =	shalt  }
0x4f: {  	_ =	shalt  }
0x50: {  	_ =	shalt  }
0x51: {  	_ =	shalt  }
0x52: {  	_ =	shalt  }
0x53: {  	_ =	shalt  }
0x54: {  	_ =	shalt  }
0x55: {  	_ =	shalt  }
0x56: {  	_ =	shalt  }
0x57: {  	_ =	shalt  }
0x58: {  	_ =	shalt  }
0x59: {  	_ =	shalt  }
0x5a: {  	_ =	shalt  }
0x5b: {  	_ =	shalt  }
0x5c: {  	_ =	shalt  }
0x5d: {  	_ =	shalt  }
0x5e: {  	_ =	shalt  }
0x5f: {  	_ =	shalt  }
0x60: {  	_ =	shalt  }
0x61: {  	_ =	shalt  }
0x62: {  	_ =	shalt  }
0x63: {  	_ =	shalt  }
0x64: {  	_ =	shalt  }
0x65: {  	_ =	shalt  }
0x66: {  	_ =	shalt  }
0x67: {  	_ =	shalt  }
0x68: {  	_ =	shalt  }
0x69: {  	_ =	shalt  }
0x6a: {  	_ =	shalt  }
0x6b: {  	_ =	shalt  }
0x6c: {  	_ =	shalt  }
0x6d: {  	_ =	shalt  }
0x6e: {  	_ =	shalt  }
0x6f: {  	_ =	shalt  }
0x70: {  	_ =	shalt  }
0x71: {  	_ =	shalt  }
0x72: {  	_ =	shalt  }
0x73: {  	_ =	shalt  }
0x74: {  	_ =	shalt  }
0x75: {  	_ =	shalt  }
0x76: {  	_ =	shalt  }
0x77: {  	_ =	shalt  }
0x78: {  	_ =	shalt  }
0x79: {  	_ =	shalt  }
0x7a: {  	_ =	shalt  }
0x7b: {  	_ =	shalt  }
0x7c: {  	_ =	shalt  }
0x7d: {  	_ =	shalt  }
0x7e: {  	_ =	shalt  }
0x7f: {  	_ =	shalt  }
0x80: {  	_ =	shalt  }
0x81: {  	_ =	shalt  }
0x82: {  	_ =	shalt  }
0x83: {  	_ =	shalt  }
0x84: {  	_ =	shalt  }
0x85: {  	_ =	shalt  }
0x86: {  	_ =	shalt  }
0x87: {  	_ =	shalt  }
.Lfunc_end0:
.L_simem_size_0:
called_computation.2_lowered:
.L_overlay_start_0:
0x88: {  	s2 =	sld [smem:$0x3FD9]  }
0x89: {  	s3 =	sld [smem:$0x3FFE];
	_ =	sdelay $0x1  }
0x8a: {  	s1 =	srdreg.scid  }
0x8b: {  	s0 =	sand.u32 $0x1, s1  }
0x8c: {  	s17 =	sshll.u32 s0, $0xA;
	s2 =	sadd.s32 s3, s2  }
0x8d: {  	s2 =	sadd.s32 s2, s17  }
0x8e: {  	[smem:$0x3FBC] =	sst s2  }
0x8f: {  	_ = 	snop  }
0x90: {  	s2 =	sld [smem:$0x3FD0];
	(tm) =	ssettm $0x1  }
0x91: {  	s18 =	sld [smem:$0x3FFB];
	_ =	sdelay $0x3  }
0x92: {  	_ =	strace s18  }
0x93: {  	s3 =	sld [smem:$0x3FFC];
	_ =	sdelay $0x3  }
0x94: {  	_ =	strace s3  }
0x95: {  	s3 =	sld [smem:$0x3FFD];
	_ =	sdelay $0x3  }
0x96: {  	_ =	strace s3  }
0x97: {  	_ =	strace $0x8FFFFFFF  }
0x98: {  	s19 =	sld [smem:$0x3FDB];
	_ =	sdelay $0x1  }
0x99: {  	s4 =	simm.s32 $_scs_section_size  }
0x9a: {  	s5 =	simm.s32 $_size__tile_overlayer_lowered;
	s6 =	simm.s32 $_tile_overlayer_lowered  }
0x9b: {  	s22 =	simm.s32 $0x1BFF;
	s21 =	sshll.u32 s6, $0x1;
	s3 =	sadd.s32 s4, s19  }
0x9c: {  	s7 =	simm.s32 $0x0;
	s20 =	sshll.u32 s5, $0x1;
	s5 =	sadd.s32 s21, s3  }
0x9d: {  	[timem:s7], [sflag:s22] =	dma.local [hbm:s5], s20  }
0x9e: {  	_ =	swait.ge [sflag:s22], s20  }
0x9f: {  	s4 =	ssub.s32 $0x0, s20;
	[sflag:s22] =	ssyncset.done $0x0  }
0xa0: {  	[sflag:s22] =	ssyncadd.s32 s4;
	_ =	sdelay $0x1  }
0xa1: {  	s23 =	simm.s32 $0x1B8B  }
0xa2: {  	_ =	swait.ge [sflag:s23], $0x1  }
0xa3: {  	[sflag:s23] =	ssyncset.done $0x0  }
0xa4: {  	s25 =	simm.s32 $0x1B8E;
	s24 =	sld [smem:$0x3FFE];
	[sflag:s23] =	ssyncadd.s32 $0xFFFFFFFF  }
0xa5: {  	s26 =	simm.s32 $execute0_lowered;
	[smem:$0x3FD2] =	sst s25  }
0xa6: {  	s5 =	sshll.u32 s26, $0x1;
	_ =	strace $0x8000004C;
	[dreg:$0x1] =	wrdreg $0xFFFFFFFF  }
0xa7: {  	s28 =	simm.s32 $_size_execute0_lowered;
	s3 =	sadd.s32 s3, s5;
	[dreg:$0x0] =	wrdreg $0x0  }
0xa8: {  	s5 =	sshll.u32 s28, $0x1;
	[dreg:$0x2] =	wrdreg s3  }
0xa9: {  	[dreg:$0x3] =	wrdreg s5  }
0xaa: {  	[dreg:$0x4] =	wrdreg $0xC0  }
0xab: {  	_ =	task [dreg:s7], $0x5FFFF  }
0xac: {  	[dreg:$0x1] =	wrdreg $0xFFFFFFFF  }
0xad: {  	[dreg:$0x0] =	wrdreg $0x60  }
0xae: {  	[dreg:$0x2] =	wrdreg s24  }
0xaf: {  	[dreg:$0x3] =	wrdreg s2  }
0xb0: {  	[dreg:$0x4] =	wrdreg $0xB0000  }
0xb1: {  	[dreg:$0x5] =	wrdreg $0x9  }
0xb2: {  	_ =	task.clear_ibuf [dreg:s7], $0x6FFFF;
	_ =	strace $0x9000004C  }
0xb3: {  	s29 =	simm.s32 $0x9;
	_ =	strace $0x8000004E  }
0xb4: {  	_ =	swait.ge [sflag:s29], $0x1  }
0xb5: {  	[sflag:s29] =	ssyncadd.s32 $0xFFFFFFFF  }
0xb6: {  	_ =	strace $0x9000004E  }
0xb7: {  	_ =	sfence  }
0xb8: {  	s30 =	sld [smem:$0x0];
	_ =	sdelay $0x2  }
0xb9: {  	s31 =	sshll.u32 s1, $0xD;
	s1 =	sshrl.u32 s1, $0x2  }
0xba: {  	s3 =	sand.u32 $0x4000, s31;
	s1 =	sadd.s32 s1, s30  }
0xbb: {  	s0 =	sor.u32 s3, s0;
	s1 =	sshll.u32 s1, $0x11  }
0xbc: {  	s0 =	sor.u32 s1, s0  }
0xbd: {  	s0 =	sadd.s32 $0x8F2B, s0  }
0xbe: {  	[sflag:s0] =	ssyncadd.remote.s32 $0x1  }
0xbf: {  	_ =	sfence.sel $0xFFFF  }
0xc0: {  	[dreg:$0x0] =	wrdreg $0xFFFFFFFF;
	(pc) =	sbr.abs _section_cstart, $3  }
0xc1: {  	[dreg:$0x1] =	wrdreg $0xFFFFFFFF  }
0xc2: {  	_ =	task.clear_ibuf [dreg:s7], $0x2FFFF;
	_ =	strace $0x9FFFFFFF  }
0xc3: {  	(tm) =	ssettm $0x7FFFFFFF  }
tec
execute0_lowered:
.L_overlay_start_1:
0x0: {  	(tag) =	ssettag $0x1  }
0x1: {  	s0 =	rddreg [dreg:$0x0];
	s1 =	srdreg.scid  }
0x2: {  	s3 =	rddreg [dreg:$0x1];
	s11 =	stileid.u32  }
0x3: {  	s2 =	rddreg [dreg:$0x2];
	s7 =	simm.s32 $0x0;
	s14 =	simm.s32 $0x7  }
0x4: {  	s15 =	simm.s32 $0x2800;
	s16 =	simm.s32 $0x5;
	s17 =	simm.s32 $0x2C00  }
0x5: {  	s18 =	simm.s32 $0x80;
	s19 =	simm.s32 $0x3000;
	s28 =	simm.s32 $0x2980  }
0x6: {  	s29 =	simm.s32 $0x2A00;
	s30 =	simm.s32 $0x2A80;
	s5 =	smul.u32 $0x50, s11  }
0x7: {  	s31 =	simm.s32 $0x2B00;
	s12 =	simm.s32 $0x2F00;
	s6 =	smul.u32 $0x13C00, s11  }
0x8: {  	s1 =	sand.u32 $0x1, s1;
	[smem:$0x7FF] =	sst s7;
	s8 =	smul.u32 $0x4F000, s11  }
0x9: {  	s22 =	sshll.u32 s11, $0x6;
	s11 =	simm.s32 $0x2E80;
	s4 =	smul.u32 $0x500, s1  }
0xa: {  	s20 =	smul.u32 $0x13C000, s1;
	_ =	strace $0x8000004D;
	s1 =	ssub.s32 $0x2, s1  }
0xb: {  	s10 =	sshrl.u32 s1, $0x1;
	s21 =	sshrl.u32 s8, $0x2;
	s8 =	simm.s32 $0x2D00  }
0xc: {  	s5 =	sadd.s32 s5, s4;
	s4 =	sadd.s32 $0xD800, s0;
	s7 =	sadd.s32 s6, s20  }
0xd: {  	s1 =	ssub.s32 s1, s10;
	s6 =	sshrl.u32 s6, $0x3;
	s10 =	simm.s32 $0x2E00  }
0xe: {  	s20 =	simm.s32 $0x0;
	s5 =	sshll.u32 s5, $0x4;
	s7 =	sshrl.u32 s7, $0x3  }
0xf: {  	s6 =	sadd.s32 s4, s6;
	s25 =	smax.u32 s1, $0x1;
	s1 =	simm.s32 $0x2B80  }
0x10: {  	s9 =	sadd.s32 s5, s0;
	s0 =	sadd.s32 s7, s0;
	s7 =	sadd.s32 s21, s2  }
0x11: {  	[dreg:$0x4] =	wrdreg s6;
	s6 =	sor.u32 $0x1C07, s22;
	s3 =	sadd.s32 s3, s5  }
0x12: {  	[dreg:$0xa] =	wrdreg s25;
	s21 =	simm.s32 $0x7000;
	s22 =	simm.s32 $0x1  }
0x13: {  	s25 =	simm.s32 $0x2;
	s5 =	simm.s32 $0x2C80;
	[dreg:$0x6] =	wrdreg s3  }
0x14: {  	s23 =	sadd.s32 $0x3800, s9;
	s24 =	sadd.s32 $0x80, s3;
	[dreg:$0x5] =	wrdreg s6  }
.Ltmp0:
0x15: {  	s0 =	sadd.s32 $0x35000, s0;
	[dreg:$0x7] =	wrdreg s23;
	(pc) =	sbr.rel .LBB2_1-.Ltmp0, $4  }
0x16: {  	s26 =	sadd.s32 $0x100, s3;
	s13 =	sshrl.u32 s7, $0x3;
	[dreg:$0x8] =	wrdreg s24  }
0x17: {  	s9 =	simm.s32 $0x2D80;
	s7 =	simm.s32 $0x2F80;
	[dreg:$0x9] =	wrdreg s0  }
0x18: {  	[dreg:$0xb] =	wrdreg s26;
	s23 =	simm.s32 $0x3;
	s24 =	simm.s32 $0x2900  }
0x19: {  	s26 =	simm.s32 $0x4;
	s0 =	simm.s32 $0x6;
	[dreg:$0xc] =	wrdreg s13  }
.LBB2_4:
0x1a: {  	_ =	swait.ge [sflag:s25], $0x4000  }
0x1b: {  	[sflag:s25] =	ssyncset.done $0x0  }
0x1c: {  	[sflag:s25] =	ssyncadd.s32 $0xFFFFC000  }
0x1d: {  	[spmem:s2] =	stream.indirect.scatter.add.f32 [tilespmem:s21], [sflag:$0x4], $0x80, s14, s18, $0xb8;
	[tilespmem:$0x1EC00] =	vst v63  }
0x1e: {  	_ =	swait.ge [sflag:s26], $0x4000  }
0x1f: {  	[sflag:s26] =	ssyncset.done $0x0  }
0x20: {  	[sflag:s26] =	ssyncadd.s32 $0xFFFFC000  }
0x21: {  	[bflag:$0x0] =	sbarrier.arrive $0xFFFF  }
0x22: {  	s6 =	rddreg [dreg:$0x5]  }
0x23: {  	s3 =	rddreg [dreg:$0x9]  }
0x24: {  	s14 =	simm.s32 $0x7;
	s13 =	rddreg [dreg:$0xc]  }
0x25: {  	[hbm:s3], [sflag:s6] =	dma.local [spmem:s13], $0x2780  }
0x26: {  	_ =	swait.ge [sflag:s14], $0x2780  }
0x27: {  	s20 =	rddreg [dreg:$0xd]  }
0x28: {  	s3 =	rddreg [dreg:$0xa];
	s20 =	sadd.s32 $0x1, s20  }
0x29: {  	p0 =	sne.s32 s20, s3  }
.Ltmp1:
0x2a: {  	_ = 	snop;
	(pc) =	sbr.rel @!p0 .LBB2_5-.Ltmp1, $3  }
0x2b: {  	_ =	sdelay $0x1  }
0x2c: {  	[sflag:s14] =	ssyncset.done $0x0  }
0x2d: {  	[sflag:s14] =	ssyncadd.s32 $0xFFFFD880  }
.LBB2_1:
0x2e: {  	[dreg:$0xd] =	wrdreg s20  }
0x2f: {  	s3 =	rddreg [dreg:$0x4]  }
0x30: {  	[spmem:s13], [sflag:s6] =	dma.local [hbm:s3], $0x2780  }
0x31: {  	_ =	swait.ge [sflag:s14], $0x2780  }
0x32: {  	[sflag:s14] =	ssyncset.done $0x0  }
0x33: {  	s3 =	simm.s32 $0x0;
	s20 =	rddreg [dreg:$0x7];
	[sflag:s14] =	ssyncadd.s32 $0xFFFFD880  }
0x34: {  	[tilespmem:s3], [sflag:$0x7] =	stream.linear.gather [hbm4b:s20+s3], $0x2800, $0x38;
	[tilespmem:$0x1EC00] =	vst v63  }
0x35: {  	_ =	swait.ge [sflag:s14], $0x2800  }
0x36: {  	[sflag:s14] =	ssyncset.done $0x0  }
0x37: {  	s13 =	rddreg [dreg:$0x6];
	[sflag:s14] =	ssyncadd.s32 $0xFFFFD800  }
0x38: {  	[tilespmem:s15], [sflag:$0x5] =	stream.linear.gather [hbm4b:s13+s3], $0x400, $0x38;
	[tilespmem:$0x1EC00] =	vst v63  }
0x39: {  	_ =	swait.ge [sflag:s16], $0x400  }
0x3a: {  	[sflag:s16] =	ssyncset.done $0x0  }
0x3b: {  	s14 =	rddreg [dreg:$0x8];
	[sflag:s16] =	ssyncadd.s32 $0xFFFFFC00  }
0x3c: {  	[tilespmem:s17], [sflag:$0x6] =	stream.linear.gather [hbm4b:s14+s3], $0x400, $0x38;
	[tilespmem:$0x1EC00] =	vst v63  }
0x3d: {  	[bflag:$0x0] =	sbarrier.arrive $0xFFFF  }
0x3e: {  	[tilespmem:s19], [sflag:$0x1] =	stream.indirect.gather [hbm4b:s4+s18], $0x80, s15, s18, $0xb8;
	[tilespmem:$0x1EC00] =	vst v63  }
0x3f: {  	s6 =	simm.s32 $0x0;
	s20 =	simm.s32 $0x2880;
	s13 =	rddreg [dreg:$0xb]  }
0x40: {  	[tilespmem:s21], [sflag:$0x2] =	stream.indirect.gather [hbm4b:s4+s18], $0x80, s20, s18, $0xb8;
	[tilespmem:$0x1EC00] =	vst v63  }
.LBB2_2:
0x41: {  	p0 =	seq.s32 s6, $0x0  }
0x42: {  	s14 =	sadd.s32 @!p0 $0xFFFFFF80, s13;
	s3 =	simm.s32 @!p0 $0x0;
	s20 =	simm.s32 @!p0 $0x2C00  }
0x43: {  	[tilespmem:s20], [sflag:$0x6] =	stream.linear.gather @!p0 [hbm4b:s14+s3], $0x400, $0x38;
	[tilespmem:$0x1EC00] =	vst v63  }
0x44: {  	_ =	swait.ge [sflag:s22], $0x4000  }
0x45: {  	[sflag:s22] =	ssyncset.done $0x0  }
0x46: {  	s14 =	sshra.s32 s6, $0x2;
	[sflag:s22] =	ssyncadd.s32 $0xFFFFC000  }
0x47: {  	[spmem:s2] =	stream.indirect.scatter.add.f32 [tilespmem:s19], [sflag:$0x3], $0x80, s14, s18, $0xb8;
	[tilespmem:$0x1EC00] =	vst v63  }
0x48: {  	_ =	swait.ge [sflag:s23], $0x4000  }
0x49: {  	[sflag:s23] =	ssyncset.done $0x0  }
0x4a: {  	[sflag:s23] =	ssyncadd.s32 $0xFFFFC000  }
0x4b: {  	[tilespmem:s19], [sflag:$0x1] =	stream.indirect.gather [hbm4b:s4+s18], $0x80, s24, s18, $0xb8;
	[tilespmem:$0x1EC00] =	vst v63  }
0x4c: {  	_ =	swait.ge [sflag:s25], $0x4000  }
0x4d: {  	[sflag:s25] =	ssyncset.done $0x0  }
0x4e: {  	s20 =	sadd.s32 $0x80, s14;
	[sflag:s25] =	ssyncadd.s32 $0xFFFFC000  }
0x4f: {  	[spmem:s2] =	stream.indirect.scatter.add.f32 [tilespmem:s21], [sflag:$0x4], $0x80, s20, s18, $0xb8;
	[tilespmem:$0x1EC00] =	vst v63  }
0x50: {  	_ =	swait.ge [sflag:s26], $0x4000  }
0x51: {  	[sflag:s26] =	ssyncset.done $0x0  }
0x52: {  	[sflag:s26] =	ssyncadd.s32 $0xFFFFC000  }
0x53: {  	[tilespmem:s21], [sflag:$0x2] =	stream.indirect.gather [hbm4b:s4+s18], $0x80, s28, s18, $0xb8;
	[tilespmem:$0x1EC00] =	vst v63  }
0x54: {  	_ =	swait.ge [sflag:s22], $0x4000  }
0x55: {  	[sflag:s22] =	ssyncset.done $0x0  }
0x56: {  	s20 =	sadd.s32 $0x100, s14;
	[sflag:s22] =	ssyncadd.s32 $0xFFFFC000  }
0x57: {  	[spmem:s2] =	stream.indirect.scatter.add.f32 [tilespmem:s19], [sflag:$0x3], $0x80, s20, s18, $0xb8;
	[tilespmem:$0x1EC00] =	vst v63  }
0x58: {  	_ =	swait.ge [sflag:s23], $0x4000  }
0x59: {  	[sflag:s23] =	ssyncset.done $0x0  }
0x5a: {  	[sflag:s23] =	ssyncadd.s32 $0xFFFFC000  }
0x5b: {  	[tilespmem:s19], [sflag:$0x1] =	stream.indirect.gather [hbm4b:s4+s18], $0x80, s29, s18, $0xb8;
	[tilespmem:$0x1EC00] =	vst v63  }
0x5c: {  	_ =	swait.ge [sflag:s25], $0x4000  }
0x5d: {  	[sflag:s25] =	ssyncset.done $0x0  }
0x5e: {  	s20 =	sadd.s32 $0x180, s14;
	[sflag:s25] =	ssyncadd.s32 $0xFFFFC000  }
0x5f: {  	[spmem:s2] =	stream.indirect.scatter.add.f32 [tilespmem:s21], [sflag:$0x4], $0x80, s20, s18, $0xb8;
	[tilespmem:$0x1EC00] =	vst v63  }
0x60: {  	_ =	swait.ge [sflag:s26], $0x4000  }
0x61: {  	[sflag:s26] =	ssyncset.done $0x0  }
0x62: {  	[sflag:s26] =	ssyncadd.s32 $0xFFFFC000  }
0x63: {  	[tilespmem:s21], [sflag:$0x2] =	stream.indirect.gather [hbm4b:s4+s18], $0x80, s30, s18, $0xb8;
	[tilespmem:$0x1EC00] =	vst v63  }
0x64: {  	_ =	swait.ge [sflag:s22], $0x4000  }
0x65: {  	[sflag:s22] =	ssyncset.done $0x0  }
0x66: {  	s20 =	sadd.s32 $0x200, s14;
	[sflag:s22] =	ssyncadd.s32 $0xFFFFC000  }
0x67: {  	[spmem:s2] =	stream.indirect.scatter.add.f32 [tilespmem:s19], [sflag:$0x3], $0x80, s20, s18, $0xb8;
	[tilespmem:$0x1EC00] =	vst v63  }
0x68: {  	_ =	swait.ge [sflag:s23], $0x4000  }
0x69: {  	[sflag:s23] =	ssyncset.done $0x0  }
0x6a: {  	[sflag:s23] =	ssyncadd.s32 $0xFFFFC000  }
0x6b: {  	[tilespmem:s19], [sflag:$0x1] =	stream.indirect.gather [hbm4b:s4+s18], $0x80, s31, s18, $0xb8;
	[tilespmem:$0x1EC00] =	vst v63  }
0x6c: {  	_ =	swait.ge [sflag:s25], $0x4000  }
0x6d: {  	[sflag:s25] =	ssyncset.done $0x0  }
0x6e: {  	s20 =	sadd.s32 $0x280, s14;
	[sflag:s25] =	ssyncadd.s32 $0xFFFFC000  }
0x6f: {  	[spmem:s2] =	stream.indirect.scatter.add.f32 [tilespmem:s21], [sflag:$0x4], $0x80, s20, s18, $0xb8;
	[tilespmem:$0x1EC00] =	vst v63  }
0x70: {  	_ =	swait.ge [sflag:s26], $0x4000  }
0x71: {  	[sflag:s26] =	ssyncset.done $0x0  }
0x72: {  	[sflag:s26] =	ssyncadd.s32 $0xFFFFC000  }
0x73: {  	[tilespmem:s21], [sflag:$0x2] =	stream.indirect.gather [hbm4b:s4+s18], $0x80, s1, s18, $0xb8;
	[tilespmem:$0x1EC00] =	vst v63  }
0x74: {  	_ =	swait.ge [sflag:s22], $0x4000  }
0x75: {  	[sflag:s22] =	ssyncset.done $0x0  }
0x76: {  	s20 =	sadd.s32 $0x300, s14;
	[sflag:s22] =	ssyncadd.s32 $0xFFFFC000  }
0x77: {  	[spmem:s2] =	stream.indirect.scatter.add.f32 [tilespmem:s19], [sflag:$0x3], $0x80, s20, s18, $0xb8;
	[tilespmem:$0x1EC00] =	vst v63  }
0x78: {  	_ =	swait.ge [sflag:s23], $0x4000  }
0x79: {  	[sflag:s23] =	ssyncset.done $0x0  }
0x7a: {  	[sflag:s23] =	ssyncadd.s32 $0xFFFFC000  }
0x7b: {  	_ =	swait.ge [sflag:s0], $0x400  }
0x7c: {  	[sflag:s0] =	ssyncset.done $0x0  }
0x7d: {  	[sflag:s0] =	ssyncadd.s32 $0xFFFFFC00  }
0x7e: {  	[tilespmem:s19], [sflag:$0x1] =	stream.indirect.gather [hbm4b:s4+s18], $0x80, s17, s18, $0xb8;
	[tilespmem:$0x1EC00] =	vst v63  }
0x7f: {  	_ =	swait.ge [sflag:s25], $0x4000  }
0x80: {  	[sflag:s25] =	ssyncset.done $0x0  }
0x81: {  	s20 =	sadd.s32 $0x380, s14;
	[sflag:s25] =	ssyncadd.s32 $0xFFFFC000  }
0x82: {  	[spmem:s2] =	stream.indirect.scatter.add.f32 [tilespmem:s21], [sflag:$0x4], $0x80, s20, s18, $0xb8;
	[tilespmem:$0x1EC00] =	vst v63  }
0x83: {  	_ =	swait.ge [sflag:s26], $0x4000  }
0x84: {  	[sflag:s26] =	ssyncset.done $0x0  }
0x85: {  	p0 =	seq.s32 s6, $0x8000;
	[sflag:s26] =	ssyncadd.s32 $0xFFFFC000  }
0x86: {  	[tilespmem:s21], [sflag:$0x2] =	stream.indirect.gather [hbm4b:s4+s18], $0x80, s5, s18, $0xb8;
	[tilespmem:$0x1EC00] =	vst v63  }
0x87: {  	s3 =	simm.s32 @!p0 $0x0;
	s20 =	simm.s32 @!p0 $0x2800  }
0x88: {  	[tilespmem:s20], [sflag:$0x5] =	stream.linear.gather @!p0 [hbm4b:s13+s3], $0x400, $0x38;
	[tilespmem:$0x1EC00] =	vst v63  }
0x89: {  	_ =	swait.ge [sflag:s22], $0x4000  }
0x8a: {  	[sflag:s22] =	ssyncset.done $0x0  }
0x8b: {  	s20 =	sadd.s32 $0x400, s14;
	[sflag:s22] =	ssyncadd.s32 $0xFFFFC000  }
0x8c: {  	[spmem:s2] =	stream.indirect.scatter.add.f32 [tilespmem:s19], [sflag:$0x3], $0x80, s20, s18, $0xb8;
	[tilespmem:$0x1EC00] =	vst v63  }
0x8d: {  	_ =	swait.ge [sflag:s23], $0x4000  }
0x8e: {  	[sflag:s23] =	ssyncset.done $0x0  }
0x8f: {  	[sflag:s23] =	ssyncadd.s32 $0xFFFFC000  }
0x90: {  	[tilespmem:s19], [sflag:$0x1] =	stream.indirect.gather [hbm4b:s4+s18], $0x80, s8, s18, $0xb8;
	[tilespmem:$0x1EC00] =	vst v63  }
0x91: {  	_ =	swait.ge [sflag:s25], $0x4000  }
0x92: {  	[sflag:s25] =	ssyncset.done $0x0  }
0x93: {  	s20 =	sadd.s32 $0x480, s14;
	[sflag:s25] =	ssyncadd.s32 $0xFFFFC000  }
0x94: {  	[spmem:s2] =	stream.indirect.scatter.add.f32 [tilespmem:s21], [sflag:$0x4], $0x80, s20, s18, $0xb8;
	[tilespmem:$0x1EC00] =	vst v63  }
0x95: {  	_ =	swait.ge [sflag:s26], $0x4000  }
0x96: {  	[sflag:s26] =	ssyncset.done $0x0  }
0x97: {  	[sflag:s26] =	ssyncadd.s32 $0xFFFFC000  }
0x98: {  	[tilespmem:s21], [sflag:$0x2] =	stream.indirect.gather [hbm4b:s4+s18], $0x80, s9, s18, $0xb8;
	[tilespmem:$0x1EC00] =	vst v63  }
0x99: {  	_ =	swait.ge [sflag:s22], $0x4000  }
0x9a: {  	[sflag:s22] =	ssyncset.done $0x0  }
0x9b: {  	s20 =	sadd.s32 $0x500, s14;
	[sflag:s22] =	ssyncadd.s32 $0xFFFFC000  }
0x9c: {  	[spmem:s2] =	stream.indirect.scatter.add.f32 [tilespmem:s19], [sflag:$0x3], $0x80, s20, s18, $0xb8;
	[tilespmem:$0x1EC00] =	vst v63  }
0x9d: {  	_ =	swait.ge [sflag:s23], $0x4000  }
0x9e: {  	[sflag:s23] =	ssyncset.done $0x0  }
0x9f: {  	[sflag:s23] =	ssyncadd.s32 $0xFFFFC000  }
0xa0: {  	[tilespmem:s19], [sflag:$0x1] =	stream.indirect.gather [hbm4b:s4+s18], $0x80, s10, s18, $0xb8;
	[tilespmem:$0x1EC00] =	vst v63  }
0xa1: {  	_ =	swait.ge [sflag:s25], $0x4000  }
0xa2: {  	[sflag:s25] =	ssyncset.done $0x0  }
0xa3: {  	s20 =	sadd.s32 $0x580, s14;
	[sflag:s25] =	ssyncadd.s32 $0xFFFFC000  }
0xa4: {  	[spmem:s2] =	stream.indirect.scatter.add.f32 [tilespmem:s21], [sflag:$0x4], $0x80, s20, s18, $0xb8;
	[tilespmem:$0x1EC00] =	vst v63  }
0xa5: {  	_ =	swait.ge [sflag:s26], $0x4000  }
0xa6: {  	[sflag:s26] =	ssyncset.done $0x0  }
0xa7: {  	[sflag:s26] =	ssyncadd.s32 $0xFFFFC000  }
0xa8: {  	[tilespmem:s21], [sflag:$0x2] =	stream.indirect.gather [hbm4b:s4+s18], $0x80, s11, s18, $0xb8;
	[tilespmem:$0x1EC00] =	vst v63  }
0xa9: {  	_ =	swait.ge [sflag:s22], $0x4000  }
0xaa: {  	[sflag:s22] =	ssyncset.done $0x0  }
0xab: {  	s20 =	sadd.s32 $0x600, s14;
	[sflag:s22] =	ssyncadd.s32 $0xFFFFC000  }
0xac: {  	[spmem:s2] =	stream.indirect.scatter.add.f32 [tilespmem:s19], [sflag:$0x3], $0x80, s20, s18, $0xb8;
	[tilespmem:$0x1EC00] =	vst v63  }
0xad: {  	_ =	swait.ge [sflag:s23], $0x4000  }
0xae: {  	[sflag:s23] =	ssyncset.done $0x0  }
0xaf: {  	[sflag:s23] =	ssyncadd.s32 $0xFFFFC000  }
0xb0: {  	[tilespmem:s19], [sflag:$0x1] =	stream.indirect.gather [hbm4b:s4+s18], $0x80, s12, s18, $0xb8;
	[tilespmem:$0x1EC00] =	vst v63  }
0xb1: {  	_ =	swait.ge [sflag:s25], $0x4000  }
0xb2: {  	[sflag:s25] =	ssyncset.done $0x0  }
0xb3: {  	s20 =	sadd.s32 $0x680, s14;
	[sflag:s25] =	ssyncadd.s32 $0xFFFFC000  }
0xb4: {  	[spmem:s2] =	stream.indirect.scatter.add.f32 [tilespmem:s21], [sflag:$0x4], $0x80, s20, s18, $0xb8;
	[tilespmem:$0x1EC00] =	vst v63  }
0xb5: {  	_ =	swait.ge [sflag:s26], $0x4000  }
0xb6: {  	[sflag:s26] =	ssyncset.done $0x0  }
0xb7: {  	[sflag:s26] =	ssyncadd.s32 $0xFFFFC000  }
0xb8: {  	[tilespmem:s21], [sflag:$0x2] =	stream.indirect.gather [hbm4b:s4+s18], $0x80, s7, s18, $0xb8;
	[tilespmem:$0x1EC00] =	vst v63  }
0xb9: {  	_ =	swait.ge [sflag:s22], $0x4000  }
0xba: {  	[sflag:s22] =	ssyncset.done $0x0  }
.Ltmp2:
0xbb: {  	s20 =	sadd.s32 $0x700, s14;
	[sflag:s22] =	ssyncadd.s32 $0xFFFFC000;
	(pc) =	sbr.rel @p0 .LBB2_4-.Ltmp2, $4  }
0xbc: {  	[spmem:s2] =	stream.indirect.scatter.add.f32 [tilespmem:s19], [sflag:$0x3], $0x80, s20, s18, $0xb8;
	[tilespmem:$0x1EC00] =	vst v63  }
0xbd: {  	_ =	swait.ge [sflag:s23], $0x4000  }
0xbe: {  	[sflag:s23] =	ssyncset.done $0x0  }
0xbf: {  	s14 =	sadd.s32 $0x780, s14;
	[sflag:s23] =	ssyncadd.s32 $0xFFFFC000  }
0xc0: {  	_ =	swait.ge [sflag:s16], $0x400  }
0xc1: {  	[sflag:s16] =	ssyncset.done $0x0  }
0xc2: {  	[sflag:s16] =	ssyncadd.s32 $0xFFFFFC00  }
0xc3: {  	[tilespmem:s19], [sflag:$0x1] =	stream.indirect.gather [hbm4b:s4+s18], $0x80, s15, s18, $0xb8;
	[tilespmem:$0x1EC00] =	vst v63  }
0xc4: {  	_ =	swait.ge [sflag:s25], $0x4000  }
0xc5: {  	[sflag:s25] =	ssyncset.done $0x0  }
0xc6: {  	[sflag:s25] =	ssyncadd.s32 $0xFFFFC000  }
0xc7: {  	[spmem:s2] =	stream.indirect.scatter.add.f32 [tilespmem:s21], [sflag:$0x4], $0x80, s14, s18, $0xb8;
	[tilespmem:$0x1EC00] =	vst v63  }
.Ltmp3:
0xc8: {  	_ = 	snop;
	(pc) =	sbr.rel .LBB2_2-.Ltmp3, $4  }
0xc9: {  	_ =	swait.ge [sflag:s26], $0x4000  }
0xca: {  	s3 =	simm.s32 $0x2880;
	[sflag:s26] =	ssyncset.done $0x0  }
0xcb: {  	s13 =	sadd.s32 $0x100, s13;
	s6 =	sadd.s32 $0x2000, s6;
	[sflag:s26] =	ssyncadd.s32 $0xFFFFC000  }
0xcc: {  	[tilespmem:s21], [sflag:$0x2] =	stream.indirect.gather [hbm4b:s4+s18], $0x80, s3, s18, $0xb8;
	[tilespmem:$0x1EC00] =	vst v63  }
.LBB2_5:
0xcd: {  	_ =	sfence.sel $0x180000  }
0xce: {  	[bflag:$0x0] =	sbarrier.arrive $0xFFFF  }
0xcf: {  	_ =	strace $0x9000004D  }
0xd0: {  	s0 =	stileid.u32;
	[bflag:$0x2] =	sbarrier.arrive $0xFFFF  }
0xd1: {  	p0 =	sne.s32 s0, $0x0;
	s0 =	rddreg [dreg:$0x3]  }
0xd2: {  	s0 =	sadd.s32 @!p0 $0x100000, s0  }
0xd3: {  	[sflag:s0] =	ssyncadd.tile.s32 @!p0 $0x1;
	_ =	shalt  }
.Lfunc_end2:
_tile_overlayer_lowered:
.L_overlay_start_2:
0xd4: {  	(tag) =	ssettag $0x2  }
0xd5: {  	s0 =	rddreg [dreg:$0x0];
	s2 =	stileid.u32  }
0xd6: {  	s1 =	rddreg [dreg:$0x1];
	p0 =	sne.s32 s2, $0x0  }
0xd7: {  	s3 =	rddreg [dreg:$0x2];
	[bflag:$0x3] =	sbarrier.arrive $0xFFFF;
	s2 =	simm.s32 @!p0 $0x1C07  }
0xd8: {  	[timem:s3], [sflag:s2] =	dma.local @!p0 [hbm:s0], s1  }
0xd9: {  	s0 =	simm.s32 @!p0 $0x7  }
0xda: {  	_ =	swait.ge @!p0 [sflag:s0], s1  }
0xdb: {  	s1 =	ssub.s32 @!p0 $0x0, s1;
	[sflag:s0] =	ssyncset.done @!p0 $0x0  }
0xdc: {  	[sflag:s0] =	ssyncadd.s32 @!p0 s1  }
0xdd: {  	[bflag:$0x3] =	sbarrier.arrive $0xFFFF  }
0xde: {  	_ =	shalt  }

// kernel: kernel.19.cloned.1.call-start
scs
__scs_entry_jumppad:
0x0: {  	(pc) =	sbr.rel $0x88, $3  }
0x1: {  	(tag) =	ssettag $0x0;
	lr =	simm.s32 $0x1  }
0x2: {  	[smem:$0x3F95] =	sst lr;
	_ =	strace $0xD0000000  }
0x3: {  	_ = 	snop  }
0x4: {  	_ = 	snop  }
0x5: {  	_ = 	snop  }
0x6: {  	_ = 	snop  }
0x7: {  	_ = 	snop  }
__scs_overlays_trampoline_lowered:
0x8: {  	[smem:$0x3FA4] =	sst s0  }
0x9: {  	[smem:$0x3FA5] =	sst s1  }
0xa: {  	[smem:$0x3FA6] =	sst s2  }
0xb: {  	[smem:$0x3FA7] =	sst s3  }
0xc: {  	[smem:$0x3FA8] =	sst s4  }
0xd: {  	[smem:$0x3FA9] =	sst s5  }
0xe: {  	[smem:$0x3FAA] =	sst s6  }
0xf: {  	[smem:$0x3FAB] =	sst s7  }
0x10: {  	[smem:$0x3FAC] =	sst s8  }
0x11: {  	[smem:$0x3FAD] =	sst s9;
	s0 =	simm.s32 @!p0 $0x0  }
0x12: {  	s1 =	sld [smem:$0x3F93];
	s0 =	simm.s32 @p0 $0x1  }
0x13: {  	[smem:$0x3FAE] =	sst s0;
	s0 =	simm.s32 @!p1 $0x0  }
0x14: {  	s2 =	sld [smem:$0x3F92];
	s0 =	simm.s32 @p1 $0x1  }
0x15: {  	[smem:$0x3FAF] =	sst s0;
	s0 =	simm.s32 @!p2 $0x0  }
0x16: {  	s3 =	sld [smem:$0x3FDB];
	s0 =	simm.s32 @p2 $0x1  }
0x17: {  	s4 =	simm.s32 $0x1BF5;
	[smem:$0x3FB1] =	sst s0  }
0x18: {  	s0 =	sld [smem:$0x3F94];
	_ =	swait.ge [sflag:s4], $0x0  }
0x19: {  	s7 =	sld [smem:$0x3F95]  }
0x1a: {  	s8 =	sadd.s32 $0xFFFFE003, lr  }
0x1b: {  	s9 =	sadd.s32 $0xFFFFFEF7, lr;
	s5 =	simm.s32 $0xFFFFFFFF;
	p2 =	slt.u32 s8, $0xFFFFF086  }
0x1c: {  	p1 =	slt.u32 s9, $0xF7A;
	s5 =	simm.s32 @!p2 $0x0  }
0x1d: {  	s5 =	simm.s32 @p1 $0x1;
	p0 =	seq.s32 s7, s2  }
0x1e: {  	s7 =	smul.u32 @!p0 $0xF7A, s2;
	p2 =	seq.s32 @!p0 s5, $0x0  }
0x1f: {  	s9 =	smul.u32 $0xF7A, s1;
	s8 =	simm.s32 @!p0 $0x1BF5;
	p2 =	por !p2, p0  }
0x20: {  	[sflag:s8] =	ssyncset.s32 @!p0 $0xFFFFF086;
	s6 =	sadd.s32 @!p0 s3, s7;
	s7 =	simm.s32 @!p0 $0x108  }
0x21: {  	s3 =	sadd.s32 s3, s9;
	s6 =	sadd.s32 @!p0 $0x88, s6;
	s7 =	simm.s32 @p2 $0x1082  }
0x22: {  	[simem:s7], [sflag:s8] =	dma.local @!p0 [hbm:s6], $0xF7A  }
0x23: {  	s9 =	sor.u32 $0xD0000000, s2;
	s6 =	simm.s32 $0x108;
	_ =	swait.ge @!p0 [sflag:s8], $0x0  }
0x24: {  	s3 =	sadd.s32 $0x88, s3;
	s6 =	simm.s32 @!p1 $0x1082;
	[sflag:s4] =	ssyncset.s32 $0xFFFFF086  }
0x25: {  	[simem:s6], [sflag:s4] =	dma.local [hbm:s3], $0xF7A  }
0x26: {  	[smem:$0x3F95] =	sst s1;
	(tag) =	ssettag s2;
	_ =	strace s9  }
0x27: {  	s1 =	sld [smem:$0x3FA5]  }
0x28: {  	s2 =	sld [smem:$0x3FA6]  }
0x29: {  	s4 =	sld [smem:$0x3FA8]  }
0x2a: {  	p0 =	seq.s32 s5, $0x0;
	s5 =	sld [smem:$0x3FA9]  }
0x2b: {  	s6 =	sld [smem:$0x3FAA]  }
0x2c: {  	s7 =	sld [smem:$0x3FAB]  }
0x2d: {  	s3 =	simm.s32 $0x108;
	s8 =	sld [smem:$0x3FAC]  }
0x2e: {  	s3 =	simm.s32 @!p0 $0x1082;
	s9 =	sld [smem:$0x3FAD]  }
0x2f: {  	lr =	sadd.s32 s0, s3;
	s0 =	sld [smem:$0x3FA4]  }
0x30: {  	s3 =	sld [smem:$0x3FA7]  }
0x31: {  	[smem:$0x3FB0] =	sst s10  }
0x32: {  	s10 =	sld [smem:$0x3FAE];
	_ =	sdelay $0x3  }
0x33: {  	p0 =	seq.s32 s10, $0x1;
	s10 =	sld [smem:$0x3FB0];
	_ =	sdelay $0x3  }
0x34: {  	[smem:$0x3FB0] =	sst s10  }
0x35: {  	s10 =	sld [smem:$0x3FAF];
	_ =	sdelay $0x3  }
0x36: {  	p1 =	seq.s32 s10, $0x1;
	s10 =	sld [smem:$0x3FB0];
	_ =	sdelay $0x3  }
0x37: {  	[smem:$0x3FB0] =	sst s10  }
0x38: {  	s10 =	sld [smem:$0x3FB1]  }
0x39: {  	_ = 	snop;
	(pc) =	sbr.ind lr, $3  }
0x3a: {  	_ = 	snop  }
0x3b: {  	_ = 	snop  }
0x3c: {  	p2 =	seq.s32 s10, $0x1;
	s10 =	sld [smem:$0x3FB0]  }
0x3d: {  	_ =	shalt  }
0x3e: {  	_ =	shalt  }
0x3f: {  	_ =	shalt  }
0x40: {  	_ =	shalt  }
0x41: {  	_ =	shalt  }
0x42: {  	_ =	shalt  }
0x43: {  	_ =	shalt  }
0x44: {  	_ =	shalt  }
0x45: {  	_ =	shalt  }
0x46: {  	_ =	shalt  }
0x47: {  	_ =	shalt  }
0x48: {  	_ =	shalt  }
0x49: {  	_ =	shalt  }
0x4a: {  	_ =	shalt  }
0x4b: {  	_ =	shalt  }
0x4c: {  	_ =	shalt  }
0x4d: {  	_ =	shalt  }
0x4e: {  	_ =	shalt  }
0x4f: {  	_ =	shalt  }
0x50: {  	_ =	shalt  }
0x51: {  	_ =	shalt  }
0x52: {  	_ =	shalt  }
0x53: {  	_ =	shalt  }
0x54: {  	_ =	shalt  }
0x55: {  	_ =	shalt  }
0x56: {  	_ =	shalt  }
0x57: {  	_ =	shalt  }
0x58: {  	_ =	shalt  }
0x59: {  	_ =	shalt  }
0x5a: {  	_ =	shalt  }
0x5b: {  	_ =	shalt  }
0x5c: {  	_ =	shalt  }
0x5d: {  	_ =	shalt  }
0x5e: {  	_ =	shalt  }
0x5f: {  	_ =	shalt  }
0x60: {  	_ =	shalt  }
0x61: {  	_ =	shalt  }
0x62: {  	_ =	shalt  }
0x63: {  	_ =	shalt  }
0x64: {  	_ =	shalt  }
0x65: {  	_ =	shalt  }
0x66: {  	_ =	shalt  }
0x67: {  	_ =	shalt  }
0x68: {  	_ =	shalt  }
0x69: {  	_ =	shalt  }
0x6a: {  	_ =	shalt  }
0x6b: {  	_ =	shalt  }
0x6c: {  	_ =	shalt  }
0x6d: {  	_ =	shalt  }
0x6e: {  	_ =	shalt  }
0x6f: {  	_ =	shalt  }
0x70: {  	_ =	shalt  }
0x71: {  	_ =	shalt  }
0x72: {  	_ =	shalt  }
0x73: {  	_ =	shalt  }
0x74: {  	_ =	shalt  }
0x75: {  	_ =	shalt  }
0x76: {  	_ =	shalt  }
0x77: {  	_ =	shalt  }
0x78: {  	_ =	shalt  }
0x79: {  	_ =	shalt  }
0x7a: {  	_ =	shalt  }
0x7b: {  	_ =	shalt  }
0x7c: {  	_ =	shalt  }
0x7d: {  	_ =	shalt  }
0x7e: {  	_ =	shalt  }
0x7f: {  	_ =	shalt  }
0x80: {  	_ =	shalt  }
0x81: {  	_ =	shalt  }
0x82: {  	_ =	shalt  }
0x83: {  	_ =	shalt  }
0x84: {  	_ =	shalt  }
0x85: {  	_ =	shalt  }
0x86: {  	_ =	shalt  }
0x87: {  	_ =	shalt  }
.Lfunc_end0:
.L_simem_size_0:
called_computation.3_lowered:
.L_overlay_start_0:
0x88: {  	s2 =	sld [smem:$0x3FD9]  }
0x89: {  	s3 =	sld [smem:$0x3FFE];
	_ =	sdelay $0x1  }
0x8a: {  	s1 =	srdreg.scid  }
0x8b: {  	s0 =	sand.u32 $0x1, s1  }
0x8c: {  	s17 =	sshll.u32 s0, $0xA;
	s2 =	sadd.s32 s3, s2  }
0x8d: {  	s2 =	sadd.s32 s2, s17  }
0x8e: {  	[smem:$0x3FBC] =	sst s2  }
0x8f: {  	_ = 	snop  }
0x90: {  	s2 =	sld [smem:$0x3FD0];
	(tm) =	ssettm $0x1  }
0x91: {  	s18 =	sld [smem:$0x3FFB];
	_ =	sdelay $0x3  }
0x92: {  	_ =	strace s18  }
0x93: {  	s3 =	sld [smem:$0x3FFC];
	_ =	sdelay $0x3  }
0x94: {  	_ =	strace s3  }
0x95: {  	s3 =	sld [smem:$0x3FFD];
	_ =	sdelay $0x3  }
0x96: {  	_ =	strace s3  }
0x97: {  	_ =	strace $0x8FFFFFFF  }
0x98: {  	s19 =	sld [smem:$0x3FDB];
	_ =	sdelay $0x1  }
0x99: {  	s4 =	simm.s32 $_scs_section_size  }
0x9a: {  	s5 =	simm.s32 $_size__tile_overlayer_lowered;
	s6 =	simm.s32 $_tile_overlayer_lowered  }
0x9b: {  	s22 =	simm.s32 $0x1BFF;
	s21 =	sshll.u32 s6, $0x1;
	s3 =	sadd.s32 s4, s19  }
0x9c: {  	s7 =	simm.s32 $0x0;
	s20 =	sshll.u32 s5, $0x1;
	s5 =	sadd.s32 s21, s3  }
0x9d: {  	[timem:s7], [sflag:s22] =	dma.local [hbm:s5], s20  }
0x9e: {  	_ =	swait.ge [sflag:s22], s20  }
0x9f: {  	s4 =	ssub.s32 $0x0, s20;
	[sflag:s22] =	ssyncset.done $0x0  }
0xa0: {  	[sflag:s22] =	ssyncadd.s32 s4;
	_ =	sdelay $0x1  }
0xa1: {  	s23 =	simm.s32 $0x1B8B  }
0xa2: {  	_ =	swait.ge [sflag:s23], $0x1  }
0xa3: {  	[sflag:s23] =	ssyncset.done $0x0  }
0xa4: {  	s25 =	simm.s32 $0x1B8E;
	s24 =	sld [smem:$0x3FFE];
	[sflag:s23] =	ssyncadd.s32 $0xFFFFFFFF  }
0xa5: {  	s26 =	simm.s32 $execute0_lowered;
	[smem:$0x3FD2] =	sst s25  }
0xa6: {  	s5 =	sshll.u32 s26, $0x1;
	_ =	strace $0x8000004F;
	[dreg:$0x1] =	wrdreg $0xFFFFFFFF  }
0xa7: {  	s28 =	simm.s32 $_size_execute0_lowered;
	s3 =	sadd.s32 s3, s5;
	[dreg:$0x0] =	wrdreg $0x0  }
0xa8: {  	s5 =	sshll.u32 s28, $0x1;
	[dreg:$0x2] =	wrdreg s3  }
0xa9: {  	[dreg:$0x3] =	wrdreg s5  }
0xaa: {  	[dreg:$0x4] =	wrdreg $0xC0  }
0xab: {  	_ =	task [dreg:s7], $0x5FFFF  }
0xac: {  	[dreg:$0x1] =	wrdreg $0xFFFFFFFF  }
0xad: {  	[dreg:$0x0] =	wrdreg $0x60  }
0xae: {  	[dreg:$0x2] =	wrdreg s24  }
0xaf: {  	[dreg:$0x3] =	wrdreg s2  }
0xb0: {  	[dreg:$0x4] =	wrdreg $0xB0000  }
0xb1: {  	[dreg:$0x5] =	wrdreg $0x9  }
0xb2: {  	_ =	task.clear_ibuf [dreg:s7], $0x6FFFF;
	_ =	strace $0x9000004F  }
0xb3: {  	s29 =	simm.s32 $0x9;
	_ =	strace $0x80000051  }
0xb4: {  	_ =	swait.ge [sflag:s29], $0x1  }
0xb5: {  	[sflag:s29] =	ssyncadd.s32 $0xFFFFFFFF  }
0xb6: {  	_ =	strace $0x90000051  }
0xb7: {  	_ =	sfence  }
0xb8: {  	s30 =	sld [smem:$0x0];
	_ =	sdelay $0x2  }
0xb9: {  	s31 =	sshll.u32 s1, $0xD;
	s1 =	sshrl.u32 s1, $0x2  }
0xba: {  	s3 =	sand.u32 $0x4000, s31;
	s1 =	sadd.s32 s1, s30  }
0xbb: {  	s0 =	sor.u32 s3, s0;
	s1 =	sshll.u32 s1, $0x11  }
0xbc: {  	s0 =	sor.u32 s1, s0  }
0xbd: {  	s0 =	sadd.s32 $0x8F2B, s0  }
0xbe: {  	[sflag:s0] =	ssyncadd.remote.s32 $0x1  }
0xbf: {  	_ =	sfence.sel $0xFFFF  }
0xc0: {  	[dreg:$0x0] =	wrdreg $0xFFFFFFFF;
	(pc) =	sbr.abs _section_cstart, $3  }
0xc1: {  	[dreg:$0x1] =	wrdreg $0xFFFFFFFF  }
0xc2: {  	_ =	task.clear_ibuf [dreg:s7], $0x2FFFF;
	_ =	strace $0x9FFFFFFF  }
0xc3: {  	(tm) =	ssettm $0x7FFFFFFF  }
tec
execute0_lowered:
.L_overlay_start_1:
0x0: {  	(tag) =	ssettag $0x1  }
0x1: {  	s0 =	rddreg [dreg:$0x0];
	s1 =	srdreg.scid  }
0x2: {  	s3 =	rddreg [dreg:$0x1];
	s11 =	stileid.u32  }
0x3: {  	s2 =	rddreg [dreg:$0x2];
	s7 =	simm.s32 $0x0;
	s14 =	simm.s32 $0x7  }
0x4: {  	s15 =	simm.s32 $0x2800;
	s16 =	simm.s32 $0x5;
	s17 =	simm.s32 $0x2C00  }
0x5: {  	s18 =	simm.s32 $0x80;
	s19 =	simm.s32 $0x3000;
	s28 =	simm.s32 $0x2980  }
0x6: {  	s29 =	simm.s32 $0x2A00;
	s30 =	simm.s32 $0x2A80;
	s5 =	smul.u32 $0x50, s11  }
0x7: {  	s31 =	simm.s32 $0x2B00;
	s12 =	simm.s32 $0x2F00;
	s6 =	smul.u32 $0x13C00, s11  }
0x8: {  	s1 =	sand.u32 $0x1, s1;
	[smem:$0x7FF] =	sst s7;
	s8 =	smul.u32 $0x4F000, s11  }
0x9: {  	s22 =	sshll.u32 s11, $0x6;
	s11 =	simm.s32 $0x2E80;
	s4 =	smul.u32 $0x500, s1  }
0xa: {  	s20 =	smul.u32 $0x13C000, s1;
	_ =	strace $0x80000050;
	s1 =	ssub.s32 $0x2, s1  }
0xb: {  	s10 =	sshrl.u32 s1, $0x1;
	s21 =	sshrl.u32 s8, $0x2;
	s8 =	simm.s32 $0x2D00  }
0xc: {  	s5 =	sadd.s32 s5, s4;
	s4 =	sadd.s32 $0xD800, s0;
	s7 =	sadd.s32 s6, s20  }
0xd: {  	s1 =	ssub.s32 s1, s10;
	s6 =	sshrl.u32 s6, $0x3;
	s10 =	simm.s32 $0x2E00  }
0xe: {  	s20 =	simm.s32 $0x0;
	s5 =	sshll.u32 s5, $0x4;
	s7 =	sshrl.u32 s7, $0x3  }
0xf: {  	s6 =	sadd.s32 s4, s6;
	s25 =	smax.u32 s1, $0x1;
	s1 =	simm.s32 $0x2B80  }
0x10: {  	s9 =	sadd.s32 s5, s0;
	s0 =	sadd.s32 s7, s0;
	s7 =	sadd.s32 s21, s2  }
0x11: {  	[dreg:$0x4] =	wrdreg s6;
	s6 =	sor.u32 $0x1C07, s22;
	s3 =	sadd.s32 s3, s5  }
0x12: {  	[dreg:$0xa] =	wrdreg s25;
	s21 =	simm.s32 $0x7000;
	s22 =	simm.s32 $0x1  }
0x13: {  	s25 =	simm.s32 $0x2;
	s5 =	simm.s32 $0x2C80;
	[dreg:$0x6] =	wrdreg s3  }
0x14: {  	s23 =	sadd.s32 $0x3800, s9;
	s24 =	sadd.s32 $0x80, s3;
	[dreg:$0x5] =	wrdreg s6  }
.Ltmp0:
0x15: {  	s0 =	sadd.s32 $0x35000, s0;
	[dreg:$0x7] =	wrdreg s23;
	(pc) =	sbr.rel .LBB2_1-.Ltmp0, $4  }
0x16: {  	s26 =	sadd.s32 $0x100, s3;
	s13 =	sshrl.u32 s7, $0x3;
	[dreg:$0x8] =	wrdreg s24  }
0x17: {  	s9 =	simm.s32 $0x2D80;
	s7 =	simm.s32 $0x2F80;
	[dreg:$0x9] =	wrdreg s0  }
0x18: {  	[dreg:$0xb] =	wrdreg s26;
	s23 =	simm.s32 $0x3;
	s24 =	simm.s32 $0x2900  }
0x19: {  	s26 =	simm.s32 $0x4;
	s0 =	simm.s32 $0x6;
	[dreg:$0xc] =	wrdreg s13  }
.LBB2_4:
0x1a: {  	_ =	swait.ge [sflag:s25], $0x4000  }
0x1b: {  	[sflag:s25] =	ssyncset.done $0x0  }
0x1c: {  	[sflag:s25] =	ssyncadd.s32 $0xFFFFC000  }
0x1d: {  	[spmem:s2] =	stream.indirect.scatter.add.f32 [tilespmem:s21], [sflag:$0x4], $0x80, s14, s18, $0xb8;
	[tilespmem:$0x1EC00] =	vst v63  }
0x1e: {  	_ =	swait.ge [sflag:s26], $0x4000  }
0x1f: {  	[sflag:s26] =	ssyncset.done $0x0  }
0x20: {  	[sflag:s26] =	ssyncadd.s32 $0xFFFFC000  }
0x21: {  	[bflag:$0x0] =	sbarrier.arrive $0xFFFF  }
0x22: {  	s6 =	rddreg [dreg:$0x5]  }
0x23: {  	s3 =	rddreg [dreg:$0x9]  }
0x24: {  	s14 =	simm.s32 $0x7;
	s13 =	rddreg [dreg:$0xc]  }
0x25: {  	[hbm:s3], [sflag:s6] =	dma.local [spmem:s13], $0x2780  }
0x26: {  	_ =	swait.ge [sflag:s14], $0x2780  }
0x27: {  	s20 =	rddreg [dreg:$0xd]  }
0x28: {  	s3 =	rddreg [dreg:$0xa];
	s20 =	sadd.s32 $0x1, s20  }
0x29: {  	p0 =	sne.s32 s20, s3  }
.Ltmp1:
0x2a: {  	_ = 	snop;
	(pc) =	sbr.rel @!p0 .LBB2_5-.Ltmp1, $3  }
0x2b: {  	_ =	sdelay $0x1  }
0x2c: {  	[sflag:s14] =	ssyncset.done $0x0  }
0x2d: {  	[sflag:s14] =	ssyncadd.s32 $0xFFFFD880  }
.LBB2_1:
0x2e: {  	[dreg:$0xd] =	wrdreg s20  }
0x2f: {  	s3 =	rddreg [dreg:$0x4]  }
0x30: {  	[spmem:s13], [sflag:s6] =	dma.local [hbm:s3], $0x2780  }
0x31: {  	_ =	swait.ge [sflag:s14], $0x2780  }
0x32: {  	[sflag:s14] =	ssyncset.done $0x0  }
0x33: {  	s3 =	simm.s32 $0x0;
	s20 =	rddreg [dreg:$0x7];
	[sflag:s14] =	ssyncadd.s32 $0xFFFFD880  }
0x34: {  	[tilespmem:s3], [sflag:$0x7] =	stream.linear.gather [hbm4b:s20+s3], $0x2800, $0x38;
	[tilespmem:$0x1EC00] =	vst v63  }
0x35: {  	_ =	swait.ge [sflag:s14], $0x2800  }
0x36: {  	[sflag:s14] =	ssyncset.done $0x0  }
0x37: {  	s13 =	rddreg [dreg:$0x6];
	[sflag:s14] =	ssyncadd.s32 $0xFFFFD800  }
0x38: {  	[tilespmem:s15], [sflag:$0x5] =	stream.linear.gather [hbm4b:s13+s3], $0x400, $0x38;
	[tilespmem:$0x1EC00] =	vst v63  }
0x39: {  	_ =	swait.ge [sflag:s16], $0x400  }
0x3a: {  	[sflag:s16] =	ssyncset.done $0x0  }
0x3b: {  	s14 =	rddreg [dreg:$0x8];
	[sflag:s16] =	ssyncadd.s32 $0xFFFFFC00  }
0x3c: {  	[tilespmem:s17], [sflag:$0x6] =	stream.linear.gather [hbm4b:s14+s3], $0x400, $0x38;
	[tilespmem:$0x1EC00] =	vst v63  }
0x3d: {  	[bflag:$0x0] =	sbarrier.arrive $0xFFFF  }
0x3e: {  	[tilespmem:s19], [sflag:$0x1] =	stream.indirect.gather [hbm4b:s4+s18], $0x80, s15, s18, $0xb8;
	[tilespmem:$0x1EC00] =	vst v63  }
0x3f: {  	s6 =	simm.s32 $0x0;
	s20 =	simm.s32 $0x2880;
	s13 =	rddreg [dreg:$0xb]  }
0x40: {  	[tilespmem:s21], [sflag:$0x2] =	stream.indirect.gather [hbm4b:s4+s18], $0x80, s20, s18, $0xb8;
	[tilespmem:$0x1EC00] =	vst v63  }
.LBB2_2:
0x41: {  	p0 =	seq.s32 s6, $0x0  }
0x42: {  	s14 =	sadd.s32 @!p0 $0xFFFFFF80, s13;
	s3 =	simm.s32 @!p0 $0x0;
	s20 =	simm.s32 @!p0 $0x2C00  }
0x43: {  	[tilespmem:s20], [sflag:$0x6] =	stream.linear.gather @!p0 [hbm4b:s14+s3], $0x400, $0x38;
	[tilespmem:$0x1EC00] =	vst v63  }
0x44: {  	_ =	swait.ge [sflag:s22], $0x4000  }
0x45: {  	[sflag:s22] =	ssyncset.done $0x0  }
0x46: {  	s14 =	sshra.s32 s6, $0x2;
	[sflag:s22] =	ssyncadd.s32 $0xFFFFC000  }
0x47: {  	[spmem:s2] =	stream.indirect.scatter.add.f32 [tilespmem:s19], [sflag:$0x3], $0x80, s14, s18, $0xb8;
	[tilespmem:$0x1EC00] =	vst v63  }
0x48: {  	_ =	swait.ge [sflag:s23], $0x4000  }
0x49: {  	[sflag:s23] =	ssyncset.done $0x0  }
0x4a: {  	[sflag:s23] =	ssyncadd.s32 $0xFFFFC000  }
0x4b: {  	[tilespmem:s19], [sflag:$0x1] =	stream.indirect.gather [hbm4b:s4+s18], $0x80, s24, s18, $0xb8;
	[tilespmem:$0x1EC00] =	vst v63  }
0x4c: {  	_ =	swait.ge [sflag:s25], $0x4000  }
0x4d: {  	[sflag:s25] =	ssyncset.done $0x0  }
0x4e: {  	s20 =	sadd.s32 $0x80, s14;
	[sflag:s25] =	ssyncadd.s32 $0xFFFFC000  }
0x4f: {  	[spmem:s2] =	stream.indirect.scatter.add.f32 [tilespmem:s21], [sflag:$0x4], $0x80, s20, s18, $0xb8;
	[tilespmem:$0x1EC00] =	vst v63  }
0x50: {  	_ =	swait.ge [sflag:s26], $0x4000  }
0x51: {  	[sflag:s26] =	ssyncset.done $0x0  }
0x52: {  	[sflag:s26] =	ssyncadd.s32 $0xFFFFC000  }
0x53: {  	[tilespmem:s21], [sflag:$0x2] =	stream.indirect.gather [hbm4b:s4+s18], $0x80, s28, s18, $0xb8;
	[tilespmem:$0x1EC00] =	vst v63  }
0x54: {  	_ =	swait.ge [sflag:s22], $0x4000  }
0x55: {  	[sflag:s22] =	ssyncset.done $0x0  }
0x56: {  	s20 =	sadd.s32 $0x100, s14;
	[sflag:s22] =	ssyncadd.s32 $0xFFFFC000  }
0x57: {  	[spmem:s2] =	stream.indirect.scatter.add.f32 [tilespmem:s19], [sflag:$0x3], $0x80, s20, s18, $0xb8;
	[tilespmem:$0x1EC00] =	vst v63  }
0x58: {  	_ =	swait.ge [sflag:s23], $0x4000  }
0x59: {  	[sflag:s23] =	ssyncset.done $0x0  }
0x5a: {  	[sflag:s23] =	ssyncadd.s32 $0xFFFFC000  }
0x5b: {  	[tilespmem:s19], [sflag:$0x1] =	stream.indirect.gather [hbm4b:s4+s18], $0x80, s29, s18, $0xb8;
	[tilespmem:$0x1EC00] =	vst v63  }
0x5c: {  	_ =	swait.ge [sflag:s25], $0x4000  }
0x5d: {  	[sflag:s25] =	ssyncset.done $0x0  }
0x5e: {  	s20 =	sadd.s32 $0x180, s14;
	[sflag:s25] =	ssyncadd.s32 $0xFFFFC000  }
0x5f: {  	[spmem:s2] =	stream.indirect.scatter.add.f32 [tilespmem:s21], [sflag:$0x4], $0x80, s20, s18, $0xb8;
	[tilespmem:$0x1EC00] =	vst v63  }
0x60: {  	_ =	swait.ge [sflag:s26], $0x4000  }
0x61: {  	[sflag:s26] =	ssyncset.done $0x0  }
0x62: {  	[sflag:s26] =	ssyncadd.s32 $0xFFFFC000  }
0x63: {  	[tilespmem:s21], [sflag:$0x2] =	stream.indirect.gather [hbm4b:s4+s18], $0x80, s30, s18, $0xb8;
	[tilespmem:$0x1EC00] =	vst v63  }
0x64: {  	_ =	swait.ge [sflag:s22], $0x4000  }
0x65: {  	[sflag:s22] =	ssyncset.done $0x0  }
0x66: {  	s20 =	sadd.s32 $0x200, s14;
	[sflag:s22] =	ssyncadd.s32 $0xFFFFC000  }
0x67: {  	[spmem:s2] =	stream.indirect.scatter.add.f32 [tilespmem:s19], [sflag:$0x3], $0x80, s20, s18, $0xb8;
	[tilespmem:$0x1EC00] =	vst v63  }
0x68: {  	_ =	swait.ge [sflag:s23], $0x4000  }
0x69: {  	[sflag:s23] =	ssyncset.done $0x0  }
0x6a: {  	[sflag:s23] =	ssyncadd.s32 $0xFFFFC000  }
0x6b: {  	[tilespmem:s19], [sflag:$0x1] =	stream.indirect.gather [hbm4b:s4+s18], $0x80, s31, s18, $0xb8;
	[tilespmem:$0x1EC00] =	vst v63  }
0x6c: {  	_ =	swait.ge [sflag:s25], $0x4000  }
0x6d: {  	[sflag:s25] =	ssyncset.done $0x0  }
0x6e: {  	s20 =	sadd.s32 $0x280, s14;
	[sflag:s25] =	ssyncadd.s32 $0xFFFFC000  }
0x6f: {  	[spmem:s2] =	stream.indirect.scatter.add.f32 [tilespmem:s21], [sflag:$0x4], $0x80, s20, s18, $0xb8;
	[tilespmem:$0x1EC00] =	vst v63  }
0x70: {  	_ =	swait.ge [sflag:s26], $0x4000  }
0x71: {  	[sflag:s26] =	ssyncset.done $0x0  }
0x72: {  	[sflag:s26] =	ssyncadd.s32 $0xFFFFC000  }
0x73: {  	[tilespmem:s21], [sflag:$0x2] =	stream.indirect.gather [hbm4b:s4+s18], $0x80, s1, s18, $0xb8;
	[tilespmem:$0x1EC00] =	vst v63  }
0x74: {  	_ =	swait.ge [sflag:s22], $0x4000  }
0x75: {  	[sflag:s22] =	ssyncset.done $0x0  }
0x76: {  	s20 =	sadd.s32 $0x300, s14;
	[sflag:s22] =	ssyncadd.s32 $0xFFFFC000  }
0x77: {  	[spmem:s2] =	stream.indirect.scatter.add.f32 [tilespmem:s19], [sflag:$0x3], $0x80, s20, s18, $0xb8;
	[tilespmem:$0x1EC00] =	vst v63  }
0x78: {  	_ =	swait.ge [sflag:s23], $0x4000  }
0x79: {  	[sflag:s23] =	ssyncset.done $0x0  }
0x7a: {  	[sflag:s23] =	ssyncadd.s32 $0xFFFFC000  }
0x7b: {  	_ =	swait.ge [sflag:s0], $0x400  }
0x7c: {  	[sflag:s0] =	ssyncset.done $0x0  }
0x7d: {  	[sflag:s0] =	ssyncadd.s32 $0xFFFFFC00  }
0x7e: {  	[tilespmem:s19], [sflag:$0x1] =	stream.indirect.gather [hbm4b:s4+s18], $0x80, s17, s18, $0xb8;
	[tilespmem:$0x1EC00] =	vst v63  }
0x7f: {  	_ =	swait.ge [sflag:s25], $0x4000  }
0x80: {  	[sflag:s25] =	ssyncset.done $0x0  }
0x81: {  	s20 =	sadd.s32 $0x380, s14;
	[sflag:s25] =	ssyncadd.s32 $0xFFFFC000  }
0x82: {  	[spmem:s2] =	stream.indirect.scatter.add.f32 [tilespmem:s21], [sflag:$0x4], $0x80, s20, s18, $0xb8;
	[tilespmem:$0x1EC00] =	vst v63  }
0x83: {  	_ =	swait.ge [sflag:s26], $0x4000  }
0x84: {  	[sflag:s26] =	ssyncset.done $0x0  }
0x85: {  	p0 =	seq.s32 s6, $0x8000;
	[sflag:s26] =	ssyncadd.s32 $0xFFFFC000  }
0x86: {  	[tilespmem:s21], [sflag:$0x2] =	stream.indirect.gather [hbm4b:s4+s18], $0x80, s5, s18, $0xb8;
	[tilespmem:$0x1EC00] =	vst v63  }
0x87: {  	s3 =	simm.s32 @!p0 $0x0;
	s20 =	simm.s32 @!p0 $0x2800  }
0x88: {  	[tilespmem:s20], [sflag:$0x5] =	stream.linear.gather @!p0 [hbm4b:s13+s3], $0x400, $0x38;
	[tilespmem:$0x1EC00] =	vst v63  }
0x89: {  	_ =	swait.ge [sflag:s22], $0x4000  }
0x8a: {  	[sflag:s22] =	ssyncset.done $0x0  }
0x8b: {  	s20 =	sadd.s32 $0x400, s14;
	[sflag:s22] =	ssyncadd.s32 $0xFFFFC000  }
0x8c: {  	[spmem:s2] =	stream.indirect.scatter.add.f32 [tilespmem:s19], [sflag:$0x3], $0x80, s20, s18, $0xb8;
	[tilespmem:$0x1EC00] =	vst v63  }
0x8d: {  	_ =	swait.ge [sflag:s23], $0x4000  }
0x8e: {  	[sflag:s23] =	ssyncset.done $0x0  }
0x8f: {  	[sflag:s23] =	ssyncadd.s32 $0xFFFFC000  }
0x90: {  	[tilespmem:s19], [sflag:$0x1] =	stream.indirect.gather [hbm4b:s4+s18], $0x80, s8, s18, $0xb8;
	[tilespmem:$0x1EC00] =	vst v63  }
0x91: {  	_ =	swait.ge [sflag:s25], $0x4000  }
0x92: {  	[sflag:s25] =	ssyncset.done $0x0  }
0x93: {  	s20 =	sadd.s32 $0x480, s14;
	[sflag:s25] =	ssyncadd.s32 $0xFFFFC000  }
0x94: {  	[spmem:s2] =	stream.indirect.scatter.add.f32 [tilespmem:s21], [sflag:$0x4], $0x80, s20, s18, $0xb8;
	[tilespmem:$0x1EC00] =	vst v63  }
0x95: {  	_ =	swait.ge [sflag:s26], $0x4000  }
0x96: {  	[sflag:s26] =	ssyncset.done $0x0  }
0x97: {  	[sflag:s26] =	ssyncadd.s32 $0xFFFFC000  }
0x98: {  	[tilespmem:s21], [sflag:$0x2] =	stream.indirect.gather [hbm4b:s4+s18], $0x80, s9, s18, $0xb8;
	[tilespmem:$0x1EC00] =	vst v63  }
0x99: {  	_ =	swait.ge [sflag:s22], $0x4000  }
0x9a: {  	[sflag:s22] =	ssyncset.done $0x0  }
0x9b: {  	s20 =	sadd.s32 $0x500, s14;
	[sflag:s22] =	ssyncadd.s32 $0xFFFFC000  }
0x9c: {  	[spmem:s2] =	stream.indirect.scatter.add.f32 [tilespmem:s19], [sflag:$0x3], $0x80, s20, s18, $0xb8;
	[tilespmem:$0x1EC00] =	vst v63  }
0x9d: {  	_ =	swait.ge [sflag:s23], $0x4000  }
0x9e: {  	[sflag:s23] =	ssyncset.done $0x0  }
0x9f: {  	[sflag:s23] =	ssyncadd.s32 $0xFFFFC000  }
0xa0: {  	[tilespmem:s19], [sflag:$0x1] =	stream.indirect.gather [hbm4b:s4+s18], $0x80, s10, s18, $0xb8;
	[tilespmem:$0x1EC00] =	vst v63  }
0xa1: {  	_ =	swait.ge [sflag:s25], $0x4000  }
0xa2: {  	[sflag:s25] =	ssyncset.done $0x0  }
0xa3: {  	s20 =	sadd.s32 $0x580, s14;
	[sflag:s25] =	ssyncadd.s32 $0xFFFFC000  }
0xa4: {  	[spmem:s2] =	stream.indirect.scatter.add.f32 [tilespmem:s21], [sflag:$0x4], $0x80, s20, s18, $0xb8;
	[tilespmem:$0x1EC00] =	vst v63  }
0xa5: {  	_ =	swait.ge [sflag:s26], $0x4000  }
0xa6: {  	[sflag:s26] =	ssyncset.done $0x0  }
0xa7: {  	[sflag:s26] =	ssyncadd.s32 $0xFFFFC000  }
0xa8: {  	[tilespmem:s21], [sflag:$0x2] =	stream.indirect.gather [hbm4b:s4+s18], $0x80, s11, s18, $0xb8;
	[tilespmem:$0x1EC00] =	vst v63  }
0xa9: {  	_ =	swait.ge [sflag:s22], $0x4000  }
0xaa: {  	[sflag:s22] =	ssyncset.done $0x0  }
0xab: {  	s20 =	sadd.s32 $0x600, s14;
	[sflag:s22] =	ssyncadd.s32 $0xFFFFC000  }
0xac: {  	[spmem:s2] =	stream.indirect.scatter.add.f32 [tilespmem:s19], [sflag:$0x3], $0x80, s20, s18, $0xb8;
	[tilespmem:$0x1EC00] =	vst v63  }
0xad: {  	_ =	swait.ge [sflag:s23], $0x4000  }
0xae: {  	[sflag:s23] =	ssyncset.done $0x0  }
0xaf: {  	[sflag:s23] =	ssyncadd.s32 $0xFFFFC000  }
0xb0: {  	[tilespmem:s19], [sflag:$0x1] =	stream.indirect.gather [hbm4b:s4+s18], $0x80, s12, s18, $0xb8;
	[tilespmem:$0x1EC00] =	vst v63  }
0xb1: {  	_ =	swait.ge [sflag:s25], $0x4000  }
0xb2: {  	[sflag:s25] =	ssyncset.done $0x0  }
0xb3: {  	s20 =	sadd.s32 $0x680, s14;
	[sflag:s25] =	ssyncadd.s32 $0xFFFFC000  }
0xb4: {  	[spmem:s2] =	stream.indirect.scatter.add.f32 [tilespmem:s21], [sflag:$0x4], $0x80, s20, s18, $0xb8;
	[tilespmem:$0x1EC00] =	vst v63  }
0xb5: {  	_ =	swait.ge [sflag:s26], $0x4000  }
0xb6: {  	[sflag:s26] =	ssyncset.done $0x0  }
0xb7: {  	[sflag:s26] =	ssyncadd.s32 $0xFFFFC000  }
0xb8: {  	[tilespmem:s21], [sflag:$0x2] =	stream.indirect.gather [hbm4b:s4+s18], $0x80, s7, s18, $0xb8;
	[tilespmem:$0x1EC00] =	vst v63  }
0xb9: {  	_ =	swait.ge [sflag:s22], $0x4000  }
0xba: {  	[sflag:s22] =	ssyncset.done $0x0  }
.Ltmp2:
0xbb: {  	s20 =	sadd.s32 $0x700, s14;
	[sflag:s22] =	ssyncadd.s32 $0xFFFFC000;
	(pc) =	sbr.rel @p0 .LBB2_4-.Ltmp2, $4  }
0xbc: {  	[spmem:s2] =	stream.indirect.scatter.add.f32 [tilespmem:s19], [sflag:$0x3], $0x80, s20, s18, $0xb8;
	[tilespmem:$0x1EC00] =	vst v63  }
0xbd: {  	_ =	swait.ge [sflag:s23], $0x4000  }
0xbe: {  	[sflag:s23] =	ssyncset.done $0x0  }
0xbf: {  	s14 =	sadd.s32 $0x780, s14;
	[sflag:s23] =	ssyncadd.s32 $0xFFFFC000  }
0xc0: {  	_ =	swait.ge [sflag:s16], $0x400  }
0xc1: {  	[sflag:s16] =	ssyncset.done $0x0  }
0xc2: {  	[sflag:s16] =	ssyncadd.s32 $0xFFFFFC00  }
0xc3: {  	[tilespmem:s19], [sflag:$0x1] =	stream.indirect.gather [hbm4b:s4+s18], $0x80, s15, s18, $0xb8;
	[tilespmem:$0x1EC00] =	vst v63  }
0xc4: {  	_ =	swait.ge [sflag:s25], $0x4000  }
0xc5: {  	[sflag:s25] =	ssyncset.done $0x0  }
0xc6: {  	[sflag:s25] =	ssyncadd.s32 $0xFFFFC000  }
0xc7: {  	[spmem:s2] =	stream.indirect.scatter.add.f32 [tilespmem:s21], [sflag:$0x4], $0x80, s14, s18, $0xb8;
	[tilespmem:$0x1EC00] =	vst v63  }
.Ltmp3:
0xc8: {  	_ = 	snop;
	(pc) =	sbr.rel .LBB2_2-.Ltmp3, $4  }
0xc9: {  	_ =	swait.ge [sflag:s26], $0x4000  }
0xca: {  	s3 =	simm.s32 $0x2880;
	[sflag:s26] =	ssyncset.done $0x0  }
0xcb: {  	s13 =	sadd.s32 $0x100, s13;
	s6 =	sadd.s32 $0x2000, s6;
	[sflag:s26] =	ssyncadd.s32 $0xFFFFC000  }
0xcc: {  	[tilespmem:s21], [sflag:$0x2] =	stream.indirect.gather [hbm4b:s4+s18], $0x80, s3, s18, $0xb8;
	[tilespmem:$0x1EC00] =	vst v63  }
.LBB2_5:
0xcd: {  	_ =	sfence.sel $0x180000  }
0xce: {  	[bflag:$0x0] =	sbarrier.arrive $0xFFFF  }
0xcf: {  	_ =	strace $0x90000050  }
0xd0: {  	s0 =	stileid.u32;
	[bflag:$0x2] =	sbarrier.arrive $0xFFFF  }
0xd1: {  	p0 =	sne.s32 s0, $0x0;
	s0 =	rddreg [dreg:$0x3]  }
0xd2: {  	s0 =	sadd.s32 @!p0 $0x100000, s0  }
0xd3: {  	[sflag:s0] =	ssyncadd.tile.s32 @!p0 $0x1;
	_ =	shalt  }
.Lfunc_end2:
_tile_overlayer_lowered:
.L_overlay_start_2:
0xd4: {  	(tag) =	ssettag $0x2  }
0xd5: {  	s0 =	rddreg [dreg:$0x0];
	s2 =	stileid.u32  }
0xd6: {  	s1 =	rddreg [dreg:$0x1];
	p0 =	sne.s32 s2, $0x0  }
0xd7: {  	s3 =	rddreg [dreg:$0x2];
	[bflag:$0x3] =	sbarrier.arrive $0xFFFF;
	s2 =	simm.s32 @!p0 $0x1C07  }
0xd8: {  	[timem:s3], [sflag:s2] =	dma.local @!p0 [hbm:s0], s1  }
0xd9: {  	s0 =	simm.s32 @!p0 $0x7  }
0xda: {  	_ =	swait.ge @!p0 [sflag:s0], s1  }
0xdb: {  	s1 =	ssub.s32 @!p0 $0x0, s1;
	[sflag:s0] =	ssyncset.done @!p0 $0x0  }
0xdc: {  	[sflag:s0] =	ssyncadd.s32 @!p0 s1  }
0xdd: {  	[bflag:$0x3] =	sbarrier.arrive $0xFFFF  }
0xde: {  	_ =	shalt  }

</sc_bundles>
